<compile_context>
chip_gen: v7x
topology: tpu7x:2x2x1
jax: 0.10.2.dev20260603
libtpu: 0.0.44.dev20260713+nightly
codegen_flags: <defaults>
</compile_context>

<pallas_src>
import jax
import jax.numpy as jnp
from jax import lax
from jax.experimental import pallas as pl
from jax.experimental.pallas import tpu as pltpu
from jax.experimental.pallas import tpu_sc as plsc

V = 8192
NB, NT = 4, 2048
N = NB * NT
NW = 32
RPW = N // NW
CHUNK = 4
NBUF = 3
LOOK = 1
NCHUNK = RPW // CHUNK
MAIN = (NCHUNK // NBUF) * NBUF
LANES = 16
SLICES = V // LANES


def _sc_body(ctx_hbm, tgt_hbm, table_hbm, logits_hbm, s_hbm, t_hbm,
             idx_v, tgt_v, s_v, t_v, *bufs_and_sems):
    rows = bufs_and_sems[:NBUF]
    gsems = bufs_and_sems[NBUF:2 * NBUF]
    ssems = bufs_and_sems[2 * NBUF:3 * NBUF]

    cid = lax.axis_index("c")
    sid = lax.axis_index("s")
    wid = cid * 16 + sid

    pltpu.sync_copy(ctx_hbm.at[wid], idx_v)
    pltpu.sync_copy(tgt_hbm.at[wid], tgt_v)

    lane = lax.iota(jnp.int32, LANES)

    def start_gather(c, buf, sem):
        pltpu.make_async_copy(table_hbm.at[idx_v.at[c]], buf, sem).start()

    def wait_gather(buf, sem):
        pltpu.make_async_copy(table_hbm.at[idx_v.at[0]], buf, sem).wait()

    def start_scatter(c, buf, sem):
        dst = logits_hbm.at[pl.ds(wid * RPW + c * CHUNK, CHUNK)]
        pltpu.make_async_copy(buf, dst, sem).start()

    def wait_scatter(buf, sem):
        dst = logits_hbm.at[pl.ds(0, CHUNK)]
        pltpu.make_async_copy(buf, dst, sem).wait()

    def compute(c, buf):
        tgt16 = tgt_v[c]
        s_chunk = jnp.ones((LANES,), jnp.float32)
        t_chunk = jnp.zeros((LANES,), jnp.float32)
        for j in range(CHUNK):
            zero = jnp.zeros((LANES,), jnp.float32)

            @plsc.parallel_loop(0, SLICES, step=2, unroll=4,
                                carry=(zero, zero))
            def acc_loop(k, accs):
                a0, a1 = accs
                a0 = a0 + jnp.exp(buf[j, pl.ds(k * LANES, LANES)])
                a1 = a1 + jnp.exp(buf[j, pl.ds((k + 1) * LANES, LANES)])
                return a0, a1

            tg = tgt16[j]
            win = buf[j, pl.ds((tg // LANES) * LANES, LANES)]
            tval = jnp.sum(jnp.where(lane == tg % LANES, win, 0.0))
            s_chunk = jnp.where(lane == j, jnp.sum(acc_loop[0] + acc_loop[1]),
                                s_chunk)
            t_chunk = jnp.where(lane == j, tval, t_chunk)
        s_v[c] = s_chunk
        t_v[c] = t_chunk

    def step(c, b):
        nb = (b + LOOK) % NBUF

        @pl.when(c + LOOK < NCHUNK)
        def _():
            @pl.when(c + LOOK >= NBUF)
            def _():
                wait_scatter(rows[nb], ssems[nb])

            start_gather(c + LOOK, rows[nb], gsems[nb])

        wait_gather(rows[b], gsems[b])
        compute(c, rows[b])
        start_scatter(c, rows[b], ssems[b])

    for c in range(LOOK):
        start_gather(c, rows[c % NBUF], gsems[c % NBUF])

    @pl.loop(0, MAIN // NBUF)
    def ring_loop(g):
        for b in range(NBUF):
            step(g * NBUF + b, b)

    for c in range(MAIN, NCHUNK):
        step(c, c % NBUF)

    for b in range(NBUF):
        wait_scatter(rows[b], ssems[b])

    pltpu.sync_copy(s_v, s_hbm.at[wid])
    pltpu.sync_copy(t_v, t_hbm.at[wid])


def _loss_body(s_ref, t_ref, o_ref):
    o_ref[0, 0] = (jnp.sum(jnp.log(s_ref[...])) - jnp.sum(t_ref[...])) / N


def kernel(context, targets, token_embedding_table):
    ctx = context.reshape(NW, NCHUNK, CHUNK).astype(jnp.int32)
    tgt = targets.reshape(NW, NCHUNK, CHUNK).astype(jnp.int32)
    tgt = jnp.pad(tgt, ((0, 0), (0, 0), (0, LANES - CHUNK)))

    mesh = plsc.VectorSubcoreMesh(core_axis_name="c", subcore_axis_name="s")
    logits_flat, s, t = pl.kernel(
        _sc_body,
        out_type=[
            jax.ShapeDtypeStruct((N, V), jnp.float32),
            jax.ShapeDtypeStruct((NW, NCHUNK, LANES), jnp.float32),
            jax.ShapeDtypeStruct((NW, NCHUNK, LANES), jnp.float32),
        ],
        mesh=mesh,
        compiler_params=pltpu.CompilerParams(needs_layout_passes=False),
        scratch_types=[
            pltpu.VMEM((NCHUNK, CHUNK), jnp.int32),
            pltpu.VMEM((NCHUNK, LANES), jnp.int32),
            pltpu.VMEM((NCHUNK, LANES), jnp.float32),
            pltpu.VMEM((NCHUNK, LANES), jnp.float32),
        ] + [pltpu.VMEM((CHUNK, V), jnp.float32)] * NBUF
          + [pltpu.SemaphoreType.DMA] * (2 * NBUF),
    )(ctx, tgt, token_embedding_table)

    loss = pl.pallas_call(
        _loss_body,
        out_shape=jax.ShapeDtypeStruct((1, 1), jnp.float32),
        out_specs=pl.BlockSpec(memory_space=pltpu.SMEM),
    )(s.reshape(NW, NCHUNK * LANES), t.reshape(NW, NCHUNK * LANES))[0, 0]

    return logits_flat.reshape(NB, NT, V), loss

# --- scband reference (transcript-rebuilt; emitter-appended) ---
"""Pipeline reference for scband-bigram-language-model-30039001268928 (READ-ONLY COPY).

The authoritative reference and input builder live on the scoring server;
editing this copy changes nothing except your own understanding.
"""

import jax, jax.numpy as jnp
import numpy as np

VOCAB = 8192
B, T = 4, 2048

def setup_inputs(seed: int = 0) -> dict:
    key = jax.random.key(seed)
    k1, k2, k3 = jax.random.split(key, 3)
    context = jax.random.randint(k1, (B, T), 0, VOCAB, dtype=jnp.int64)
    targets = jax.random.randint(k2, (B, T), 0, VOCAB, dtype=jnp.int64)
    token_embedding_table = jax.random.normal(k3, (VOCAB, VOCAB), dtype=jnp.float32) * 0.02
    return {"context": context, "targets": targets, "token_embedding_table": token_embedding_table}

def reference(context, targets, token_embedding_table):
    # logits = embedding lookup: each token id gathers a row of size VOCAB
    logits = jnp.take(token_embedding_table, context, axis=0)  # (B, T, VOCAB)
    Bc, Tc, C = logits.shape
    logits_view = logits.reshape(Bc * Tc, C)
    targets_view = targets.reshape(Bc * Tc)
    # cross_entropy with mean reduction (matches F.cross_entropy defaults)
    logp = jax.nn.log_softmax(logits_view, axis=-1)
    nll = -jnp.take_along_axis(logp, targets_view[:, None], axis=1)[:, 0]
    loss = jnp.mean(nll)
    return (logits, loss)

if __name__ == "__main__":
    import jax
    _d = setup_inputs()
    print(jax.jit(kernel)(*tuple(_d.values())))

</pallas_src>

<mosaic_0001>
#map = affine_map<(d0, d1) -> (0, 0, 0)>
#map1 = affine_map<(d0, d1) -> (0, 0)>
module attributes {stable_mosaic.version = 14 : i64} {
  func.func @_sc_body(%arg0: i32, %arg1: i32, %arg2: memref<32x64x4xi32, #tpu.memory_space<hbm>>, %arg3: memref<32x64x16xi32, #tpu.memory_space<hbm>>, %arg4: memref<8192x8192xf32, #tpu.memory_space<hbm>>, %arg5: memref<8192x8192xf32, #tpu.memory_space<hbm>>, %arg6: memref<32x64x16xf32, #tpu.memory_space<hbm>>, %arg7: memref<32x64x16xf32, #tpu.memory_space<hbm>>, %arg8: memref<64x4xi32, #tpu.memory_space<vmem>>, %arg9: memref<64x16xi32, #tpu.memory_space<vmem>>, %arg10: memref<64x16xf32, #tpu.memory_space<vmem>>, %arg11: memref<64x16xf32, #tpu.memory_space<vmem>>, %arg12: memref<4x8192xf32, #tpu.memory_space<vmem>>, %arg13: memref<4x8192xf32, #tpu.memory_space<vmem>>, %arg14: memref<4x8192xf32, #tpu.memory_space<vmem>>, %arg15: memref<!tpu.dma_semaphore, #tpu.memory_space<semaphore_mem>>, %arg16: memref<!tpu.dma_semaphore, #tpu.memory_space<semaphore_mem>>, %arg17: memref<!tpu.dma_semaphore, #tpu.memory_space<semaphore_mem>>, %arg18: memref<!tpu.dma_semaphore, #tpu.memory_space<semaphore_mem>>, %arg19: memref<!tpu.dma_semaphore, #tpu.memory_space<semaphore_mem>>, %arg20: memref<!tpu.dma_semaphore, #tpu.memory_space<semaphore_mem>>) attributes {dimension_semantics = [#tpu.dimension_semantics<core_parallel>, #tpu.dimension_semantics<subcore_parallel>], iteration_bounds = array<i64: 2, 16>, scalar_prefetch = 0 : i64, scratch_operands = 13 : i64, tpu.core_type = #tpu.core_type<sc_vector_subcore>, window_params = [{transform_indices = #map}, {transform_indices = #map}, {transform_indices = #map1}, {transform_indices = #map1}, {transform_indices = #map}, {transform_indices = #map}]} {
    %mul3A = arith.constant 16 : i32
    %mul3A_0 = arith.muli %arg0, %mul3A : i32
    %add3A = arith.addi %mul3A_0, %arg1 : i32
    "tpu.region"() ({
      %run_scoped3A = tpu.sem_alloc : memref<!tpu.dma_semaphore, #tpu.memory_space<semaphore_mem>>
      %dma_start3A_354 = arith.constant 0 : i32
      %dma_start3A_355 = arith.constant 0 : i32
      %dma_start3A_356 = tpu.memref_slice %arg2[%add3A, %dma_start3A_354, %dma_start3A_355] : memref<32x64x4xi32, #tpu.memory_space<hbm>> -> memref<1x64x4xi32, #tpu.memory_space<hbm>>
      %dma_start3A_357 = tpu.memref_squeeze %dma_start3A_356 : memref<1x64x4xi32, #tpu.memory_space<hbm>> -> memref<64x4xi32, #tpu.memory_space<hbm>>
      %dma_start3A_358 = arith.constant 0 : i32
      %dma_start3A_359 = arith.constant 0 : i32
      %dma_start3A_360 = tpu.memref_slice %arg2[%add3A, %dma_start3A_358, %dma_start3A_359] : memref<32x64x4xi32, #tpu.memory_space<hbm>> -> memref<1x64x4xi32, #tpu.memory_space<hbm>>
      %dma_start3A_361 = tpu.memref_squeeze %dma_start3A_360 : memref<1x64x4xi32, #tpu.memory_space<hbm>> -> memref<64x4xi32, #tpu.memory_space<hbm>>
      tpu.enqueue_dma source(%dma_start3A_361 : memref<64x4xi32, #tpu.memory_space<hbm>>) target(%arg8 : memref<64x4xi32, #tpu.memory_space<vmem>>) target_semaphore(%run_scoped3A : memref<!tpu.dma_semaphore, #tpu.memory_space<semaphore_mem>>)
      %dma_wait3A_362 = arith.constant 0 : i32
      %dma_wait3A_363 = arith.constant 0 : i32
      %dma_wait3A_364 = tpu.memref_slice %arg2[%add3A, %dma_wait3A_362, %dma_wait3A_363] : memref<32x64x4xi32, #tpu.memory_space<hbm>> -> memref<1x64x4xi32, #tpu.memory_space<hbm>>
      %dma_wait3A_365 = tpu.memref_squeeze %dma_wait3A_364 : memref<1x64x4xi32, #tpu.memory_space<hbm>> -> memref<64x4xi32, #tpu.memory_space<hbm>>
      %dma_wait3A_366 = arith.constant 0 : i32
      %dma_wait3A_367 = arith.constant 0 : i32
      %dma_wait3A_368 = tpu.memref_slice %arg2[%add3A, %dma_wait3A_366, %dma_wait3A_367] : memref<32x64x4xi32, #tpu.memory_space<hbm>> -> memref<1x64x4xi32, #tpu.memory_space<hbm>>
      %dma_wait3A_369 = tpu.memref_squeeze %dma_wait3A_368 : memref<1x64x4xi32, #tpu.memory_space<hbm>> -> memref<64x4xi32, #tpu.memory_space<hbm>>
      tpu.wait_dma2 semaphore(%run_scoped3A : memref<!tpu.dma_semaphore, #tpu.memory_space<semaphore_mem>>) src(%dma_wait3A_369 : memref<64x4xi32, #tpu.memory_space<hbm>>) dst(%arg8 : memref<64x4xi32, #tpu.memory_space<vmem>>)
      tpu.yield
    }) : () -> ()
    "tpu.region"() ({
      %run_scoped3A = tpu.sem_alloc : memref<!tpu.dma_semaphore, #tpu.memory_space<semaphore_mem>>
      %dma_start3A_354 = arith.constant 0 : i32
      %dma_start3A_355 = arith.constant 0 : i32
      %dma_start3A_356 = tpu.memref_slice %arg3[%add3A, %dma_start3A_354, %dma_start3A_355] : memref<32x64x16xi32, #tpu.memory_space<hbm>> -> memref<1x64x16xi32, #tpu.memory_space<hbm>>
      %dma_start3A_357 = tpu.memref_squeeze %dma_start3A_356 : memref<1x64x16xi32, #tpu.memory_space<hbm>> -> memref<64x16xi32, #tpu.memory_space<hbm>>
      %dma_start3A_358 = arith.constant 0 : i32
      %dma_start3A_359 = arith.constant 0 : i32
      %dma_start3A_360 = tpu.memref_slice %arg3[%add3A, %dma_start3A_358, %dma_start3A_359] : memref<32x64x16xi32, #tpu.memory_space<hbm>> -> memref<1x64x16xi32, #tpu.memory_space<hbm>>
      %dma_start3A_361 = tpu.memref_squeeze %dma_start3A_360 : memref<1x64x16xi32, #tpu.memory_space<hbm>> -> memref<64x16xi32, #tpu.memory_space<hbm>>
      tpu.enqueue_dma source(%dma_start3A_361 : memref<64x16xi32, #tpu.memory_space<hbm>>) target(%arg9 : memref<64x16xi32, #tpu.memory_space<vmem>>) target_semaphore(%run_scoped3A : memref<!tpu.dma_semaphore, #tpu.memory_space<semaphore_mem>>)
      %dma_wait3A_362 = arith.constant 0 : i32
      %dma_wait3A_363 = arith.constant 0 : i32
      %dma_wait3A_364 = tpu.memref_slice %arg3[%add3A, %dma_wait3A_362, %dma_wait3A_363] : memref<32x64x16xi32, #tpu.memory_space<hbm>> -> memref<1x64x16xi32, #tpu.memory_space<hbm>>
      %dma_wait3A_365 = tpu.memref_squeeze %dma_wait3A_364 : memref<1x64x16xi32, #tpu.memory_space<hbm>> -> memref<64x16xi32, #tpu.memory_space<hbm>>
      %dma_wait3A_366 = arith.constant 0 : i32
      %dma_wait3A_367 = arith.constant 0 : i32
      %dma_wait3A_368 = tpu.memref_slice %arg3[%add3A, %dma_wait3A_366, %dma_wait3A_367] : memref<32x64x16xi32, #tpu.memory_space<hbm>> -> memref<1x64x16xi32, #tpu.memory_space<hbm>>
      %dma_wait3A_369 = tpu.memref_squeeze %dma_wait3A_368 : memref<1x64x16xi32, #tpu.memory_space<hbm>> -> memref<64x16xi32, #tpu.memory_space<hbm>>
      tpu.wait_dma2 semaphore(%run_scoped3A : memref<!tpu.dma_semaphore, #tpu.memory_space<semaphore_mem>>) src(%dma_wait3A_369 : memref<64x16xi32, #tpu.memory_space<hbm>>) dst(%arg9 : memref<64x16xi32, #tpu.memory_space<vmem>>)
      tpu.yield
    }) : () -> ()
    %iota3A = tpu.iota {dimensions = array<i32: 0>} : vector<16xi32>
    %dma_start3A = arith.constant 0 : i32
    %dma_start3A_1 = arith.constant 0 : i32
    %dma_start3A_2 = tpu.memref_slice %arg8[%dma_start3A, %dma_start3A_1] : memref<64x4xi32, #tpu.memory_space<vmem>> -> memref<1x4xi32, #tpu.memory_space<vmem>>
    %dma_start3A_3 = tpu.memref_squeeze %dma_start3A_2 : memref<1x4xi32, #tpu.memory_space<vmem>> -> memref<4xi32, #tpu.memory_space<vmem>>
    %dma_start3A_4 = arith.constant 0 : i32
    %dma_start3A_5 = arith.constant 0 : i32
    %dma_start3A_6 = tpu.memref_slice %arg4[%dma_start3A_4, %dma_start3A_5] : memref<8192x8192xf32, #tpu.memory_space<hbm>> -> memref<8192x8192xf32, #tpu.memory_space<hbm>>
    tpu.enqueue_indirect_dma source(%dma_start3A_6 : memref<8192x8192xf32, #tpu.memory_space<hbm>>) target(%arg12 : memref<4x8192xf32, #tpu.memory_space<vmem>>) offsets(%dma_start3A_3 : memref<4xi32, #tpu.memory_space<vmem>>) semaphore(%arg15 : memref<!tpu.dma_semaphore, #tpu.memory_space<semaphore_mem>>)
    %scan3A = arith.constant 0 : i32
    %scan3A_7 = arith.constant 21 : i32
    %scan3A_8 = arith.addi %scan3A, %scan3A_7 : i32
    %scan3A_9 = arith.constant 1 : i32
    scf.for %scan3A_354 = %scan3A to %scan3A_8 step %scan3A_9  : i32 {
      %mul3A_355 = arith.constant 1 : i32
      %mul3A_356 = arith.muli %scan3A_354, %mul3A_355 : i32
      %add3A_357 = arith.constant 0 : i32
      %add3A_358 = arith.addi %add3A_357, %mul3A_356 : i32
      %mul3A_359 = arith.constant 3 : i32
      %mul3A_360 = arith.muli %add3A_358, %mul3A_359 : i32
      %add3A_361 = arith.constant 0 : i32
      %add3A_362 = arith.addi %mul3A_360, %add3A_361 : i32
      %add3A_363 = arith.constant 1 : i32
      %add3A_364 = arith.addi %add3A_362, %add3A_363 : i32
      %lt3A_365 = arith.constant 64 : i32
      %lt3A_366 = arith.cmpi slt, %add3A_364, %lt3A_365 : i32
      %convert_element_type3A = arith.extui %lt3A_366 : i1 to i32
      %cond3A = arith.constant 0 : i32
      %cond3A_367 = arith.cmpi ne, %convert_element_type3A, %cond3A : i32
      scf.if %cond3A_367 {
        %add3A_1413 = arith.constant 1 : i32
        %add3A_1414 = arith.addi %add3A_362, %add3A_1413 : i32
        %ge3A = arith.constant 3 : i32
        %ge3A_1415 = arith.cmpi sge, %add3A_1414, %ge3A : i32
        %convert_element_type3A_1416 = arith.extui %ge3A_1415 : i1 to i32
        %cond3A_1417 = arith.constant 0 : i32
        %cond3A_1418 = arith.cmpi ne, %convert_element_type3A_1416, %cond3A_1417 : i32
        scf.if %cond3A_1418 {
          %dma_wait3A_1427 = arith.constant 0 : i32
          %dma_wait3A_1428 = arith.constant 0 : i32
          %dma_wait3A_1429 = tpu.memref_slice %arg5[%dma_wait3A_1427, %dma_wait3A_1428] : memref<8192x8192xf32, #tpu.memory_space<hbm>> -> memref<4x8192xf32, #tpu.memory_space<hbm>>
          %dma_wait3A_1430 = arith.constant 0 : i32
          %dma_wait3A_1431 = arith.constant 0 : i32
          %dma_wait3A_1432 = tpu.memref_slice %arg5[%dma_wait3A_1430, %dma_wait3A_1431] : memref<8192x8192xf32, #tpu.memory_space<hbm>> -> memref<4x8192xf32, #tpu.memory_space<hbm>>
          tpu.wait_dma2 semaphore(%arg19 : memref<!tpu.dma_semaphore, #tpu.memory_space<semaphore_mem>>) src(%arg13 : memref<4x8192xf32, #tpu.memory_space<vmem>>) dst(%dma_wait3A_1432 : memref<4x8192xf32, #tpu.memory_space<hbm>>)
        } else {
        }
        %add3A_1419 = arith.constant 1 : i32
        %add3A_1420 = arith.addi %add3A_362, %add3A_1419 : i32
        %dma_start3A_1421 = arith.constant 0 : i32
        %dma_start3A_1422 = tpu.memref_slice %arg8[%add3A_1420, %dma_start3A_1421] : memref<64x4xi32, #tpu.memory_space<vmem>> -> memref<1x4xi32, #tpu.memory_space<vmem>>
        %dma_start3A_1423 = tpu.memref_squeeze %dma_start3A_1422 : memref<1x4xi32, #tpu.memory_space<vmem>> -> memref<4xi32, #tpu.memory_space<vmem>>
        %dma_start3A_1424 = arith.constant 0 : i32
        %dma_start3A_1425 = arith.constant 0 : i32
        %dma_start3A_1426 = tpu.memref_slice %arg4[%dma_start3A_1424, %dma_start3A_1425] : memref<8192x8192xf32, #tpu.memory_space<hbm>> -> memref<8192x8192xf32, #tpu.memory_space<hbm>>
        tpu.enqueue_indirect_dma source(%dma_start3A_1426 : memref<8192x8192xf32, #tpu.memory_space<hbm>>) target(%arg13 : memref<4x8192xf32, #tpu.memory_space<vmem>>) offsets(%dma_start3A_1423 : memref<4xi32, #tpu.memory_space<vmem>>) semaphore(%arg16 : memref<!tpu.dma_semaphore, #tpu.memory_space<semaphore_mem>>)
      } else {
      }
      %dma_wait3A_368 = arith.constant 0 : i32
      %dma_wait3A_369 = arith.constant 0 : i32
      %dma_wait3A_370 = tpu.memref_slice %arg8[%dma_wait3A_368, %dma_wait3A_369] : memref<64x4xi32, #tpu.memory_space<vmem>> -> memref<1x4xi32, #tpu.memory_space<vmem>>
      %dma_wait3A_371 = tpu.memref_squeeze %dma_wait3A_370 : memref<1x4xi32, #tpu.memory_space<vmem>> -> memref<4xi32, #tpu.memory_space<vmem>>
      %dma_wait3A_372 = arith.constant 0 : i32
      %dma_wait3A_373 = arith.constant 0 : i32
      %dma_wait3A_374 = tpu.memref_slice %arg4[%dma_wait3A_372, %dma_wait3A_373] : memref<8192x8192xf32, #tpu.memory_space<hbm>> -> memref<8192x8192xf32, #tpu.memory_space<hbm>>
      tpu.wait_indirect_dma semaphore(%arg15 : memref<!tpu.dma_semaphore, #tpu.memory_space<semaphore_mem>>) src(%dma_wait3A_374 : memref<8192x8192xf32, #tpu.memory_space<hbm>>) dst(%arg12 : memref<4x8192xf32, #tpu.memory_space<vmem>>)
      %get3A_375 = arith.index_cast %add3A_362 : i32 to index
      %get3A_376 = arith.constant 0 : index
      %get3A_377 = tpu.vector_load %arg9[%get3A_375, %get3A_376] {strides = array<i32>} : memref<64x16xi32, #tpu.memory_space<vmem>>, vector<16xi32>,
      %broadcast_in_dim3A_378 = arith.constant 1.000000e+00 : f32
      %broadcast_in_dim3A_379 = vector.broadcast %broadcast_in_dim3A_378 : f32 to vector<16xf32>
      %broadcast_in_dim3A_380 = arith.constant 0.000000e+00 : f32
      %broadcast_in_dim3A_381 = vector.broadcast %broadcast_in_dim3A_380 : f32 to vector<16xf32>
      %broadcast_in_dim3A_382 = arith.constant 0.000000e+00 : f32
      %broadcast_in_dim3A_383 = vector.broadcast %broadcast_in_dim3A_382 : f32 to vector<16xf32>
      %parallel_loop3A_384 = arith.constant 0 : i32
      %parallel_loop3A_385 = arith.constant 512 : i32
      %parallel_loop3A_386 = arith.constant 2 : i32
      %parallel_loop3A_387:2 = scf.for %parallel_loop3A_1413 = %parallel_loop3A_384 to %parallel_loop3A_385 step %parallel_loop3A_386 iter_args(%parallel_loop3A_1414 = %broadcast_in_dim3A_383, %parallel_loop3A_1415 = %broadcast_in_dim3A_383) -> (vector<16xf32>, vector<16xf32>)  : i32 {
        %parallel_loop3A_1416 = arith.constant 16 : i32
        %parallel_loop3A_1417 = arith.muli %parallel_loop3A_1413, %parallel_loop3A_1416 : i32
        %parallel_loop3A_1418 = arith.constant 0 : i32
        %parallel_loop3A_1419 = arith.index_cast %parallel_loop3A_1418 : i32 to index
        %parallel_loop3A_1420 = arith.index_cast %parallel_loop3A_1417 : i32 to index
        %parallel_loop3A_1421 = tpu.vector_load %arg12[%parallel_loop3A_1419, %parallel_loop3A_1420] {strides = array<i32>} : memref<4x8192xf32, #tpu.memory_space<vmem>>, vector<16xf32>,
        %parallel_loop3A_1422 = math.exp %parallel_loop3A_1421 : vector<16xf32>
        %parallel_loop3A_1423 = arith.addf %parallel_loop3A_1414, %parallel_loop3A_1422 : vector<16xf32>
        %parallel_loop3A_1424 = arith.constant 1 : i32
        %parallel_loop3A_1425 = arith.addi %parallel_loop3A_1413, %parallel_loop3A_1424 : i32
        %parallel_loop3A_1426 = arith.constant 16 : i32
        %parallel_loop3A_1427 = arith.muli %parallel_loop3A_1425, %parallel_loop3A_1426 : i32
        %parallel_loop3A_1428 = arith.constant 0 : i32
        %parallel_loop3A_1429 = arith.index_cast %parallel_loop3A_1428 : i32 to index
        %parallel_loop3A_1430 = arith.index_cast %parallel_loop3A_1427 : i32 to index
        %parallel_loop3A_1431 = tpu.vector_load %arg12[%parallel_loop3A_1429, %parallel_loop3A_1430] {strides = array<i32>} : memref<4x8192xf32, #tpu.memory_space<vmem>>, vector<16xf32>,
        %parallel_loop3A_1432 = math.exp %parallel_loop3A_1431 : vector<16xf32>
        %parallel_loop3A_1433 = arith.addf %parallel_loop3A_1415, %parallel_loop3A_1432 : vector<16xf32>
        scf.yield %parallel_loop3A_1423, %parallel_loop3A_1433 : vector<16xf32>, vector<16xf32>
      } {sc.loop_unroll_factor = 4 : i64, sc.parallel_access}
      %slice3A_388 = vector.extract_strided_slice %get3A_377 {offsets = [0], sizes = [1], strides = [1]} : vector<16xi32> to vector<1xi32>
      %squeeze3A_389 = vector.extract %slice3A_388[0] : i32 from vector<1xi32>
      %jit3A_390 = arith.constant 16 : i32
      %div3A_391 = arith.divsi %squeeze3A_389, %jit3A_390 : i32
      %sign3A_392 = arith.constant 0 : i32
      %sign3A_393 = arith.cmpi sgt, %squeeze3A_389, %sign3A_392 : i32
      %sign3A_394 = arith.extui %sign3A_393 : i1 to i32
      %sign3A_395 = arith.constant 0 : i32
      %sign3A_396 = arith.cmpi slt, %squeeze3A_389, %sign3A_395 : i32
      %sign3A_397 = arith.extui %sign3A_396 : i1 to i32
      %sign3A_398 = arith.subi %sign3A_394, %sign3A_397 : i32
      %sign3A_399 = arith.constant 0 : i32
      %sign3A_400 = arith.cmpi sgt, %jit3A_390, %sign3A_399 : i32
      %sign3A_401 = arith.extui %sign3A_400 : i1 to i32
      %sign3A_402 = arith.constant 0 : i32
      %sign3A_403 = arith.cmpi slt, %jit3A_390, %sign3A_402 : i32
      %sign3A_404 = arith.extui %sign3A_403 : i1 to i32
      %sign3A_405 = arith.subi %sign3A_401, %sign3A_404 : i32
      %ne3A_406 = arith.cmpi ne, %sign3A_398, %sign3A_405 : i32
      %rem3A_407 = arith.remsi %squeeze3A_389, %jit3A_390 : i32
      %ne3A_408 = arith.constant 0 : i32
      %ne3A_409 = arith.cmpi ne, %rem3A_407, %ne3A_408 : i32
      %and3A_410 = arith.andi %ne3A_406, %ne3A_409 : i1
      %sub3A_411 = arith.constant 1 : i32
      %sub3A_412 = arith.subi %div3A_391, %sub3A_411 : i32
      %select_n3A_413 = arith.select %and3A_410, %sub3A_412, %div3A_391 : i32
      %mul3A_414 = arith.constant 16 : i32
      %mul3A_415 = arith.muli %select_n3A_413, %mul3A_414 : i32
      %get3A_416 = arith.constant 0 : i32
      %get3A_417 = arith.index_cast %get3A_416 : i32 to index
      %get3A_418 = arith.index_cast %mul3A_415 : i32 to index
      %get3A_419 = tpu.vector_load %arg12[%get3A_417, %get3A_418] {strides = array<i32>} : memref<4x8192xf32, #tpu.memory_space<vmem>>, vector<16xf32>,
      %jit3A_420 = arith.constant 16 : i32
      %eq3A_421 = arith.constant 0 : i32
      %eq3A_422 = arith.cmpi eq, %jit3A_420, %eq3A_421 : i32
      %jit3A_423 = arith.constant 1 : i32
      %select_n3A_424 = arith.select %eq3A_422, %jit3A_423, %jit3A_420 : i32
      %rem3A_425 = arith.remsi %squeeze3A_389, %select_n3A_424 : i32
      %ne3A_426 = arith.constant 0 : i32
      %ne3A_427 = arith.cmpi ne, %rem3A_425, %ne3A_426 : i32
      %lt3A_428 = arith.constant 0 : i32
      %lt3A_429 = arith.cmpi slt, %rem3A_425, %lt3A_428 : i32
      %lt3A_430 = arith.constant 0 : i32
      %lt3A_431 = arith.cmpi slt, %select_n3A_424, %lt3A_430 : i32
      %ne3A_432 = arith.xori %lt3A_429, %lt3A_431 : i1
      %and3A_433 = arith.andi %ne3A_432, %ne3A_427 : i1
      %add3A_434 = arith.addi %rem3A_425, %select_n3A_424 : i32
      %select_n3A_435 = arith.select %and3A_433, %add3A_434, %rem3A_425 : i32
      %eq3A_436 = vector.broadcast %select_n3A_435 : i32 to vector<16xi32>
      %eq3A_437 = arith.cmpi eq, %iota3A, %eq3A_436 : vector<16xi32>
      %jit3A_438 = arith.constant 0.000000e+00 : f32
      %broadcast_in_dim3A_439 = vector.broadcast %jit3A_438 : f32 to vector<16xf32>
      %select_n3A_440 = arith.select %eq3A_437, %get3A_419, %broadcast_in_dim3A_439 : vector<16xi1>, vector<16xf32>
      %reduce_sum3A_441 = arith.constant true
      %reduce_sum3A_442 = vector.broadcast %reduce_sum3A_441 : i1 to vector<16xi1>
      %reduce_sum3A_443 = tpu.scan <sum>, %select_n3A_440 masked %reduce_sum3A_442 : vector<16xf32>, vector<16xi1> -> vector<16xf32>
      %reduce_sum3A_444 = vector.extract %reduce_sum3A_443[15] : f32 from vector<16xf32>
      %eq3A_445 = arith.constant 0 : i32
      %eq3A_446 = vector.broadcast %eq3A_445 : i32 to vector<16xi32>
      %eq3A_447 = arith.cmpi eq, %iota3A, %eq3A_446 : vector<16xi32>
      %add3A_448 = arith.addf %parallel_loop3A_387#0, %parallel_loop3A_387#1 : vector<16xf32>
      %reduce_sum3A_449 = arith.constant true
      %reduce_sum3A_450 = vector.broadcast %reduce_sum3A_449 : i1 to vector<16xi1>
      %reduce_sum3A_451 = tpu.scan <sum>, %add3A_448 masked %reduce_sum3A_450 : vector<16xf32>, vector<16xi1> -> vector<16xf32>
      %reduce_sum3A_452 = vector.extract %reduce_sum3A_451[15] : f32 from vector<16xf32>
      %broadcast_in_dim3A_453 = vector.broadcast %reduce_sum3A_452 : f32 to vector<16xf32>
      %select_n3A_454 = arith.select %eq3A_447, %broadcast_in_dim3A_453, %broadcast_in_dim3A_379 : vector<16xi1>, vector<16xf32>
      %eq3A_455 = arith.constant 0 : i32
      %eq3A_456 = vector.broadcast %eq3A_455 : i32 to vector<16xi32>
      %eq3A_457 = arith.cmpi eq, %iota3A, %eq3A_456 : vector<16xi32>
      %broadcast_in_dim3A_458 = vector.broadcast %reduce_sum3A_444 : f32 to vector<16xf32>
      %select_n3A_459 = arith.select %eq3A_457, %broadcast_in_dim3A_458, %broadcast_in_dim3A_381 : vector<16xi1>, vector<16xf32>
      %broadcast_in_dim3A_460 = arith.constant 0.000000e+00 : f32
      %broadcast_in_dim3A_461 = vector.broadcast %broadcast_in_dim3A_460 : f32 to vector<16xf32>
      %parallel_loop3A_462 = arith.constant 0 : i32
      %parallel_loop3A_463 = arith.constant 512 : i32
      %parallel_loop3A_464 = arith.constant 2 : i32
      %parallel_loop3A_465:2 = scf.for %parallel_loop3A_1413 = %parallel_loop3A_462 to %parallel_loop3A_463 step %parallel_loop3A_464 iter_args(%parallel_loop3A_1414 = %broadcast_in_dim3A_461, %parallel_loop3A_1415 = %broadcast_in_dim3A_461) -> (vector<16xf32>, vector<16xf32>)  : i32 {
        %parallel_loop3A_1416 = arith.constant 16 : i32
        %parallel_loop3A_1417 = arith.muli %parallel_loop3A_1413, %parallel_loop3A_1416 : i32
        %parallel_loop3A_1418 = arith.constant 1 : i32
        %parallel_loop3A_1419 = arith.index_cast %parallel_loop3A_1418 : i32 to index
        %parallel_loop3A_1420 = arith.index_cast %parallel_loop3A_1417 : i32 to index
        %parallel_loop3A_1421 = tpu.vector_load %arg12[%parallel_loop3A_1419, %parallel_loop3A_1420] {strides = array<i32>} : memref<4x8192xf32, #tpu.memory_space<vmem>>, vector<16xf32>,
        %parallel_loop3A_1422 = math.exp %parallel_loop3A_1421 : vector<16xf32>
        %parallel_loop3A_1423 = arith.addf %parallel_loop3A_1414, %parallel_loop3A_1422 : vector<16xf32>
        %parallel_loop3A_1424 = arith.constant 1 : i32
        %parallel_loop3A_1425 = arith.addi %parallel_loop3A_1413, %parallel_loop3A_1424 : i32
        %parallel_loop3A_1426 = arith.constant 16 : i32
        %parallel_loop3A_1427 = arith.muli %parallel_loop3A_1425, %parallel_loop3A_1426 : i32
        %parallel_loop3A_1428 = arith.constant 1 : i32
        %parallel_loop3A_1429 = arith.index_cast %parallel_loop3A_1428 : i32 to index
        %parallel_loop3A_1430 = arith.index_cast %parallel_loop3A_1427 : i32 to index
        %parallel_loop3A_1431 = tpu.vector_load %arg12[%parallel_loop3A_1429, %parallel_loop3A_1430] {strides = array<i32>} : memref<4x8192xf32, #tpu.memory_space<vmem>>, vector<16xf32>,
        %parallel_loop3A_1432 = math.exp %parallel_loop3A_1431 : vector<16xf32>
        %parallel_loop3A_1433 = arith.addf %parallel_loop3A_1415, %parallel_loop3A_1432 : vector<16xf32>
        scf.yield %parallel_loop3A_1423, %parallel_loop3A_1433 : vector<16xf32>, vector<16xf32>
      } {sc.loop_unroll_factor = 4 : i64, sc.parallel_access}
      %slice3A_466 = vector.extract_strided_slice %get3A_377 {offsets = [1], sizes = [1], strides = [1]} : vector<16xi32> to vector<1xi32>
      %squeeze3A_467 = vector.extract %slice3A_466[0] : i32 from vector<1xi32>
      %jit3A_468 = arith.constant 16 : i32
      %div3A_469 = arith.divsi %squeeze3A_467, %jit3A_468 : i32
      %sign3A_470 = arith.constant 0 : i32
      %sign3A_471 = arith.cmpi sgt, %squeeze3A_467, %sign3A_470 : i32
      %sign3A_472 = arith.extui %sign3A_471 : i1 to i32
      %sign3A_473 = arith.constant 0 : i32
      %sign3A_474 = arith.cmpi slt, %squeeze3A_467, %sign3A_473 : i32
      %sign3A_475 = arith.extui %sign3A_474 : i1 to i32
      %sign3A_476 = arith.subi %sign3A_472, %sign3A_475 : i32
      %sign3A_477 = arith.constant 0 : i32
      %sign3A_478 = arith.cmpi sgt, %jit3A_468, %sign3A_477 : i32
      %sign3A_479 = arith.extui %sign3A_478 : i1 to i32
      %sign3A_480 = arith.constant 0 : i32
      %sign3A_481 = arith.cmpi slt, %jit3A_468, %sign3A_480 : i32
      %sign3A_482 = arith.extui %sign3A_481 : i1 to i32
      %sign3A_483 = arith.subi %sign3A_479, %sign3A_482 : i32
      %ne3A_484 = arith.cmpi ne, %sign3A_476, %sign3A_483 : i32
      %rem3A_485 = arith.remsi %squeeze3A_467, %jit3A_468 : i32
      %ne3A_486 = arith.constant 0 : i32
      %ne3A_487 = arith.cmpi ne, %rem3A_485, %ne3A_486 : i32
      %and3A_488 = arith.andi %ne3A_484, %ne3A_487 : i1
      %sub3A_489 = arith.constant 1 : i32
      %sub3A_490 = arith.subi %div3A_469, %sub3A_489 : i32
      %select_n3A_491 = arith.select %and3A_488, %sub3A_490, %div3A_469 : i32
      %mul3A_492 = arith.constant 16 : i32
      %mul3A_493 = arith.muli %select_n3A_491, %mul3A_492 : i32
      %get3A_494 = arith.constant 1 : i32
      %get3A_495 = arith.index_cast %get3A_494 : i32 to index
      %get3A_496 = arith.index_cast %mul3A_493 : i32 to index
      %get3A_497 = tpu.vector_load %arg12[%get3A_495, %get3A_496] {strides = array<i32>} : memref<4x8192xf32, #tpu.memory_space<vmem>>, vector<16xf32>,
      %jit3A_498 = arith.constant 16 : i32
      %eq3A_499 = arith.constant 0 : i32
      %eq3A_500 = arith.cmpi eq, %jit3A_498, %eq3A_499 : i32
      %jit3A_501 = arith.constant 1 : i32
      %select_n3A_502 = arith.select %eq3A_500, %jit3A_501, %jit3A_498 : i32
      %rem3A_503 = arith.remsi %squeeze3A_467, %select_n3A_502 : i32
      %ne3A_504 = arith.constant 0 : i32
      %ne3A_505 = arith.cmpi ne, %rem3A_503, %ne3A_504 : i32
      %lt3A_506 = arith.constant 0 : i32
      %lt3A_507 = arith.cmpi slt, %rem3A_503, %lt3A_506 : i32
      %lt3A_508 = arith.constant 0 : i32
      %lt3A_509 = arith.cmpi slt, %select_n3A_502, %lt3A_508 : i32
      %ne3A_510 = arith.xori %lt3A_507, %lt3A_509 : i1
      %and3A_511 = arith.andi %ne3A_510, %ne3A_505 : i1
      %add3A_512 = arith.addi %rem3A_503, %select_n3A_502 : i32
      %select_n3A_513 = arith.select %and3A_511, %add3A_512, %rem3A_503 : i32
      %eq3A_514 = vector.broadcast %select_n3A_513 : i32 to vector<16xi32>
      %eq3A_515 = arith.cmpi eq, %iota3A, %eq3A_514 : vector<16xi32>
      %jit3A_516 = arith.constant 0.000000e+00 : f32
      %broadcast_in_dim3A_517 = vector.broadcast %jit3A_516 : f32 to vector<16xf32>
      %select_n3A_518 = arith.select %eq3A_515, %get3A_497, %broadcast_in_dim3A_517 : vector<16xi1>, vector<16xf32>
      %reduce_sum3A_519 = arith.constant true
      %reduce_sum3A_520 = vector.broadcast %reduce_sum3A_519 : i1 to vector<16xi1>
      %reduce_sum3A_521 = tpu.scan <sum>, %select_n3A_518 masked %reduce_sum3A_520 : vector<16xf32>, vector<16xi1> -> vector<16xf32>
      %reduce_sum3A_522 = vector.extract %reduce_sum3A_521[15] : f32 from vector<16xf32>
      %eq3A_523 = arith.constant 1 : i32
      %eq3A_524 = vector.broadcast %eq3A_523 : i32 to vector<16xi32>
      %eq3A_525 = arith.cmpi eq, %iota3A, %eq3A_524 : vector<16xi32>
      %add3A_526 = arith.addf %parallel_loop3A_465#0, %parallel_loop3A_465#1 : vector<16xf32>
      %reduce_sum3A_527 = arith.constant true
      %reduce_sum3A_528 = vector.broadcast %reduce_sum3A_527 : i1 to vector<16xi1>
      %reduce_sum3A_529 = tpu.scan <sum>, %add3A_526 masked %reduce_sum3A_528 : vector<16xf32>, vector<16xi1> -> vector<16xf32>
      %reduce_sum3A_530 = vector.extract %reduce_sum3A_529[15] : f32 from vector<16xf32>
      %broadcast_in_dim3A_531 = vector.broadcast %reduce_sum3A_530 : f32 to vector<16xf32>
      %select_n3A_532 = arith.select %eq3A_525, %broadcast_in_dim3A_531, %select_n3A_454 : vector<16xi1>, vector<16xf32>
      %eq3A_533 = arith.constant 1 : i32
      %eq3A_534 = vector.broadcast %eq3A_533 : i32 to vector<16xi32>
      %eq3A_535 = arith.cmpi eq, %iota3A, %eq3A_534 : vector<16xi32>
      %broadcast_in_dim3A_536 = vector.broadcast %reduce_sum3A_522 : f32 to vector<16xf32>
      %select_n3A_537 = arith.select %eq3A_535, %broadcast_in_dim3A_536, %select_n3A_459 : vector<16xi1>, vector<16xf32>
      %broadcast_in_dim3A_538 = arith.constant 0.000000e+00 : f32
      %broadcast_in_dim3A_539 = vector.broadcast %broadcast_in_dim3A_538 : f32 to vector<16xf32>
      %parallel_loop3A_540 = arith.constant 0 : i32
      %parallel_loop3A_541 = arith.constant 512 : i32
      %parallel_loop3A_542 = arith.constant 2 : i32
      %parallel_loop3A_543:2 = scf.for %parallel_loop3A_1413 = %parallel_loop3A_540 to %parallel_loop3A_541 step %parallel_loop3A_542 iter_args(%parallel_loop3A_1414 = %broadcast_in_dim3A_539, %parallel_loop3A_1415 = %broadcast_in_dim3A_539) -> (vector<16xf32>, vector<16xf32>)  : i32 {
        %parallel_loop3A_1416 = arith.constant 16 : i32
        %parallel_loop3A_1417 = arith.muli %parallel_loop3A_1413, %parallel_loop3A_1416 : i32
        %parallel_loop3A_1418 = arith.constant 2 : i32
        %parallel_loop3A_1419 = arith.index_cast %parallel_loop3A_1418 : i32 to index
        %parallel_loop3A_1420 = arith.index_cast %parallel_loop3A_1417 : i32 to index
        %parallel_loop3A_1421 = tpu.vector_load %arg12[%parallel_loop3A_1419, %parallel_loop3A_1420] {strides = array<i32>} : memref<4x8192xf32, #tpu.memory_space<vmem>>, vector<16xf32>,
        %parallel_loop3A_1422 = math.exp %parallel_loop3A_1421 : vector<16xf32>
        %parallel_loop3A_1423 = arith.addf %parallel_loop3A_1414, %parallel_loop3A_1422 : vector<16xf32>
        %parallel_loop3A_1424 = arith.constant 1 : i32
        %parallel_loop3A_1425 = arith.addi %parallel_loop3A_1413, %parallel_loop3A_1424 : i32
        %parallel_loop3A_1426 = arith.constant 16 : i32
        %parallel_loop3A_1427 = arith.muli %parallel_loop3A_1425, %parallel_loop3A_1426 : i32
        %parallel_loop3A_1428 = arith.constant 2 : i32
        %parallel_loop3A_1429 = arith.index_cast %parallel_loop3A_1428 : i32 to index
        %parallel_loop3A_1430 = arith.index_cast %parallel_loop3A_1427 : i32 to index
        %parallel_loop3A_1431 = tpu.vector_load %arg12[%parallel_loop3A_1429, %parallel_loop3A_1430] {strides = array<i32>} : memref<4x8192xf32, #tpu.memory_space<vmem>>, vector<16xf32>,
        %parallel_loop3A_1432 = math.exp %parallel_loop3A_1431 : vector<16xf32>
        %parallel_loop3A_1433 = arith.addf %parallel_loop3A_1415, %parallel_loop3A_1432 : vector<16xf32>
        scf.yield %parallel_loop3A_1423, %parallel_loop3A_1433 : vector<16xf32>, vector<16xf32>
      } {sc.loop_unroll_factor = 4 : i64, sc.parallel_access}
      %slice3A_544 = vector.extract_strided_slice %get3A_377 {offsets = [2], sizes = [1], strides = [1]} : vector<16xi32> to vector<1xi32>
      %squeeze3A_545 = vector.extract %slice3A_544[0] : i32 from vector<1xi32>
      %jit3A_546 = arith.constant 16 : i32
      %div3A_547 = arith.divsi %squeeze3A_545, %jit3A_546 : i32
      %sign3A_548 = arith.constant 0 : i32
      %sign3A_549 = arith.cmpi sgt, %squeeze3A_545, %sign3A_548 : i32
      %sign3A_550 = arith.extui %sign3A_549 : i1 to i32
      %sign3A_551 = arith.constant 0 : i32
      %sign3A_552 = arith.cmpi slt, %squeeze3A_545, %sign3A_551 : i32
      %sign3A_553 = arith.extui %sign3A_552 : i1 to i32
      %sign3A_554 = arith.subi %sign3A_550, %sign3A_553 : i32
      %sign3A_555 = arith.constant 0 : i32
      %sign3A_556 = arith.cmpi sgt, %jit3A_546, %sign3A_555 : i32
      %sign3A_557 = arith.extui %sign3A_556 : i1 to i32
      %sign3A_558 = arith.constant 0 : i32
      %sign3A_559 = arith.cmpi slt, %jit3A_546, %sign3A_558 : i32
      %sign3A_560 = arith.extui %sign3A_559 : i1 to i32
      %sign3A_561 = arith.subi %sign3A_557, %sign3A_560 : i32
      %ne3A_562 = arith.cmpi ne, %sign3A_554, %sign3A_561 : i32
      %rem3A_563 = arith.remsi %squeeze3A_545, %jit3A_546 : i32
      %ne3A_564 = arith.constant 0 : i32
      %ne3A_565 = arith.cmpi ne, %rem3A_563, %ne3A_564 : i32
      %and3A_566 = arith.andi %ne3A_562, %ne3A_565 : i1
      %sub3A_567 = arith.constant 1 : i32
      %sub3A_568 = arith.subi %div3A_547, %sub3A_567 : i32
      %select_n3A_569 = arith.select %and3A_566, %sub3A_568, %div3A_547 : i32
      %mul3A_570 = arith.constant 16 : i32
      %mul3A_571 = arith.muli %select_n3A_569, %mul3A_570 : i32
      %get3A_572 = arith.constant 2 : i32
      %get3A_573 = arith.index_cast %get3A_572 : i32 to index
      %get3A_574 = arith.index_cast %mul3A_571 : i32 to index
      %get3A_575 = tpu.vector_load %arg12[%get3A_573, %get3A_574] {strides = array<i32>} : memref<4x8192xf32, #tpu.memory_space<vmem>>, vector<16xf32>,
      %jit3A_576 = arith.constant 16 : i32
      %eq3A_577 = arith.constant 0 : i32
      %eq3A_578 = arith.cmpi eq, %jit3A_576, %eq3A_577 : i32
      %jit3A_579 = arith.constant 1 : i32
      %select_n3A_580 = arith.select %eq3A_578, %jit3A_579, %jit3A_576 : i32
      %rem3A_581 = arith.remsi %squeeze3A_545, %select_n3A_580 : i32
      %ne3A_582 = arith.constant 0 : i32
      %ne3A_583 = arith.cmpi ne, %rem3A_581, %ne3A_582 : i32
      %lt3A_584 = arith.constant 0 : i32
      %lt3A_585 = arith.cmpi slt, %rem3A_581, %lt3A_584 : i32
      %lt3A_586 = arith.constant 0 : i32
      %lt3A_587 = arith.cmpi slt, %select_n3A_580, %lt3A_586 : i32
      %ne3A_588 = arith.xori %lt3A_585, %lt3A_587 : i1
      %and3A_589 = arith.andi %ne3A_588, %ne3A_583 : i1
      %add3A_590 = arith.addi %rem3A_581, %select_n3A_580 : i32
      %select_n3A_591 = arith.select %and3A_589, %add3A_590, %rem3A_581 : i32
      %eq3A_592 = vector.broadcast %select_n3A_591 : i32 to vector<16xi32>
      %eq3A_593 = arith.cmpi eq, %iota3A, %eq3A_592 : vector<16xi32>
      %jit3A_594 = arith.constant 0.000000e+00 : f32
      %broadcast_in_dim3A_595 = vector.broadcast %jit3A_594 : f32 to vector<16xf32>
      %select_n3A_596 = arith.select %eq3A_593, %get3A_575, %broadcast_in_dim3A_595 : vector<16xi1>, vector<16xf32>
      %reduce_sum3A_597 = arith.constant true
      %reduce_sum3A_598 = vector.broadcast %reduce_sum3A_597 : i1 to vector<16xi1>
      %reduce_sum3A_599 = tpu.scan <sum>, %select_n3A_596 masked %reduce_sum3A_598 : vector<16xf32>, vector<16xi1> -> vector<16xf32>
      %reduce_sum3A_600 = vector.extract %reduce_sum3A_599[15] : f32 from vector<16xf32>
      %eq3A_601 = arith.constant 2 : i32
      %eq3A_602 = vector.broadcast %eq3A_601 : i32 to vector<16xi32>
      %eq3A_603 = arith.cmpi eq, %iota3A, %eq3A_602 : vector<16xi32>
      %add3A_604 = arith.addf %parallel_loop3A_543#0, %parallel_loop3A_543#1 : vector<16xf32>
      %reduce_sum3A_605 = arith.constant true
      %reduce_sum3A_606 = vector.broadcast %reduce_sum3A_605 : i1 to vector<16xi1>
      %reduce_sum3A_607 = tpu.scan <sum>, %add3A_604 masked %reduce_sum3A_606 : vector<16xf32>, vector<16xi1> -> vector<16xf32>
      %reduce_sum3A_608 = vector.extract %reduce_sum3A_607[15] : f32 from vector<16xf32>
      %broadcast_in_dim3A_609 = vector.broadcast %reduce_sum3A_608 : f32 to vector<16xf32>
      %select_n3A_610 = arith.select %eq3A_603, %broadcast_in_dim3A_609, %select_n3A_532 : vector<16xi1>, vector<16xf32>
      %eq3A_611 = arith.constant 2 : i32
      %eq3A_612 = vector.broadcast %eq3A_611 : i32 to vector<16xi32>
      %eq3A_613 = arith.cmpi eq, %iota3A, %eq3A_612 : vector<16xi32>
      %broadcast_in_dim3A_614 = vector.broadcast %reduce_sum3A_600 : f32 to vector<16xf32>
      %select_n3A_615 = arith.select %eq3A_613, %broadcast_in_dim3A_614, %select_n3A_537 : vector<16xi1>, vector<16xf32>
      %broadcast_in_dim3A_616 = arith.constant 0.000000e+00 : f32
      %broadcast_in_dim3A_617 = vector.broadcast %broadcast_in_dim3A_616 : f32 to vector<16xf32>
      %parallel_loop3A_618 = arith.constant 0 : i32
      %parallel_loop3A_619 = arith.constant 512 : i32
      %parallel_loop3A_620 = arith.constant 2 : i32
      %parallel_loop3A_621:2 = scf.for %parallel_loop3A_1413 = %parallel_loop3A_618 to %parallel_loop3A_619 step %parallel_loop3A_620 iter_args(%parallel_loop3A_1414 = %broadcast_in_dim3A_617, %parallel_loop3A_1415 = %broadcast_in_dim3A_617) -> (vector<16xf32>, vector<16xf32>)  : i32 {
        %parallel_loop3A_1416 = arith.constant 16 : i32
        %parallel_loop3A_1417 = arith.muli %parallel_loop3A_1413, %parallel_loop3A_1416 : i32
        %parallel_loop3A_1418 = arith.constant 3 : i32
        %parallel_loop3A_1419 = arith.index_cast %parallel_loop3A_1418 : i32 to index
        %parallel_loop3A_1420 = arith.index_cast %parallel_loop3A_1417 : i32 to index
        %parallel_loop3A_1421 = tpu.vector_load %arg12[%parallel_loop3A_1419, %parallel_loop3A_1420] {strides = array<i32>} : memref<4x8192xf32, #tpu.memory_space<vmem>>, vector<16xf32>,
        %parallel_loop3A_1422 = math.exp %parallel_loop3A_1421 : vector<16xf32>
        %parallel_loop3A_1423 = arith.addf %parallel_loop3A_1414, %parallel_loop3A_1422 : vector<16xf32>
        %parallel_loop3A_1424 = arith.constant 1 : i32
        %parallel_loop3A_1425 = arith.addi %parallel_loop3A_1413, %parallel_loop3A_1424 : i32
        %parallel_loop3A_1426 = arith.constant 16 : i32
        %parallel_loop3A_1427 = arith.muli %parallel_loop3A_1425, %parallel_loop3A_1426 : i32
        %parallel_loop3A_1428 = arith.constant 3 : i32
        %parallel_loop3A_1429 = arith.index_cast %parallel_loop3A_1428 : i32 to index
        %parallel_loop3A_1430 = arith.index_cast %parallel_loop3A_1427 : i32 to index
        %parallel_loop3A_1431 = tpu.vector_load %arg12[%parallel_loop3A_1429, %parallel_loop3A_1430] {strides = array<i32>} : memref<4x8192xf32, #tpu.memory_space<vmem>>, vector<16xf32>,
        %parallel_loop3A_1432 = math.exp %parallel_loop3A_1431 : vector<16xf32>
        %parallel_loop3A_1433 = arith.addf %parallel_loop3A_1415, %parallel_loop3A_1432 : vector<16xf32>
        scf.yield %parallel_loop3A_1423, %parallel_loop3A_1433 : vector<16xf32>, vector<16xf32>
      } {sc.loop_unroll_factor = 4 : i64, sc.parallel_access}
      %slice3A_622 = vector.extract_strided_slice %get3A_377 {offsets = [3], sizes = [1], strides = [1]} : vector<16xi32> to vector<1xi32>
      %squeeze3A_623 = vector.extract %slice3A_622[0] : i32 from vector<1xi32>
      %jit3A_624 = arith.constant 16 : i32
      %div3A_625 = arith.divsi %squeeze3A_623, %jit3A_624 : i32
      %sign3A_626 = arith.constant 0 : i32
      %sign3A_627 = arith.cmpi sgt, %squeeze3A_623, %sign3A_626 : i32
      %sign3A_628 = arith.extui %sign3A_627 : i1 to i32
      %sign3A_629 = arith.constant 0 : i32
      %sign3A_630 = arith.cmpi slt, %squeeze3A_623, %sign3A_629 : i32
      %sign3A_631 = arith.extui %sign3A_630 : i1 to i32
      %sign3A_632 = arith.subi %sign3A_628, %sign3A_631 : i32
      %sign3A_633 = arith.constant 0 : i32
      %sign3A_634 = arith.cmpi sgt, %jit3A_624, %sign3A_633 : i32
      %sign3A_635 = arith.extui %sign3A_634 : i1 to i32
      %sign3A_636 = arith.constant 0 : i32
      %sign3A_637 = arith.cmpi slt, %jit3A_624, %sign3A_636 : i32
      %sign3A_638 = arith.extui %sign3A_637 : i1 to i32
      %sign3A_639 = arith.subi %sign3A_635, %sign3A_638 : i32
      %ne3A_640 = arith.cmpi ne, %sign3A_632, %sign3A_639 : i32
      %rem3A_641 = arith.remsi %squeeze3A_623, %jit3A_624 : i32
      %ne3A_642 = arith.constant 0 : i32
      %ne3A_643 = arith.cmpi ne, %rem3A_641, %ne3A_642 : i32
      %and3A_644 = arith.andi %ne3A_640, %ne3A_643 : i1
      %sub3A_645 = arith.constant 1 : i32
      %sub3A_646 = arith.subi %div3A_625, %sub3A_645 : i32
      %select_n3A_647 = arith.select %and3A_644, %sub3A_646, %div3A_625 : i32
      %mul3A_648 = arith.constant 16 : i32
      %mul3A_649 = arith.muli %select_n3A_647, %mul3A_648 : i32
      %get3A_650 = arith.constant 3 : i32
      %get3A_651 = arith.index_cast %get3A_650 : i32 to index
      %get3A_652 = arith.index_cast %mul3A_649 : i32 to index
      %get3A_653 = tpu.vector_load %arg12[%get3A_651, %get3A_652] {strides = array<i32>} : memref<4x8192xf32, #tpu.memory_space<vmem>>, vector<16xf32>,
      %jit3A_654 = arith.constant 16 : i32
      %eq3A_655 = arith.constant 0 : i32
      %eq3A_656 = arith.cmpi eq, %jit3A_654, %eq3A_655 : i32
      %jit3A_657 = arith.constant 1 : i32
      %select_n3A_658 = arith.select %eq3A_656, %jit3A_657, %jit3A_654 : i32
      %rem3A_659 = arith.remsi %squeeze3A_623, %select_n3A_658 : i32
      %ne3A_660 = arith.constant 0 : i32
      %ne3A_661 = arith.cmpi ne, %rem3A_659, %ne3A_660 : i32
      %lt3A_662 = arith.constant 0 : i32
      %lt3A_663 = arith.cmpi slt, %rem3A_659, %lt3A_662 : i32
      %lt3A_664 = arith.constant 0 : i32
      %lt3A_665 = arith.cmpi slt, %select_n3A_658, %lt3A_664 : i32
      %ne3A_666 = arith.xori %lt3A_663, %lt3A_665 : i1
      %and3A_667 = arith.andi %ne3A_666, %ne3A_661 : i1
      %add3A_668 = arith.addi %rem3A_659, %select_n3A_658 : i32
      %select_n3A_669 = arith.select %and3A_667, %add3A_668, %rem3A_659 : i32
      %eq3A_670 = vector.broadcast %select_n3A_669 : i32 to vector<16xi32>
      %eq3A_671 = arith.cmpi eq, %iota3A, %eq3A_670 : vector<16xi32>
      %jit3A_672 = arith.constant 0.000000e+00 : f32
      %broadcast_in_dim3A_673 = vector.broadcast %jit3A_672 : f32 to vector<16xf32>
      %select_n3A_674 = arith.select %eq3A_671, %get3A_653, %broadcast_in_dim3A_673 : vector<16xi1>, vector<16xf32>
      %reduce_sum3A_675 = arith.constant true
      %reduce_sum3A_676 = vector.broadcast %reduce_sum3A_675 : i1 to vector<16xi1>
      %reduce_sum3A_677 = tpu.scan <sum>, %select_n3A_674 masked %reduce_sum3A_676 : vector<16xf32>, vector<16xi1> -> vector<16xf32>
      %reduce_sum3A_678 = vector.extract %reduce_sum3A_677[15] : f32 from vector<16xf32>
      %eq3A_679 = arith.constant 3 : i32
      %eq3A_680 = vector.broadcast %eq3A_679 : i32 to vector<16xi32>
      %eq3A_681 = arith.cmpi eq, %iota3A, %eq3A_680 : vector<16xi32>
      %add3A_682 = arith.addf %parallel_loop3A_621#0, %parallel_loop3A_621#1 : vector<16xf32>
      %reduce_sum3A_683 = arith.constant true
      %reduce_sum3A_684 = vector.broadcast %reduce_sum3A_683 : i1 to vector<16xi1>
      %reduce_sum3A_685 = tpu.scan <sum>, %add3A_682 masked %reduce_sum3A_684 : vector<16xf32>, vector<16xi1> -> vector<16xf32>
      %reduce_sum3A_686 = vector.extract %reduce_sum3A_685[15] : f32 from vector<16xf32>
      %broadcast_in_dim3A_687 = vector.broadcast %reduce_sum3A_686 : f32 to vector<16xf32>
      %select_n3A_688 = arith.select %eq3A_681, %broadcast_in_dim3A_687, %select_n3A_610 : vector<16xi1>, vector<16xf32>
      %eq3A_689 = arith.constant 3 : i32
      %eq3A_690 = vector.broadcast %eq3A_689 : i32 to vector<16xi32>
      %eq3A_691 = arith.cmpi eq, %iota3A, %eq3A_690 : vector<16xi32>
      %broadcast_in_dim3A_692 = vector.broadcast %reduce_sum3A_678 : f32 to vector<16xf32>
      %select_n3A_693 = arith.select %eq3A_691, %broadcast_in_dim3A_692, %select_n3A_615 : vector<16xi1>, vector<16xf32>
      %swap3A_694 = arith.index_cast %add3A_362 : i32 to index
      %swap3A_695 = arith.constant 0 : index
      %swap3A_696 = tpu.vector_load %arg10[%swap3A_694, %swap3A_695] {strides = array<i32>} : memref<64x16xf32, #tpu.memory_space<vmem>>, vector<16xf32>,
      tpu.vector_store %arg10[%swap3A_694, %swap3A_695], %select_n3A_688 {strides = array<i32>} : memref<64x16xf32, #tpu.memory_space<vmem>>, vector<16xf32>,
      %swap3A_697 = arith.index_cast %add3A_362 : i32 to index
      %swap3A_698 = arith.constant 0 : index
      %swap3A_699 = tpu.vector_load %arg11[%swap3A_697, %swap3A_698] {strides = array<i32>} : memref<64x16xf32, #tpu.memory_space<vmem>>, vector<16xf32>,
      tpu.vector_store %arg11[%swap3A_697, %swap3A_698], %select_n3A_693 {strides = array<i32>} : memref<64x16xf32, #tpu.memory_space<vmem>>, vector<16xf32>,
      %mul3A_700 = arith.constant 256 : i32
      %mul3A_701 = arith.muli %add3A, %mul3A_700 : i32
      %mul3A_702 = arith.constant 4 : i32
      %mul3A_703 = arith.muli %add3A_362, %mul3A_702 : i32
      %add3A_704 = arith.addi %mul3A_701, %mul3A_703 : i32
      %dma_start3A_705 = arith.constant 0 : i32
      %dma_start3A_706 = tpu.memref_slice %arg5[%add3A_704, %dma_start3A_705] : memref<8192x8192xf32, #tpu.memory_space<hbm>> -> memref<4x8192xf32, #tpu.memory_space<hbm>>
      %dma_start3A_707 = arith.constant 0 : i32
      %dma_start3A_708 = tpu.memref_slice %arg5[%add3A_704, %dma_start3A_707] : memref<8192x8192xf32, #tpu.memory_space<hbm>> -> memref<4x8192xf32, #tpu.memory_space<hbm>>
      tpu.enqueue_dma source(%arg12 : memref<4x8192xf32, #tpu.memory_space<vmem>>) target(%dma_start3A_708 : memref<4x8192xf32, #tpu.memory_space<hbm>>) target_semaphore(%arg18 : memref<!tpu.dma_semaphore, #tpu.memory_space<semaphore_mem>>)
      %mul3A_709 = arith.constant 3 : i32
      %mul3A_710 = arith.muli %add3A_358, %mul3A_709 : i32
      %add3A_711 = arith.constant 1 : i32
      %add3A_712 = arith.addi %mul3A_710, %add3A_711 : i32
      %add3A_713 = arith.constant 1 : i32
      %add3A_714 = arith.addi %add3A_712, %add3A_713 : i32
      %lt3A_715 = arith.constant 64 : i32
      %lt3A_716 = arith.cmpi slt, %add3A_714, %lt3A_715 : i32
      %convert_element_type3A_717 = arith.extui %lt3A_716 : i1 to i32
      %cond3A_718 = arith.constant 0 : i32
      %cond3A_719 = arith.cmpi ne, %convert_element_type3A_717, %cond3A_718 : i32
      scf.if %cond3A_719 {
        %add3A_1413 = arith.constant 1 : i32
        %add3A_1414 = arith.addi %add3A_712, %add3A_1413 : i32
        %ge3A = arith.constant 3 : i32
        %ge3A_1415 = arith.cmpi sge, %add3A_1414, %ge3A : i32
        %convert_element_type3A_1416 = arith.extui %ge3A_1415 : i1 to i32
        %cond3A_1417 = arith.constant 0 : i32
        %cond3A_1418 = arith.cmpi ne, %convert_element_type3A_1416, %cond3A_1417 : i32
        scf.if %cond3A_1418 {
          %dma_wait3A_1427 = arith.constant 0 : i32
          %dma_wait3A_1428 = arith.constant 0 : i32
          %dma_wait3A_1429 = tpu.memref_slice %arg5[%dma_wait3A_1427, %dma_wait3A_1428] : memref<8192x8192xf32, #tpu.memory_space<hbm>> -> memref<4x8192xf32, #tpu.memory_space<hbm>>
          %dma_wait3A_1430 = arith.constant 0 : i32
          %dma_wait3A_1431 = arith.constant 0 : i32
          %dma_wait3A_1432 = tpu.memref_slice %arg5[%dma_wait3A_1430, %dma_wait3A_1431] : memref<8192x8192xf32, #tpu.memory_space<hbm>> -> memref<4x8192xf32, #tpu.memory_space<hbm>>
          tpu.wait_dma2 semaphore(%arg20 : memref<!tpu.dma_semaphore, #tpu.memory_space<semaphore_mem>>) src(%arg14 : memref<4x8192xf32, #tpu.memory_space<vmem>>) dst(%dma_wait3A_1432 : memref<4x8192xf32, #tpu.memory_space<hbm>>)
        } else {
        }
        %add3A_1419 = arith.constant 1 : i32
        %add3A_1420 = arith.addi %add3A_712, %add3A_1419 : i32
        %dma_start3A_1421 = arith.constant 0 : i32
        %dma_start3A_1422 = tpu.memref_slice %arg8[%add3A_1420, %dma_start3A_1421] : memref<64x4xi32, #tpu.memory_space<vmem>> -> memref<1x4xi32, #tpu.memory_space<vmem>>
        %dma_start3A_1423 = tpu.memref_squeeze %dma_start3A_1422 : memref<1x4xi32, #tpu.memory_space<vmem>> -> memref<4xi32, #tpu.memory_space<vmem>>
        %dma_start3A_1424 = arith.constant 0 : i32
        %dma_start3A_1425 = arith.constant 0 : i32
        %dma_start3A_1426 = tpu.memref_slice %arg4[%dma_start3A_1424, %dma_start3A_1425] : memref<8192x8192xf32, #tpu.memory_space<hbm>> -> memref<8192x8192xf32, #tpu.memory_space<hbm>>
        tpu.enqueue_indirect_dma source(%dma_start3A_1426 : memref<8192x8192xf32, #tpu.memory_space<hbm>>) target(%arg14 : memref<4x8192xf32, #tpu.memory_space<vmem>>) offsets(%dma_start3A_1423 : memref<4xi32, #tpu.memory_space<vmem>>) semaphore(%arg17 : memref<!tpu.dma_semaphore, #tpu.memory_space<semaphore_mem>>)
      } else {
      }
      %dma_wait3A_720 = arith.constant 0 : i32
      %dma_wait3A_721 = arith.constant 0 : i32
      %dma_wait3A_722 = tpu.memref_slice %arg8[%dma_wait3A_720, %dma_wait3A_721] : memref<64x4xi32, #tpu.memory_space<vmem>> -> memref<1x4xi32, #tpu.memory_space<vmem>>
      %dma_wait3A_723 = tpu.memref_squeeze %dma_wait3A_722 : memref<1x4xi32, #tpu.memory_space<vmem>> -> memref<4xi32, #tpu.memory_space<vmem>>
      %dma_wait3A_724 = arith.constant 0 : i32
      %dma_wait3A_725 = arith.constant 0 : i32
      %dma_wait3A_726 = tpu.memref_slice %arg4[%dma_wait3A_724, %dma_wait3A_725] : memref<8192x8192xf32, #tpu.memory_space<hbm>> -> memref<8192x8192xf32, #tpu.memory_space<hbm>>
      tpu.wait_indirect_dma semaphore(%arg16 : memref<!tpu.dma_semaphore, #tpu.memory_space<semaphore_mem>>) src(%dma_wait3A_726 : memref<8192x8192xf32, #tpu.memory_space<hbm>>) dst(%arg13 : memref<4x8192xf32, #tpu.memory_space<vmem>>)
      %get3A_727 = arith.index_cast %add3A_712 : i32 to index
      %get3A_728 = arith.constant 0 : index
      %get3A_729 = tpu.vector_load %arg9[%get3A_727, %get3A_728] {strides = array<i32>} : memref<64x16xi32, #tpu.memory_space<vmem>>, vector<16xi32>,
      %broadcast_in_dim3A_730 = arith.constant 1.000000e+00 : f32
      %broadcast_in_dim3A_731 = vector.broadcast %broadcast_in_dim3A_730 : f32 to vector<16xf32>
      %broadcast_in_dim3A_732 = arith.constant 0.000000e+00 : f32
      %broadcast_in_dim3A_733 = vector.broadcast %broadcast_in_dim3A_732 : f32 to vector<16xf32>
      %broadcast_in_dim3A_734 = arith.constant 0.000000e+00 : f32
      %broadcast_in_dim3A_735 = vector.broadcast %broadcast_in_dim3A_734 : f32 to vector<16xf32>
      %parallel_loop3A_736 = arith.constant 0 : i32
      %parallel_loop3A_737 = arith.constant 512 : i32
      %parallel_loop3A_738 = arith.constant 2 : i32
      %parallel_loop3A_739:2 = scf.for %parallel_loop3A_1413 = %parallel_loop3A_736 to %parallel_loop3A_737 step %parallel_loop3A_738 iter_args(%parallel_loop3A_1414 = %broadcast_in_dim3A_735, %parallel_loop3A_1415 = %broadcast_in_dim3A_735) -> (vector<16xf32>, vector<16xf32>)  : i32 {
        %parallel_loop3A_1416 = arith.constant 16 : i32
        %parallel_loop3A_1417 = arith.muli %parallel_loop3A_1413, %parallel_loop3A_1416 : i32
        %parallel_loop3A_1418 = arith.constant 0 : i32
        %parallel_loop3A_1419 = arith.index_cast %parallel_loop3A_1418 : i32 to index
        %parallel_loop3A_1420 = arith.index_cast %parallel_loop3A_1417 : i32 to index
        %parallel_loop3A_1421 = tpu.vector_load %arg13[%parallel_loop3A_1419, %parallel_loop3A_1420] {strides = array<i32>} : memref<4x8192xf32, #tpu.memory_space<vmem>>, vector<16xf32>,
        %parallel_loop3A_1422 = math.exp %parallel_loop3A_1421 : vector<16xf32>
        %parallel_loop3A_1423 = arith.addf %parallel_loop3A_1414, %parallel_loop3A_1422 : vector<16xf32>
        %parallel_loop3A_1424 = arith.constant 1 : i32
        %parallel_loop3A_1425 = arith.addi %parallel_loop3A_1413, %parallel_loop3A_1424 : i32
        %parallel_loop3A_1426 = arith.constant 16 : i32
        %parallel_loop3A_1427 = arith.muli %parallel_loop3A_1425, %parallel_loop3A_1426 : i32
        %parallel_loop3A_1428 = arith.constant 0 : i32
        %parallel_loop3A_1429 = arith.index_cast %parallel_loop3A_1428 : i32 to index
        %parallel_loop3A_1430 = arith.index_cast %parallel_loop3A_1427 : i32 to index
        %parallel_loop3A_1431 = tpu.vector_load %arg13[%parallel_loop3A_1429, %parallel_loop3A_1430] {strides = array<i32>} : memref<4x8192xf32, #tpu.memory_space<vmem>>, vector<16xf32>,
        %parallel_loop3A_1432 = math.exp %parallel_loop3A_1431 : vector<16xf32>
        %parallel_loop3A_1433 = arith.addf %parallel_loop3A_1415, %parallel_loop3A_1432 : vector<16xf32>
        scf.yield %parallel_loop3A_1423, %parallel_loop3A_1433 : vector<16xf32>, vector<16xf32>
      } {sc.loop_unroll_factor = 4 : i64, sc.parallel_access}
      %slice3A_740 = vector.extract_strided_slice %get3A_729 {offsets = [0], sizes = [1], strides = [1]} : vector<16xi32> to vector<1xi32>
      %squeeze3A_741 = vector.extract %slice3A_740[0] : i32 from vector<1xi32>
      %jit3A_742 = arith.constant 16 : i32
      %div3A_743 = arith.divsi %squeeze3A_741, %jit3A_742 : i32
      %sign3A_744 = arith.constant 0 : i32
      %sign3A_745 = arith.cmpi sgt, %squeeze3A_741, %sign3A_744 : i32
      %sign3A_746 = arith.extui %sign3A_745 : i1 to i32
      %sign3A_747 = arith.constant 0 : i32
      %sign3A_748 = arith.cmpi slt, %squeeze3A_741, %sign3A_747 : i32
      %sign3A_749 = arith.extui %sign3A_748 : i1 to i32
      %sign3A_750 = arith.subi %sign3A_746, %sign3A_749 : i32
      %sign3A_751 = arith.constant 0 : i32
      %sign3A_752 = arith.cmpi sgt, %jit3A_742, %sign3A_751 : i32
      %sign3A_753 = arith.extui %sign3A_752 : i1 to i32
      %sign3A_754 = arith.constant 0 : i32
      %sign3A_755 = arith.cmpi slt, %jit3A_742, %sign3A_754 : i32
      %sign3A_756 = arith.extui %sign3A_755 : i1 to i32
      %sign3A_757 = arith.subi %sign3A_753, %sign3A_756 : i32
      %ne3A_758 = arith.cmpi ne, %sign3A_750, %sign3A_757 : i32
      %rem3A_759 = arith.remsi %squeeze3A_741, %jit3A_742 : i32
      %ne3A_760 = arith.constant 0 : i32
      %ne3A_761 = arith.cmpi ne, %rem3A_759, %ne3A_760 : i32
      %and3A_762 = arith.andi %ne3A_758, %ne3A_761 : i1
      %sub3A_763 = arith.constant 1 : i32
      %sub3A_764 = arith.subi %div3A_743, %sub3A_763 : i32
      %select_n3A_765 = arith.select %and3A_762, %sub3A_764, %div3A_743 : i32
      %mul3A_766 = arith.constant 16 : i32
      %mul3A_767 = arith.muli %select_n3A_765, %mul3A_766 : i32
      %get3A_768 = arith.constant 0 : i32
      %get3A_769 = arith.index_cast %get3A_768 : i32 to index
      %get3A_770 = arith.index_cast %mul3A_767 : i32 to index
      %get3A_771 = tpu.vector_load %arg13[%get3A_769, %get3A_770] {strides = array<i32>} : memref<4x8192xf32, #tpu.memory_space<vmem>>, vector<16xf32>,
      %jit3A_772 = arith.constant 16 : i32
      %eq3A_773 = arith.constant 0 : i32
      %eq3A_774 = arith.cmpi eq, %jit3A_772, %eq3A_773 : i32
      %jit3A_775 = arith.constant 1 : i32
      %select_n3A_776 = arith.select %eq3A_774, %jit3A_775, %jit3A_772 : i32
      %rem3A_777 = arith.remsi %squeeze3A_741, %select_n3A_776 : i32
      %ne3A_778 = arith.constant 0 : i32
      %ne3A_779 = arith.cmpi ne, %rem3A_777, %ne3A_778 : i32
      %lt3A_780 = arith.constant 0 : i32
      %lt3A_781 = arith.cmpi slt, %rem3A_777, %lt3A_780 : i32
      %lt3A_782 = arith.constant 0 : i32
      %lt3A_783 = arith.cmpi slt, %select_n3A_776, %lt3A_782 : i32
      %ne3A_784 = arith.xori %lt3A_781, %lt3A_783 : i1
      %and3A_785 = arith.andi %ne3A_784, %ne3A_779 : i1
      %add3A_786 = arith.addi %rem3A_777, %select_n3A_776 : i32
      %select_n3A_787 = arith.select %and3A_785, %add3A_786, %rem3A_777 : i32
      %eq3A_788 = vector.broadcast %select_n3A_787 : i32 to vector<16xi32>
      %eq3A_789 = arith.cmpi eq, %iota3A, %eq3A_788 : vector<16xi32>
      %jit3A_790 = arith.constant 0.000000e+00 : f32
      %broadcast_in_dim3A_791 = vector.broadcast %jit3A_790 : f32 to vector<16xf32>
      %select_n3A_792 = arith.select %eq3A_789, %get3A_771, %broadcast_in_dim3A_791 : vector<16xi1>, vector<16xf32>
      %reduce_sum3A_793 = arith.constant true
      %reduce_sum3A_794 = vector.broadcast %reduce_sum3A_793 : i1 to vector<16xi1>
      %reduce_sum3A_795 = tpu.scan <sum>, %select_n3A_792 masked %reduce_sum3A_794 : vector<16xf32>, vector<16xi1> -> vector<16xf32>
      %reduce_sum3A_796 = vector.extract %reduce_sum3A_795[15] : f32 from vector<16xf32>
      %eq3A_797 = arith.constant 0 : i32
      %eq3A_798 = vector.broadcast %eq3A_797 : i32 to vector<16xi32>
      %eq3A_799 = arith.cmpi eq, %iota3A, %eq3A_798 : vector<16xi32>
      %add3A_800 = arith.addf %parallel_loop3A_739#0, %parallel_loop3A_739#1 : vector<16xf32>
      %reduce_sum3A_801 = arith.constant true
      %reduce_sum3A_802 = vector.broadcast %reduce_sum3A_801 : i1 to vector<16xi1>
      %reduce_sum3A_803 = tpu.scan <sum>, %add3A_800 masked %reduce_sum3A_802 : vector<16xf32>, vector<16xi1> -> vector<16xf32>
      %reduce_sum3A_804 = vector.extract %reduce_sum3A_803[15] : f32 from vector<16xf32>
      %broadcast_in_dim3A_805 = vector.broadcast %reduce_sum3A_804 : f32 to vector<16xf32>
      %select_n3A_806 = arith.select %eq3A_799, %broadcast_in_dim3A_805, %broadcast_in_dim3A_731 : vector<16xi1>, vector<16xf32>
      %eq3A_807 = arith.constant 0 : i32
      %eq3A_808 = vector.broadcast %eq3A_807 : i32 to vector<16xi32>
      %eq3A_809 = arith.cmpi eq, %iota3A, %eq3A_808 : vector<16xi32>
      %broadcast_in_dim3A_810 = vector.broadcast %reduce_sum3A_796 : f32 to vector<16xf32>
      %select_n3A_811 = arith.select %eq3A_809, %broadcast_in_dim3A_810, %broadcast_in_dim3A_733 : vector<16xi1>, vector<16xf32>
      %broadcast_in_dim3A_812 = arith.constant 0.000000e+00 : f32
      %broadcast_in_dim3A_813 = vector.broadcast %broadcast_in_dim3A_812 : f32 to vector<16xf32>
      %parallel_loop3A_814 = arith.constant 0 : i32
      %parallel_loop3A_815 = arith.constant 512 : i32
      %parallel_loop3A_816 = arith.constant 2 : i32
      %parallel_loop3A_817:2 = scf.for %parallel_loop3A_1413 = %parallel_loop3A_814 to %parallel_loop3A_815 step %parallel_loop3A_816 iter_args(%parallel_loop3A_1414 = %broadcast_in_dim3A_813, %parallel_loop3A_1415 = %broadcast_in_dim3A_813) -> (vector<16xf32>, vector<16xf32>)  : i32 {
        %parallel_loop3A_1416 = arith.constant 16 : i32
        %parallel_loop3A_1417 = arith.muli %parallel_loop3A_1413, %parallel_loop3A_1416 : i32
        %parallel_loop3A_1418 = arith.constant 1 : i32
        %parallel_loop3A_1419 = arith.index_cast %parallel_loop3A_1418 : i32 to index
        %parallel_loop3A_1420 = arith.index_cast %parallel_loop3A_1417 : i32 to index
        %parallel_loop3A_1421 = tpu.vector_load %arg13[%parallel_loop3A_1419, %parallel_loop3A_1420] {strides = array<i32>} : memref<4x8192xf32, #tpu.memory_space<vmem>>, vector<16xf32>,
        %parallel_loop3A_1422 = math.exp %parallel_loop3A_1421 : vector<16xf32>
        %parallel_loop3A_1423 = arith.addf %parallel_loop3A_1414, %parallel_loop3A_1422 : vector<16xf32>
        %parallel_loop3A_1424 = arith.constant 1 : i32
        %parallel_loop3A_1425 = arith.addi %parallel_loop3A_1413, %parallel_loop3A_1424 : i32
        %parallel_loop3A_1426 = arith.constant 16 : i32
        %parallel_loop3A_1427 = arith.muli %parallel_loop3A_1425, %parallel_loop3A_1426 : i32
        %parallel_loop3A_1428 = arith.constant 1 : i32
        %parallel_loop3A_1429 = arith.index_cast %parallel_loop3A_1428 : i32 to index
        %parallel_loop3A_1430 = arith.index_cast %parallel_loop3A_1427 : i32 to index
        %parallel_loop3A_1431 = tpu.vector_load %arg13[%parallel_loop3A_1429, %parallel_loop3A_1430] {strides = array<i32>} : memref<4x8192xf32, #tpu.memory_space<vmem>>, vector<16xf32>,
        %parallel_loop3A_1432 = math.exp %parallel_loop3A_1431 : vector<16xf32>
        %parallel_loop3A_1433 = arith.addf %parallel_loop3A_1415, %parallel_loop3A_1432 : vector<16xf32>
        scf.yield %parallel_loop3A_1423, %parallel_loop3A_1433 : vector<16xf32>, vector<16xf32>
      } {sc.loop_unroll_factor = 4 : i64, sc.parallel_access}
      %slice3A_818 = vector.extract_strided_slice %get3A_729 {offsets = [1], sizes = [1], strides = [1]} : vector<16xi32> to vector<1xi32>
      %squeeze3A_819 = vector.extract %slice3A_818[0] : i32 from vector<1xi32>
      %jit3A_820 = arith.constant 16 : i32
      %div3A_821 = arith.divsi %squeeze3A_819, %jit3A_820 : i32
      %sign3A_822 = arith.constant 0 : i32
      %sign3A_823 = arith.cmpi sgt, %squeeze3A_819, %sign3A_822 : i32
      %sign3A_824 = arith.extui %sign3A_823 : i1 to i32
      %sign3A_825 = arith.constant 0 : i32
      %sign3A_826 = arith.cmpi slt, %squeeze3A_819, %sign3A_825 : i32
      %sign3A_827 = arith.extui %sign3A_826 : i1 to i32
      %sign3A_828 = arith.subi %sign3A_824, %sign3A_827 : i32
      %sign3A_829 = arith.constant 0 : i32
      %sign3A_830 = arith.cmpi sgt, %jit3A_820, %sign3A_829 : i32
      %sign3A_831 = arith.extui %sign3A_830 : i1 to i32
      %sign3A_832 = arith.constant 0 : i32
      %sign3A_833 = arith.cmpi slt, %jit3A_820, %sign3A_832 : i32
      %sign3A_834 = arith.extui %sign3A_833 : i1 to i32
      %sign3A_835 = arith.subi %sign3A_831, %sign3A_834 : i32
      %ne3A_836 = arith.cmpi ne, %sign3A_828, %sign3A_835 : i32
      %rem3A_837 = arith.remsi %squeeze3A_819, %jit3A_820 : i32
      %ne3A_838 = arith.constant 0 : i32
      %ne3A_839 = arith.cmpi ne, %rem3A_837, %ne3A_838 : i32
      %and3A_840 = arith.andi %ne3A_836, %ne3A_839 : i1
      %sub3A_841 = arith.constant 1 : i32
      %sub3A_842 = arith.subi %div3A_821, %sub3A_841 : i32
      %select_n3A_843 = arith.select %and3A_840, %sub3A_842, %div3A_821 : i32
      %mul3A_844 = arith.constant 16 : i32
      %mul3A_845 = arith.muli %select_n3A_843, %mul3A_844 : i32
      %get3A_846 = arith.constant 1 : i32
      %get3A_847 = arith.index_cast %get3A_846 : i32 to index
      %get3A_848 = arith.index_cast %mul3A_845 : i32 to index
      %get3A_849 = tpu.vector_load %arg13[%get3A_847, %get3A_848] {strides = array<i32>} : memref<4x8192xf32, #tpu.memory_space<vmem>>, vector<16xf32>,
      %jit3A_850 = arith.constant 16 : i32
      %eq3A_851 = arith.constant 0 : i32
      %eq3A_852 = arith.cmpi eq, %jit3A_850, %eq3A_851 : i32
      %jit3A_853 = arith.constant 1 : i32
      %select_n3A_854 = arith.select %eq3A_852, %jit3A_853, %jit3A_850 : i32
      %rem3A_855 = arith.remsi %squeeze3A_819, %select_n3A_854 : i32
      %ne3A_856 = arith.constant 0 : i32
      %ne3A_857 = arith.cmpi ne, %rem3A_855, %ne3A_856 : i32
      %lt3A_858 = arith.constant 0 : i32
      %lt3A_859 = arith.cmpi slt, %rem3A_855, %lt3A_858 : i32
      %lt3A_860 = arith.constant 0 : i32
      %lt3A_861 = arith.cmpi slt, %select_n3A_854, %lt3A_860 : i32
      %ne3A_862 = arith.xori %lt3A_859, %lt3A_861 : i1
      %and3A_863 = arith.andi %ne3A_862, %ne3A_857 : i1
      %add3A_864 = arith.addi %rem3A_855, %select_n3A_854 : i32
      %select_n3A_865 = arith.select %and3A_863, %add3A_864, %rem3A_855 : i32
      %eq3A_866 = vector.broadcast %select_n3A_865 : i32 to vector<16xi32>
      %eq3A_867 = arith.cmpi eq, %iota3A, %eq3A_866 : vector<16xi32>
      %jit3A_868 = arith.constant 0.000000e+00 : f32
      %broadcast_in_dim3A_869 = vector.broadcast %jit3A_868 : f32 to vector<16xf32>
      %select_n3A_870 = arith.select %eq3A_867, %get3A_849, %broadcast_in_dim3A_869 : vector<16xi1>, vector<16xf32>
      %reduce_sum3A_871 = arith.constant true
      %reduce_sum3A_872 = vector.broadcast %reduce_sum3A_871 : i1 to vector<16xi1>
      %reduce_sum3A_873 = tpu.scan <sum>, %select_n3A_870 masked %reduce_sum3A_872 : vector<16xf32>, vector<16xi1> -> vector<16xf32>
      %reduce_sum3A_874 = vector.extract %reduce_sum3A_873[15] : f32 from vector<16xf32>
      %eq3A_875 = arith.constant 1 : i32
      %eq3A_876 = vector.broadcast %eq3A_875 : i32 to vector<16xi32>
      %eq3A_877 = arith.cmpi eq, %iota3A, %eq3A_876 : vector<16xi32>
      %add3A_878 = arith.addf %parallel_loop3A_817#0, %parallel_loop3A_817#1 : vector<16xf32>
      %reduce_sum3A_879 = arith.constant true
      %reduce_sum3A_880 = vector.broadcast %reduce_sum3A_879 : i1 to vector<16xi1>
      %reduce_sum3A_881 = tpu.scan <sum>, %add3A_878 masked %reduce_sum3A_880 : vector<16xf32>, vector<16xi1> -> vector<16xf32>
      %reduce_sum3A_882 = vector.extract %reduce_sum3A_881[15] : f32 from vector<16xf32>
      %broadcast_in_dim3A_883 = vector.broadcast %reduce_sum3A_882 : f32 to vector<16xf32>
      %select_n3A_884 = arith.select %eq3A_877, %broadcast_in_dim3A_883, %select_n3A_806 : vector<16xi1>, vector<16xf32>
      %eq3A_885 = arith.constant 1 : i32
      %eq3A_886 = vector.broadcast %eq3A_885 : i32 to vector<16xi32>
      %eq3A_887 = arith.cmpi eq, %iota3A, %eq3A_886 : vector<16xi32>
      %broadcast_in_dim3A_888 = vector.broadcast %reduce_sum3A_874 : f32 to vector<16xf32>
      %select_n3A_889 = arith.select %eq3A_887, %broadcast_in_dim3A_888, %select_n3A_811 : vector<16xi1>, vector<16xf32>
      %broadcast_in_dim3A_890 = arith.constant 0.000000e+00 : f32
      %broadcast_in_dim3A_891 = vector.broadcast %broadcast_in_dim3A_890 : f32 to vector<16xf32>
      %parallel_loop3A_892 = arith.constant 0 : i32
      %parallel_loop3A_893 = arith.constant 512 : i32
      %parallel_loop3A_894 = arith.constant 2 : i32
      %parallel_loop3A_895:2 = scf.for %parallel_loop3A_1413 = %parallel_loop3A_892 to %parallel_loop3A_893 step %parallel_loop3A_894 iter_args(%parallel_loop3A_1414 = %broadcast_in_dim3A_891, %parallel_loop3A_1415 = %broadcast_in_dim3A_891) -> (vector<16xf32>, vector<16xf32>)  : i32 {
        %parallel_loop3A_1416 = arith.constant 16 : i32
        %parallel_loop3A_1417 = arith.muli %parallel_loop3A_1413, %parallel_loop3A_1416 : i32
        %parallel_loop3A_1418 = arith.constant 2 : i32
        %parallel_loop3A_1419 = arith.index_cast %parallel_loop3A_1418 : i32 to index
        %parallel_loop3A_1420 = arith.index_cast %parallel_loop3A_1417 : i32 to index
        %parallel_loop3A_1421 = tpu.vector_load %arg13[%parallel_loop3A_1419, %parallel_loop3A_1420] {strides = array<i32>} : memref<4x8192xf32, #tpu.memory_space<vmem>>, vector<16xf32>,
        %parallel_loop3A_1422 = math.exp %parallel_loop3A_1421 : vector<16xf32>
        %parallel_loop3A_1423 = arith.addf %parallel_loop3A_1414, %parallel_loop3A_1422 : vector<16xf32>
        %parallel_loop3A_1424 = arith.constant 1 : i32
        %parallel_loop3A_1425 = arith.addi %parallel_loop3A_1413, %parallel_loop3A_1424 : i32
        %parallel_loop3A_1426 = arith.constant 16 : i32
        %parallel_loop3A_1427 = arith.muli %parallel_loop3A_1425, %parallel_loop3A_1426 : i32
        %parallel_loop3A_1428 = arith.constant 2 : i32
        %parallel_loop3A_1429 = arith.index_cast %parallel_loop3A_1428 : i32 to index
        %parallel_loop3A_1430 = arith.index_cast %parallel_loop3A_1427 : i32 to index
        %parallel_loop3A_1431 = tpu.vector_load %arg13[%parallel_loop3A_1429, %parallel_loop3A_1430] {strides = array<i32>} : memref<4x8192xf32, #tpu.memory_space<vmem>>, vector<16xf32>,
        %parallel_loop3A_1432 = math.exp %parallel_loop3A_1431 : vector<16xf32>
        %parallel_loop3A_1433 = arith.addf %parallel_loop3A_1415, %parallel_loop3A_1432 : vector<16xf32>
        scf.yield %parallel_loop3A_1423, %parallel_loop3A_1433 : vector<16xf32>, vector<16xf32>
      } {sc.loop_unroll_factor = 4 : i64, sc.parallel_access}
      %slice3A_896 = vector.extract_strided_slice %get3A_729 {offsets = [2], sizes = [1], strides = [1]} : vector<16xi32> to vector<1xi32>
      %squeeze3A_897 = vector.extract %slice3A_896[0] : i32 from vector<1xi32>
      %jit3A_898 = arith.constant 16 : i32
      %div3A_899 = arith.divsi %squeeze3A_897, %jit3A_898 : i32
      %sign3A_900 = arith.constant 0 : i32
      %sign3A_901 = arith.cmpi sgt, %squeeze3A_897, %sign3A_900 : i32
      %sign3A_902 = arith.extui %sign3A_901 : i1 to i32
      %sign3A_903 = arith.constant 0 : i32
      %sign3A_904 = arith.cmpi slt, %squeeze3A_897, %sign3A_903 : i32
      %sign3A_905 = arith.extui %sign3A_904 : i1 to i32
      %sign3A_906 = arith.subi %sign3A_902, %sign3A_905 : i32
      %sign3A_907 = arith.constant 0 : i32
      %sign3A_908 = arith.cmpi sgt, %jit3A_898, %sign3A_907 : i32
      %sign3A_909 = arith.extui %sign3A_908 : i1 to i32
      %sign3A_910 = arith.constant 0 : i32
      %sign3A_911 = arith.cmpi slt, %jit3A_898, %sign3A_910 : i32
      %sign3A_912 = arith.extui %sign3A_911 : i1 to i32
      %sign3A_913 = arith.subi %sign3A_909, %sign3A_912 : i32
      %ne3A_914 = arith.cmpi ne, %sign3A_906, %sign3A_913 : i32
      %rem3A_915 = arith.remsi %squeeze3A_897, %jit3A_898 : i32
      %ne3A_916 = arith.constant 0 : i32
      %ne3A_917 = arith.cmpi ne, %rem3A_915, %ne3A_916 : i32
      %and3A_918 = arith.andi %ne3A_914, %ne3A_917 : i1
      %sub3A_919 = arith.constant 1 : i32
      %sub3A_920 = arith.subi %div3A_899, %sub3A_919 : i32
      %select_n3A_921 = arith.select %and3A_918, %sub3A_920, %div3A_899 : i32
      %mul3A_922 = arith.constant 16 : i32
      %mul3A_923 = arith.muli %select_n3A_921, %mul3A_922 : i32
      %get3A_924 = arith.constant 2 : i32
      %get3A_925 = arith.index_cast %get3A_924 : i32 to index
      %get3A_926 = arith.index_cast %mul3A_923 : i32 to index
      %get3A_927 = tpu.vector_load %arg13[%get3A_925, %get3A_926] {strides = array<i32>} : memref<4x8192xf32, #tpu.memory_space<vmem>>, vector<16xf32>,
      %jit3A_928 = arith.constant 16 : i32
      %eq3A_929 = arith.constant 0 : i32
      %eq3A_930 = arith.cmpi eq, %jit3A_928, %eq3A_929 : i32
      %jit3A_931 = arith.constant 1 : i32
      %select_n3A_932 = arith.select %eq3A_930, %jit3A_931, %jit3A_928 : i32
      %rem3A_933 = arith.remsi %squeeze3A_897, %select_n3A_932 : i32
      %ne3A_934 = arith.constant 0 : i32
      %ne3A_935 = arith.cmpi ne, %rem3A_933, %ne3A_934 : i32
      %lt3A_936 = arith.constant 0 : i32
      %lt3A_937 = arith.cmpi slt, %rem3A_933, %lt3A_936 : i32
      %lt3A_938 = arith.constant 0 : i32
      %lt3A_939 = arith.cmpi slt, %select_n3A_932, %lt3A_938 : i32
      %ne3A_940 = arith.xori %lt3A_937, %lt3A_939 : i1
      %and3A_941 = arith.andi %ne3A_940, %ne3A_935 : i1
      %add3A_942 = arith.addi %rem3A_933, %select_n3A_932 : i32
      %select_n3A_943 = arith.select %and3A_941, %add3A_942, %rem3A_933 : i32
      %eq3A_944 = vector.broadcast %select_n3A_943 : i32 to vector<16xi32>
      %eq3A_945 = arith.cmpi eq, %iota3A, %eq3A_944 : vector<16xi32>
      %jit3A_946 = arith.constant 0.000000e+00 : f32
      %broadcast_in_dim3A_947 = vector.broadcast %jit3A_946 : f32 to vector<16xf32>
      %select_n3A_948 = arith.select %eq3A_945, %get3A_927, %broadcast_in_dim3A_947 : vector<16xi1>, vector<16xf32>
      %reduce_sum3A_949 = arith.constant true
      %reduce_sum3A_950 = vector.broadcast %reduce_sum3A_949 : i1 to vector<16xi1>
      %reduce_sum3A_951 = tpu.scan <sum>, %select_n3A_948 masked %reduce_sum3A_950 : vector<16xf32>, vector<16xi1> -> vector<16xf32>
      %reduce_sum3A_952 = vector.extract %reduce_sum3A_951[15] : f32 from vector<16xf32>
      %eq3A_953 = arith.constant 2 : i32
      %eq3A_954 = vector.broadcast %eq3A_953 : i32 to vector<16xi32>
      %eq3A_955 = arith.cmpi eq, %iota3A, %eq3A_954 : vector<16xi32>
      %add3A_956 = arith.addf %parallel_loop3A_895#0, %parallel_loop3A_895#1 : vector<16xf32>
      %reduce_sum3A_957 = arith.constant true
      %reduce_sum3A_958 = vector.broadcast %reduce_sum3A_957 : i1 to vector<16xi1>
      %reduce_sum3A_959 = tpu.scan <sum>, %add3A_956 masked %reduce_sum3A_958 : vector<16xf32>, vector<16xi1> -> vector<16xf32>
      %reduce_sum3A_960 = vector.extract %reduce_sum3A_959[15] : f32 from vector<16xf32>
      %broadcast_in_dim3A_961 = vector.broadcast %reduce_sum3A_960 : f32 to vector<16xf32>
      %select_n3A_962 = arith.select %eq3A_955, %broadcast_in_dim3A_961, %select_n3A_884 : vector<16xi1>, vector<16xf32>
      %eq3A_963 = arith.constant 2 : i32
      %eq3A_964 = vector.broadcast %eq3A_963 : i32 to vector<16xi32>
      %eq3A_965 = arith.cmpi eq, %iota3A, %eq3A_964 : vector<16xi32>
      %broadcast_in_dim3A_966 = vector.broadcast %reduce_sum3A_952 : f32 to vector<16xf32>
      %select_n3A_967 = arith.select %eq3A_965, %broadcast_in_dim3A_966, %select_n3A_889 : vector<16xi1>, vector<16xf32>
      %broadcast_in_dim3A_968 = arith.constant 0.000000e+00 : f32
      %broadcast_in_dim3A_969 = vector.broadcast %broadcast_in_dim3A_968 : f32 to vector<16xf32>
      %parallel_loop3A_970 = arith.constant 0 : i32
      %parallel_loop3A_971 = arith.constant 512 : i32
      %parallel_loop3A_972 = arith.constant 2 : i32
      %parallel_loop3A_973:2 = scf.for %parallel_loop3A_1413 = %parallel_loop3A_970 to %parallel_loop3A_971 step %parallel_loop3A_972 iter_args(%parallel_loop3A_1414 = %broadcast_in_dim3A_969, %parallel_loop3A_1415 = %broadcast_in_dim3A_969) -> (vector<16xf32>, vector<16xf32>)  : i32 {
        %parallel_loop3A_1416 = arith.constant 16 : i32
        %parallel_loop3A_1417 = arith.muli %parallel_loop3A_1413, %parallel_loop3A_1416 : i32
        %parallel_loop3A_1418 = arith.constant 3 : i32
        %parallel_loop3A_1419 = arith.index_cast %parallel_loop3A_1418 : i32 to index
        %parallel_loop3A_1420 = arith.index_cast %parallel_loop3A_1417 : i32 to index
        %parallel_loop3A_1421 = tpu.vector_load %arg13[%parallel_loop3A_1419, %parallel_loop3A_1420] {strides = array<i32>} : memref<4x8192xf32, #tpu.memory_space<vmem>>, vector<16xf32>,
        %parallel_loop3A_1422 = math.exp %parallel_loop3A_1421 : vector<16xf32>
        %parallel_loop3A_1423 = arith.addf %parallel_loop3A_1414, %parallel_loop3A_1422 : vector<16xf32>
        %parallel_loop3A_1424 = arith.constant 1 : i32
        %parallel_loop3A_1425 = arith.addi %parallel_loop3A_1413, %parallel_loop3A_1424 : i32
        %parallel_loop3A_1426 = arith.constant 16 : i32
        %parallel_loop3A_1427 = arith.muli %parallel_loop3A_1425, %parallel_loop3A_1426 : i32
        %parallel_loop3A_1428 = arith.constant 3 : i32
        %parallel_loop3A_1429 = arith.index_cast %parallel_loop3A_1428 : i32 to index
        %parallel_loop3A_1430 = arith.index_cast %parallel_loop3A_1427 : i32 to index
        %parallel_loop3A_1431 = tpu.vector_load %arg13[%parallel_loop3A_1429, %parallel_loop3A_1430] {strides = array<i32>} : memref<4x8192xf32, #tpu.memory_space<vmem>>, vector<16xf32>,
        %parallel_loop3A_1432 = math.exp %parallel_loop3A_1431 : vector<16xf32>
        %parallel_loop3A_1433 = arith.addf %parallel_loop3A_1415, %parallel_loop3A_1432 : vector<16xf32>
        scf.yield %parallel_loop3A_1423, %parallel_loop3A_1433 : vector<16xf32>, vector<16xf32>
      } {sc.loop_unroll_factor = 4 : i64, sc.parallel_access}
      %slice3A_974 = vector.extract_strided_slice %get3A_729 {offsets = [3], sizes = [1], strides = [1]} : vector<16xi32> to vector<1xi32>
      %squeeze3A_975 = vector.extract %slice3A_974[0] : i32 from vector<1xi32>
      %jit3A_976 = arith.constant 16 : i32
      %div3A_977 = arith.divsi %squeeze3A_975, %jit3A_976 : i32
      %sign3A_978 = arith.constant 0 : i32
      %sign3A_979 = arith.cmpi sgt, %squeeze3A_975, %sign3A_978 : i32
      %sign3A_980 = arith.extui %sign3A_979 : i1 to i32
      %sign3A_981 = arith.constant 0 : i32
      %sign3A_982 = arith.cmpi slt, %squeeze3A_975, %sign3A_981 : i32
      %sign3A_983 = arith.extui %sign3A_982 : i1 to i32
      %sign3A_984 = arith.subi %sign3A_980, %sign3A_983 : i32
      %sign3A_985 = arith.constant 0 : i32
      %sign3A_986 = arith.cmpi sgt, %jit3A_976, %sign3A_985 : i32
      %sign3A_987 = arith.extui %sign3A_986 : i1 to i32
      %sign3A_988 = arith.constant 0 : i32
      %sign3A_989 = arith.cmpi slt, %jit3A_976, %sign3A_988 : i32
      %sign3A_990 = arith.extui %sign3A_989 : i1 to i32
      %sign3A_991 = arith.subi %sign3A_987, %sign3A_990 : i32
      %ne3A_992 = arith.cmpi ne, %sign3A_984, %sign3A_991 : i32
      %rem3A_993 = arith.remsi %squeeze3A_975, %jit3A_976 : i32
      %ne3A_994 = arith.constant 0 : i32
      %ne3A_995 = arith.cmpi ne, %rem3A_993, %ne3A_994 : i32
      %and3A_996 = arith.andi %ne3A_992, %ne3A_995 : i1
      %sub3A_997 = arith.constant 1 : i32
      %sub3A_998 = arith.subi %div3A_977, %sub3A_997 : i32
      %select_n3A_999 = arith.select %and3A_996, %sub3A_998, %div3A_977 : i32
      %mul3A_1000 = arith.constant 16 : i32
      %mul3A_1001 = arith.muli %select_n3A_999, %mul3A_1000 : i32
      %get3A_1002 = arith.constant 3 : i32
      %get3A_1003 = arith.index_cast %get3A_1002 : i32 to index
      %get3A_1004 = arith.index_cast %mul3A_1001 : i32 to index
      %get3A_1005 = tpu.vector_load %arg13[%get3A_1003, %get3A_1004] {strides = array<i32>} : memref<4x8192xf32, #tpu.memory_space<vmem>>, vector<16xf32>,
      %jit3A_1006 = arith.constant 16 : i32
      %eq3A_1007 = arith.constant 0 : i32
      %eq3A_1008 = arith.cmpi eq, %jit3A_1006, %eq3A_1007 : i32
      %jit3A_1009 = arith.constant 1 : i32
      %select_n3A_1010 = arith.select %eq3A_1008, %jit3A_1009, %jit3A_1006 : i32
      %rem3A_1011 = arith.remsi %squeeze3A_975, %select_n3A_1010 : i32
      %ne3A_1012 = arith.constant 0 : i32
      %ne3A_1013 = arith.cmpi ne, %rem3A_1011, %ne3A_1012 : i32
      %lt3A_1014 = arith.constant 0 : i32
      %lt3A_1015 = arith.cmpi slt, %rem3A_1011, %lt3A_1014 : i32
      %lt3A_1016 = arith.constant 0 : i32
      %lt3A_1017 = arith.cmpi slt, %select_n3A_1010, %lt3A_1016 : i32
      %ne3A_1018 = arith.xori %lt3A_1015, %lt3A_1017 : i1
      %and3A_1019 = arith.andi %ne3A_1018, %ne3A_1013 : i1
      %add3A_1020 = arith.addi %rem3A_1011, %select_n3A_1010 : i32
      %select_n3A_1021 = arith.select %and3A_1019, %add3A_1020, %rem3A_1011 : i32
      %eq3A_1022 = vector.broadcast %select_n3A_1021 : i32 to vector<16xi32>
      %eq3A_1023 = arith.cmpi eq, %iota3A, %eq3A_1022 : vector<16xi32>
      %jit3A_1024 = arith.constant 0.000000e+00 : f32
      %broadcast_in_dim3A_1025 = vector.broadcast %jit3A_1024 : f32 to vector<16xf32>
      %select_n3A_1026 = arith.select %eq3A_1023, %get3A_1005, %broadcast_in_dim3A_1025 : vector<16xi1>, vector<16xf32>
      %reduce_sum3A_1027 = arith.constant true
      %reduce_sum3A_1028 = vector.broadcast %reduce_sum3A_1027 : i1 to vector<16xi1>
      %reduce_sum3A_1029 = tpu.scan <sum>, %select_n3A_1026 masked %reduce_sum3A_1028 : vector<16xf32>, vector<16xi1> -> vector<16xf32>
      %reduce_sum3A_1030 = vector.extract %reduce_sum3A_1029[15] : f32 from vector<16xf32>
      %eq3A_1031 = arith.constant 3 : i32
      %eq3A_1032 = vector.broadcast %eq3A_1031 : i32 to vector<16xi32>
      %eq3A_1033 = arith.cmpi eq, %iota3A, %eq3A_1032 : vector<16xi32>
      %add3A_1034 = arith.addf %parallel_loop3A_973#0, %parallel_loop3A_973#1 : vector<16xf32>
      %reduce_sum3A_1035 = arith.constant true
      %reduce_sum3A_1036 = vector.broadcast %reduce_sum3A_1035 : i1 to vector<16xi1>
      %reduce_sum3A_1037 = tpu.scan <sum>, %add3A_1034 masked %reduce_sum3A_1036 : vector<16xf32>, vector<16xi1> -> vector<16xf32>
      %reduce_sum3A_1038 = vector.extract %reduce_sum3A_1037[15] : f32 from vector<16xf32>
      %broadcast_in_dim3A_1039 = vector.broadcast %reduce_sum3A_1038 : f32 to vector<16xf32>
      %select_n3A_1040 = arith.select %eq3A_1033, %broadcast_in_dim3A_1039, %select_n3A_962 : vector<16xi1>, vector<16xf32>
      %eq3A_1041 = arith.constant 3 : i32
      %eq3A_1042 = vector.broadcast %eq3A_1041 : i32 to vector<16xi32>
      %eq3A_1043 = arith.cmpi eq, %iota3A, %eq3A_1042 : vector<16xi32>
      %broadcast_in_dim3A_1044 = vector.broadcast %reduce_sum3A_1030 : f32 to vector<16xf32>
      %select_n3A_1045 = arith.select %eq3A_1043, %broadcast_in_dim3A_1044, %select_n3A_967 : vector<16xi1>, vector<16xf32>
      %swap3A_1046 = arith.index_cast %add3A_712 : i32 to index
      %swap3A_1047 = arith.constant 0 : index
      %swap3A_1048 = tpu.vector_load %arg10[%swap3A_1046, %swap3A_1047] {strides = array<i32>} : memref<64x16xf32, #tpu.memory_space<vmem>>, vector<16xf32>,
      tpu.vector_store %arg10[%swap3A_1046, %swap3A_1047], %select_n3A_1040 {strides = array<i32>} : memref<64x16xf32, #tpu.memory_space<vmem>>, vector<16xf32>,
      %swap3A_1049 = arith.index_cast %add3A_712 : i32 to index
      %swap3A_1050 = arith.constant 0 : index
      %swap3A_1051 = tpu.vector_load %arg11[%swap3A_1049, %swap3A_1050] {strides = array<i32>} : memref<64x16xf32, #tpu.memory_space<vmem>>, vector<16xf32>,
      tpu.vector_store %arg11[%swap3A_1049, %swap3A_1050], %select_n3A_1045 {strides = array<i32>} : memref<64x16xf32, #tpu.memory_space<vmem>>, vector<16xf32>,
      %mul3A_1052 = arith.constant 256 : i32
      %mul3A_1053 = arith.muli %add3A, %mul3A_1052 : i32
      %mul3A_1054 = arith.constant 4 : i32
      %mul3A_1055 = arith.muli %add3A_712, %mul3A_1054 : i32
      %add3A_1056 = arith.addi %mul3A_1053, %mul3A_1055 : i32
      %dma_start3A_1057 = arith.constant 0 : i32
      %dma_start3A_1058 = tpu.memref_slice %arg5[%add3A_1056, %dma_start3A_1057] : memref<8192x8192xf32, #tpu.memory_space<hbm>> -> memref<4x8192xf32, #tpu.memory_space<hbm>>
      %dma_start3A_1059 = arith.constant 0 : i32
      %dma_start3A_1060 = tpu.memref_slice %arg5[%add3A_1056, %dma_start3A_1059] : memref<8192x8192xf32, #tpu.memory_space<hbm>> -> memref<4x8192xf32, #tpu.memory_space<hbm>>
      tpu.enqueue_dma source(%arg13 : memref<4x8192xf32, #tpu.memory_space<vmem>>) target(%dma_start3A_1060 : memref<4x8192xf32, #tpu.memory_space<hbm>>) target_semaphore(%arg19 : memref<!tpu.dma_semaphore, #tpu.memory_space<semaphore_mem>>)
      %mul3A_1061 = arith.constant 3 : i32
      %mul3A_1062 = arith.muli %add3A_358, %mul3A_1061 : i32
      %add3A_1063 = arith.constant 2 : i32
      %add3A_1064 = arith.addi %mul3A_1062, %add3A_1063 : i32
      %add3A_1065 = arith.constant 1 : i32
      %add3A_1066 = arith.addi %add3A_1064, %add3A_1065 : i32
      %lt3A_1067 = arith.constant 64 : i32
      %lt3A_1068 = arith.cmpi slt, %add3A_1066, %lt3A_1067 : i32
      %convert_element_type3A_1069 = arith.extui %lt3A_1068 : i1 to i32
      %cond3A_1070 = arith.constant 0 : i32
      %cond3A_1071 = arith.cmpi ne, %convert_element_type3A_1069, %cond3A_1070 : i32
      scf.if %cond3A_1071 {
        %add3A_1413 = arith.constant 1 : i32
        %add3A_1414 = arith.addi %add3A_1064, %add3A_1413 : i32
        %ge3A = arith.constant 3 : i32
        %ge3A_1415 = arith.cmpi sge, %add3A_1414, %ge3A : i32
        %convert_element_type3A_1416 = arith.extui %ge3A_1415 : i1 to i32
        %cond3A_1417 = arith.constant 0 : i32
        %cond3A_1418 = arith.cmpi ne, %convert_element_type3A_1416, %cond3A_1417 : i32
        scf.if %cond3A_1418 {
          %dma_wait3A_1427 = arith.constant 0 : i32
          %dma_wait3A_1428 = arith.constant 0 : i32
          %dma_wait3A_1429 = tpu.memref_slice %arg5[%dma_wait3A_1427, %dma_wait3A_1428] : memref<8192x8192xf32, #tpu.memory_space<hbm>> -> memref<4x8192xf32, #tpu.memory_space<hbm>>
          %dma_wait3A_1430 = arith.constant 0 : i32
          %dma_wait3A_1431 = arith.constant 0 : i32
          %dma_wait3A_1432 = tpu.memref_slice %arg5[%dma_wait3A_1430, %dma_wait3A_1431] : memref<8192x8192xf32, #tpu.memory_space<hbm>> -> memref<4x8192xf32, #tpu.memory_space<hbm>>
          tpu.wait_dma2 semaphore(%arg18 : memref<!tpu.dma_semaphore, #tpu.memory_space<semaphore_mem>>) src(%arg12 : memref<4x8192xf32, #tpu.memory_space<vmem>>) dst(%dma_wait3A_1432 : memref<4x8192xf32, #tpu.memory_space<hbm>>)
        } else {
        }
        %add3A_1419 = arith.constant 1 : i32
        %add3A_1420 = arith.addi %add3A_1064, %add3A_1419 : i32
        %dma_start3A_1421 = arith.constant 0 : i32
        %dma_start3A_1422 = tpu.memref_slice %arg8[%add3A_1420, %dma_start3A_1421] : memref<64x4xi32, #tpu.memory_space<vmem>> -> memref<1x4xi32, #tpu.memory_space<vmem>>
        %dma_start3A_1423 = tpu.memref_squeeze %dma_start3A_1422 : memref<1x4xi32, #tpu.memory_space<vmem>> -> memref<4xi32, #tpu.memory_space<vmem>>
        %dma_start3A_1424 = arith.constant 0 : i32
        %dma_start3A_1425 = arith.constant 0 : i32
        %dma_start3A_1426 = tpu.memref_slice %arg4[%dma_start3A_1424, %dma_start3A_1425] : memref<8192x8192xf32, #tpu.memory_space<hbm>> -> memref<8192x8192xf32, #tpu.memory_space<hbm>>
        tpu.enqueue_indirect_dma source(%dma_start3A_1426 : memref<8192x8192xf32, #tpu.memory_space<hbm>>) target(%arg12 : memref<4x8192xf32, #tpu.memory_space<vmem>>) offsets(%dma_start3A_1423 : memref<4xi32, #tpu.memory_space<vmem>>) semaphore(%arg15 : memref<!tpu.dma_semaphore, #tpu.memory_space<semaphore_mem>>)
      } else {
      }
      %dma_wait3A_1072 = arith.constant 0 : i32
      %dma_wait3A_1073 = arith.constant 0 : i32
      %dma_wait3A_1074 = tpu.memref_slice %arg8[%dma_wait3A_1072, %dma_wait3A_1073] : memref<64x4xi32, #tpu.memory_space<vmem>> -> memref<1x4xi32, #tpu.memory_space<vmem>>
      %dma_wait3A_1075 = tpu.memref_squeeze %dma_wait3A_1074 : memref<1x4xi32, #tpu.memory_space<vmem>> -> memref<4xi32, #tpu.memory_space<vmem>>
      %dma_wait3A_1076 = arith.constant 0 : i32
      %dma_wait3A_1077 = arith.constant 0 : i32
      %dma_wait3A_1078 = tpu.memref_slice %arg4[%dma_wait3A_1076, %dma_wait3A_1077] : memref<8192x8192xf32, #tpu.memory_space<hbm>> -> memref<8192x8192xf32, #tpu.memory_space<hbm>>
      tpu.wait_indirect_dma semaphore(%arg17 : memref<!tpu.dma_semaphore, #tpu.memory_space<semaphore_mem>>) src(%dma_wait3A_1078 : memref<8192x8192xf32, #tpu.memory_space<hbm>>) dst(%arg14 : memref<4x8192xf32, #tpu.memory_space<vmem>>)
      %get3A_1079 = arith.index_cast %add3A_1064 : i32 to index
      %get3A_1080 = arith.constant 0 : index
      %get3A_1081 = tpu.vector_load %arg9[%get3A_1079, %get3A_1080] {strides = array<i32>} : memref<64x16xi32, #tpu.memory_space<vmem>>, vector<16xi32>,
      %broadcast_in_dim3A_1082 = arith.constant 1.000000e+00 : f32
      %broadcast_in_dim3A_1083 = vector.broadcast %broadcast_in_dim3A_1082 : f32 to vector<16xf32>
      %broadcast_in_dim3A_1084 = arith.constant 0.000000e+00 : f32
      %broadcast_in_dim3A_1085 = vector.broadcast %broadcast_in_dim3A_1084 : f32 to vector<16xf32>
      %broadcast_in_dim3A_1086 = arith.constant 0.000000e+00 : f32
      %broadcast_in_dim3A_1087 = vector.broadcast %broadcast_in_dim3A_1086 : f32 to vector<16xf32>
      %parallel_loop3A_1088 = arith.constant 0 : i32
      %parallel_loop3A_1089 = arith.constant 512 : i32
      %parallel_loop3A_1090 = arith.constant 2 : i32
      %parallel_loop3A_1091:2 = scf.for %parallel_loop3A_1413 = %parallel_loop3A_1088 to %parallel_loop3A_1089 step %parallel_loop3A_1090 iter_args(%parallel_loop3A_1414 = %broadcast_in_dim3A_1087, %parallel_loop3A_1415 = %broadcast_in_dim3A_1087) -> (vector<16xf32>, vector<16xf32>)  : i32 {
        %parallel_loop3A_1416 = arith.constant 16 : i32
        %parallel_loop3A_1417 = arith.muli %parallel_loop3A_1413, %parallel_loop3A_1416 : i32
        %parallel_loop3A_1418 = arith.constant 0 : i32
        %parallel_loop3A_1419 = arith.index_cast %parallel_loop3A_1418 : i32 to index
        %parallel_loop3A_1420 = arith.index_cast %parallel_loop3A_1417 : i32 to index
        %parallel_loop3A_1421 = tpu.vector_load %arg14[%parallel_loop3A_1419, %parallel_loop3A_1420] {strides = array<i32>} : memref<4x8192xf32, #tpu.memory_space<vmem>>, vector<16xf32>,
        %parallel_loop3A_1422 = math.exp %parallel_loop3A_1421 : vector<16xf32>
        %parallel_loop3A_1423 = arith.addf %parallel_loop3A_1414, %parallel_loop3A_1422 : vector<16xf32>
        %parallel_loop3A_1424 = arith.constant 1 : i32
        %parallel_loop3A_1425 = arith.addi %parallel_loop3A_1413, %parallel_loop3A_1424 : i32
        %parallel_loop3A_1426 = arith.constant 16 : i32
        %parallel_loop3A_1427 = arith.muli %parallel_loop3A_1425, %parallel_loop3A_1426 : i32
        %parallel_loop3A_1428 = arith.constant 0 : i32
        %parallel_loop3A_1429 = arith.index_cast %parallel_loop3A_1428 : i32 to index
        %parallel_loop3A_1430 = arith.index_cast %parallel_loop3A_1427 : i32 to index
        %parallel_loop3A_1431 = tpu.vector_load %arg14[%parallel_loop3A_1429, %parallel_loop3A_1430] {strides = array<i32>} : memref<4x8192xf32, #tpu.memory_space<vmem>>, vector<16xf32>,
        %parallel_loop3A_1432 = math.exp %parallel_loop3A_1431 : vector<16xf32>
        %parallel_loop3A_1433 = arith.addf %parallel_loop3A_1415, %parallel_loop3A_1432 : vector<16xf32>
        scf.yield %parallel_loop3A_1423, %parallel_loop3A_1433 : vector<16xf32>, vector<16xf32>
      } {sc.loop_unroll_factor = 4 : i64, sc.parallel_access}
      %slice3A_1092 = vector.extract_strided_slice %get3A_1081 {offsets = [0], sizes = [1], strides = [1]} : vector<16xi32> to vector<1xi32>
      %squeeze3A_1093 = vector.extract %slice3A_1092[0] : i32 from vector<1xi32>
      %jit3A_1094 = arith.constant 16 : i32
      %div3A_1095 = arith.divsi %squeeze3A_1093, %jit3A_1094 : i32
      %sign3A_1096 = arith.constant 0 : i32
      %sign3A_1097 = arith.cmpi sgt, %squeeze3A_1093, %sign3A_1096 : i32
      %sign3A_1098 = arith.extui %sign3A_1097 : i1 to i32
      %sign3A_1099 = arith.constant 0 : i32
      %sign3A_1100 = arith.cmpi slt, %squeeze3A_1093, %sign3A_1099 : i32
      %sign3A_1101 = arith.extui %sign3A_1100 : i1 to i32
      %sign3A_1102 = arith.subi %sign3A_1098, %sign3A_1101 : i32
      %sign3A_1103 = arith.constant 0 : i32
      %sign3A_1104 = arith.cmpi sgt, %jit3A_1094, %sign3A_1103 : i32
      %sign3A_1105 = arith.extui %sign3A_1104 : i1 to i32
      %sign3A_1106 = arith.constant 0 : i32
      %sign3A_1107 = arith.cmpi slt, %jit3A_1094, %sign3A_1106 : i32
      %sign3A_1108 = arith.extui %sign3A_1107 : i1 to i32
      %sign3A_1109 = arith.subi %sign3A_1105, %sign3A_1108 : i32
      %ne3A_1110 = arith.cmpi ne, %sign3A_1102, %sign3A_1109 : i32
      %rem3A_1111 = arith.remsi %squeeze3A_1093, %jit3A_1094 : i32
      %ne3A_1112 = arith.constant 0 : i32
      %ne3A_1113 = arith.cmpi ne, %rem3A_1111, %ne3A_1112 : i32
      %and3A_1114 = arith.andi %ne3A_1110, %ne3A_1113 : i1
      %sub3A_1115 = arith.constant 1 : i32
      %sub3A_1116 = arith.subi %div3A_1095, %sub3A_1115 : i32
      %select_n3A_1117 = arith.select %and3A_1114, %sub3A_1116, %div3A_1095 : i32
      %mul3A_1118 = arith.constant 16 : i32
      %mul3A_1119 = arith.muli %select_n3A_1117, %mul3A_1118 : i32
      %get3A_1120 = arith.constant 0 : i32
      %get3A_1121 = arith.index_cast %get3A_1120 : i32 to index
      %get3A_1122 = arith.index_cast %mul3A_1119 : i32 to index
      %get3A_1123 = tpu.vector_load %arg14[%get3A_1121, %get3A_1122] {strides = array<i32>} : memref<4x8192xf32, #tpu.memory_space<vmem>>, vector<16xf32>,
      %jit3A_1124 = arith.constant 16 : i32
      %eq3A_1125 = arith.constant 0 : i32
      %eq3A_1126 = arith.cmpi eq, %jit3A_1124, %eq3A_1125 : i32
      %jit3A_1127 = arith.constant 1 : i32
      %select_n3A_1128 = arith.select %eq3A_1126, %jit3A_1127, %jit3A_1124 : i32
      %rem3A_1129 = arith.remsi %squeeze3A_1093, %select_n3A_1128 : i32
      %ne3A_1130 = arith.constant 0 : i32
      %ne3A_1131 = arith.cmpi ne, %rem3A_1129, %ne3A_1130 : i32
      %lt3A_1132 = arith.constant 0 : i32
      %lt3A_1133 = arith.cmpi slt, %rem3A_1129, %lt3A_1132 : i32
      %lt3A_1134 = arith.constant 0 : i32
      %lt3A_1135 = arith.cmpi slt, %select_n3A_1128, %lt3A_1134 : i32
      %ne3A_1136 = arith.xori %lt3A_1133, %lt3A_1135 : i1
      %and3A_1137 = arith.andi %ne3A_1136, %ne3A_1131 : i1
      %add3A_1138 = arith.addi %rem3A_1129, %select_n3A_1128 : i32
      %select_n3A_1139 = arith.select %and3A_1137, %add3A_1138, %rem3A_1129 : i32
      %eq3A_1140 = vector.broadcast %select_n3A_1139 : i32 to vector<16xi32>
      %eq3A_1141 = arith.cmpi eq, %iota3A, %eq3A_1140 : vector<16xi32>
      %jit3A_1142 = arith.constant 0.000000e+00 : f32
      %broadcast_in_dim3A_1143 = vector.broadcast %jit3A_1142 : f32 to vector<16xf32>
      %select_n3A_1144 = arith.select %eq3A_1141, %get3A_1123, %broadcast_in_dim3A_1143 : vector<16xi1>, vector<16xf32>
      %reduce_sum3A_1145 = arith.constant true
      %reduce_sum3A_1146 = vector.broadcast %reduce_sum3A_1145 : i1 to vector<16xi1>
      %reduce_sum3A_1147 = tpu.scan <sum>, %select_n3A_1144 masked %reduce_sum3A_1146 : vector<16xf32>, vector<16xi1> -> vector<16xf32>
      %reduce_sum3A_1148 = vector.extract %reduce_sum3A_1147[15] : f32 from vector<16xf32>
      %eq3A_1149 = arith.constant 0 : i32
      %eq3A_1150 = vector.broadcast %eq3A_1149 : i32 to vector<16xi32>
      %eq3A_1151 = arith.cmpi eq, %iota3A, %eq3A_1150 : vector<16xi32>
      %add3A_1152 = arith.addf %parallel_loop3A_1091#0, %parallel_loop3A_1091#1 : vector<16xf32>
      %reduce_sum3A_1153 = arith.constant true
      %reduce_sum3A_1154 = vector.broadcast %reduce_sum3A_1153 : i1 to vector<16xi1>
      %reduce_sum3A_1155 = tpu.scan <sum>, %add3A_1152 masked %reduce_sum3A_1154 : vector<16xf32>, vector<16xi1> -> vector<16xf32>
      %reduce_sum3A_1156 = vector.extract %reduce_sum3A_1155[15] : f32 from vector<16xf32>
      %broadcast_in_dim3A_1157 = vector.broadcast %reduce_sum3A_1156 : f32 to vector<16xf32>
      %select_n3A_1158 = arith.select %eq3A_1151, %broadcast_in_dim3A_1157, %broadcast_in_dim3A_1083 : vector<16xi1>, vector<16xf32>
      %eq3A_1159 = arith.constant 0 : i32
      %eq3A_1160 = vector.broadcast %eq3A_1159 : i32 to vector<16xi32>
      %eq3A_1161 = arith.cmpi eq, %iota3A, %eq3A_1160 : vector<16xi32>
      %broadcast_in_dim3A_1162 = vector.broadcast %reduce_sum3A_1148 : f32 to vector<16xf32>
      %select_n3A_1163 = arith.select %eq3A_1161, %broadcast_in_dim3A_1162, %broadcast_in_dim3A_1085 : vector<16xi1>, vector<16xf32>
      %broadcast_in_dim3A_1164 = arith.constant 0.000000e+00 : f32
      %broadcast_in_dim3A_1165 = vector.broadcast %broadcast_in_dim3A_1164 : f32 to vector<16xf32>
      %parallel_loop3A_1166 = arith.constant 0 : i32
      %parallel_loop3A_1167 = arith.constant 512 : i32
      %parallel_loop3A_1168 = arith.constant 2 : i32
      %parallel_loop3A_1169:2 = scf.for %parallel_loop3A_1413 = %parallel_loop3A_1166 to %parallel_loop3A_1167 step %parallel_loop3A_1168 iter_args(%parallel_loop3A_1414 = %broadcast_in_dim3A_1165, %parallel_loop3A_1415 = %broadcast_in_dim3A_1165) -> (vector<16xf32>, vector<16xf32>)  : i32 {
        %parallel_loop3A_1416 = arith.constant 16 : i32
        %parallel_loop3A_1417 = arith.muli %parallel_loop3A_1413, %parallel_loop3A_1416 : i32
        %parallel_loop3A_1418 = arith.constant 1 : i32
        %parallel_loop3A_1419 = arith.index_cast %parallel_loop3A_1418 : i32 to index
        %parallel_loop3A_1420 = arith.index_cast %parallel_loop3A_1417 : i32 to index
        %parallel_loop3A_1421 = tpu.vector_load %arg14[%parallel_loop3A_1419, %parallel_loop3A_1420] {strides = array<i32>} : memref<4x8192xf32, #tpu.memory_space<vmem>>, vector<16xf32>,
        %parallel_loop3A_1422 = math.exp %parallel_loop3A_1421 : vector<16xf32>
        %parallel_loop3A_1423 = arith.addf %parallel_loop3A_1414, %parallel_loop3A_1422 : vector<16xf32>
        %parallel_loop3A_1424 = arith.constant 1 : i32
        %parallel_loop3A_1425 = arith.addi %parallel_loop3A_1413, %parallel_loop3A_1424 : i32
        %parallel_loop3A_1426 = arith.constant 16 : i32
        %parallel_loop3A_1427 = arith.muli %parallel_loop3A_1425, %parallel_loop3A_1426 : i32
        %parallel_loop3A_1428 = arith.constant 1 : i32
        %parallel_loop3A_1429 = arith.index_cast %parallel_loop3A_1428 : i32 to index
        %parallel_loop3A_1430 = arith.index_cast %parallel_loop3A_1427 : i32 to index
        %parallel_loop3A_1431 = tpu.vector_load %arg14[%parallel_loop3A_1429, %parallel_loop3A_1430] {strides = array<i32>} : memref<4x8192xf32, #tpu.memory_space<vmem>>, vector<16xf32>,
        %parallel_loop3A_1432 = math.exp %parallel_loop3A_1431 : vector<16xf32>
        %parallel_loop3A_1433 = arith.addf %parallel_loop3A_1415, %parallel_loop3A_1432 : vector<16xf32>
        scf.yield %parallel_loop3A_1423, %parallel_loop3A_1433 : vector<16xf32>, vector<16xf32>
      } {sc.loop_unroll_factor = 4 : i64, sc.parallel_access}
      %slice3A_1170 = vector.extract_strided_slice %get3A_1081 {offsets = [1], sizes = [1], strides = [1]} : vector<16xi32> to vector<1xi32>
      %squeeze3A_1171 = vector.extract %slice3A_1170[0] : i32 from vector<1xi32>
      %jit3A_1172 = arith.constant 16 : i32
      %div3A_1173 = arith.divsi %squeeze3A_1171, %jit3A_1172 : i32
      %sign3A_1174 = arith.constant 0 : i32
      %sign3A_1175 = arith.cmpi sgt, %squeeze3A_1171, %sign3A_1174 : i32
      %sign3A_1176 = arith.extui %sign3A_1175 : i1 to i32
      %sign3A_1177 = arith.constant 0 : i32
      %sign3A_1178 = arith.cmpi slt, %squeeze3A_1171, %sign3A_1177 : i32
      %sign3A_1179 = arith.extui %sign3A_1178 : i1 to i32
      %sign3A_1180 = arith.subi %sign3A_1176, %sign3A_1179 : i32
      %sign3A_1181 = arith.constant 0 : i32
      %sign3A_1182 = arith.cmpi sgt, %jit3A_1172, %sign3A_1181 : i32
      %sign3A_1183 = arith.extui %sign3A_1182 : i1 to i32
      %sign3A_1184 = arith.constant 0 : i32
      %sign3A_1185 = arith.cmpi slt, %jit3A_1172, %sign3A_1184 : i32
      %sign3A_1186 = arith.extui %sign3A_1185 : i1 to i32
      %sign3A_1187 = arith.subi %sign3A_1183, %sign3A_1186 : i32
      %ne3A_1188 = arith.cmpi ne, %sign3A_1180, %sign3A_1187 : i32
      %rem3A_1189 = arith.remsi %squeeze3A_1171, %jit3A_1172 : i32
      %ne3A_1190 = arith.constant 0 : i32
      %ne3A_1191 = arith.cmpi ne, %rem3A_1189, %ne3A_1190 : i32
      %and3A_1192 = arith.andi %ne3A_1188, %ne3A_1191 : i1
      %sub3A_1193 = arith.constant 1 : i32
      %sub3A_1194 = arith.subi %div3A_1173, %sub3A_1193 : i32
      %select_n3A_1195 = arith.select %and3A_1192, %sub3A_1194, %div3A_1173 : i32
      %mul3A_1196 = arith.constant 16 : i32
      %mul3A_1197 = arith.muli %select_n3A_1195, %mul3A_1196 : i32
      %get3A_1198 = arith.constant 1 : i32
      %get3A_1199 = arith.index_cast %get3A_1198 : i32 to index
      %get3A_1200 = arith.index_cast %mul3A_1197 : i32 to index
      %get3A_1201 = tpu.vector_load %arg14[%get3A_1199, %get3A_1200] {strides = array<i32>} : memref<4x8192xf32, #tpu.memory_space<vmem>>, vector<16xf32>,
      %jit3A_1202 = arith.constant 16 : i32
      %eq3A_1203 = arith.constant 0 : i32
      %eq3A_1204 = arith.cmpi eq, %jit3A_1202, %eq3A_1203 : i32
      %jit3A_1205 = arith.constant 1 : i32
      %select_n3A_1206 = arith.select %eq3A_1204, %jit3A_1205, %jit3A_1202 : i32
      %rem3A_1207 = arith.remsi %squeeze3A_1171, %select_n3A_1206 : i32
      %ne3A_1208 = arith.constant 0 : i32
      %ne3A_1209 = arith.cmpi ne, %rem3A_1207, %ne3A_1208 : i32
      %lt3A_1210 = arith.constant 0 : i32
      %lt3A_1211 = arith.cmpi slt, %rem3A_1207, %lt3A_1210 : i32
      %lt3A_1212 = arith.constant 0 : i32
      %lt3A_1213 = arith.cmpi slt, %select_n3A_1206, %lt3A_1212 : i32
      %ne3A_1214 = arith.xori %lt3A_1211, %lt3A_1213 : i1
      %and3A_1215 = arith.andi %ne3A_1214, %ne3A_1209 : i1
      %add3A_1216 = arith.addi %rem3A_1207, %select_n3A_1206 : i32
      %select_n3A_1217 = arith.select %and3A_1215, %add3A_1216, %rem3A_1207 : i32
      %eq3A_1218 = vector.broadcast %select_n3A_1217 : i32 to vector<16xi32>
      %eq3A_1219 = arith.cmpi eq, %iota3A, %eq3A_1218 : vector<16xi32>
      %jit3A_1220 = arith.constant 0.000000e+00 : f32
      %broadcast_in_dim3A_1221 = vector.broadcast %jit3A_1220 : f32 to vector<16xf32>
      %select_n3A_1222 = arith.select %eq3A_1219, %get3A_1201, %broadcast_in_dim3A_1221 : vector<16xi1>, vector<16xf32>
      %reduce_sum3A_1223 = arith.constant true
      %reduce_sum3A_1224 = vector.broadcast %reduce_sum3A_1223 : i1 to vector<16xi1>
      %reduce_sum3A_1225 = tpu.scan <sum>, %select_n3A_1222 masked %reduce_sum3A_1224 : vector<16xf32>, vector<16xi1> -> vector<16xf32>
      %reduce_sum3A_1226 = vector.extract %reduce_sum3A_1225[15] : f32 from vector<16xf32>
      %eq3A_1227 = arith.constant 1 : i32
      %eq3A_1228 = vector.broadcast %eq3A_1227 : i32 to vector<16xi32>
      %eq3A_1229 = arith.cmpi eq, %iota3A, %eq3A_1228 : vector<16xi32>
      %add3A_1230 = arith.addf %parallel_loop3A_1169#0, %parallel_loop3A_1169#1 : vector<16xf32>
      %reduce_sum3A_1231 = arith.constant true
      %reduce_sum3A_1232 = vector.broadcast %reduce_sum3A_1231 : i1 to vector<16xi1>
      %reduce_sum3A_1233 = tpu.scan <sum>, %add3A_1230 masked %reduce_sum3A_1232 : vector<16xf32>, vector<16xi1> -> vector<16xf32>
      %reduce_sum3A_1234 = vector.extract %reduce_sum3A_1233[15] : f32 from vector<16xf32>
      %broadcast_in_dim3A_1235 = vector.broadcast %reduce_sum3A_1234 : f32 to vector<16xf32>
      %select_n3A_1236 = arith.select %eq3A_1229, %broadcast_in_dim3A_1235, %select_n3A_1158 : vector<16xi1>, vector<16xf32>
      %eq3A_1237 = arith.constant 1 : i32
      %eq3A_1238 = vector.broadcast %eq3A_1237 : i32 to vector<16xi32>
      %eq3A_1239 = arith.cmpi eq, %iota3A, %eq3A_1238 : vector<16xi32>
      %broadcast_in_dim3A_1240 = vector.broadcast %reduce_sum3A_1226 : f32 to vector<16xf32>
      %select_n3A_1241 = arith.select %eq3A_1239, %broadcast_in_dim3A_1240, %select_n3A_1163 : vector<16xi1>, vector<16xf32>
      %broadcast_in_dim3A_1242 = arith.constant 0.000000e+00 : f32
      %broadcast_in_dim3A_1243 = vector.broadcast %broadcast_in_dim3A_1242 : f32 to vector<16xf32>
      %parallel_loop3A_1244 = arith.constant 0 : i32
      %parallel_loop3A_1245 = arith.constant 512 : i32
      %parallel_loop3A_1246 = arith.constant 2 : i32
      %parallel_loop3A_1247:2 = scf.for %parallel_loop3A_1413 = %parallel_loop3A_1244 to %parallel_loop3A_1245 step %parallel_loop3A_1246 iter_args(%parallel_loop3A_1414 = %broadcast_in_dim3A_1243, %parallel_loop3A_1415 = %broadcast_in_dim3A_1243) -> (vector<16xf32>, vector<16xf32>)  : i32 {
        %parallel_loop3A_1416 = arith.constant 16 : i32
        %parallel_loop3A_1417 = arith.muli %parallel_loop3A_1413, %parallel_loop3A_1416 : i32
        %parallel_loop3A_1418 = arith.constant 2 : i32
        %parallel_loop3A_1419 = arith.index_cast %parallel_loop3A_1418 : i32 to index
        %parallel_loop3A_1420 = arith.index_cast %parallel_loop3A_1417 : i32 to index
        %parallel_loop3A_1421 = tpu.vector_load %arg14[%parallel_loop3A_1419, %parallel_loop3A_1420] {strides = array<i32>} : memref<4x8192xf32, #tpu.memory_space<vmem>>, vector<16xf32>,
        %parallel_loop3A_1422 = math.exp %parallel_loop3A_1421 : vector<16xf32>
        %parallel_loop3A_1423 = arith.addf %parallel_loop3A_1414, %parallel_loop3A_1422 : vector<16xf32>
        %parallel_loop3A_1424 = arith.constant 1 : i32
        %parallel_loop3A_1425 = arith.addi %parallel_loop3A_1413, %parallel_loop3A_1424 : i32
        %parallel_loop3A_1426 = arith.constant 16 : i32
        %parallel_loop3A_1427 = arith.muli %parallel_loop3A_1425, %parallel_loop3A_1426 : i32
        %parallel_loop3A_1428 = arith.constant 2 : i32
        %parallel_loop3A_1429 = arith.index_cast %parallel_loop3A_1428 : i32 to index
        %parallel_loop3A_1430 = arith.index_cast %parallel_loop3A_1427 : i32 to index
        %parallel_loop3A_1431 = tpu.vector_load %arg14[%parallel_loop3A_1429, %parallel_loop3A_1430] {strides = array<i32>} : memref<4x8192xf32, #tpu.memory_space<vmem>>, vector<16xf32>,
        %parallel_loop3A_1432 = math.exp %parallel_loop3A_1431 : vector<16xf32>
        %parallel_loop3A_1433 = arith.addf %parallel_loop3A_1415, %parallel_loop3A_1432 : vector<16xf32>
        scf.yield %parallel_loop3A_1423, %parallel_loop3A_1433 : vector<16xf32>, vector<16xf32>
      } {sc.loop_unroll_factor = 4 : i64, sc.parallel_access}
      %slice3A_1248 = vector.extract_strided_slice %get3A_1081 {offsets = [2], sizes = [1], strides = [1]} : vector<16xi32> to vector<1xi32>
      %squeeze3A_1249 = vector.extract %slice3A_1248[0] : i32 from vector<1xi32>
      %jit3A_1250 = arith.constant 16 : i32
      %div3A_1251 = arith.divsi %squeeze3A_1249, %jit3A_1250 : i32
      %sign3A_1252 = arith.constant 0 : i32
      %sign3A_1253 = arith.cmpi sgt, %squeeze3A_1249, %sign3A_1252 : i32
      %sign3A_1254 = arith.extui %sign3A_1253 : i1 to i32
      %sign3A_1255 = arith.constant 0 : i32
      %sign3A_1256 = arith.cmpi slt, %squeeze3A_1249, %sign3A_1255 : i32
      %sign3A_1257 = arith.extui %sign3A_1256 : i1 to i32
      %sign3A_1258 = arith.subi %sign3A_1254, %sign3A_1257 : i32
      %sign3A_1259 = arith.constant 0 : i32
      %sign3A_1260 = arith.cmpi sgt, %jit3A_1250, %sign3A_1259 : i32
      %sign3A_1261 = arith.extui %sign3A_1260 : i1 to i32
      %sign3A_1262 = arith.constant 0 : i32
      %sign3A_1263 = arith.cmpi slt, %jit3A_1250, %sign3A_1262 : i32
      %sign3A_1264 = arith.extui %sign3A_1263 : i1 to i32
      %sign3A_1265 = arith.subi %sign3A_1261, %sign3A_1264 : i32
      %ne3A_1266 = arith.cmpi ne, %sign3A_1258, %sign3A_1265 : i32
      %rem3A_1267 = arith.remsi %squeeze3A_1249, %jit3A_1250 : i32
      %ne3A_1268 = arith.constant 0 : i32
      %ne3A_1269 = arith.cmpi ne, %rem3A_1267, %ne3A_1268 : i32
      %and3A_1270 = arith.andi %ne3A_1266, %ne3A_1269 : i1
      %sub3A_1271 = arith.constant 1 : i32
      %sub3A_1272 = arith.subi %div3A_1251, %sub3A_1271 : i32
      %select_n3A_1273 = arith.select %and3A_1270, %sub3A_1272, %div3A_1251 : i32
      %mul3A_1274 = arith.constant 16 : i32
      %mul3A_1275 = arith.muli %select_n3A_1273, %mul3A_1274 : i32
      %get3A_1276 = arith.constant 2 : i32
      %get3A_1277 = arith.index_cast %get3A_1276 : i32 to index
      %get3A_1278 = arith.index_cast %mul3A_1275 : i32 to index
      %get3A_1279 = tpu.vector_load %arg14[%get3A_1277, %get3A_1278] {strides = array<i32>} : memref<4x8192xf32, #tpu.memory_space<vmem>>, vector<16xf32>,
      %jit3A_1280 = arith.constant 16 : i32
      %eq3A_1281 = arith.constant 0 : i32
      %eq3A_1282 = arith.cmpi eq, %jit3A_1280, %eq3A_1281 : i32
      %jit3A_1283 = arith.constant 1 : i32
      %select_n3A_1284 = arith.select %eq3A_1282, %jit3A_1283, %jit3A_1280 : i32
      %rem3A_1285 = arith.remsi %squeeze3A_1249, %select_n3A_1284 : i32
      %ne3A_1286 = arith.constant 0 : i32
      %ne3A_1287 = arith.cmpi ne, %rem3A_1285, %ne3A_1286 : i32
      %lt3A_1288 = arith.constant 0 : i32
      %lt3A_1289 = arith.cmpi slt, %rem3A_1285, %lt3A_1288 : i32
      %lt3A_1290 = arith.constant 0 : i32
      %lt3A_1291 = arith.cmpi slt, %select_n3A_1284, %lt3A_1290 : i32
      %ne3A_1292 = arith.xori %lt3A_1289, %lt3A_1291 : i1
      %and3A_1293 = arith.andi %ne3A_1292, %ne3A_1287 : i1
      %add3A_1294 = arith.addi %rem3A_1285, %select_n3A_1284 : i32
      %select_n3A_1295 = arith.select %and3A_1293, %add3A_1294, %rem3A_1285 : i32
      %eq3A_1296 = vector.broadcast %select_n3A_1295 : i32 to vector<16xi32>
      %eq3A_1297 = arith.cmpi eq, %iota3A, %eq3A_1296 : vector<16xi32>
      %jit3A_1298 = arith.constant 0.000000e+00 : f32
      %broadcast_in_dim3A_1299 = vector.broadcast %jit3A_1298 : f32 to vector<16xf32>
      %select_n3A_1300 = arith.select %eq3A_1297, %get3A_1279, %broadcast_in_dim3A_1299 : vector<16xi1>, vector<16xf32>
      %reduce_sum3A_1301 = arith.constant true
      %reduce_sum3A_1302 = vector.broadcast %reduce_sum3A_1301 : i1 to vector<16xi1>
      %reduce_sum3A_1303 = tpu.scan <sum>, %select_n3A_1300 masked %reduce_sum3A_1302 : vector<16xf32>, vector<16xi1> -> vector<16xf32>
      %reduce_sum3A_1304 = vector.extract %reduce_sum3A_1303[15] : f32 from vector<16xf32>
      %eq3A_1305 = arith.constant 2 : i32
      %eq3A_1306 = vector.broadcast %eq3A_1305 : i32 to vector<16xi32>
      %eq3A_1307 = arith.cmpi eq, %iota3A, %eq3A_1306 : vector<16xi32>
      %add3A_1308 = arith.addf %parallel_loop3A_1247#0, %parallel_loop3A_1247#1 : vector<16xf32>
      %reduce_sum3A_1309 = arith.constant true
      %reduce_sum3A_1310 = vector.broadcast %reduce_sum3A_1309 : i1 to vector<16xi1>
      %reduce_sum3A_1311 = tpu.scan <sum>, %add3A_1308 masked %reduce_sum3A_1310 : vector<16xf32>, vector<16xi1> -> vector<16xf32>
      %reduce_sum3A_1312 = vector.extract %reduce_sum3A_1311[15] : f32 from vector<16xf32>
      %broadcast_in_dim3A_1313 = vector.broadcast %reduce_sum3A_1312 : f32 to vector<16xf32>
      %select_n3A_1314 = arith.select %eq3A_1307, %broadcast_in_dim3A_1313, %select_n3A_1236 : vector<16xi1>, vector<16xf32>
      %eq3A_1315 = arith.constant 2 : i32
      %eq3A_1316 = vector.broadcast %eq3A_1315 : i32 to vector<16xi32>
      %eq3A_1317 = arith.cmpi eq, %iota3A, %eq3A_1316 : vector<16xi32>
      %broadcast_in_dim3A_1318 = vector.broadcast %reduce_sum3A_1304 : f32 to vector<16xf32>
      %select_n3A_1319 = arith.select %eq3A_1317, %broadcast_in_dim3A_1318, %select_n3A_1241 : vector<16xi1>, vector<16xf32>
      %broadcast_in_dim3A_1320 = arith.constant 0.000000e+00 : f32
      %broadcast_in_dim3A_1321 = vector.broadcast %broadcast_in_dim3A_1320 : f32 to vector<16xf32>
      %parallel_loop3A_1322 = arith.constant 0 : i32
      %parallel_loop3A_1323 = arith.constant 512 : i32
      %parallel_loop3A_1324 = arith.constant 2 : i32
      %parallel_loop3A_1325:2 = scf.for %parallel_loop3A_1413 = %parallel_loop3A_1322 to %parallel_loop3A_1323 step %parallel_loop3A_1324 iter_args(%parallel_loop3A_1414 = %broadcast_in_dim3A_1321, %parallel_loop3A_1415 = %broadcast_in_dim3A_1321) -> (vector<16xf32>, vector<16xf32>)  : i32 {
        %parallel_loop3A_1416 = arith.constant 16 : i32
        %parallel_loop3A_1417 = arith.muli %parallel_loop3A_1413, %parallel_loop3A_1416 : i32
        %parallel_loop3A_1418 = arith.constant 3 : i32
        %parallel_loop3A_1419 = arith.index_cast %parallel_loop3A_1418 : i32 to index
        %parallel_loop3A_1420 = arith.index_cast %parallel_loop3A_1417 : i32 to index
        %parallel_loop3A_1421 = tpu.vector_load %arg14[%parallel_loop3A_1419, %parallel_loop3A_1420] {strides = array<i32>} : memref<4x8192xf32, #tpu.memory_space<vmem>>, vector<16xf32>,
        %parallel_loop3A_1422 = math.exp %parallel_loop3A_1421 : vector<16xf32>
        %parallel_loop3A_1423 = arith.addf %parallel_loop3A_1414, %parallel_loop3A_1422 : vector<16xf32>
        %parallel_loop3A_1424 = arith.constant 1 : i32
        %parallel_loop3A_1425 = arith.addi %parallel_loop3A_1413, %parallel_loop3A_1424 : i32
        %parallel_loop3A_1426 = arith.constant 16 : i32
        %parallel_loop3A_1427 = arith.muli %parallel_loop3A_1425, %parallel_loop3A_1426 : i32
        %parallel_loop3A_1428 = arith.constant 3 : i32
        %parallel_loop3A_1429 = arith.index_cast %parallel_loop3A_1428 : i32 to index
        %parallel_loop3A_1430 = arith.index_cast %parallel_loop3A_1427 : i32 to index
        %parallel_loop3A_1431 = tpu.vector_load %arg14[%parallel_loop3A_1429, %parallel_loop3A_1430] {strides = array<i32>} : memref<4x8192xf32, #tpu.memory_space<vmem>>, vector<16xf32>,
        %parallel_loop3A_1432 = math.exp %parallel_loop3A_1431 : vector<16xf32>
        %parallel_loop3A_1433 = arith.addf %parallel_loop3A_1415, %parallel_loop3A_1432 : vector<16xf32>
        scf.yield %parallel_loop3A_1423, %parallel_loop3A_1433 : vector<16xf32>, vector<16xf32>
      } {sc.loop_unroll_factor = 4 : i64, sc.parallel_access}
      %slice3A_1326 = vector.extract_strided_slice %get3A_1081 {offsets = [3], sizes = [1], strides = [1]} : vector<16xi32> to vector<1xi32>
      %squeeze3A_1327 = vector.extract %slice3A_1326[0] : i32 from vector<1xi32>
      %jit3A_1328 = arith.constant 16 : i32
      %div3A_1329 = arith.divsi %squeeze3A_1327, %jit3A_1328 : i32
      %sign3A_1330 = arith.constant 0 : i32
      %sign3A_1331 = arith.cmpi sgt, %squeeze3A_1327, %sign3A_1330 : i32
      %sign3A_1332 = arith.extui %sign3A_1331 : i1 to i32
      %sign3A_1333 = arith.constant 0 : i32
      %sign3A_1334 = arith.cmpi slt, %squeeze3A_1327, %sign3A_1333 : i32
      %sign3A_1335 = arith.extui %sign3A_1334 : i1 to i32
      %sign3A_1336 = arith.subi %sign3A_1332, %sign3A_1335 : i32
      %sign3A_1337 = arith.constant 0 : i32
      %sign3A_1338 = arith.cmpi sgt, %jit3A_1328, %sign3A_1337 : i32
      %sign3A_1339 = arith.extui %sign3A_1338 : i1 to i32
      %sign3A_1340 = arith.constant 0 : i32
      %sign3A_1341 = arith.cmpi slt, %jit3A_1328, %sign3A_1340 : i32
      %sign3A_1342 = arith.extui %sign3A_1341 : i1 to i32
      %sign3A_1343 = arith.subi %sign3A_1339, %sign3A_1342 : i32
      %ne3A_1344 = arith.cmpi ne, %sign3A_1336, %sign3A_1343 : i32
      %rem3A_1345 = arith.remsi %squeeze3A_1327, %jit3A_1328 : i32
      %ne3A_1346 = arith.constant 0 : i32
      %ne3A_1347 = arith.cmpi ne, %rem3A_1345, %ne3A_1346 : i32
      %and3A_1348 = arith.andi %ne3A_1344, %ne3A_1347 : i1
      %sub3A_1349 = arith.constant 1 : i32
      %sub3A_1350 = arith.subi %div3A_1329, %sub3A_1349 : i32
      %select_n3A_1351 = arith.select %and3A_1348, %sub3A_1350, %div3A_1329 : i32
      %mul3A_1352 = arith.constant 16 : i32
      %mul3A_1353 = arith.muli %select_n3A_1351, %mul3A_1352 : i32
      %get3A_1354 = arith.constant 3 : i32
      %get3A_1355 = arith.index_cast %get3A_1354 : i32 to index
      %get3A_1356 = arith.index_cast %mul3A_1353 : i32 to index
      %get3A_1357 = tpu.vector_load %arg14[%get3A_1355, %get3A_1356] {strides = array<i32>} : memref<4x8192xf32, #tpu.memory_space<vmem>>, vector<16xf32>,
      %jit3A_1358 = arith.constant 16 : i32
      %eq3A_1359 = arith.constant 0 : i32
      %eq3A_1360 = arith.cmpi eq, %jit3A_1358, %eq3A_1359 : i32
      %jit3A_1361 = arith.constant 1 : i32
      %select_n3A_1362 = arith.select %eq3A_1360, %jit3A_1361, %jit3A_1358 : i32
      %rem3A_1363 = arith.remsi %squeeze3A_1327, %select_n3A_1362 : i32
      %ne3A_1364 = arith.constant 0 : i32
      %ne3A_1365 = arith.cmpi ne, %rem3A_1363, %ne3A_1364 : i32
      %lt3A_1366 = arith.constant 0 : i32
      %lt3A_1367 = arith.cmpi slt, %rem3A_1363, %lt3A_1366 : i32
      %lt3A_1368 = arith.constant 0 : i32
      %lt3A_1369 = arith.cmpi slt, %select_n3A_1362, %lt3A_1368 : i32
      %ne3A_1370 = arith.xori %lt3A_1367, %lt3A_1369 : i1
      %and3A_1371 = arith.andi %ne3A_1370, %ne3A_1365 : i1
      %add3A_1372 = arith.addi %rem3A_1363, %select_n3A_1362 : i32
      %select_n3A_1373 = arith.select %and3A_1371, %add3A_1372, %rem3A_1363 : i32
      %eq3A_1374 = vector.broadcast %select_n3A_1373 : i32 to vector<16xi32>
      %eq3A_1375 = arith.cmpi eq, %iota3A, %eq3A_1374 : vector<16xi32>
      %jit3A_1376 = arith.constant 0.000000e+00 : f32
      %broadcast_in_dim3A_1377 = vector.broadcast %jit3A_1376 : f32 to vector<16xf32>
      %select_n3A_1378 = arith.select %eq3A_1375, %get3A_1357, %broadcast_in_dim3A_1377 : vector<16xi1>, vector<16xf32>
      %reduce_sum3A_1379 = arith.constant true
      %reduce_sum3A_1380 = vector.broadcast %reduce_sum3A_1379 : i1 to vector<16xi1>
      %reduce_sum3A_1381 = tpu.scan <sum>, %select_n3A_1378 masked %reduce_sum3A_1380 : vector<16xf32>, vector<16xi1> -> vector<16xf32>
      %reduce_sum3A_1382 = vector.extract %reduce_sum3A_1381[15] : f32 from vector<16xf32>
      %eq3A_1383 = arith.constant 3 : i32
      %eq3A_1384 = vector.broadcast %eq3A_1383 : i32 to vector<16xi32>
      %eq3A_1385 = arith.cmpi eq, %iota3A, %eq3A_1384 : vector<16xi32>
      %add3A_1386 = arith.addf %parallel_loop3A_1325#0, %parallel_loop3A_1325#1 : vector<16xf32>
      %reduce_sum3A_1387 = arith.constant true
      %reduce_sum3A_1388 = vector.broadcast %reduce_sum3A_1387 : i1 to vector<16xi1>
      %reduce_sum3A_1389 = tpu.scan <sum>, %add3A_1386 masked %reduce_sum3A_1388 : vector<16xf32>, vector<16xi1> -> vector<16xf32>
      %reduce_sum3A_1390 = vector.extract %reduce_sum3A_1389[15] : f32 from vector<16xf32>
      %broadcast_in_dim3A_1391 = vector.broadcast %reduce_sum3A_1390 : f32 to vector<16xf32>
      %select_n3A_1392 = arith.select %eq3A_1385, %broadcast_in_dim3A_1391, %select_n3A_1314 : vector<16xi1>, vector<16xf32>
      %eq3A_1393 = arith.constant 3 : i32
      %eq3A_1394 = vector.broadcast %eq3A_1393 : i32 to vector<16xi32>
      %eq3A_1395 = arith.cmpi eq, %iota3A, %eq3A_1394 : vector<16xi32>
      %broadcast_in_dim3A_1396 = vector.broadcast %reduce_sum3A_1382 : f32 to vector<16xf32>
      %select_n3A_1397 = arith.select %eq3A_1395, %broadcast_in_dim3A_1396, %select_n3A_1319 : vector<16xi1>, vector<16xf32>
      %swap3A_1398 = arith.index_cast %add3A_1064 : i32 to index
      %swap3A_1399 = arith.constant 0 : index
      %swap3A_1400 = tpu.vector_load %arg10[%swap3A_1398, %swap3A_1399] {strides = array<i32>} : memref<64x16xf32, #tpu.memory_space<vmem>>, vector<16xf32>,
      tpu.vector_store %arg10[%swap3A_1398, %swap3A_1399], %select_n3A_1392 {strides = array<i32>} : memref<64x16xf32, #tpu.memory_space<vmem>>, vector<16xf32>,
      %swap3A_1401 = arith.index_cast %add3A_1064 : i32 to index
      %swap3A_1402 = arith.constant 0 : index
      %swap3A_1403 = tpu.vector_load %arg11[%swap3A_1401, %swap3A_1402] {strides = array<i32>} : memref<64x16xf32, #tpu.memory_space<vmem>>, vector<16xf32>,
      tpu.vector_store %arg11[%swap3A_1401, %swap3A_1402], %select_n3A_1397 {strides = array<i32>} : memref<64x16xf32, #tpu.memory_space<vmem>>, vector<16xf32>,
      %mul3A_1404 = arith.constant 256 : i32
      %mul3A_1405 = arith.muli %add3A, %mul3A_1404 : i32
      %mul3A_1406 = arith.constant 4 : i32
      %mul3A_1407 = arith.muli %add3A_1064, %mul3A_1406 : i32
      %add3A_1408 = arith.addi %mul3A_1405, %mul3A_1407 : i32
      %dma_start3A_1409 = arith.constant 0 : i32
      %dma_start3A_1410 = tpu.memref_slice %arg5[%add3A_1408, %dma_start3A_1409] : memref<8192x8192xf32, #tpu.memory_space<hbm>> -> memref<4x8192xf32, #tpu.memory_space<hbm>>
      %dma_start3A_1411 = arith.constant 0 : i32
      %dma_start3A_1412 = tpu.memref_slice %arg5[%add3A_1408, %dma_start3A_1411] : memref<8192x8192xf32, #tpu.memory_space<hbm>> -> memref<4x8192xf32, #tpu.memory_space<hbm>>
      tpu.enqueue_dma source(%arg14 : memref<4x8192xf32, #tpu.memory_space<vmem>>) target(%dma_start3A_1412 : memref<4x8192xf32, #tpu.memory_space<hbm>>) target_semaphore(%arg20 : memref<!tpu.dma_semaphore, #tpu.memory_space<semaphore_mem>>)
    }
    %scan3A_10 = arith.constant 21 : i32
    %dma_wait3A = arith.constant 0 : i32
    %dma_wait3A_11 = arith.constant 0 : i32
    %dma_wait3A_12 = tpu.memref_slice %arg8[%dma_wait3A, %dma_wait3A_11] : memref<64x4xi32, #tpu.memory_space<vmem>> -> memref<1x4xi32, #tpu.memory_space<vmem>>
    %dma_wait3A_13 = tpu.memref_squeeze %dma_wait3A_12 : memref<1x4xi32, #tpu.memory_space<vmem>> -> memref<4xi32, #tpu.memory_space<vmem>>
    %dma_wait3A_14 = arith.constant 0 : i32
    %dma_wait3A_15 = arith.constant 0 : i32
    %dma_wait3A_16 = tpu.memref_slice %arg4[%dma_wait3A_14, %dma_wait3A_15] : memref<8192x8192xf32, #tpu.memory_space<hbm>> -> memref<8192x8192xf32, #tpu.memory_space<hbm>>
    tpu.wait_indirect_dma semaphore(%arg15 : memref<!tpu.dma_semaphore, #tpu.memory_space<semaphore_mem>>) src(%dma_wait3A_16 : memref<8192x8192xf32, #tpu.memory_space<hbm>>) dst(%arg12 : memref<4x8192xf32, #tpu.memory_space<vmem>>)
    %get3A = arith.constant 63 : i32
    %get3A_17 = arith.index_cast %get3A : i32 to index
    %get3A_18 = arith.constant 0 : index
    %get3A_19 = tpu.vector_load %arg9[%get3A_17, %get3A_18] {strides = array<i32>} : memref<64x16xi32, #tpu.memory_space<vmem>>, vector<16xi32>,
    %broadcast_in_dim3A = arith.constant 1.000000e+00 : f32
    %broadcast_in_dim3A_20 = vector.broadcast %broadcast_in_dim3A : f32 to vector<16xf32>
    %broadcast_in_dim3A_21 = arith.constant 0.000000e+00 : f32
    %broadcast_in_dim3A_22 = vector.broadcast %broadcast_in_dim3A_21 : f32 to vector<16xf32>
    %broadcast_in_dim3A_23 = arith.constant 0.000000e+00 : f32
    %broadcast_in_dim3A_24 = vector.broadcast %broadcast_in_dim3A_23 : f32 to vector<16xf32>
    %parallel_loop3A = arith.constant 0 : i32
    %parallel_loop3A_25 = arith.constant 512 : i32
    %parallel_loop3A_26 = arith.constant 2 : i32
    %parallel_loop3A_27:2 = scf.for %parallel_loop3A_354 = %parallel_loop3A to %parallel_loop3A_25 step %parallel_loop3A_26 iter_args(%parallel_loop3A_355 = %broadcast_in_dim3A_24, %parallel_loop3A_356 = %broadcast_in_dim3A_24) -> (vector<16xf32>, vector<16xf32>)  : i32 {
      %parallel_loop3A_357 = arith.constant 16 : i32
      %parallel_loop3A_358 = arith.muli %parallel_loop3A_354, %parallel_loop3A_357 : i32
      %parallel_loop3A_359 = arith.constant 0 : i32
      %parallel_loop3A_360 = arith.index_cast %parallel_loop3A_359 : i32 to index
      %parallel_loop3A_361 = arith.index_cast %parallel_loop3A_358 : i32 to index
      %parallel_loop3A_362 = tpu.vector_load %arg12[%parallel_loop3A_360, %parallel_loop3A_361] {strides = array<i32>} : memref<4x8192xf32, #tpu.memory_space<vmem>>, vector<16xf32>,
      %parallel_loop3A_363 = math.exp %parallel_loop3A_362 : vector<16xf32>
      %parallel_loop3A_364 = arith.addf %parallel_loop3A_355, %parallel_loop3A_363 : vector<16xf32>
      %parallel_loop3A_365 = arith.constant 1 : i32
      %parallel_loop3A_366 = arith.addi %parallel_loop3A_354, %parallel_loop3A_365 : i32
      %parallel_loop3A_367 = arith.constant 16 : i32
      %parallel_loop3A_368 = arith.muli %parallel_loop3A_366, %parallel_loop3A_367 : i32
      %parallel_loop3A_369 = arith.constant 0 : i32
      %parallel_loop3A_370 = arith.index_cast %parallel_loop3A_369 : i32 to index
      %parallel_loop3A_371 = arith.index_cast %parallel_loop3A_368 : i32 to index
      %parallel_loop3A_372 = tpu.vector_load %arg12[%parallel_loop3A_370, %parallel_loop3A_371] {strides = array<i32>} : memref<4x8192xf32, #tpu.memory_space<vmem>>, vector<16xf32>,
      %parallel_loop3A_373 = math.exp %parallel_loop3A_372 : vector<16xf32>
      %parallel_loop3A_374 = arith.addf %parallel_loop3A_356, %parallel_loop3A_373 : vector<16xf32>
      scf.yield %parallel_loop3A_364, %parallel_loop3A_374 : vector<16xf32>, vector<16xf32>
    } {sc.loop_unroll_factor = 4 : i64, sc.parallel_access}
    %slice3A = vector.extract_strided_slice %get3A_19 {offsets = [0], sizes = [1], strides = [1]} : vector<16xi32> to vector<1xi32>
    %squeeze3A = vector.extract %slice3A[0] : i32 from vector<1xi32>
    %jit3A = arith.constant 16 : i32
    %div3A = arith.divsi %squeeze3A, %jit3A : i32
    %sign3A = arith.constant 0 : i32
    %sign3A_28 = arith.cmpi sgt, %squeeze3A, %sign3A : i32
    %sign3A_29 = arith.extui %sign3A_28 : i1 to i32
    %sign3A_30 = arith.constant 0 : i32
    %sign3A_31 = arith.cmpi slt, %squeeze3A, %sign3A_30 : i32
    %sign3A_32 = arith.extui %sign3A_31 : i1 to i32
    %sign3A_33 = arith.subi %sign3A_29, %sign3A_32 : i32
    %sign3A_34 = arith.constant 0 : i32
    %sign3A_35 = arith.cmpi sgt, %jit3A, %sign3A_34 : i32
    %sign3A_36 = arith.extui %sign3A_35 : i1 to i32
    %sign3A_37 = arith.constant 0 : i32
    %sign3A_38 = arith.cmpi slt, %jit3A, %sign3A_37 : i32
    %sign3A_39 = arith.extui %sign3A_38 : i1 to i32
    %sign3A_40 = arith.subi %sign3A_36, %sign3A_39 : i32
    %ne3A = arith.cmpi ne, %sign3A_33, %sign3A_40 : i32
    %rem3A = arith.remsi %squeeze3A, %jit3A : i32
    %ne3A_41 = arith.constant 0 : i32
    %ne3A_42 = arith.cmpi ne, %rem3A, %ne3A_41 : i32
    %and3A = arith.andi %ne3A, %ne3A_42 : i1
    %sub3A = arith.constant 1 : i32
    %sub3A_43 = arith.subi %div3A, %sub3A : i32
    %select_n3A = arith.select %and3A, %sub3A_43, %div3A : i32
    %mul3A_44 = arith.constant 16 : i32
    %mul3A_45 = arith.muli %select_n3A, %mul3A_44 : i32
    %get3A_46 = arith.constant 0 : i32
    %get3A_47 = arith.index_cast %get3A_46 : i32 to index
    %get3A_48 = arith.index_cast %mul3A_45 : i32 to index
    %get3A_49 = tpu.vector_load %arg12[%get3A_47, %get3A_48] {strides = array<i32>} : memref<4x8192xf32, #tpu.memory_space<vmem>>, vector<16xf32>,
    %jit3A_50 = arith.constant 16 : i32
    %eq3A = arith.constant 0 : i32
    %eq3A_51 = arith.cmpi eq, %jit3A_50, %eq3A : i32
    %jit3A_52 = arith.constant 1 : i32
    %select_n3A_53 = arith.select %eq3A_51, %jit3A_52, %jit3A_50 : i32
    %rem3A_54 = arith.remsi %squeeze3A, %select_n3A_53 : i32
    %ne3A_55 = arith.constant 0 : i32
    %ne3A_56 = arith.cmpi ne, %rem3A_54, %ne3A_55 : i32
    %lt3A = arith.constant 0 : i32
    %lt3A_57 = arith.cmpi slt, %rem3A_54, %lt3A : i32
    %lt3A_58 = arith.constant 0 : i32
    %lt3A_59 = arith.cmpi slt, %select_n3A_53, %lt3A_58 : i32
    %ne3A_60 = arith.xori %lt3A_57, %lt3A_59 : i1
    %and3A_61 = arith.andi %ne3A_60, %ne3A_56 : i1
    %add3A_62 = arith.addi %rem3A_54, %select_n3A_53 : i32
    %select_n3A_63 = arith.select %and3A_61, %add3A_62, %rem3A_54 : i32
    %eq3A_64 = vector.broadcast %select_n3A_63 : i32 to vector<16xi32>
    %eq3A_65 = arith.cmpi eq, %iota3A, %eq3A_64 : vector<16xi32>
    %jit3A_66 = arith.constant 0.000000e+00 : f32
    %broadcast_in_dim3A_67 = vector.broadcast %jit3A_66 : f32 to vector<16xf32>
    %select_n3A_68 = arith.select %eq3A_65, %get3A_49, %broadcast_in_dim3A_67 : vector<16xi1>, vector<16xf32>
    %reduce_sum3A = arith.constant true
    %reduce_sum3A_69 = vector.broadcast %reduce_sum3A : i1 to vector<16xi1>
    %reduce_sum3A_70 = tpu.scan <sum>, %select_n3A_68 masked %reduce_sum3A_69 : vector<16xf32>, vector<16xi1> -> vector<16xf32>
    %reduce_sum3A_71 = vector.extract %reduce_sum3A_70[15] : f32 from vector<16xf32>
    %eq3A_72 = arith.constant 0 : i32
    %eq3A_73 = vector.broadcast %eq3A_72 : i32 to vector<16xi32>
    %eq3A_74 = arith.cmpi eq, %iota3A, %eq3A_73 : vector<16xi32>
    %add3A_75 = arith.addf %parallel_loop3A_27#0, %parallel_loop3A_27#1 : vector<16xf32>
    %reduce_sum3A_76 = arith.constant true
    %reduce_sum3A_77 = vector.broadcast %reduce_sum3A_76 : i1 to vector<16xi1>
    %reduce_sum3A_78 = tpu.scan <sum>, %add3A_75 masked %reduce_sum3A_77 : vector<16xf32>, vector<16xi1> -> vector<16xf32>
    %reduce_sum3A_79 = vector.extract %reduce_sum3A_78[15] : f32 from vector<16xf32>
    %broadcast_in_dim3A_80 = vector.broadcast %reduce_sum3A_79 : f32 to vector<16xf32>
    %select_n3A_81 = arith.select %eq3A_74, %broadcast_in_dim3A_80, %broadcast_in_dim3A_20 : vector<16xi1>, vector<16xf32>
    %eq3A_82 = arith.constant 0 : i32
    %eq3A_83 = vector.broadcast %eq3A_82 : i32 to vector<16xi32>
    %eq3A_84 = arith.cmpi eq, %iota3A, %eq3A_83 : vector<16xi32>
    %broadcast_in_dim3A_85 = vector.broadcast %reduce_sum3A_71 : f32 to vector<16xf32>
    %select_n3A_86 = arith.select %eq3A_84, %broadcast_in_dim3A_85, %broadcast_in_dim3A_22 : vector<16xi1>, vector<16xf32>
    %broadcast_in_dim3A_87 = arith.constant 0.000000e+00 : f32
    %broadcast_in_dim3A_88 = vector.broadcast %broadcast_in_dim3A_87 : f32 to vector<16xf32>
    %parallel_loop3A_89 = arith.constant 0 : i32
    %parallel_loop3A_90 = arith.constant 512 : i32
    %parallel_loop3A_91 = arith.constant 2 : i32
    %parallel_loop3A_92:2 = scf.for %parallel_loop3A_354 = %parallel_loop3A_89 to %parallel_loop3A_90 step %parallel_loop3A_91 iter_args(%parallel_loop3A_355 = %broadcast_in_dim3A_88, %parallel_loop3A_356 = %broadcast_in_dim3A_88) -> (vector<16xf32>, vector<16xf32>)  : i32 {
      %parallel_loop3A_357 = arith.constant 16 : i32
      %parallel_loop3A_358 = arith.muli %parallel_loop3A_354, %parallel_loop3A_357 : i32
      %parallel_loop3A_359 = arith.constant 1 : i32
      %parallel_loop3A_360 = arith.index_cast %parallel_loop3A_359 : i32 to index
      %parallel_loop3A_361 = arith.index_cast %parallel_loop3A_358 : i32 to index
      %parallel_loop3A_362 = tpu.vector_load %arg12[%parallel_loop3A_360, %parallel_loop3A_361] {strides = array<i32>} : memref<4x8192xf32, #tpu.memory_space<vmem>>, vector<16xf32>,
      %parallel_loop3A_363 = math.exp %parallel_loop3A_362 : vector<16xf32>
      %parallel_loop3A_364 = arith.addf %parallel_loop3A_355, %parallel_loop3A_363 : vector<16xf32>
      %parallel_loop3A_365 = arith.constant 1 : i32
      %parallel_loop3A_366 = arith.addi %parallel_loop3A_354, %parallel_loop3A_365 : i32
      %parallel_loop3A_367 = arith.constant 16 : i32
      %parallel_loop3A_368 = arith.muli %parallel_loop3A_366, %parallel_loop3A_367 : i32
      %parallel_loop3A_369 = arith.constant 1 : i32
      %parallel_loop3A_370 = arith.index_cast %parallel_loop3A_369 : i32 to index
      %parallel_loop3A_371 = arith.index_cast %parallel_loop3A_368 : i32 to index
      %parallel_loop3A_372 = tpu.vector_load %arg12[%parallel_loop3A_370, %parallel_loop3A_371] {strides = array<i32>} : memref<4x8192xf32, #tpu.memory_space<vmem>>, vector<16xf32>,
      %parallel_loop3A_373 = math.exp %parallel_loop3A_372 : vector<16xf32>
      %parallel_loop3A_374 = arith.addf %parallel_loop3A_356, %parallel_loop3A_373 : vector<16xf32>
      scf.yield %parallel_loop3A_364, %parallel_loop3A_374 : vector<16xf32>, vector<16xf32>
    } {sc.loop_unroll_factor = 4 : i64, sc.parallel_access}
    %slice3A_93 = vector.extract_strided_slice %get3A_19 {offsets = [1], sizes = [1], strides = [1]} : vector<16xi32> to vector<1xi32>
    %squeeze3A_94 = vector.extract %slice3A_93[0] : i32 from vector<1xi32>
    %jit3A_95 = arith.constant 16 : i32
    %div3A_96 = arith.divsi %squeeze3A_94, %jit3A_95 : i32
    %sign3A_97 = arith.constant 0 : i32
    %sign3A_98 = arith.cmpi sgt, %squeeze3A_94, %sign3A_97 : i32
    %sign3A_99 = arith.extui %sign3A_98 : i1 to i32
    %sign3A_100 = arith.constant 0 : i32
    %sign3A_101 = arith.cmpi slt, %squeeze3A_94, %sign3A_100 : i32
    %sign3A_102 = arith.extui %sign3A_101 : i1 to i32
    %sign3A_103 = arith.subi %sign3A_99, %sign3A_102 : i32
    %sign3A_104 = arith.constant 0 : i32
    %sign3A_105 = arith.cmpi sgt, %jit3A_95, %sign3A_104 : i32
    %sign3A_106 = arith.extui %sign3A_105 : i1 to i32
    %sign3A_107 = arith.constant 0 : i32
    %sign3A_108 = arith.cmpi slt, %jit3A_95, %sign3A_107 : i32
    %sign3A_109 = arith.extui %sign3A_108 : i1 to i32
    %sign3A_110 = arith.subi %sign3A_106, %sign3A_109 : i32
    %ne3A_111 = arith.cmpi ne, %sign3A_103, %sign3A_110 : i32
    %rem3A_112 = arith.remsi %squeeze3A_94, %jit3A_95 : i32
    %ne3A_113 = arith.constant 0 : i32
    %ne3A_114 = arith.cmpi ne, %rem3A_112, %ne3A_113 : i32
    %and3A_115 = arith.andi %ne3A_111, %ne3A_114 : i1
    %sub3A_116 = arith.constant 1 : i32
    %sub3A_117 = arith.subi %div3A_96, %sub3A_116 : i32
    %select_n3A_118 = arith.select %and3A_115, %sub3A_117, %div3A_96 : i32
    %mul3A_119 = arith.constant 16 : i32
    %mul3A_120 = arith.muli %select_n3A_118, %mul3A_119 : i32
    %get3A_121 = arith.constant 1 : i32
    %get3A_122 = arith.index_cast %get3A_121 : i32 to index
    %get3A_123 = arith.index_cast %mul3A_120 : i32 to index
    %get3A_124 = tpu.vector_load %arg12[%get3A_122, %get3A_123] {strides = array<i32>} : memref<4x8192xf32, #tpu.memory_space<vmem>>, vector<16xf32>,
    %jit3A_125 = arith.constant 16 : i32
    %eq3A_126 = arith.constant 0 : i32
    %eq3A_127 = arith.cmpi eq, %jit3A_125, %eq3A_126 : i32
    %jit3A_128 = arith.constant 1 : i32
    %select_n3A_129 = arith.select %eq3A_127, %jit3A_128, %jit3A_125 : i32
    %rem3A_130 = arith.remsi %squeeze3A_94, %select_n3A_129 : i32
    %ne3A_131 = arith.constant 0 : i32
    %ne3A_132 = arith.cmpi ne, %rem3A_130, %ne3A_131 : i32
    %lt3A_133 = arith.constant 0 : i32
    %lt3A_134 = arith.cmpi slt, %rem3A_130, %lt3A_133 : i32
    %lt3A_135 = arith.constant 0 : i32
    %lt3A_136 = arith.cmpi slt, %select_n3A_129, %lt3A_135 : i32
    %ne3A_137 = arith.xori %lt3A_134, %lt3A_136 : i1
    %and3A_138 = arith.andi %ne3A_137, %ne3A_132 : i1
    %add3A_139 = arith.addi %rem3A_130, %select_n3A_129 : i32
    %select_n3A_140 = arith.select %and3A_138, %add3A_139, %rem3A_130 : i32
    %eq3A_141 = vector.broadcast %select_n3A_140 : i32 to vector<16xi32>
    %eq3A_142 = arith.cmpi eq, %iota3A, %eq3A_141 : vector<16xi32>
    %jit3A_143 = arith.constant 0.000000e+00 : f32
    %broadcast_in_dim3A_144 = vector.broadcast %jit3A_143 : f32 to vector<16xf32>
    %select_n3A_145 = arith.select %eq3A_142, %get3A_124, %broadcast_in_dim3A_144 : vector<16xi1>, vector<16xf32>
    %reduce_sum3A_146 = arith.constant true
    %reduce_sum3A_147 = vector.broadcast %reduce_sum3A_146 : i1 to vector<16xi1>
    %reduce_sum3A_148 = tpu.scan <sum>, %select_n3A_145 masked %reduce_sum3A_147 : vector<16xf32>, vector<16xi1> -> vector<16xf32>
    %reduce_sum3A_149 = vector.extract %reduce_sum3A_148[15] : f32 from vector<16xf32>
    %eq3A_150 = arith.constant 1 : i32
    %eq3A_151 = vector.broadcast %eq3A_150 : i32 to vector<16xi32>
    %eq3A_152 = arith.cmpi eq, %iota3A, %eq3A_151 : vector<16xi32>
    %add3A_153 = arith.addf %parallel_loop3A_92#0, %parallel_loop3A_92#1 : vector<16xf32>
    %reduce_sum3A_154 = arith.constant true
    %reduce_sum3A_155 = vector.broadcast %reduce_sum3A_154 : i1 to vector<16xi1>
    %reduce_sum3A_156 = tpu.scan <sum>, %add3A_153 masked %reduce_sum3A_155 : vector<16xf32>, vector<16xi1> -> vector<16xf32>
    %reduce_sum3A_157 = vector.extract %reduce_sum3A_156[15] : f32 from vector<16xf32>
    %broadcast_in_dim3A_158 = vector.broadcast %reduce_sum3A_157 : f32 to vector<16xf32>
    %select_n3A_159 = arith.select %eq3A_152, %broadcast_in_dim3A_158, %select_n3A_81 : vector<16xi1>, vector<16xf32>
    %eq3A_160 = arith.constant 1 : i32
    %eq3A_161 = vector.broadcast %eq3A_160 : i32 to vector<16xi32>
    %eq3A_162 = arith.cmpi eq, %iota3A, %eq3A_161 : vector<16xi32>
    %broadcast_in_dim3A_163 = vector.broadcast %reduce_sum3A_149 : f32 to vector<16xf32>
    %select_n3A_164 = arith.select %eq3A_162, %broadcast_in_dim3A_163, %select_n3A_86 : vector<16xi1>, vector<16xf32>
    %broadcast_in_dim3A_165 = arith.constant 0.000000e+00 : f32
    %broadcast_in_dim3A_166 = vector.broadcast %broadcast_in_dim3A_165 : f32 to vector<16xf32>
    %parallel_loop3A_167 = arith.constant 0 : i32
    %parallel_loop3A_168 = arith.constant 512 : i32
    %parallel_loop3A_169 = arith.constant 2 : i32
    %parallel_loop3A_170:2 = scf.for %parallel_loop3A_354 = %parallel_loop3A_167 to %parallel_loop3A_168 step %parallel_loop3A_169 iter_args(%parallel_loop3A_355 = %broadcast_in_dim3A_166, %parallel_loop3A_356 = %broadcast_in_dim3A_166) -> (vector<16xf32>, vector<16xf32>)  : i32 {
      %parallel_loop3A_357 = arith.constant 16 : i32
      %parallel_loop3A_358 = arith.muli %parallel_loop3A_354, %parallel_loop3A_357 : i32
      %parallel_loop3A_359 = arith.constant 2 : i32
      %parallel_loop3A_360 = arith.index_cast %parallel_loop3A_359 : i32 to index
      %parallel_loop3A_361 = arith.index_cast %parallel_loop3A_358 : i32 to index
      %parallel_loop3A_362 = tpu.vector_load %arg12[%parallel_loop3A_360, %parallel_loop3A_361] {strides = array<i32>} : memref<4x8192xf32, #tpu.memory_space<vmem>>, vector<16xf32>,
      %parallel_loop3A_363 = math.exp %parallel_loop3A_362 : vector<16xf32>
      %parallel_loop3A_364 = arith.addf %parallel_loop3A_355, %parallel_loop3A_363 : vector<16xf32>
      %parallel_loop3A_365 = arith.constant 1 : i32
      %parallel_loop3A_366 = arith.addi %parallel_loop3A_354, %parallel_loop3A_365 : i32
      %parallel_loop3A_367 = arith.constant 16 : i32
      %parallel_loop3A_368 = arith.muli %parallel_loop3A_366, %parallel_loop3A_367 : i32
      %parallel_loop3A_369 = arith.constant 2 : i32
      %parallel_loop3A_370 = arith.index_cast %parallel_loop3A_369 : i32 to index
      %parallel_loop3A_371 = arith.index_cast %parallel_loop3A_368 : i32 to index
      %parallel_loop3A_372 = tpu.vector_load %arg12[%parallel_loop3A_370, %parallel_loop3A_371] {strides = array<i32>} : memref<4x8192xf32, #tpu.memory_space<vmem>>, vector<16xf32>,
      %parallel_loop3A_373 = math.exp %parallel_loop3A_372 : vector<16xf32>
      %parallel_loop3A_374 = arith.addf %parallel_loop3A_356, %parallel_loop3A_373 : vector<16xf32>
      scf.yield %parallel_loop3A_364, %parallel_loop3A_374 : vector<16xf32>, vector<16xf32>
    } {sc.loop_unroll_factor = 4 : i64, sc.parallel_access}
    %slice3A_171 = vector.extract_strided_slice %get3A_19 {offsets = [2], sizes = [1], strides = [1]} : vector<16xi32> to vector<1xi32>
    %squeeze3A_172 = vector.extract %slice3A_171[0] : i32 from vector<1xi32>
    %jit3A_173 = arith.constant 16 : i32
    %div3A_174 = arith.divsi %squeeze3A_172, %jit3A_173 : i32
    %sign3A_175 = arith.constant 0 : i32
    %sign3A_176 = arith.cmpi sgt, %squeeze3A_172, %sign3A_175 : i32
    %sign3A_177 = arith.extui %sign3A_176 : i1 to i32
    %sign3A_178 = arith.constant 0 : i32
    %sign3A_179 = arith.cmpi slt, %squeeze3A_172, %sign3A_178 : i32
    %sign3A_180 = arith.extui %sign3A_179 : i1 to i32
    %sign3A_181 = arith.subi %sign3A_177, %sign3A_180 : i32
    %sign3A_182 = arith.constant 0 : i32
    %sign3A_183 = arith.cmpi sgt, %jit3A_173, %sign3A_182 : i32
    %sign3A_184 = arith.extui %sign3A_183 : i1 to i32
    %sign3A_185 = arith.constant 0 : i32
    %sign3A_186 = arith.cmpi slt, %jit3A_173, %sign3A_185 : i32
    %sign3A_187 = arith.extui %sign3A_186 : i1 to i32
    %sign3A_188 = arith.subi %sign3A_184, %sign3A_187 : i32
    %ne3A_189 = arith.cmpi ne, %sign3A_181, %sign3A_188 : i32
    %rem3A_190 = arith.remsi %squeeze3A_172, %jit3A_173 : i32
    %ne3A_191 = arith.constant 0 : i32
    %ne3A_192 = arith.cmpi ne, %rem3A_190, %ne3A_191 : i32
    %and3A_193 = arith.andi %ne3A_189, %ne3A_192 : i1
    %sub3A_194 = arith.constant 1 : i32
    %sub3A_195 = arith.subi %div3A_174, %sub3A_194 : i32
    %select_n3A_196 = arith.select %and3A_193, %sub3A_195, %div3A_174 : i32
    %mul3A_197 = arith.constant 16 : i32
    %mul3A_198 = arith.muli %select_n3A_196, %mul3A_197 : i32
    %get3A_199 = arith.constant 2 : i32
    %get3A_200 = arith.index_cast %get3A_199 : i32 to index
    %get3A_201 = arith.index_cast %mul3A_198 : i32 to index
    %get3A_202 = tpu.vector_load %arg12[%get3A_200, %get3A_201] {strides = array<i32>} : memref<4x8192xf32, #tpu.memory_space<vmem>>, vector<16xf32>,
    %jit3A_203 = arith.constant 16 : i32
    %eq3A_204 = arith.constant 0 : i32
    %eq3A_205 = arith.cmpi eq, %jit3A_203, %eq3A_204 : i32
    %jit3A_206 = arith.constant 1 : i32
    %select_n3A_207 = arith.select %eq3A_205, %jit3A_206, %jit3A_203 : i32
    %rem3A_208 = arith.remsi %squeeze3A_172, %select_n3A_207 : i32
    %ne3A_209 = arith.constant 0 : i32
    %ne3A_210 = arith.cmpi ne, %rem3A_208, %ne3A_209 : i32
    %lt3A_211 = arith.constant 0 : i32
    %lt3A_212 = arith.cmpi slt, %rem3A_208, %lt3A_211 : i32
    %lt3A_213 = arith.constant 0 : i32
    %lt3A_214 = arith.cmpi slt, %select_n3A_207, %lt3A_213 : i32
    %ne3A_215 = arith.xori %lt3A_212, %lt3A_214 : i1
    %and3A_216 = arith.andi %ne3A_215, %ne3A_210 : i1
    %add3A_217 = arith.addi %rem3A_208, %select_n3A_207 : i32
    %select_n3A_218 = arith.select %and3A_216, %add3A_217, %rem3A_208 : i32
    %eq3A_219 = vector.broadcast %select_n3A_218 : i32 to vector<16xi32>
    %eq3A_220 = arith.cmpi eq, %iota3A, %eq3A_219 : vector<16xi32>
    %jit3A_221 = arith.constant 0.000000e+00 : f32
    %broadcast_in_dim3A_222 = vector.broadcast %jit3A_221 : f32 to vector<16xf32>
    %select_n3A_223 = arith.select %eq3A_220, %get3A_202, %broadcast_in_dim3A_222 : vector<16xi1>, vector<16xf32>
    %reduce_sum3A_224 = arith.constant true
    %reduce_sum3A_225 = vector.broadcast %reduce_sum3A_224 : i1 to vector<16xi1>
    %reduce_sum3A_226 = tpu.scan <sum>, %select_n3A_223 masked %reduce_sum3A_225 : vector<16xf32>, vector<16xi1> -> vector<16xf32>
    %reduce_sum3A_227 = vector.extract %reduce_sum3A_226[15] : f32 from vector<16xf32>
    %eq3A_228 = arith.constant 2 : i32
    %eq3A_229 = vector.broadcast %eq3A_228 : i32 to vector<16xi32>
    %eq3A_230 = arith.cmpi eq, %iota3A, %eq3A_229 : vector<16xi32>
    %add3A_231 = arith.addf %parallel_loop3A_170#0, %parallel_loop3A_170#1 : vector<16xf32>
    %reduce_sum3A_232 = arith.constant true
    %reduce_sum3A_233 = vector.broadcast %reduce_sum3A_232 : i1 to vector<16xi1>
    %reduce_sum3A_234 = tpu.scan <sum>, %add3A_231 masked %reduce_sum3A_233 : vector<16xf32>, vector<16xi1> -> vector<16xf32>
    %reduce_sum3A_235 = vector.extract %reduce_sum3A_234[15] : f32 from vector<16xf32>
    %broadcast_in_dim3A_236 = vector.broadcast %reduce_sum3A_235 : f32 to vector<16xf32>
    %select_n3A_237 = arith.select %eq3A_230, %broadcast_in_dim3A_236, %select_n3A_159 : vector<16xi1>, vector<16xf32>
    %eq3A_238 = arith.constant 2 : i32
    %eq3A_239 = vector.broadcast %eq3A_238 : i32 to vector<16xi32>
    %eq3A_240 = arith.cmpi eq, %iota3A, %eq3A_239 : vector<16xi32>
    %broadcast_in_dim3A_241 = vector.broadcast %reduce_sum3A_227 : f32 to vector<16xf32>
    %select_n3A_242 = arith.select %eq3A_240, %broadcast_in_dim3A_241, %select_n3A_164 : vector<16xi1>, vector<16xf32>
    %broadcast_in_dim3A_243 = arith.constant 0.000000e+00 : f32
    %broadcast_in_dim3A_244 = vector.broadcast %broadcast_in_dim3A_243 : f32 to vector<16xf32>
    %parallel_loop3A_245 = arith.constant 0 : i32
    %parallel_loop3A_246 = arith.constant 512 : i32
    %parallel_loop3A_247 = arith.constant 2 : i32
    %parallel_loop3A_248:2 = scf.for %parallel_loop3A_354 = %parallel_loop3A_245 to %parallel_loop3A_246 step %parallel_loop3A_247 iter_args(%parallel_loop3A_355 = %broadcast_in_dim3A_244, %parallel_loop3A_356 = %broadcast_in_dim3A_244) -> (vector<16xf32>, vector<16xf32>)  : i32 {
      %parallel_loop3A_357 = arith.constant 16 : i32
      %parallel_loop3A_358 = arith.muli %parallel_loop3A_354, %parallel_loop3A_357 : i32
      %parallel_loop3A_359 = arith.constant 3 : i32
      %parallel_loop3A_360 = arith.index_cast %parallel_loop3A_359 : i32 to index
      %parallel_loop3A_361 = arith.index_cast %parallel_loop3A_358 : i32 to index
      %parallel_loop3A_362 = tpu.vector_load %arg12[%parallel_loop3A_360, %parallel_loop3A_361] {strides = array<i32>} : memref<4x8192xf32, #tpu.memory_space<vmem>>, vector<16xf32>,
      %parallel_loop3A_363 = math.exp %parallel_loop3A_362 : vector<16xf32>
      %parallel_loop3A_364 = arith.addf %parallel_loop3A_355, %parallel_loop3A_363 : vector<16xf32>
      %parallel_loop3A_365 = arith.constant 1 : i32
      %parallel_loop3A_366 = arith.addi %parallel_loop3A_354, %parallel_loop3A_365 : i32
      %parallel_loop3A_367 = arith.constant 16 : i32
      %parallel_loop3A_368 = arith.muli %parallel_loop3A_366, %parallel_loop3A_367 : i32
      %parallel_loop3A_369 = arith.constant 3 : i32
      %parallel_loop3A_370 = arith.index_cast %parallel_loop3A_369 : i32 to index
      %parallel_loop3A_371 = arith.index_cast %parallel_loop3A_368 : i32 to index
      %parallel_loop3A_372 = tpu.vector_load %arg12[%parallel_loop3A_370, %parallel_loop3A_371] {strides = array<i32>} : memref<4x8192xf32, #tpu.memory_space<vmem>>, vector<16xf32>,
      %parallel_loop3A_373 = math.exp %parallel_loop3A_372 : vector<16xf32>
      %parallel_loop3A_374 = arith.addf %parallel_loop3A_356, %parallel_loop3A_373 : vector<16xf32>
      scf.yield %parallel_loop3A_364, %parallel_loop3A_374 : vector<16xf32>, vector<16xf32>
    } {sc.loop_unroll_factor = 4 : i64, sc.parallel_access}
    %slice3A_249 = vector.extract_strided_slice %get3A_19 {offsets = [3], sizes = [1], strides = [1]} : vector<16xi32> to vector<1xi32>
    %squeeze3A_250 = vector.extract %slice3A_249[0] : i32 from vector<1xi32>
    %jit3A_251 = arith.constant 16 : i32
    %div3A_252 = arith.divsi %squeeze3A_250, %jit3A_251 : i32
    %sign3A_253 = arith.constant 0 : i32
    %sign3A_254 = arith.cmpi sgt, %squeeze3A_250, %sign3A_253 : i32
    %sign3A_255 = arith.extui %sign3A_254 : i1 to i32
    %sign3A_256 = arith.constant 0 : i32
    %sign3A_257 = arith.cmpi slt, %squeeze3A_250, %sign3A_256 : i32
    %sign3A_258 = arith.extui %sign3A_257 : i1 to i32
    %sign3A_259 = arith.subi %sign3A_255, %sign3A_258 : i32
    %sign3A_260 = arith.constant 0 : i32
    %sign3A_261 = arith.cmpi sgt, %jit3A_251, %sign3A_260 : i32
    %sign3A_262 = arith.extui %sign3A_261 : i1 to i32
    %sign3A_263 = arith.constant 0 : i32
    %sign3A_264 = arith.cmpi slt, %jit3A_251, %sign3A_263 : i32
    %sign3A_265 = arith.extui %sign3A_264 : i1 to i32
    %sign3A_266 = arith.subi %sign3A_262, %sign3A_265 : i32
    %ne3A_267 = arith.cmpi ne, %sign3A_259, %sign3A_266 : i32
    %rem3A_268 = arith.remsi %squeeze3A_250, %jit3A_251 : i32
    %ne3A_269 = arith.constant 0 : i32
    %ne3A_270 = arith.cmpi ne, %rem3A_268, %ne3A_269 : i32
    %and3A_271 = arith.andi %ne3A_267, %ne3A_270 : i1
    %sub3A_272 = arith.constant 1 : i32
    %sub3A_273 = arith.subi %div3A_252, %sub3A_272 : i32
    %select_n3A_274 = arith.select %and3A_271, %sub3A_273, %div3A_252 : i32
    %mul3A_275 = arith.constant 16 : i32
    %mul3A_276 = arith.muli %select_n3A_274, %mul3A_275 : i32
    %get3A_277 = arith.constant 3 : i32
    %get3A_278 = arith.index_cast %get3A_277 : i32 to index
    %get3A_279 = arith.index_cast %mul3A_276 : i32 to index
    %get3A_280 = tpu.vector_load %arg12[%get3A_278, %get3A_279] {strides = array<i32>} : memref<4x8192xf32, #tpu.memory_space<vmem>>, vector<16xf32>,
    %jit3A_281 = arith.constant 16 : i32
    %eq3A_282 = arith.constant 0 : i32
    %eq3A_283 = arith.cmpi eq, %jit3A_281, %eq3A_282 : i32
    %jit3A_284 = arith.constant 1 : i32
    %select_n3A_285 = arith.select %eq3A_283, %jit3A_284, %jit3A_281 : i32
    %rem3A_286 = arith.remsi %squeeze3A_250, %select_n3A_285 : i32
    %ne3A_287 = arith.constant 0 : i32
    %ne3A_288 = arith.cmpi ne, %rem3A_286, %ne3A_287 : i32
    %lt3A_289 = arith.constant 0 : i32
    %lt3A_290 = arith.cmpi slt, %rem3A_286, %lt3A_289 : i32
    %lt3A_291 = arith.constant 0 : i32
    %lt3A_292 = arith.cmpi slt, %select_n3A_285, %lt3A_291 : i32
    %ne3A_293 = arith.xori %lt3A_290, %lt3A_292 : i1
    %and3A_294 = arith.andi %ne3A_293, %ne3A_288 : i1
    %add3A_295 = arith.addi %rem3A_286, %select_n3A_285 : i32
    %select_n3A_296 = arith.select %and3A_294, %add3A_295, %rem3A_286 : i32
    %eq3A_297 = vector.broadcast %select_n3A_296 : i32 to vector<16xi32>
    %eq3A_298 = arith.cmpi eq, %iota3A, %eq3A_297 : vector<16xi32>
    %jit3A_299 = arith.constant 0.000000e+00 : f32
    %broadcast_in_dim3A_300 = vector.broadcast %jit3A_299 : f32 to vector<16xf32>
    %select_n3A_301 = arith.select %eq3A_298, %get3A_280, %broadcast_in_dim3A_300 : vector<16xi1>, vector<16xf32>
    %reduce_sum3A_302 = arith.constant true
    %reduce_sum3A_303 = vector.broadcast %reduce_sum3A_302 : i1 to vector<16xi1>
    %reduce_sum3A_304 = tpu.scan <sum>, %select_n3A_301 masked %reduce_sum3A_303 : vector<16xf32>, vector<16xi1> -> vector<16xf32>
    %reduce_sum3A_305 = vector.extract %reduce_sum3A_304[15] : f32 from vector<16xf32>
    %eq3A_306 = arith.constant 3 : i32
    %eq3A_307 = vector.broadcast %eq3A_306 : i32 to vector<16xi32>
    %eq3A_308 = arith.cmpi eq, %iota3A, %eq3A_307 : vector<16xi32>
    %add3A_309 = arith.addf %parallel_loop3A_248#0, %parallel_loop3A_248#1 : vector<16xf32>
    %reduce_sum3A_310 = arith.constant true
    %reduce_sum3A_311 = vector.broadcast %reduce_sum3A_310 : i1 to vector<16xi1>
    %reduce_sum3A_312 = tpu.scan <sum>, %add3A_309 masked %reduce_sum3A_311 : vector<16xf32>, vector<16xi1> -> vector<16xf32>
    %reduce_sum3A_313 = vector.extract %reduce_sum3A_312[15] : f32 from vector<16xf32>
    %broadcast_in_dim3A_314 = vector.broadcast %reduce_sum3A_313 : f32 to vector<16xf32>
    %select_n3A_315 = arith.select %eq3A_308, %broadcast_in_dim3A_314, %select_n3A_237 : vector<16xi1>, vector<16xf32>
    %eq3A_316 = arith.constant 3 : i32
    %eq3A_317 = vector.broadcast %eq3A_316 : i32 to vector<16xi32>
    %eq3A_318 = arith.cmpi eq, %iota3A, %eq3A_317 : vector<16xi32>
    %broadcast_in_dim3A_319 = vector.broadcast %reduce_sum3A_305 : f32 to vector<16xf32>
    %select_n3A_320 = arith.select %eq3A_318, %broadcast_in_dim3A_319, %select_n3A_242 : vector<16xi1>, vector<16xf32>
    %swap3A = arith.constant 63 : i32
    %swap3A_321 = arith.index_cast %swap3A : i32 to index
    %swap3A_322 = arith.constant 0 : index
    %swap3A_323 = tpu.vector_load %arg10[%swap3A_321, %swap3A_322] {strides = array<i32>} : memref<64x16xf32, #tpu.memory_space<vmem>>, vector<16xf32>,
    tpu.vector_store %arg10[%swap3A_321, %swap3A_322], %select_n3A_315 {strides = array<i32>} : memref<64x16xf32, #tpu.memory_space<vmem>>, vector<16xf32>,
    %swap3A_324 = arith.constant 63 : i32
    %swap3A_325 = arith.index_cast %swap3A_324 : i32 to index
    %swap3A_326 = arith.constant 0 : index
    %swap3A_327 = tpu.vector_load %arg11[%swap3A_325, %swap3A_326] {strides = array<i32>} : memref<64x16xf32, #tpu.memory_space<vmem>>, vector<16xf32>,
    tpu.vector_store %arg11[%swap3A_325, %swap3A_326], %select_n3A_320 {strides = array<i32>} : memref<64x16xf32, #tpu.memory_space<vmem>>, vector<16xf32>,
    %mul3A_328 = arith.constant 256 : i32
    %mul3A_329 = arith.muli %add3A, %mul3A_328 : i32
    %add3A_330 = arith.constant 252 : i32
    %add3A_331 = arith.addi %mul3A_329, %add3A_330 : i32
    %dma_start3A_332 = arith.constant 0 : i32
    %dma_start3A_333 = tpu.memref_slice %arg5[%add3A_331, %dma_start3A_332] : memref<8192x8192xf32, #tpu.memory_space<hbm>> -> memref<4x8192xf32, #tpu.memory_space<hbm>>
    %dma_start3A_334 = arith.constant 0 : i32
    %dma_start3A_335 = tpu.memref_slice %arg5[%add3A_331, %dma_start3A_334] : memref<8192x8192xf32, #tpu.memory_space<hbm>> -> memref<4x8192xf32, #tpu.memory_space<hbm>>
    tpu.enqueue_dma source(%arg12 : memref<4x8192xf32, #tpu.memory_space<vmem>>) target(%dma_start3A_335 : memref<4x8192xf32, #tpu.memory_space<hbm>>) target_semaphore(%arg18 : memref<!tpu.dma_semaphore, #tpu.memory_space<semaphore_mem>>)
    %dma_wait3A_336 = arith.constant 0 : i32
    %dma_wait3A_337 = arith.constant 0 : i32
    %dma_wait3A_338 = tpu.memref_slice %arg5[%dma_wait3A_336, %dma_wait3A_337] : memref<8192x8192xf32, #tpu.memory_space<hbm>> -> memref<4x8192xf32, #tpu.memory_space<hbm>>
    %dma_wait3A_339 = arith.constant 0 : i32
    %dma_wait3A_340 = arith.constant 0 : i32
    %dma_wait3A_341 = tpu.memref_slice %arg5[%dma_wait3A_339, %dma_wait3A_340] : memref<8192x8192xf32, #tpu.memory_space<hbm>> -> memref<4x8192xf32, #tpu.memory_space<hbm>>
    tpu.wait_dma2 semaphore(%arg18 : memref<!tpu.dma_semaphore, #tpu.memory_space<semaphore_mem>>) src(%arg12 : memref<4x8192xf32, #tpu.memory_space<vmem>>) dst(%dma_wait3A_341 : memref<4x8192xf32, #tpu.memory_space<hbm>>)
    %dma_wait3A_342 = arith.constant 0 : i32
    %dma_wait3A_343 = arith.constant 0 : i32
    %dma_wait3A_344 = tpu.memref_slice %arg5[%dma_wait3A_342, %dma_wait3A_343] : memref<8192x8192xf32, #tpu.memory_space<hbm>> -> memref<4x8192xf32, #tpu.memory_space<hbm>>
    %dma_wait3A_345 = arith.constant 0 : i32
    %dma_wait3A_346 = arith.constant 0 : i32
    %dma_wait3A_347 = tpu.memref_slice %arg5[%dma_wait3A_345, %dma_wait3A_346] : memref<8192x8192xf32, #tpu.memory_space<hbm>> -> memref<4x8192xf32, #tpu.memory_space<hbm>>
    tpu.wait_dma2 semaphore(%arg19 : memref<!tpu.dma_semaphore, #tpu.memory_space<semaphore_mem>>) src(%arg13 : memref<4x8192xf32, #tpu.memory_space<vmem>>) dst(%dma_wait3A_347 : memref<4x8192xf32, #tpu.memory_space<hbm>>)
    %dma_wait3A_348 = arith.constant 0 : i32
    %dma_wait3A_349 = arith.constant 0 : i32
    %dma_wait3A_350 = tpu.memref_slice %arg5[%dma_wait3A_348, %dma_wait3A_349] : memref<8192x8192xf32, #tpu.memory_space<hbm>> -> memref<4x8192xf32, #tpu.memory_space<hbm>>
    %dma_wait3A_351 = arith.constant 0 : i32
    %dma_wait3A_352 = arith.constant 0 : i32
    %dma_wait3A_353 = tpu.memref_slice %arg5[%dma_wait3A_351, %dma_wait3A_352] : memref<8192x8192xf32, #tpu.memory_space<hbm>> -> memref<4x8192xf32, #tpu.memory_space<hbm>>
    tpu.wait_dma2 semaphore(%arg20 : memref<!tpu.dma_semaphore, #tpu.memory_space<semaphore_mem>>) src(%arg14 : memref<4x8192xf32, #tpu.memory_space<vmem>>) dst(%dma_wait3A_353 : memref<4x8192xf32, #tpu.memory_space<hbm>>)
    "tpu.region"() ({
      %run_scoped3A = tpu.sem_alloc : memref<!tpu.dma_semaphore, #tpu.memory_space<semaphore_mem>>
      %dma_start3A_354 = arith.constant 0 : i32
      %dma_start3A_355 = arith.constant 0 : i32
      %dma_start3A_356 = tpu.memref_slice %arg6[%add3A, %dma_start3A_354, %dma_start3A_355] : memref<32x64x16xf32, #tpu.memory_space<hbm>> -> memref<1x64x16xf32, #tpu.memory_space<hbm>>
      %dma_start3A_357 = tpu.memref_squeeze %dma_start3A_356 : memref<1x64x16xf32, #tpu.memory_space<hbm>> -> memref<64x16xf32, #tpu.memory_space<hbm>>
      %dma_start3A_358 = arith.constant 0 : i32
      %dma_start3A_359 = arith.constant 0 : i32
      %dma_start3A_360 = tpu.memref_slice %arg6[%add3A, %dma_start3A_358, %dma_start3A_359] : memref<32x64x16xf32, #tpu.memory_space<hbm>> -> memref<1x64x16xf32, #tpu.memory_space<hbm>>
      %dma_start3A_361 = tpu.memref_squeeze %dma_start3A_360 : memref<1x64x16xf32, #tpu.memory_space<hbm>> -> memref<64x16xf32, #tpu.memory_space<hbm>>
      tpu.enqueue_dma source(%arg10 : memref<64x16xf32, #tpu.memory_space<vmem>>) target(%dma_start3A_361 : memref<64x16xf32, #tpu.memory_space<hbm>>) target_semaphore(%run_scoped3A : memref<!tpu.dma_semaphore, #tpu.memory_space<semaphore_mem>>)
      %dma_wait3A_362 = arith.constant 0 : i32
      %dma_wait3A_363 = arith.constant 0 : i32
      %dma_wait3A_364 = tpu.memref_slice %arg6[%add3A, %dma_wait3A_362, %dma_wait3A_363] : memref<32x64x16xf32, #tpu.memory_space<hbm>> -> memref<1x64x16xf32, #tpu.memory_space<hbm>>
      %dma_wait3A_365 = tpu.memref_squeeze %dma_wait3A_364 : memref<1x64x16xf32, #tpu.memory_space<hbm>> -> memref<64x16xf32, #tpu.memory_space<hbm>>
      %dma_wait3A_366 = arith.constant 0 : i32
      %dma_wait3A_367 = arith.constant 0 : i32
      %dma_wait3A_368 = tpu.memref_slice %arg6[%add3A, %dma_wait3A_366, %dma_wait3A_367] : memref<32x64x16xf32, #tpu.memory_space<hbm>> -> memref<1x64x16xf32, #tpu.memory_space<hbm>>
      %dma_wait3A_369 = tpu.memref_squeeze %dma_wait3A_368 : memref<1x64x16xf32, #tpu.memory_space<hbm>> -> memref<64x16xf32, #tpu.memory_space<hbm>>
      tpu.wait_dma2 semaphore(%run_scoped3A : memref<!tpu.dma_semaphore, #tpu.memory_space<semaphore_mem>>) src(%arg10 : memref<64x16xf32, #tpu.memory_space<vmem>>) dst(%dma_wait3A_369 : memref<64x16xf32, #tpu.memory_space<hbm>>)
      tpu.yield
    }) : () -> ()
    "tpu.region"() ({
      %run_scoped3A = tpu.sem_alloc : memref<!tpu.dma_semaphore, #tpu.memory_space<semaphore_mem>>
      %dma_start3A_354 = arith.constant 0 : i32
      %dma_start3A_355 = arith.constant 0 : i32
      %dma_start3A_356 = tpu.memref_slice %arg7[%add3A, %dma_start3A_354, %dma_start3A_355] : memref<32x64x16xf32, #tpu.memory_space<hbm>> -> memref<1x64x16xf32, #tpu.memory_space<hbm>>
      %dma_start3A_357 = tpu.memref_squeeze %dma_start3A_356 : memref<1x64x16xf32, #tpu.memory_space<hbm>> -> memref<64x16xf32, #tpu.memory_space<hbm>>
      %dma_start3A_358 = arith.constant 0 : i32
      %dma_start3A_359 = arith.constant 0 : i32
      %dma_start3A_360 = tpu.memref_slice %arg7[%add3A, %dma_start3A_358, %dma_start3A_359] : memref<32x64x16xf32, #tpu.memory_space<hbm>> -> memref<1x64x16xf32, #tpu.memory_space<hbm>>
      %dma_start3A_361 = tpu.memref_squeeze %dma_start3A_360 : memref<1x64x16xf32, #tpu.memory_space<hbm>> -> memref<64x16xf32, #tpu.memory_space<hbm>>
      tpu.enqueue_dma source(%arg11 : memref<64x16xf32, #tpu.memory_space<vmem>>) target(%dma_start3A_361 : memref<64x16xf32, #tpu.memory_space<hbm>>) target_semaphore(%run_scoped3A : memref<!tpu.dma_semaphore, #tpu.memory_space<semaphore_mem>>)
      %dma_wait3A_362 = arith.constant 0 : i32
      %dma_wait3A_363 = arith.constant 0 : i32
      %dma_wait3A_364 = tpu.memref_slice %arg7[%add3A, %dma_wait3A_362, %dma_wait3A_363] : memref<32x64x16xf32, #tpu.memory_space<hbm>> -> memref<1x64x16xf32, #tpu.memory_space<hbm>>
      %dma_wait3A_365 = tpu.memref_squeeze %dma_wait3A_364 : memref<1x64x16xf32, #tpu.memory_space<hbm>> -> memref<64x16xf32, #tpu.memory_space<hbm>>
      %dma_wait3A_366 = arith.constant 0 : i32
      %dma_wait3A_367 = arith.constant 0 : i32
      %dma_wait3A_368 = tpu.memref_slice %arg7[%add3A, %dma_wait3A_366, %dma_wait3A_367] : memref<32x64x16xf32, #tpu.memory_space<hbm>> -> memref<1x64x16xf32, #tpu.memory_space<hbm>>
      %dma_wait3A_369 = tpu.memref_squeeze %dma_wait3A_368 : memref<1x64x16xf32, #tpu.memory_space<hbm>> -> memref<64x16xf32, #tpu.memory_space<hbm>>
      tpu.wait_dma2 semaphore(%run_scoped3A : memref<!tpu.dma_semaphore, #tpu.memory_space<semaphore_mem>>) src(%arg11 : memref<64x16xf32, #tpu.memory_space<vmem>>) dst(%dma_wait3A_369 : memref<64x16xf32, #tpu.memory_space<hbm>>)
      tpu.yield
    }) : () -> ()
    return
  }
}

module attributes {stable_mosaic.version = 14 : i64} {
  func.func @_loss_body(%arg0: memref<32x1024xf32, #tpu.memory_space<vmem>>, %arg1: memref<32x1024xf32, #tpu.memory_space<vmem>>, %arg2: memref<1x1xf32, #tpu.memory_space<smem>>) attributes {dimension_semantics = [], scalar_prefetch = 0 : i64, scratch_operands = 0 : i64, tpu.core_type = #tpu.core_type<tc>} {
    %get3A = arith.constant 0 : index
    %get3A_0 = arith.constant 0 : index
    %get3A_1 = vector.load %arg0[%get3A, %get3A_0] : memref<32x1024xf32, #tpu.memory_space<vmem>>, vector<32x1024xf32>
    %log3A = math.log %get3A_1 : vector<32x1024xf32>
    %reduce_sum3A = vector.shape_cast %log3A : vector<32x1024xf32> to vector<1x32x1024xf32>
    %reduce_sum3A_2 = arith.constant dense<0.000000e+00> : vector<1xf32>
    %reduce_sum3A_3 = vector.multi_reduction <add>, %reduce_sum3A, %reduce_sum3A_2 [1, 2] : vector<1x32x1024xf32> to vector<1xf32>
    %reduce_sum3A_4 = vector.shape_cast %reduce_sum3A_3 : vector<1xf32> to vector<1x1x1xf32>
    %reduce_sum3A_5 = vector.extract %reduce_sum3A_4[0, 0, 0] : f32 from vector<1x1x1xf32>
    %get3A_6 = arith.constant 0 : index
    %get3A_7 = arith.constant 0 : index
    %get3A_8 = vector.load %arg1[%get3A_6, %get3A_7] : memref<32x1024xf32, #tpu.memory_space<vmem>>, vector<32x1024xf32>
    %reduce_sum3A_9 = vector.shape_cast %get3A_8 : vector<32x1024xf32> to vector<1x32x1024xf32>
    %reduce_sum3A_10 = arith.constant dense<0.000000e+00> : vector<1xf32>
    %reduce_sum3A_11 = vector.multi_reduction <add>, %reduce_sum3A_9, %reduce_sum3A_10 [1, 2] : vector<1x32x1024xf32> to vector<1xf32>
    %reduce_sum3A_12 = vector.shape_cast %reduce_sum3A_11 : vector<1xf32> to vector<1x1x1xf32>
    %reduce_sum3A_13 = vector.extract %reduce_sum3A_12[0, 0, 0] : f32 from vector<1x1x1xf32>
    %sub3A = arith.subf %reduce_sum3A_5, %reduce_sum3A_13 : f32
    %div3A = arith.constant 8.192000e+03 : f32
    %div3A_14 = arith.divf %sub3A, %div3A : f32
    %swap3A = arith.constant 0 : index
    %swap3A_15 = arith.constant 0 : index
    %swap3A_16 = memref.load %arg2[%swap3A, %swap3A_15] : memref<1x1xf32, #tpu.memory_space<smem>>
    memref.store %div3A_14, %arg2[%swap3A, %swap3A_15] : memref<1x1xf32, #tpu.memory_space<smem>>
    return
  }
}

</mosaic_0001>

<sc_bundles>
// kernel: kernel.4.cloned.1.call-start
scs
__scs_entry_jumppad:
0x0: {  	(pc) =	sbr.rel $0x88, $3  }
0x1: {  	(tag) =	ssettag $0x0;
	lr =	simm.s32 $0x1  }
0x2: {  	[smem:$0x3F9E] =	sst lr;
	_ =	strace $0xD0000000  }
0x3: {  	_ = 	snop  }
0x4: {  	_ = 	snop  }
0x5: {  	_ = 	snop  }
0x6: {  	_ = 	snop  }
0x7: {  	_ = 	snop  }
__scs_overlays_trampoline_lowered:
0x8: {  	[smem:$0x3FAD] =	sst s0  }
0x9: {  	[smem:$0x3FAE] =	sst s1  }
0xa: {  	[smem:$0x3FAF] =	sst s2  }
0xb: {  	[smem:$0x3FB0] =	sst s3  }
0xc: {  	[smem:$0x3FB1] =	sst s4  }
0xd: {  	[smem:$0x3FB2] =	sst s5  }
0xe: {  	[smem:$0x3FB3] =	sst s6  }
0xf: {  	[smem:$0x3FB4] =	sst s7  }
0x10: {  	[smem:$0x3FB5] =	sst s8  }
0x11: {  	[smem:$0x3FB6] =	sst s9;
	s0 =	simm.s32 @!p0 $0x0  }
0x12: {  	s1 =	sld [smem:$0x3F9C];
	s0 =	simm.s32 @p0 $0x1  }
0x13: {  	[smem:$0x3FB7] =	sst s0;
	s0 =	simm.s32 @!p1 $0x0  }
0x14: {  	s2 =	sld [smem:$0x3F9B];
	s0 =	simm.s32 @p1 $0x1  }
0x15: {  	[smem:$0x3FB8] =	sst s0;
	s0 =	simm.s32 @!p2 $0x0  }
0x16: {  	s3 =	sld [smem:$0x3FDB];
	s0 =	simm.s32 @p2 $0x1  }
0x17: {  	s4 =	simm.s32 $0x1BF5;
	[smem:$0x3FBA] =	sst s0  }
0x18: {  	s0 =	sld [smem:$0x3F9D];
	_ =	swait.ge [sflag:s4], $0x0  }
0x19: {  	s7 =	sld [smem:$0x3F9E]  }
0x1a: {  	s8 =	sadd.s32 $0xFFFFE003, lr  }
0x1b: {  	s9 =	sadd.s32 $0xFFFFFEF7, lr;
	s5 =	simm.s32 $0xFFFFFFFF;
	p2 =	slt.u32 s8, $0xFFFFF086  }
0x1c: {  	p1 =	slt.u32 s9, $0xF7A;
	s5 =	simm.s32 @!p2 $0x0  }
0x1d: {  	s5 =	simm.s32 @p1 $0x1;
	p0 =	seq.s32 s7, s2  }
0x1e: {  	s7 =	smul.u32 @!p0 $0xF7A, s2;
	p2 =	seq.s32 @!p0 s5, $0x0  }
0x1f: {  	s9 =	smul.u32 $0xF7A, s1;
	s8 =	simm.s32 @!p0 $0x1BF5;
	p2 =	por !p2, p0  }
0x20: {  	[sflag:s8] =	ssyncset.s32 @!p0 $0xFFFFF086;
	s6 =	sadd.s32 @!p0 s3, s7;
	s7 =	simm.s32 @!p0 $0x108  }
0x21: {  	s3 =	sadd.s32 s3, s9;
	s6 =	sadd.s32 @!p0 $0x88, s6;
	s7 =	simm.s32 @p2 $0x1082  }
0x22: {  	[simem:s7], [sflag:s8] =	dma.local @!p0 [hbm:s6], $0xF7A  }
0x23: {  	s9 =	sor.u32 $0xD0000000, s2;
	s6 =	simm.s32 $0x108;
	_ =	swait.ge @!p0 [sflag:s8], $0x0  }
0x24: {  	s3 =	sadd.s32 $0x88, s3;
	s6 =	simm.s32 @!p1 $0x1082;
	[sflag:s4] =	ssyncset.s32 $0xFFFFF086  }
0x25: {  	[simem:s6], [sflag:s4] =	dma.local [hbm:s3], $0xF7A  }
0x26: {  	[smem:$0x3F9E] =	sst s1;
	(tag) =	ssettag s2;
	_ =	strace s9  }
0x27: {  	s1 =	sld [smem:$0x3FAE]  }
0x28: {  	s2 =	sld [smem:$0x3FAF]  }
0x29: {  	s4 =	sld [smem:$0x3FB1]  }
0x2a: {  	p0 =	seq.s32 s5, $0x0;
	s5 =	sld [smem:$0x3FB2]  }
0x2b: {  	s6 =	sld [smem:$0x3FB3]  }
0x2c: {  	s7 =	sld [smem:$0x3FB4]  }
0x2d: {  	s3 =	simm.s32 $0x108;
	s8 =	sld [smem:$0x3FB5]  }
0x2e: {  	s3 =	simm.s32 @!p0 $0x1082;
	s9 =	sld [smem:$0x3FB6]  }
0x2f: {  	lr =	sadd.s32 s0, s3;
	s0 =	sld [smem:$0x3FAD]  }
0x30: {  	s3 =	sld [smem:$0x3FB0]  }
0x31: {  	[smem:$0x3FB9] =	sst s10  }
0x32: {  	s10 =	sld [smem:$0x3FB7];
	_ =	sdelay $0x3  }
0x33: {  	p0 =	seq.s32 s10, $0x1;
	s10 =	sld [smem:$0x3FB9];
	_ =	sdelay $0x3  }
0x34: {  	[smem:$0x3FB9] =	sst s10  }
0x35: {  	s10 =	sld [smem:$0x3FB8];
	_ =	sdelay $0x3  }
0x36: {  	p1 =	seq.s32 s10, $0x1;
	s10 =	sld [smem:$0x3FB9];
	_ =	sdelay $0x3  }
0x37: {  	[smem:$0x3FB9] =	sst s10  }
0x38: {  	s10 =	sld [smem:$0x3FBA]  }
0x39: {  	_ = 	snop;
	(pc) =	sbr.ind lr, $3  }
0x3a: {  	_ = 	snop  }
0x3b: {  	_ = 	snop  }
0x3c: {  	p2 =	seq.s32 s10, $0x1;
	s10 =	sld [smem:$0x3FB9]  }
0x3d: {  	_ =	shalt  }
0x3e: {  	_ =	shalt  }
0x3f: {  	_ =	shalt  }
0x40: {  	_ =	shalt  }
0x41: {  	_ =	shalt  }
0x42: {  	_ =	shalt  }
0x43: {  	_ =	shalt  }
0x44: {  	_ =	shalt  }
0x45: {  	_ =	shalt  }
0x46: {  	_ =	shalt  }
0x47: {  	_ =	shalt  }
0x48: {  	_ =	shalt  }
0x49: {  	_ =	shalt  }
0x4a: {  	_ =	shalt  }
0x4b: {  	_ =	shalt  }
0x4c: {  	_ =	shalt  }
0x4d: {  	_ =	shalt  }
0x4e: {  	_ =	shalt  }
0x4f: {  	_ =	shalt  }
0x50: {  	_ =	shalt  }
0x51: {  	_ =	shalt  }
0x52: {  	_ =	shalt  }
0x53: {  	_ =	shalt  }
0x54: {  	_ =	shalt  }
0x55: {  	_ =	shalt  }
0x56: {  	_ =	shalt  }
0x57: {  	_ =	shalt  }
0x58: {  	_ =	shalt  }
0x59: {  	_ =	shalt  }
0x5a: {  	_ =	shalt  }
0x5b: {  	_ =	shalt  }
0x5c: {  	_ =	shalt  }
0x5d: {  	_ =	shalt  }
0x5e: {  	_ =	shalt  }
0x5f: {  	_ =	shalt  }
0x60: {  	_ =	shalt  }
0x61: {  	_ =	shalt  }
0x62: {  	_ =	shalt  }
0x63: {  	_ =	shalt  }
0x64: {  	_ =	shalt  }
0x65: {  	_ =	shalt  }
0x66: {  	_ =	shalt  }
0x67: {  	_ =	shalt  }
0x68: {  	_ =	shalt  }
0x69: {  	_ =	shalt  }
0x6a: {  	_ =	shalt  }
0x6b: {  	_ =	shalt  }
0x6c: {  	_ =	shalt  }
0x6d: {  	_ =	shalt  }
0x6e: {  	_ =	shalt  }
0x6f: {  	_ =	shalt  }
0x70: {  	_ =	shalt  }
0x71: {  	_ =	shalt  }
0x72: {  	_ =	shalt  }
0x73: {  	_ =	shalt  }
0x74: {  	_ =	shalt  }
0x75: {  	_ =	shalt  }
0x76: {  	_ =	shalt  }
0x77: {  	_ =	shalt  }
0x78: {  	_ =	shalt  }
0x79: {  	_ =	shalt  }
0x7a: {  	_ =	shalt  }
0x7b: {  	_ =	shalt  }
0x7c: {  	_ =	shalt  }
0x7d: {  	_ =	shalt  }
0x7e: {  	_ =	shalt  }
0x7f: {  	_ =	shalt  }
0x80: {  	_ =	shalt  }
0x81: {  	_ =	shalt  }
0x82: {  	_ =	shalt  }
0x83: {  	_ =	shalt  }
0x84: {  	_ =	shalt  }
0x85: {  	_ =	shalt  }
0x86: {  	_ =	shalt  }
0x87: {  	_ =	shalt  }
.Lfunc_end0:
.L_simem_size_0:
called_computation_lowered:
.L_overlay_start_0:
0x88: {  	s2 =	sld [smem:$0x3FD9]  }
0x89: {  	s3 =	sld [smem:$0x3FFE];
	_ =	sdelay $0x1  }
0x8a: {  	s1 =	srdreg.scid  }
0x8b: {  	s0 =	sand.u32 $0x1, s1  }
0x8c: {  	s14 =	sshll.u32 s0, $0xA;
	s2 =	sadd.s32 s3, s2  }
0x8d: {  	s2 =	sadd.s32 s2, s14  }
0x8e: {  	[smem:$0x3FC5] =	sst s2  }
0x8f: {  	_ = 	snop  }
0x90: {  	s2 =	sld [smem:$0x3FD0];
	_ =	sdelay $0x2  }
0x91: {  	s4 =	simm.s32 $0xA;
	s5 =	simm.s32 $0x10;
	s15 =	sld [smem:$0x3FC7]  }
0x92: {  	[smem:s5], [sflag:s4] =	dma.local [hbm:s2], $0x1  }
0x93: {  	_ =	swait.eq [sflag:s4], $0x1  }
0x94: {  	[sflag:s4] =	ssyncset.done $0x0  }
0x95: {  	[sflag:s4] =	ssyncadd.s32 $0xFFFFFFFF  }
0x96: {  	s16 =	sld [smem:$0x10];
	(tm) =	ssettm $0x1  }
0x97: {  	s17 =	sld [smem:$0x3FFB];
	_ =	sdelay $0x3  }
0x98: {  	_ =	strace s17  }
0x99: {  	s4 =	sld [smem:$0x3FFC];
	_ =	sdelay $0x3  }
0x9a: {  	_ =	strace s4  }
0x9b: {  	s4 =	sld [smem:$0x3FFD];
	_ =	sdelay $0x3  }
0x9c: {  	_ =	strace s4  }
0x9d: {  	_ =	strace $0x8FFFFFFF  }
0x9e: {  	s18 =	sld [smem:$0x3FDB];
	_ =	sdelay $0x1  }
0x9f: {  	s19 =	simm.s32 $_scs_section_size  }
0xa0: {  	s6 =	simm.s32 $_size__tile_overlayer_lowered;
	s7 =	simm.s32 $_tile_overlayer_lowered  }
0xa1: {  	s22 =	simm.s32 $0x1BFF;
	s21 =	sshll.u32 s7, $0x1;
	s4 =	sadd.s32 s19, s18  }
0xa2: {  	s8 =	simm.s32 $0x0;
	s20 =	sshll.u32 s6, $0x1;
	s6 =	sadd.s32 s21, s4  }
0xa3: {  	[timem:s8], [sflag:s22] =	dma.local [hbm:s6], s20  }
0xa4: {  	_ =	swait.ge [sflag:s22], s20  }
0xa5: {  	s5 =	ssub.s32 $0x0, s20;
	[sflag:s22] =	ssyncset.done $0x0  }
0xa6: {  	[sflag:s22] =	ssyncadd.s32 s5;
	_ =	sdelay $0x1  }
0xa7: {  	s23 =	simm.s32 $0x1B8B  }
0xa8: {  	_ =	swait.ge [sflag:s23], $0x1  }
0xa9: {  	[sflag:s23] =	ssyncset.done $0x0  }
0xaa: {  	s25 =	simm.s32 $0x1B8E;
	s24 =	sld [smem:$0x3FFE];
	[sflag:s23] =	ssyncadd.s32 $0xFFFFFFFF  }
0xab: {  	s26 =	simm.s32 $execute0_lowered;
	[smem:$0x3FD2] =	sst s25  }
0xac: {  	s6 =	sshll.u32 s26, $0x1;
	_ =	strace $0x80000046;
	[dreg:$0x1] =	wrdreg $0xFFFFFFFF  }
0xad: {  	s28 =	simm.s32 $_size_execute0_lowered;
	s4 =	sadd.s32 s4, s6;
	[dreg:$0x0] =	wrdreg $0x0  }
0xae: {  	s6 =	sshll.u32 s28, $0x1;
	[dreg:$0x2] =	wrdreg s4  }
0xaf: {  	[dreg:$0x3] =	wrdreg s6  }
0xb0: {  	[dreg:$0x4] =	wrdreg $0xC0  }
0xb1: {  	_ =	task [dreg:s8], $0x5FFFF  }
0xb2: {  	[dreg:$0x1] =	wrdreg $0xFFFFFFFF  }
0xb3: {  	[dreg:$0x0] =	wrdreg $0x60  }
0xb4: {  	[dreg:$0x2] =	wrdreg s24  }
0xb5: {  	[dreg:$0x3] =	wrdreg s15  }
0xb6: {  	[dreg:$0x4] =	wrdreg s16  }
0xb7: {  	[dreg:$0x5] =	wrdreg $0x9  }
0xb8: {  	_ =	task.clear_ibuf [dreg:s8], $0x6FFFF;
	_ =	strace $0x90000046  }
0xb9: {  	s29 =	simm.s32 $0x9;
	_ =	strace $0x80000048  }
0xba: {  	_ =	swait.ge [sflag:s29], $0x1  }
0xbb: {  	[sflag:s29] =	ssyncadd.s32 $0xFFFFFFFF  }
0xbc: {  	_ =	strace $0x90000048  }
0xbd: {  	_ =	sfence  }
0xbe: {  	s30 =	sld [smem:$0x0];
	_ =	sdelay $0x2  }
0xbf: {  	s31 =	sshll.u32 s1, $0xD;
	s1 =	sshrl.u32 s1, $0x2  }
0xc0: {  	s3 =	sand.u32 $0x4000, s31;
	s1 =	sadd.s32 s1, s30  }
0xc1: {  	s0 =	sor.u32 s3, s0;
	s1 =	sshll.u32 s1, $0x11  }
0xc2: {  	s0 =	sor.u32 s1, s0  }
0xc3: {  	s0 =	sadd.s32 $0x8F2B, s0  }
0xc4: {  	[sflag:s0] =	ssyncadd.remote.s32 $0x1  }
0xc5: {  	_ =	sfence.sel $0xFFFF  }
0xc6: {  	[dreg:$0x0] =	wrdreg $0xFFFFFFFF;
	(pc) =	sbr.abs _section_cstart, $3  }
0xc7: {  	[dreg:$0x1] =	wrdreg $0xFFFFFFFF  }
0xc8: {  	_ =	task.clear_ibuf [dreg:s8], $0x2FFFF;
	_ =	strace $0x9FFFFFFF  }
0xc9: {  	(tm) =	ssettm $0x7FFFFFFF  }
tec
execute0_lowered:
.L_overlay_start_1:
0x0: {  	(tag) =	ssettag $0x1  }
0x1: {  	s0 =	rddreg [dreg:$0x0]  }
0x2: {  	s6 =	rddreg [dreg:$0x1];
	s1 =	srdreg.scid  }
0x3: {  	s22 =	rddreg [dreg:$0x2];
	s3 =	stileid.u32;
	s4 =	simm.s32 $0x0  }
0x4: {  	s23 =	simm.s32 $0x8000;
	s30 =	simm.s32 $0x10000;
	s28 =	simm.s32 $0x4  }
0x5: {  	s1 =	sand.u32 $0x1, s1;
	[smem:$0x7FF] =	sst s4;
	s7 =	sadd.s32 $0x200, s6  }
0x6: {  	s8 =	sadd.s32 $0x400, s6;
	s9 =	sadd.s32 $0x600, s6;
	s10 =	sadd.s32 $0x800, s6  }
0x7: {  	s11 =	sadd.s32 $0xA00, s6;
	s12 =	sadd.s32 $0xC00, s6;
	s13 =	sadd.s32 $0xE00, s6  }
0x8: {  	s14 =	sadd.s32 $0x1000, s6;
	s2 =	sshll.u32 s1, $0x4;
	s1 =	ssub.s32 $0x2, s1  }
0x9: {  	s15 =	sadd.s32 $0x1200, s6;
	s2 =	sor.u32 s3, s2;
	s5 =	sshrl.u32 s1, $0x1  }
0xa: {  	s16 =	sadd.s32 $0x1400, s6;
	s3 =	sshll.u32 s2, $0xA;
	s1 =	ssub.s32 s1, s5  }
0xb: {  	_ =	strace $0x80000047;
	s0 =	sadd.s32 s3, s0;
	s31 =	smax.u32 s1, $0x1  }
0xc: {  	s19 =	sshll.u32 s2, $0x12;
	s3 =	sadd.s32 $0x800, s0;
	[dreg:$0x9] =	wrdreg s31  }
0xd: {  	s2 =	sadd.s32 s19, s22;
	s26 =	sadd.s32 $0x8800, s0;
	[dreg:$0x4] =	wrdreg s3  }
0xe: {  	s17 =	sadd.s32 $0x1600, s6;
	s2 =	sadd.s32 $0x3E040, s2;
	[dreg:$0x5] =	wrdreg s26  }
0xf: {  	s18 =	sadd.s32 $0x1800, s6;
	s29 =	sadd.s32 $0x10800, s0;
	[dreg:$0x6] =	wrdreg s2  }
0x10: {  	v0 =	vlaneseq.u32;
	vm0 =	vmmov $0xffff;
	vm1 =	vmmov $0x1;
	s20 =	sadd.s32 $0x1A00, s6;
	s0 =	sadd.s32 $0x18800, s0;
	[dreg:$0x7] =	wrdreg s29  }
0x11: {  	vm2 =	vcmask $0x310;
	vm3 =	vcmask $0x710;
	s21 =	sadd.s32 $0x1C00, s6;
	v2 =	vshrl.u32 v0, $0x2;
	s1 =	simm.s32 $0x7;
	[dreg:$0x8] =	wrdreg s0  }
0x12: {  	vm4 =	vcmask $0xB10;
	v1 =	vand.u32 $0x3, v0;
	v2 =	vmul.u32 $0x8, v2;
	s26 =	sadd.s32 $0x1E00, s6;
	s6 =	simm.s32 $0x1;
	s2 =	simm.s32 $0x0  }
.LBB2_1:
0x13: {  	[dreg:$0xa] =	wrdreg s2  }
0x14: {  	s0 =	rddreg [dreg:$0x4]  }
0x15: {  	[tilespmem:s4], [sflag:$0x7] =	stream.linear.gather [hbm4b:s0+s4], $0x2000, $0x38;
	v63 =	vld [tilespmem:$0x0]  }
0x16: {  	_ =	swait.ge [sflag:s1], $0x2000  }
0x17: {  	[sflag:s1] =	ssyncset.done $0x0  }
0x18: {  	s31 =	simm.s32 $0x2000;
	s29 =	rddreg [dreg:$0x5];
	[sflag:s1] =	ssyncadd.s32 $0xFFFFE000  }
0x19: {  	[tilespmem:s31], [sflag:$0x7] =	stream.linear.gather [hbm4b:s29+s4], $0x2000, $0x38;
	v63 =	vld [tilespmem:$0x0]  }
0x1a: {  	_ =	swait.ge [sflag:s1], $0x2000  }
0x1b: {  	[sflag:s1] =	ssyncset.done $0x0  }
0x1c: {  	[sflag:s1] =	ssyncadd.s32 $0xFFFFE000  }
0x1d: {  	v3 =	vld.msk [tilespmem:$0x0], $0xf;
	_ =	sdelay $0x4  }
0x1e: {  	v4 =	vshll.u32 v3, $0x6  }
0x1f: {  	v3 =	vand.u32 $0x7, v3;
	v4 =	vand.u32 $0xFFFFFE00, v4  }
0x20: {  	v3 =	vor.u32 v3, v4  }
0x21: {  	v3 =	vperm.xlane v3, v1;
	_ =	sdelay $0x1  }
0x22: {  	v3 =	vadd.s32 v2, v3;
	_ =	sdelay $0x3  }
0x23: {  	s3 =	rddreg [dreg:$0x1]  }
0x24: {  	[tilespmem:s23], [sflag:$0x1] =	stream.indirect_vreg.gather [hbm4b:s3+s4], $0x80, v3, vm0, $0xb8;
	v63 =	vld [tilespmem:$0x0]  }
0x25: {  	s5 =	simm.s32 $0x8800  }
0x26: {  	[tilespmem:s5], [sflag:$0x1] =	stream.indirect_vreg.gather [hbm4b:s7+s4], $0x80, v3, vm0, $0xb8;
	v63 =	vld [tilespmem:$0x0]  }
0x27: {  	s22 =	simm.s32 $0x9000  }
0x28: {  	[tilespmem:s22], [sflag:$0x1] =	stream.indirect_vreg.gather [hbm4b:s8+s4], $0x80, v3, vm0, $0xb8;
	v63 =	vld [tilespmem:$0x0]  }
0x29: {  	s24 =	simm.s32 $0x9800  }
0x2a: {  	[tilespmem:s24], [sflag:$0x1] =	stream.indirect_vreg.gather [hbm4b:s9+s4], $0x80, v3, vm0, $0xb8;
	v63 =	vld [tilespmem:$0x0]  }
0x2b: {  	s25 =	simm.s32 $0xA000  }
0x2c: {  	[tilespmem:s25], [sflag:$0x1] =	stream.indirect_vreg.gather [hbm4b:s10+s4], $0x80, v3, vm0, $0xb8;
	v63 =	vld [tilespmem:$0x0]  }
0x2d: {  	s29 =	simm.s32 $0xA800  }
0x2e: {  	[tilespmem:s29], [sflag:$0x1] =	stream.indirect_vreg.gather [hbm4b:s11+s4], $0x80, v3, vm0, $0xb8;
	v63 =	vld [tilespmem:$0x0]  }
0x2f: {  	s31 =	simm.s32 $0xB000  }
0x30: {  	[tilespmem:s31], [sflag:$0x1] =	stream.indirect_vreg.gather [hbm4b:s12+s4], $0x80, v3, vm0, $0xb8;
	v63 =	vld [tilespmem:$0x0]  }
0x31: {  	s1 =	simm.s32 $0xB800  }
0x32: {  	[tilespmem:s1], [sflag:$0x1] =	stream.indirect_vreg.gather [hbm4b:s13+s4], $0x80, v3, vm0, $0xb8;
	v63 =	vld [tilespmem:$0x0]  }
0x33: {  	s2 =	simm.s32 $0xC000  }
0x34: {  	[tilespmem:s2], [sflag:$0x1] =	stream.indirect_vreg.gather [hbm4b:s14+s4], $0x80, v3, vm0, $0xb8;
	v63 =	vld [tilespmem:$0x0]  }
0x35: {  	s3 =	simm.s32 $0xC800  }
0x36: {  	[tilespmem:s3], [sflag:$0x1] =	stream.indirect_vreg.gather [hbm4b:s15+s4], $0x80, v3, vm0, $0xb8;
	v63 =	vld [tilespmem:$0x0]  }
0x37: {  	s5 =	simm.s32 $0xD000  }
0x38: {  	[tilespmem:s5], [sflag:$0x1] =	stream.indirect_vreg.gather [hbm4b:s16+s4], $0x80, v3, vm0, $0xb8;
	v63 =	vld [tilespmem:$0x0]  }
0x39: {  	s22 =	simm.s32 $0xD800  }
0x3a: {  	[tilespmem:s22], [sflag:$0x1] =	stream.indirect_vreg.gather [hbm4b:s17+s4], $0x80, v3, vm0, $0xb8;
	v63 =	vld [tilespmem:$0x0]  }
0x3b: {  	s24 =	simm.s32 $0xE000  }
0x3c: {  	[tilespmem:s24], [sflag:$0x1] =	stream.indirect_vreg.gather [hbm4b:s18+s4], $0x80, v3, vm0, $0xb8;
	v63 =	vld [tilespmem:$0x0]  }
0x3d: {  	s25 =	simm.s32 $0xE800  }
0x3e: {  	[tilespmem:s25], [sflag:$0x1] =	stream.indirect_vreg.gather [hbm4b:s20+s4], $0x80, v3, vm0, $0xb8;
	v63 =	vld [tilespmem:$0x0]  }
0x3f: {  	s29 =	simm.s32 $0xF000  }
0x40: {  	[tilespmem:s29], [sflag:$0x1] =	stream.indirect_vreg.gather [hbm4b:s21+s4], $0x80, v3, vm0, $0xb8;
	v63 =	vld [tilespmem:$0x0]  }
0x41: {  	s0 =	simm.s32 $0x0;
	s31 =	simm.s32 $0xF800  }
0x42: {  	[tilespmem:s31], [sflag:$0x1] =	stream.indirect_vreg.gather [hbm4b:s26+s4], $0x80, v3, vm0, $0xb8;
	v63 =	vld [tilespmem:$0x0]  }
.LBB2_2:
0x43: {  	s5 =	smul.u32 $0x3, s0;
	p0 =	seq.s32 s0, $0x0  }
0x44: {  	s1 =	simm.s32 @!p0 $0x5  }
0x45: {  	s3 =	sadd.s32 $0x1, s5;
	_ =	swait.ge @!p0 [sflag:s1], $0x8000  }
0x46: {  	[sflag:s1] =	ssyncset.done @!p0 $0x0;
	s29 =	sshll.u32 s3, $0x7  }
0x47: {  	[sflag:s1] =	ssyncadd.s32 @!p0 $0xFFFF8000;
	s31 =	sand.u32 $0x3FFFFF80, s29  }
0x48: {  	v3 =	vld.msk [tilespmem:s31+$0x0], $0xf;
	_ =	sdelay $0x4  }
0x49: {  	v4 =	vshll.u32 v3, $0x6  }
0x4a: {  	v3 =	vand.u32 $0x7, v3;
	v4 =	vand.u32 $0xFFFFFE00, v4  }
0x4b: {  	v3 =	vor.u32 v3, v4  }
0x4c: {  	v3 =	vperm.xlane v3, v1;
	_ =	sdelay $0x1  }
0x4d: {  	v3 =	vadd.s32 v2, v3;
	_ =	sdelay $0x3  }
0x4e: {  	s2 =	rddreg [dreg:$0x1]  }
0x4f: {  	[tilespmem:s30], [sflag:$0x2] =	stream.indirect_vreg.gather [hbm4b:s2+s4], $0x80, v3, vm0, $0xb8;
	v63 =	vld [tilespmem:$0x0]  }
0x50: {  	s22 =	simm.s32 $0x10800  }
0x51: {  	[tilespmem:s22], [sflag:$0x2] =	stream.indirect_vreg.gather [hbm4b:s7+s4], $0x80, v3, vm0, $0xb8;
	v63 =	vld [tilespmem:$0x0]  }
0x52: {  	s24 =	simm.s32 $0x11000  }
0x53: {  	[tilespmem:s24], [sflag:$0x2] =	stream.indirect_vreg.gather [hbm4b:s8+s4], $0x80, v3, vm0, $0xb8;
	v63 =	vld [tilespmem:$0x0]  }
0x54: {  	s25 =	simm.s32 $0x11800  }
0x55: {  	[tilespmem:s25], [sflag:$0x2] =	stream.indirect_vreg.gather [hbm4b:s9+s4], $0x80, v3, vm0, $0xb8;
	v63 =	vld [tilespmem:$0x0]  }
0x56: {  	s30 =	simm.s32 $0x12000  }
0x57: {  	[tilespmem:s30], [sflag:$0x2] =	stream.indirect_vreg.gather [hbm4b:s10+s4], $0x80, v3, vm0, $0xb8;
	v63 =	vld [tilespmem:$0x0]  }
0x58: {  	s31 =	simm.s32 $0x12800  }
0x59: {  	[tilespmem:s31], [sflag:$0x2] =	stream.indirect_vreg.gather [hbm4b:s11+s4], $0x80, v3, vm0, $0xb8;
	v63 =	vld [tilespmem:$0x0]  }
0x5a: {  	s2 =	simm.s32 $0x13000  }
0x5b: {  	[tilespmem:s2], [sflag:$0x2] =	stream.indirect_vreg.gather [hbm4b:s12+s4], $0x80, v3, vm0, $0xb8;
	v63 =	vld [tilespmem:$0x0]  }
0x5c: {  	s22 =	simm.s32 $0x13800  }
0x5d: {  	[tilespmem:s22], [sflag:$0x2] =	stream.indirect_vreg.gather [hbm4b:s13+s4], $0x80, v3, vm0, $0xb8;
	v63 =	vld [tilespmem:$0x0]  }
0x5e: {  	s24 =	simm.s32 $0x14000  }
0x5f: {  	[tilespmem:s24], [sflag:$0x2] =	stream.indirect_vreg.gather [hbm4b:s14+s4], $0x80, v3, vm0, $0xb8;
	v63 =	vld [tilespmem:$0x0]  }
0x60: {  	s25 =	simm.s32 $0x14800  }
0x61: {  	[tilespmem:s25], [sflag:$0x2] =	stream.indirect_vreg.gather [hbm4b:s15+s4], $0x80, v3, vm0, $0xb8;
	v63 =	vld [tilespmem:$0x0]  }
0x62: {  	s30 =	simm.s32 $0x15000  }
0x63: {  	[tilespmem:s30], [sflag:$0x2] =	stream.indirect_vreg.gather [hbm4b:s16+s4], $0x80, v3, vm0, $0xb8;
	v63 =	vld [tilespmem:$0x0]  }
0x64: {  	s31 =	simm.s32 $0x15800  }
0x65: {  	[tilespmem:s31], [sflag:$0x2] =	stream.indirect_vreg.gather [hbm4b:s17+s4], $0x80, v3, vm0, $0xb8;
	v63 =	vld [tilespmem:$0x0]  }
0x66: {  	s2 =	simm.s32 $0x16000  }
0x67: {  	[tilespmem:s2], [sflag:$0x2] =	stream.indirect_vreg.gather [hbm4b:s18+s4], $0x80, v3, vm0, $0xb8;
	v63 =	vld [tilespmem:$0x0]  }
0x68: {  	s22 =	simm.s32 $0x16800  }
0x69: {  	[tilespmem:s22], [sflag:$0x2] =	stream.indirect_vreg.gather [hbm4b:s20+s4], $0x80, v3, vm0, $0xb8;
	v63 =	vld [tilespmem:$0x0]  }
0x6a: {  	s24 =	simm.s32 $0x17000  }
0x6b: {  	[tilespmem:s24], [sflag:$0x2] =	stream.indirect_vreg.gather [hbm4b:s21+s4], $0x80, v3, vm0, $0xb8;
	v63 =	vld [tilespmem:$0x0]  }
0x6c: {  	s25 =	simm.s32 $0x17800  }
0x6d: {  	[tilespmem:s25], [sflag:$0x2] =	stream.indirect_vreg.gather [hbm4b:s26+s4], $0x80, v3, vm0, $0xb8;
	v63 =	vld [tilespmem:$0x0]  }
0x6e: {  	_ =	swait.ge [sflag:s6], $0x8000  }
0x6f: {  	[sflag:s6] =	ssyncset.done $0x0  }
0x70: {  	s30 =	simm.s32 $0x8040;
	[sflag:s6] =	ssyncadd.s32 $0xFFFF8000  }
0x71: {  	v4 =	vld [tilespmem:s30+$0xFFFFFFC0]  }
0x72: {  	v5 =	vld [tilespmem:s30+$0xFFFFFFD0]  }
0x73: {  	v6 =	vld [tilespmem:s30+$0xFFFFFFE0]  }
0x74: {  	v7 =	vld [tilespmem:s30+$0xFFFFFFF0]  }
0x75: {  	v8 =	vld [tilespmem:s30+$0x0]  }
0x76: {  	v9 =	vld [tilespmem:s30+$0x10]  }
0x77: {  	v10 =	vld [tilespmem:s30+$0x20];
	v4 =	vmul.f32 $1.442695020e+00, v4  }
0x78: {  	s31 =	simm.s32 $0x8240;
	v11 =	vld [tilespmem:s30+$0x30];
	v5 =	vmul.f32 $1.442695020e+00, v5;
	v6 =	vmul.f32 $1.442695020e+00, v6  }
0x79: {  	v7 =	vmul.f32 $1.442695020e+00, v7;
	(erf) = vpow2.f32 v4;
	v4 =	vld [tilespmem:s31+$0xFFFFFFC0]  }
0x7a: {  	v8 =	vmul.f32 $1.442695020e+00, v8;
	(erf) = vpow2.f32 v5;
	v5 =	vld [tilespmem:s31+$0xFFFFFFD0]  }
0x7b: {  	v9 =	vmul.f32 $1.442695020e+00, v9;
	(erf) = vpow2.f32 v6;
	v6 =	vld [tilespmem:s31+$0xFFFFFFE0]  }
0x7c: {  	v10 =	vmul.f32 $1.442695020e+00, v10;
	(erf) = vpow2.f32 v7;
	v7 =	vld [tilespmem:s31+$0xFFFFFFF0]  }
0x7d: {  	v11 =	vmul.f32 $1.442695020e+00, v11;
	(erf) = vpow2.f32 v8;
	v8 =	vld [tilespmem:s31+$0x0]  }
0x7e: {  	(erf) = vpow2.f32 v9;
	v4 =	vmul.f32 $1.442695020e+00, v4;
	v9 =	vld [tilespmem:s31+$0x10]  }
0x7f: {  	(erf) = vpow2.f32 v10;
	v5 =	vmul.f32 $1.442695020e+00, v5  }
0x80: {  	v10 =	vld [tilespmem:s31+$0x20];
	(erf) = vpow2.f32 v11;
	v6 =	vmul.f32 $1.442695020e+00, v6  }
0x81: {  	s2 =	simm.s32 $0x8440;
	s24 =	smul.u32 $0x180, s0;
	v11 =	vld [tilespmem:s31+$0x30];
	(erf) = vpow2.f32 v4;
	v7 =	vmul.f32 $1.442695020e+00, v7  }
0x82: {  	v12 =	vld [tilespmem:s2+$0xFFFFFFC0];
	(erf) = vpow2.f32 v5;
	v8 =	vmul.f32 $1.442695020e+00, v8  }
0x83: {  	v3 =	vld [tilespmem:s24+$0x2000];
	v4 =	vimm.f32 $0.0e+00;
	v5 =	vpop (erf);
	(erf) = vpow2.f32 v6;
	v9 =	vmul.f32 $1.442695020e+00, v9  }
0x84: {  	v13 =	vld [tilespmem:s2+$0xFFFFFFD0];
	v5 =	vadd.f32 v5, v4;
	v6 =	vpop (erf);
	(erf) = vpow2.f32 v7  }
0x85: {  	v14 =	vld [tilespmem:s2+$0xFFFFFFE0];
	v10 =	vmul.f32 $1.442695020e+00, v10;
	v6 =	vadd.f32 v6, v4;
	v7 =	vpop (erf);
	(erf) = vpow2.f32 v8  }
0x86: {  	v4 =	vld [tilespmem:s2+$0xFFFFFFF0];
	v11 =	vmul.f32 $1.442695020e+00, v11;
	v7 =	vadd.f32 v7, v5;
	v8 =	vpop (erf);
	(erf) = vpow2.f32 v9  }
0x87: {  	v12 =	vmul.f32 $1.442695020e+00, v12;
	v5 =	vld [tilespmem:s2+$0x0];
	v8 =	vadd.f32 v8, v6;
	v9 =	vpop (erf);
	(erf) = vpow2.f32 v10  }
0x88: {  	v6 =	vld [tilespmem:s2+$0x10];
	v15 =	vadd.f32 v9, v7;
	v9 =	vpop (erf);
	(erf) = vpow2.f32 v11  }
0x89: {  	v10 =	vmul.f32 $1.442695020e+00, v13;
	v7 =	vld [tilespmem:s2+$0x20];
	v11 =	vadd.f32 v9, v8;
	v13 =	vpop (erf);
	(erf) = vpow2.f32 v12  }
0x8a: {  	s1 =	simm.s32 $0x10;
	v9 =	vmul.f32 $1.442695020e+00, v14;
	v8 =	vld [tilespmem:s2+$0x30];
	s2 =	simm.s32 $0x8640;
	v12 =	vadd.f32 v13, v15;
	v13 =	vpop (erf)  }
.LBB2_3:
0x8b: {  	v14 =	vld [tilespmem:s2+$0xFFFFFFC0];
	s1 =	sadd.s32 $0x8, s1;
	v4 =	vmul.f32 $1.442695020e+00, v4;
	(erf) = vpow2.f32 v10;
	v10 =	vpop (erf);
	v15 =	vadd.f32 v13, v11  }
0x8c: {  	v13 =	vld [tilespmem:s2+$0xFFFFFFD0];
	p1 =	slt.u32 s1, $0x1F8;
	v5 =	vmul.f32 $1.442695020e+00, v5;
	(erf) = vpow2.f32 v9;
	v9 =	vadd.f32 v10, v12;
	v10 =	vpop (erf)  }
0x8d: {  	v12 =	vld [tilespmem:s2+$0xFFFFFFE0];
	v6 =	vmul.f32 $1.442695020e+00, v6;
	(erf) = vpow2.f32 v4;
	v15 =	vadd.f32 v10, v15;
	v11 =	vpop (erf)  }
.Ltmp0:
0x8e: {  	v4 =	vld [tilespmem:s2+$0xFFFFFFF0];
	v7 =	vmul.f32 $1.442695020e+00, v7;
	(erf) = vpow2.f32 v5;
	v16 =	vadd.f32 v11, v9;
	v11 =	vpop (erf);
	(pc) =	sbr.rel @p1 .LBB2_3-.Ltmp0, $4  }
0x8f: {  	v5 =	vld [tilespmem:s2+$0x0];
	v8 =	vmul.f32 $1.442695020e+00, v8;
	(erf) = vpow2.f32 v6;
	v11 =	vadd.f32 v11, v15;
	v10 =	vpop (erf)  }
0x90: {  	v14 =	vmul.f32 $1.442695020e+00, v14;
	v6 =	vld [tilespmem:s2+$0x10];
	(erf) = vpow2.f32 v7;
	v15 =	vadd.f32 v10, v16;
	v9 =	vpop (erf)  }
0x91: {  	v10 =	vmul.f32 $1.442695020e+00, v13;
	v7 =	vld [tilespmem:s2+$0x20];
	(erf) = vpow2.f32 v8;
	v11 =	vadd.f32 v9, v11;
	v13 =	vpop (erf)  }
0x92: {  	v9 =	vmul.f32 $1.442695020e+00, v12;
	v8 =	vld [tilespmem:s2+$0x30];
	s2 =	sadd.s32 $0x200, s2;
	(erf) = vpow2.f32 v14;
	v12 =	vadd.f32 v13, v15;
	v13 =	vpop (erf)  }
0x93: {  	(erf) = vpow2.f32 v10;
	v10 =	vpop (erf);
	v11 =	vadd.f32 v13, v11  }
0x94: {  	(erf) = vpow2.f32 v9;
	v9 =	vadd.f32 v10, v12  }
0x95: {  	v14 =	vmul.f32 $1.442695020e+00, v4;
	s25 =	simm.s32 $0x80F0  }
0x96: {  	(v2sf) =	vpush v3, $0x0;
	v5 =	vmul.f32 $1.442695020e+00, v5;
	v10 =	vpop (erf);
	v12 =	vld [tilespmem:s25+$0xFFFFFF90];
	v7 =	vmul.f32 $1.442695020e+00, v7  }
0x97: {  	v13 =	vld [tilespmem:s25+$0xFFFFFFA0];
	v6 =	vmul.f32 $1.442695020e+00, v6;
	(erf) = vpow2.f32 v14;
	v10 =	vadd.f32 v10, v11;
	v11 =	vpop (erf)  }
0x98: {  	(erf) = vpow2.f32 v5;
	v5 =	vadd.f32 v11, v9;
	v9 =	vpop (erf);
	v11 =	vld [tilespmem:s25+$0xFFFFFFB0]  }
0x99: {  	v8 =	vmul.f32 $1.442695020e+00, v8;
	(erf) = vpow2.f32 v6;
	v6 =	vadd.f32 v9, v10;
	v9 =	vpop (erf)  }
0x9a: {  	v14 =	vld [tilespmem:s25+$0xFFFFFFF0];
	(erf) = vpow2.f32 v7;
	v5 =	vadd.f32 v9, v5;
	v7 =	vpop (erf)  }
0x9b: {  	v10 =	vld [tilespmem:s25+$0xFFFFFFC0];
	(erf) = vpow2.f32 v8;
	v8 =	vmul.f32 $1.442695020e+00, v12;
	v6 =	vadd.f32 v7, v6;
	v7 =	vpop (erf)  }
0x9c: {  	v13 =	vmul.f32 $1.442695020e+00, v13;
	v9 =	vld [tilespmem:s25+$0xFFFFFFD0];
	v5 =	vadd.f32 v7, v5;
	v7 =	vpop (erf)  }
0x9d: {  	s30 =	simm.s32 $0x82F0;
	v12 =	vld [tilespmem:s25+$0xFFFFFFE0];
	(erf) = vpow2.f32 v8;
	v6 =	vadd.f32 v7, v6;
	v7 =	vmul.f32 $1.442695020e+00, v11  }
0x9e: {  	(erf) = vpow2.f32 v13;
	v13 =	vld [tilespmem:s30+$0xFFFFFFA0];
	v15 =	vpop (erf)  }
0x9f: {  	v11 =	vld [tilespmem:s25+$0x0];
	v5 =	vadd.f32 v15, v5;
	v8 =	vpop (erf)  }
0xa0: {  	v15 =	vld [tilespmem:s30+$0xFFFFFF90];
	v10 =	vmul.f32 $1.442695020e+00, v10;
	v6 =	vadd.f32 v8, v6;
	v8 =	vpop (erf)  }
0xa1: {  	v9 =	vmul.f32 $1.442695020e+00, v9;
	(erf) = vpow2.f32 v7;
	v5 =	vadd.f32 v8, v5;
	v8 =	vld [tilespmem:s30+$0xFFFFFFB0];
	v7 =	vpop (erf)  }
0xa2: {  	v14 =	vmul.f32 $1.442695020e+00, v14;
	(erf) = vpow2.f32 v10;
	v6 =	vadd.f32 v7, v6;
	v7 =	vpop (erf)  }
0xa3: {  	v12 =	vmul.f32 $1.442695020e+00, v12;
	(erf) = vpow2.f32 v9;
	v9 =	vld [tilespmem:s30+$0xFFFFFFD0];
	v5 =	vadd.f32 v7, v5;
	v7 =	vpop (erf)  }
0xa4: {  	v10 =	vld [tilespmem:s30+$0xFFFFFFC0];
	v13 =	vmul.f32 $1.442695020e+00, v13;
	v11 =	vmul.f32 $1.442695020e+00, v11;
	v6 =	vadd.f32 v7, v6;
	v7 =	vpop (erf)  }
0xa5: {  	s2 =	spop (v2sf);
	(erf) = vpow2.f32 v12;
	v12 =	vmul.f32 $1.442695020e+00, v15;
	v5 =	vadd.f32 v7, v5;
	v7 =	vpop (erf)  }
0xa6: {  	s1 =	sshra.s32 s2, $0x1F;
	v15 =	vld [tilespmem:s30+$0xFFFFFFE0];
	(erf) = vpow2.f32 v14;
	v6 =	vadd.f32 v7, v6;
	v7 =	vmul.f32 $1.442695020e+00, v8  }
0xa7: {  	s1 =	sshrl.u32 s1, $0x1C;
	(erf) = vpow2.f32 v11  }
0xa8: {  	v14 =	vld [tilespmem:s30+$0xFFFFFFF0];
	s1 =	sadd.s32 s1, s2;
	(erf) = vpow2.f32 v12;
	v8 =	vimm.f32 $0.0e+00;
	v9 =	vmul.f32 $1.442695020e+00, v9  }
0xa9: {  	s31 =	simm.s32 $0x84F0;
	v11 =	vld [tilespmem:s30+$0x0];
	v10 =	vmul.f32 $1.442695020e+00, v10;
	s22 =	sand.u32 $0xFFFFFFF0, s1;
	(erf) = vpow2.f32 v13;
	v13 =	vpop (erf)  }
0xaa: {  	p1 =	slt.s32 s2, $0x1;
	v12 =	vld [tilespmem:s31+$0xFFFFFF90];
	p2 =	sne.s32 s2, s22;
	(erf) = vpow2.f32 v7;
	v13 =	vadd.f32 v13, v8;
	v7 =	vpop (erf)  }
0xab: {  	v16 =	vld [tilespmem:s31+$0xFFFFFFA0];
	p1 =	por !p1, !p2;
	v15 =	vmul.f32 $1.442695020e+00, v15;
	(erf) = vpow2.f32 v10;
	v10 =	vadd.f32 v7, v8;
	v8 =	vpop (erf)  }
0xac: {  	v17 =	vld [tilespmem:s31+$0xFFFFFFB0];
	s22 =	simm.s32 $0x1;
	p1 =	por !p1, !p1;
	(erf) = vpow2.f32 v9;
	v9 =	vpop (erf)  }
0xad: {  	s1 =	sshra.s32 s1, $0x4;
	v14 =	vmul.f32 $1.442695020e+00, v14;
	s22 =	simm.s32 @!p1 $0x0;
	v7 =	vld [tilespmem:s31+$0xFFFFFFC0];
	(erf) = vpow2.f32 v15;
	v15 =	vadd.f32 v9, v10  }
0xae: {  	v11 =	vmul.f32 $1.442695020e+00, v11;
	s1 =	ssub.s32 s1, s22;
	v13 =	vadd.f32 v8, v13;
	v8 =	vld [tilespmem:s31+$0xFFFFFFD0]  }
0xaf: {  	v18 =	vmul.f32 $1.442695020e+00, v12;
	s22 =	sshll.u32 s1, $0x4;
	s1 =	sshll.u32 s1, $0x6;
	(erf) = vpow2.f32 v14;
	v9 =	vld [tilespmem:s31+$0xFFFFFFE0];
	v10 =	vpop (erf)  }
0xb0: {  	s22 =	sand.u32 $0x70, s22;
	s1 =	sand.u32 $0xFFFFFE00, s1;
	(erf) = vpow2.f32 v11;
	v11 =	vld [tilespmem:s31+$0x0];
	v19 =	vadd.f32 v10, v13;
	v12 =	vpop (erf)  }
0xb1: {  	s1 =	sor.u32 s22, s1;
	(erf) = vpow2.f32 v18;
	v13 =	vmul.f32 $1.442695020e+00, v16;
	v10 =	vld [tilespmem:s31+$0xFFFFFFF0];
	v14 =	vadd.f32 v12, v15;
	v15 =	vpop (erf)  }
0xb2: {  	s25 =	simm.s32 $0x86F0;
	v4 =	vld [tilespmem:s1+$0x8000];
	s1 =	simm.s32 $0x10;
	v12 =	vmul.f32 $1.442695020e+00, v17;
	v15 =	vadd.f32 v15, v19;
	v16 =	vpop (erf)  }
.LBB2_5:
0xb3: {  	v17 =	vld [tilespmem:s25+$0xFFFFFF90];
	s1 =	sadd.s32 $0x8, s1;
	v7 =	vmul.f32 $1.442695020e+00, v7;
	(erf) = vpow2.f32 v13;
	v13 =	vpop (erf);
	v18 =	vadd.f32 v16, v14  }
0xb4: {  	v16 =	vld [tilespmem:s25+$0xFFFFFFA0];
	p1 =	slt.u32 s1, $0x1F8;
	v8 =	vmul.f32 $1.442695020e+00, v8;
	(erf) = vpow2.f32 v12;
	v12 =	vadd.f32 v13, v15;
	v13 =	vpop (erf)  }
0xb5: {  	v15 =	vld [tilespmem:s25+$0xFFFFFFB0];
	v9 =	vmul.f32 $1.442695020e+00, v9;
	(erf) = vpow2.f32 v7;
	v18 =	vadd.f32 v13, v18;
	v14 =	vpop (erf)  }
.Ltmp1:
0xb6: {  	v7 =	vld [tilespmem:s25+$0xFFFFFFC0];
	v10 =	vmul.f32 $1.442695020e+00, v10;
	(erf) = vpow2.f32 v8;
	v19 =	vadd.f32 v14, v12;
	v14 =	vpop (erf);
	(pc) =	sbr.rel @p1 .LBB2_5-.Ltmp1, $4  }
0xb7: {  	v8 =	vld [tilespmem:s25+$0xFFFFFFD0];
	v11 =	vmul.f32 $1.442695020e+00, v11;
	(erf) = vpow2.f32 v9;
	v14 =	vadd.f32 v14, v18;
	v13 =	vpop (erf)  }
0xb8: {  	v17 =	vmul.f32 $1.442695020e+00, v17;
	v9 =	vld [tilespmem:s25+$0xFFFFFFE0];
	(erf) = vpow2.f32 v10;
	v18 =	vadd.f32 v13, v19;
	v12 =	vpop (erf)  }
0xb9: {  	v13 =	vmul.f32 $1.442695020e+00, v16;
	v10 =	vld [tilespmem:s25+$0xFFFFFFF0];
	(erf) = vpow2.f32 v11;
	v14 =	vadd.f32 v12, v14;
	v16 =	vpop (erf)  }
0xba: {  	v12 =	vmul.f32 $1.442695020e+00, v15;
	v11 =	vld [tilespmem:s25+$0x0];
	s25 =	sadd.s32 $0x200, s25;
	(erf) = vpow2.f32 v17;
	v15 =	vadd.f32 v16, v18;
	v16 =	vpop (erf)  }
0xbb: {  	(v2sf) =	vpush v3, $0x1;
	_ =	sdelay $0xe  }
0xbc: {  	s30 =	spop (v2sf)  }
0xbd: {  	s1 =	sshra.s32 s30, $0x1F  }
0xbe: {  	s1 =	sshrl.u32 s1, $0x1C  }
0xbf: {  	s1 =	sadd.s32 s1, s30  }
0xc0: {  	s22 =	sand.u32 $0xFFFFFFF0, s1  }
0xc1: {  	p1 =	slt.s32 s30, $0x1;
	p2 =	sne.s32 s30, s22  }
0xc2: {  	(erf) = vpow2.f32 v13;
	v13 =	vpop (erf);
	v14 =	vadd.f32 v16, v14;
	p1 =	por !p1, !p2  }
0xc3: {  	(erf) = vpow2.f32 v12;
	v12 =	vadd.f32 v13, v15;
	s22 =	simm.s32 $0x1;
	p1 =	por !p1, !p1  }
0xc4: {  	v17 =	vmul.f32 $1.442695020e+00, v7;
	s1 =	sshra.s32 s1, $0x4;
	s22 =	simm.s32 @!p1 $0x0  }
0xc5: {  	v8 =	vmul.f32 $1.442695020e+00, v8;
	v13 =	vpop (erf);
	v10 =	vmul.f32 $1.442695020e+00, v10;
	s1 =	ssub.s32 s1, s22  }
0xc6: {  	v9 =	vmul.f32 $1.442695020e+00, v9;
	(erf) = vpow2.f32 v17;
	v13 =	vadd.f32 v13, v14;
	v14 =	vpop (erf);
	s22 =	sshll.u32 s1, $0x4;
	s1 =	sshll.u32 s1, $0x6  }
0xc7: {  	(erf) = vpow2.f32 v8;
	v8 =	vadd.f32 v14, v12;
	v12 =	vpop (erf);
	s22 =	sand.u32 $0x70, s22;
	s1 =	sand.u32 $0xFFFFFE00, s1  }
0xc8: {  	(erf) = vpow2.f32 v9;
	v9 =	vadd.f32 v12, v13;
	v12 =	vpop (erf);
	s1 =	sor.u32 s22, s1;
	s22 =	simm.s32 $0x8170  }
0xc9: {  	(erf) = vpow2.f32 v10;
	v8 =	vadd.f32 v12, v8;
	v10 =	vpop (erf);
	v15 =	vld [tilespmem:s22+$0xFFFFFF90]  }
0xca: {  	v9 =	vadd.f32 v10, v9;
	v10 =	vpop (erf)  }
0xcb: {  	v8 =	vadd.f32 v10, v8;
	v10 =	vpop (erf);
	v14 =	vld [tilespmem:s22+$0xFFFFFFB0]  }
0xcc: {  	s25 =	simm.s32 $0x8370;
	v11 =	vmul.f32 $1.442695020e+00, v11;
	v18 =	vpop (erf);
	v16 =	vld [tilespmem:s22+$0xFFFFFFA0]  }
0xcd: {  	v8 =	vadd.f32 v18, v8;
	v18 =	vld [tilespmem:s25+$0xFFFFFF90]  }
0xce: {  	(erf) = vpow2.f32 v11;
	v13 =	vld [tilespmem:s22+$0xFFFFFFC0];
	v11 =	vmul.f32 $1.442695020e+00, v15  }
0xcf: {  	v12 =	vld [tilespmem:s22+$0xFFFFFFD0]  }
0xd0: {  	v9 =	vadd.f32 v10, v9;
	v15 =	vld [tilespmem:s22+$0xFFFFFFE0];
	v10 =	vmul.f32 $1.442695020e+00, v14  }
0xd1: {  	v17 =	vld [tilespmem:s22+$0xFFFFFFF0];
	v16 =	vmul.f32 $1.442695020e+00, v16  }
0xd2: {  	v14 =	vld [tilespmem:s22+$0x0];
	(erf) = vpow2.f32 v11;
	v11 =	vpop (erf)  }
0xd3: {  	v13 =	vmul.f32 $1.442695020e+00, v13;
	(erf) = vpow2.f32 v16;
	v16 =	vld [tilespmem:s25+$0xFFFFFFA0];
	v9 =	vadd.f32 v11, v9;
	v11 =	vpop (erf)  }
0xd4: {  	v12 =	vmul.f32 $1.442695020e+00, v12;
	(erf) = vpow2.f32 v10;
	v8 =	vadd.f32 v11, v8;
	v10 =	vpop (erf);
	v11 =	vld [tilespmem:s25+$0xFFFFFFB0]  }
0xd5: {  	v15 =	vmul.f32 $1.442695020e+00, v15;
	(erf) = vpow2.f32 v13;
	v9 =	vadd.f32 v10, v9;
	v10 =	vpop (erf)  }
0xd6: {  	v17 =	vmul.f32 $1.442695020e+00, v17;
	(erf) = vpow2.f32 v12;
	v12 =	vld [tilespmem:s25+$0xFFFFFFD0];
	v8 =	vadd.f32 v10, v8;
	v10 =	vpop (erf)  }
0xd7: {  	v13 =	vld [tilespmem:s25+$0xFFFFFFC0];
	v14 =	vmul.f32 $1.442695020e+00, v14;
	(erf) = vpow2.f32 v15;
	v9 =	vadd.f32 v10, v9;
	v10 =	vpop (erf)  }
0xd8: {  	v15 =	vmul.f32 $1.442695020e+00, v18;
	v16 =	vmul.f32 $1.442695020e+00, v16;
	v8 =	vadd.f32 v10, v8;
	v10 =	vpop (erf)  }
0xd9: {  	v18 =	vld [tilespmem:s25+$0xFFFFFFE0];
	(erf) = vpow2.f32 v17;
	v9 =	vadd.f32 v10, v9;
	v10 =	vmul.f32 $1.442695020e+00, v11  }
0xda: {  	(erf) = vpow2.f32 v14  }
0xdb: {  	v17 =	vld [tilespmem:s25+$0xFFFFFFF0];
	(erf) = vpow2.f32 v15;
	v11 =	vimm.f32 $0.0e+00;
	v12 =	vmul.f32 $1.442695020e+00, v12  }
0xdc: {  	s31 =	simm.s32 $0x8570;
	v14 =	vld [tilespmem:s25+$0x0];
	v13 =	vmul.f32 $1.442695020e+00, v13;
	(erf) = vpow2.f32 v16;
	v16 =	vpop (erf)  }
0xdd: {  	v15 =	vld [tilespmem:s31+$0xFFFFFF90];
	(erf) = vpow2.f32 v10;
	v16 =	vadd.f32 v16, v11;
	v10 =	vpop (erf)  }
0xde: {  	v19 =	vld [tilespmem:s31+$0xFFFFFFA0];
	v18 =	vmul.f32 $1.442695020e+00, v18;
	(erf) = vpow2.f32 v13;
	v13 =	vadd.f32 v10, v11;
	v11 =	vpop (erf)  }
0xdf: {  	v20 =	vld [tilespmem:s31+$0xFFFFFFB0];
	(erf) = vpow2.f32 v12;
	v12 =	vpop (erf)  }
0xe0: {  	v7 =	vld [tilespmem:s1+$0x8080];
	v17 =	vmul.f32 $1.442695020e+00, v17;
	(erf) = vpow2.f32 v18;
	v18 =	vadd.f32 v12, v13  }
0xe1: {  	v14 =	vmul.f32 $1.442695020e+00, v14;
	v10 =	vld [tilespmem:s31+$0xFFFFFFC0];
	v16 =	vadd.f32 v11, v16  }
0xe2: {  	v21 =	vmul.f32 $1.442695020e+00, v15;
	v11 =	vld [tilespmem:s31+$0xFFFFFFD0];
	(erf) = vpow2.f32 v17;
	v13 =	vpop (erf)  }
0xe3: {  	v12 =	vld [tilespmem:s31+$0xFFFFFFE0];
	(erf) = vpow2.f32 v14;
	v22 =	vadd.f32 v13, v16;
	v15 =	vpop (erf)  }
0xe4: {  	(erf) = vpow2.f32 v21;
	v16 =	vmul.f32 $1.442695020e+00, v19;
	v13 =	vld [tilespmem:s31+$0xFFFFFFF0];
	v17 =	vadd.f32 v15, v18;
	v18 =	vpop (erf)  }
0xe5: {  	s1 =	simm.s32 $0x10;
	s25 =	simm.s32 $0x8770;
	v14 =	vld [tilespmem:s31+$0x0];
	v15 =	vmul.f32 $1.442695020e+00, v20;
	v18 =	vadd.f32 v18, v22;
	v19 =	vpop (erf)  }
.LBB2_7:
0xe6: {  	v20 =	vld [tilespmem:s25+$0xFFFFFF90];
	s1 =	sadd.s32 $0x8, s1;
	v10 =	vmul.f32 $1.442695020e+00, v10;
	(erf) = vpow2.f32 v16;
	v16 =	vpop (erf);
	v21 =	vadd.f32 v19, v17  }
0xe7: {  	v19 =	vld [tilespmem:s25+$0xFFFFFFA0];
	p1 =	slt.u32 s1, $0x1F8;
	v11 =	vmul.f32 $1.442695020e+00, v11;
	(erf) = vpow2.f32 v15;
	v15 =	vadd.f32 v16, v18;
	v16 =	vpop (erf)  }
0xe8: {  	v18 =	vld [tilespmem:s25+$0xFFFFFFB0];
	v12 =	vmul.f32 $1.442695020e+00, v12;
	(erf) = vpow2.f32 v10;
	v21 =	vadd.f32 v16, v21;
	v17 =	vpop (erf)  }
.Ltmp2:
0xe9: {  	v10 =	vld [tilespmem:s25+$0xFFFFFFC0];
	v13 =	vmul.f32 $1.442695020e+00, v13;
	(erf) = vpow2.f32 v11;
	v22 =	vadd.f32 v17, v15;
	v17 =	vpop (erf);
	(pc) =	sbr.rel @p1 .LBB2_7-.Ltmp2, $4  }
0xea: {  	v11 =	vld [tilespmem:s25+$0xFFFFFFD0];
	v14 =	vmul.f32 $1.442695020e+00, v14;
	(erf) = vpow2.f32 v12;
	v17 =	vadd.f32 v17, v21;
	v16 =	vpop (erf)  }
0xeb: {  	v20 =	vmul.f32 $1.442695020e+00, v20;
	v12 =	vld [tilespmem:s25+$0xFFFFFFE0];
	(erf) = vpow2.f32 v13;
	v21 =	vadd.f32 v16, v22;
	v15 =	vpop (erf)  }
0xec: {  	v16 =	vmul.f32 $1.442695020e+00, v19;
	v13 =	vld [tilespmem:s25+$0xFFFFFFF0];
	(erf) = vpow2.f32 v14;
	v17 =	vadd.f32 v15, v17;
	v19 =	vpop (erf)  }
0xed: {  	v15 =	vmul.f32 $1.442695020e+00, v18;
	v14 =	vld [tilespmem:s25+$0x0];
	s25 =	sadd.s32 $0x200, s25;
	(erf) = vpow2.f32 v20;
	v18 =	vadd.f32 v19, v21;
	v19 =	vpop (erf)  }
0xee: {  	(v2sf) =	vpush v3, $0x2;
	_ =	sdelay $0xe  }
0xef: {  	s1 =	spop (v2sf)  }
0xf0: {  	s22 =	sshra.s32 s1, $0x1F  }
0xf1: {  	s22 =	sshrl.u32 s22, $0x1C  }
0xf2: {  	s22 =	sadd.s32 s22, s1  }
0xf3: {  	s25 =	sand.u32 $0xFFFFFFF0, s22  }
0xf4: {  	p1 =	slt.s32 s1, $0x1;
	p2 =	sne.s32 s1, s25  }
0xf5: {  	p1 =	por !p1, !p2  }
0xf6: {  	s25 =	simm.s32 $0x1;
	p1 =	por !p1, !p1  }
0xf7: {  	s22 =	sshra.s32 s22, $0x4;
	s25 =	simm.s32 @!p1 $0x0  }
0xf8: {  	s22 =	ssub.s32 s22, s25  }
0xf9: {  	(erf) = vpow2.f32 v16;
	v16 =	vpop (erf);
	v17 =	vadd.f32 v19, v17;
	s25 =	sshll.u32 s22, $0x4;
	s22 =	sshll.u32 s22, $0x6  }
0xfa: {  	(erf) = vpow2.f32 v15;
	v15 =	vadd.f32 v16, v18;
	s25 =	sand.u32 $0x70, s25;
	s22 =	sand.u32 $0xFFFFFE00, s22  }
0xfb: {  	v20 =	vmul.f32 $1.442695020e+00, v10;
	s22 =	sor.u32 s25, s22;
	s25 =	simm.s32 $0x81F0  }
0xfc: {  	v11 =	vmul.f32 $1.442695020e+00, v11;
	v16 =	vpop (erf);
	v13 =	vmul.f32 $1.442695020e+00, v13;
	v18 =	vld [tilespmem:s25+$0xFFFFFF90]  }
0xfd: {  	v12 =	vmul.f32 $1.442695020e+00, v12;
	(erf) = vpow2.f32 v20;
	v16 =	vadd.f32 v16, v17;
	v17 =	vpop (erf)  }
0xfe: {  	(erf) = vpow2.f32 v11;
	v11 =	vadd.f32 v17, v15;
	v15 =	vpop (erf);
	v17 =	vld [tilespmem:s25+$0xFFFFFFB0]  }
0xff: {  	v14 =	vmul.f32 $1.442695020e+00, v14;
	(erf) = vpow2.f32 v12;
	v12 =	vadd.f32 v15, v16;
	v15 =	vpop (erf);
	v19 =	vld [tilespmem:s25+$0xFFFFFFA0]  }
0x100: {  	(erf) = vpow2.f32 v13;
	v11 =	vadd.f32 v15, v11;
	v13 =	vpop (erf);
	v16 =	vld [tilespmem:s25+$0xFFFFFFC0]  }
0x101: {  	(erf) = vpow2.f32 v14;
	v12 =	vadd.f32 v13, v12;
	v13 =	vpop (erf);
	v15 =	vld [tilespmem:s25+$0xFFFFFFD0];
	v14 =	vmul.f32 $1.442695020e+00, v18  }
0x102: {  	v11 =	vadd.f32 v13, v11;
	v13 =	vpop (erf);
	v20 =	vld [tilespmem:s25+$0xFFFFFFF0]  }
0x103: {  	v12 =	vadd.f32 v13, v12;
	v18 =	vld [tilespmem:s25+$0xFFFFFFE0];
	v13 =	vmul.f32 $1.442695020e+00, v17  }
0x104: {  	v21 =	vpop (erf);
	v19 =	vmul.f32 $1.442695020e+00, v19;
	v17 =	vld [tilespmem:s25+$0x0];
	s25 =	simm.s32 $0x83F0  }
0x105: {  	v11 =	vadd.f32 v21, v11;
	v21 =	vld [tilespmem:s25+$0xFFFFFF90];
	(erf) = vpow2.f32 v14;
	v14 =	vpop (erf)  }
0x106: {  	v16 =	vmul.f32 $1.442695020e+00, v16;
	(erf) = vpow2.f32 v19;
	v19 =	vld [tilespmem:s25+$0xFFFFFFA0];
	v12 =	vadd.f32 v14, v12;
	v14 =	vpop (erf)  }
0x107: {  	v15 =	vmul.f32 $1.442695020e+00, v15;
	(erf) = vpow2.f32 v13;
	v11 =	vadd.f32 v14, v11;
	v13 =	vpop (erf);
	v14 =	vld [tilespmem:s25+$0xFFFFFFB0]  }
0x108: {  	v18 =	vmul.f32 $1.442695020e+00, v18;
	(erf) = vpow2.f32 v16;
	v12 =	vadd.f32 v13, v12;
	v13 =	vpop (erf)  }
0x109: {  	v20 =	vmul.f32 $1.442695020e+00, v20;
	(erf) = vpow2.f32 v15;
	v15 =	vld [tilespmem:s25+$0xFFFFFFD0];
	v11 =	vadd.f32 v13, v11;
	v13 =	vpop (erf)  }
0x10a: {  	v16 =	vld [tilespmem:s25+$0xFFFFFFC0];
	v17 =	vmul.f32 $1.442695020e+00, v17;
	(erf) = vpow2.f32 v18;
	v12 =	vadd.f32 v13, v12;
	v13 =	vpop (erf)  }
0x10b: {  	v18 =	vmul.f32 $1.442695020e+00, v21;
	v19 =	vmul.f32 $1.442695020e+00, v19;
	v11 =	vadd.f32 v13, v11;
	v13 =	vpop (erf)  }
0x10c: {  	v21 =	vld [tilespmem:s25+$0xFFFFFFE0];
	(erf) = vpow2.f32 v20;
	v12 =	vadd.f32 v13, v12;
	v13 =	vmul.f32 $1.442695020e+00, v14  }
0x10d: {  	v10 =	vld [tilespmem:s22+$0x8100];
	(erf) = vpow2.f32 v17  }
0x10e: {  	v20 =	vld [tilespmem:s25+$0xFFFFFFF0];
	(erf) = vpow2.f32 v18;
	v14 =	vimm.f32 $0.0e+00;
	v15 =	vmul.f32 $1.442695020e+00, v15  }
0x10f: {  	s22 =	simm.s32 $0x85F0;
	v17 =	vld [tilespmem:s25+$0x0];
	v16 =	vmul.f32 $1.442695020e+00, v16;
	(erf) = vpow2.f32 v19;
	v19 =	vpop (erf)  }
0x110: {  	v18 =	vld [tilespmem:s22+$0xFFFFFF90];
	(erf) = vpow2.f32 v13;
	v19 =	vadd.f32 v19, v14;
	v13 =	vpop (erf)  }
0x111: {  	v21 =	vmul.f32 $1.442695020e+00, v21;
	(erf) = vpow2.f32 v16;
	v16 =	vadd.f32 v13, v14;
	v14 =	vpop (erf)  }
0x112: {  	v22 =	vld [tilespmem:s22+$0xFFFFFFA0];
	(erf) = vpow2.f32 v15;
	v19 =	vadd.f32 v14, v19;
	v15 =	vpop (erf)  }
0x113: {  	v23 =	vld [tilespmem:s22+$0xFFFFFFB0];
	v20 =	vmul.f32 $1.442695020e+00, v20;
	(erf) = vpow2.f32 v21;
	v21 =	vadd.f32 v15, v16  }
0x114: {  	v17 =	vmul.f32 $1.442695020e+00, v17;
	v13 =	vld [tilespmem:s22+$0xFFFFFFC0]  }
0x115: {  	v24 =	vmul.f32 $1.442695020e+00, v18;
	v14 =	vld [tilespmem:s22+$0xFFFFFFD0];
	(erf) = vpow2.f32 v20;
	v16 =	vpop (erf)  }
0x116: {  	v15 =	vld [tilespmem:s22+$0xFFFFFFE0];
	(erf) = vpow2.f32 v17;
	v25 =	vadd.f32 v16, v19;
	v19 =	vpop (erf)  }
0x117: {  	v18 =	vmul.f32 $1.442695020e+00, v22;
	(erf) = vpow2.f32 v24;
	v16 =	vld [tilespmem:s22+$0xFFFFFFF0];
	v20 =	vadd.f32 v19, v21;
	v21 =	vpop (erf)  }
0x118: {  	s31 =	simm.s32 $0x87F0;
	s25 =	simm.s32 $0x10;
	v17 =	vld [tilespmem:s22+$0x0];
	v19 =	vmul.f32 $1.442695020e+00, v23;
	v21 =	vadd.f32 v21, v25;
	v22 =	vpop (erf)  }
.LBB2_9:
0x119: {  	v23 =	vld [tilespmem:s31+$0xFFFFFF90];
	s25 =	sadd.s32 $0x8, s25;
	v13 =	vmul.f32 $1.442695020e+00, v13;
	(erf) = vpow2.f32 v18;
	v18 =	vpop (erf);
	v24 =	vadd.f32 v22, v20  }
0x11a: {  	v22 =	vld [tilespmem:s31+$0xFFFFFFA0];
	p1 =	slt.u32 s25, $0x1F8;
	v14 =	vmul.f32 $1.442695020e+00, v14;
	(erf) = vpow2.f32 v19;
	v18 =	vadd.f32 v18, v21;
	v19 =	vpop (erf)  }
0x11b: {  	v21 =	vld [tilespmem:s31+$0xFFFFFFB0];
	v15 =	vmul.f32 $1.442695020e+00, v15;
	(erf) = vpow2.f32 v13;
	v19 =	vadd.f32 v19, v24;
	v20 =	vpop (erf)  }
.Ltmp3:
0x11c: {  	v13 =	vld [tilespmem:s31+$0xFFFFFFC0];
	v16 =	vmul.f32 $1.442695020e+00, v16;
	(erf) = vpow2.f32 v14;
	v18 =	vadd.f32 v20, v18;
	v20 =	vpop (erf);
	(pc) =	sbr.rel @p1 .LBB2_9-.Ltmp3, $4  }
0x11d: {  	v14 =	vld [tilespmem:s31+$0xFFFFFFD0];
	v17 =	vmul.f32 $1.442695020e+00, v17;
	(erf) = vpow2.f32 v15;
	v19 =	vadd.f32 v20, v19;
	v20 =	vpop (erf)  }
0x11e: {  	v23 =	vmul.f32 $1.442695020e+00, v23;
	v15 =	vld [tilespmem:s31+$0xFFFFFFE0];
	(erf) = vpow2.f32 v16;
	v24 =	vadd.f32 v20, v18;
	v20 =	vpop (erf)  }
0x11f: {  	v18 =	vmul.f32 $1.442695020e+00, v22;
	v16 =	vld [tilespmem:s31+$0xFFFFFFF0];
	(erf) = vpow2.f32 v17;
	v20 =	vadd.f32 v20, v19;
	v22 =	vpop (erf)  }
0x120: {  	v19 =	vmul.f32 $1.442695020e+00, v21;
	v17 =	vld [tilespmem:s31+$0x0];
	s31 =	sadd.s32 $0x200, s31;
	(erf) = vpow2.f32 v23;
	v21 =	vadd.f32 v22, v24;
	v22 =	vpop (erf)  }
0x121: {  	(v2sf) =	vpush v3, $0x3;
	_ =	sdelay $0xc  }
0x122: {  	v14 =	vmul.f32 $1.442695020e+00, v14  }
0x123: {  	v3 =	vmul.f32 $1.442695020e+00, v13;
	(erf) = vpow2.f32 v18;
	v13 =	vpop (erf);
	v58 =	vadd.f32 v22, v20  }
0x124: {  	(erf) = vpow2.f32 v19;
	v13 =	vadd.f32 v13, v21;
	v59 =	vpop (erf);
	v15 =	vmul.f32 $1.442695020e+00, v15;
	s25 =	spop (v2sf)  }
0x125: {  	(erf) = vpow2.f32 v3;
	v3 =	vadd.f32 v59, v58;
	v60 =	vpop (erf);
	s22 =	sshra.s32 s25, $0x1F  }
0x126: {  	(erf) = vpow2.f32 v14;
	v13 =	vadd.f32 v60, v13;
	v14 =	vpop (erf);
	s22 =	sshrl.u32 s22, $0x1C  }
0x127: {  	v16 =	vmul.f32 $1.442695020e+00, v16;
	v3 =	vadd.f32 v14, v3;
	v14 =	vpop (erf);
	s22 =	sadd.s32 s22, s25  }
0x128: {  	v17 =	vmul.f32 $1.442695020e+00, v17;
	(erf) = vpow2.f32 v15;
	v15 =	vpop (erf);
	v13 =	vadd.f32 v14, v13;
	s31 =	sand.u32 $0xFFFFFFF0, s22  }
0x129: {  	(erf) = vpow2.f32 v16;
	v3 =	vadd.f32 v15, v3;
	v14 =	vpop (erf);
	p1 =	slt.s32 s25, $0x1;
	p2 =	sne.s32 s25, s31  }
0x12a: {  	(erf) = vpow2.f32 v17;
	v15 =	vpop (erf);
	v13 =	vadd.f32 v14, v13;
	p1 =	por !p1, !p2  }
0x12b: {  	v14 =	vpop (erf);
	v3 =	vadd.f32 v15, v3;
	s31 =	simm.s32 $0x1;
	p1 =	por !p1, !p1  }
0x12c: {  	s2 =	sand.u32 $0xF, s2;
	v15 =	vpop (erf);
	v13 =	vadd.f32 v14, v13;
	s22 =	sshra.s32 s22, $0x4;
	s31 =	simm.s32 @!p1 $0x0  }
0x12d: {  	v61 =	vmov s2;
	v3 =	vadd.f32 v15, v3;
	v14 =	vpop (erf);
	s22 =	ssub.s32 s22, s31  }
0x12e: {  	s30 =	sand.u32 $0xF, s30;
	v5 =	vadd.f32 v6, v5;
	vm5 =	veq.s32 v61, v0;
	v15 =	vpop (erf);
	v13 =	vadd.f32 v14, v13;
	s31 =	sshll.u32 s22, $0x4;
	s22 =	sshll.u32 s22, $0x6  }
0x12f: {  	v4 =	vnsel vm5, $0x0, v4;
	v3 =	vadd.f32 v15, v3;
	v14 =	vpop (erf);
	v15 =	vmov s30;
	s2 =	sand.u32 $0x70, s31;
	s22 =	sand.u32 $0xFFFFFE00, s22  }
0x130: {  	s1 =	sand.u32 $0xF, s1;
	(xrf2) =	vadd.scan.msk.f32 $0xffff, v4;
	v6 =	vadd.f32 v14, v13;
	vm5 =	veq.s32 v15, v0;
	s2 =	sor.u32 s2, s22  }
0x131: {  	(xrf2) =	vadd.scan.msk.f32 $0xffff, v5;
	v62 =	vpop (erf);
	v5 =	vnsel vm5, $0x0, v7;
	v7 =	vadd.f32 v9, v8;
	v8 =	vmov s1;
	v4 =	vld [tilespmem:s2+$0x8180]  }
0x132: {  	v3 =	vadd.f32 v62, v3;
	v13 =	vpop (erf);
	vm5 =	veq.s32 v8, v0  }
0x133: {  	(xrf2) =	vadd.scan.msk.f32 $0xffff, v5;
	v14 =	vpop (erf);
	v6 =	vadd.f32 v13, v6;
	v5 =	vnsel vm5, $0x0, v10;
	s31 =	sand.u32 $0xF, s25  }
0x134: {  	(xrf2) =	vadd.scan.msk.f32 $0xffff, v7;
	v7 =	vadd.f32 v12, v11;
	v3 =	vadd.f32 v14, v3;
	v8 =	vmov s31  }
0x135: {  	(xrf2) =	vadd.scan.msk.f32 $0xffff, v5;
	vm5 =	veq.s32 v8, v0  }
0x136: {  	(xrf2) =	vadd.scan.msk.f32 $0xffff, v7;
	v3 =	vadd.f32 v3, v6;
	v4 =	vnsel vm5, $0x0, v4  }
0x137: {  	(xrf2) =	vadd.scan.msk.f32 $0xffff, v4  }
0x138: {  	(xrf2) =	vadd.scan.msk.f32 $0xffff, v3;
	_ =	sdelay $0x2  }
0x139: {  	v3, _, _ =	vpop (xrf2)  }
0x13a: {  	v4, _, _ =	vpop (xrf2)  }
0x13b: {  	v5, _, _ =	vpop (xrf2)  }
0x13c: {  	v4 =	vbroadcast v4, $0xF;
	v6, _, _ =	vpop (xrf2)  }
0x13d: {  	v3 =	vbroadcast v3, $0xF;
	v7, _, _ =	vpop (xrf2);
	v6 =	vbroadcast v6, $0xF  }
0x13e: {  	v5 =	vbroadcast v5, $0xF;
	v4 =	vnsel vm1, $0x3F800000, v4;
	v8, _, _ =	vpop (xrf2)  }
0x13f: {  	v3 =	vnsel vm1, $0x0, v3;
	v4 =	vsel vm2, v4, v6;
	v6 =	vbroadcast v7, $0xF;
	v9, _, _ =	vpop (xrf2)  }
0x140: {  	s2 =	smul.u32 $0x3000, s0;
	v3 =	vsel vm2, v3, v5;
	v8 =	vbroadcast v8, $0xF;
	v10, _, _ =	vpop (xrf2);
	v5 =	vbroadcast v9, $0xF  }
0x141: {  	s22 =	sshll.u32 s0, $0x6;
	v3 =	vsel vm3, v3, v6;
	v7 =	vbroadcast v10, $0xF  }
0x142: {  	s25 =	rddreg [dreg:$0x2];
	s1 =	sadd.s32 s19, s2;
	s2 =	sand.u32 $0x40, s22;
	v4 =	vsel vm3, v4, v8;
	v3 =	vsel vm4, v3, v5  }
0x143: {  	s1 =	sand.u32 $0xFFE000, s1;
	s2 =	sadd.s32 s25, s2;
	v4 =	vsel vm4, v4, v7;
	[tilespmem:s24+$0x6000] =	vst v3  }
0x144: {  	s30 =	simm.s32 $0x200;
	s31 =	simm.s32 $0x400;
	s1 =	sadd.s32 s1, s2;
	[tilespmem:s24+$0x4000] =	vst v4  }
0x145: {  	[hbm4b:s1+s30] =	stream.strided.scatter [tilespmem:s23], [sflag:$0x4], $0x8000, s31, s30, $0x38;
	v63 =	vld [tilespmem:$0x0]  }
0x146: {  	s1 =	simm.s32 @!p0 $0x6  }
0x147: {  	s24 =	sadd.s32 $0x2, s5;
	_ =	swait.ge @!p0 [sflag:s1], $0x8000  }
0x148: {  	s5 =	sshll.u32 s24, $0x7;
	[sflag:s1] =	ssyncset.done @!p0 $0x0  }
0x149: {  	s25 =	sand.u32 $0x3FFFFF80, s5;
	[sflag:s1] =	ssyncadd.s32 @!p0 $0xFFFF8000  }
0x14a: {  	v3 =	vld.msk [tilespmem:s25+$0x0], $0xf;
	_ =	sdelay $0x4  }
0x14b: {  	v4 =	vshll.u32 v3, $0x6  }
0x14c: {  	v3 =	vand.u32 $0x7, v3;
	v4 =	vand.u32 $0xFFFFFE00, v4  }
0x14d: {  	v3 =	vor.u32 v3, v4  }
0x14e: {  	v3 =	vperm.xlane v3, v1;
	_ =	sdelay $0x1  }
0x14f: {  	v3 =	vadd.s32 v2, v3;
	_ =	sdelay $0x3  }
0x150: {  	s31 =	simm.s32 $0x18000;
	s30 =	rddreg [dreg:$0x1]  }
0x151: {  	[tilespmem:s31], [sflag:$0x3] =	stream.indirect_vreg.gather [hbm4b:s30+s4], $0x80, v3, vm0, $0xb8;
	v63 =	vld [tilespmem:$0x0]  }
0x152: {  	s23 =	simm.s32 $0x18800  }
0x153: {  	[tilespmem:s23], [sflag:$0x3] =	stream.indirect_vreg.gather [hbm4b:s7+s4], $0x80, v3, vm0, $0xb8;
	v63 =	vld [tilespmem:$0x0]  }
0x154: {  	s25 =	simm.s32 $0x19000  }
0x155: {  	[tilespmem:s25], [sflag:$0x3] =	stream.indirect_vreg.gather [hbm4b:s8+s4], $0x80, v3, vm0, $0xb8;
	v63 =	vld [tilespmem:$0x0]  }
0x156: {  	s30 =	simm.s32 $0x19800  }
0x157: {  	[tilespmem:s30], [sflag:$0x3] =	stream.indirect_vreg.gather [hbm4b:s9+s4], $0x80, v3, vm0, $0xb8;
	v63 =	vld [tilespmem:$0x0]  }
0x158: {  	s31 =	simm.s32 $0x1A000  }
0x159: {  	[tilespmem:s31], [sflag:$0x3] =	stream.indirect_vreg.gather [hbm4b:s10+s4], $0x80, v3, vm0, $0xb8;
	v63 =	vld [tilespmem:$0x0]  }
0x15a: {  	s22 =	simm.s32 $0x1A800  }
0x15b: {  	[tilespmem:s22], [sflag:$0x3] =	stream.indirect_vreg.gather [hbm4b:s11+s4], $0x80, v3, vm0, $0xb8;
	v63 =	vld [tilespmem:$0x0]  }
0x15c: {  	s23 =	simm.s32 $0x1B000  }
0x15d: {  	[tilespmem:s23], [sflag:$0x3] =	stream.indirect_vreg.gather [hbm4b:s12+s4], $0x80, v3, vm0, $0xb8;
	v63 =	vld [tilespmem:$0x0]  }
0x15e: {  	s25 =	simm.s32 $0x1B800  }
0x15f: {  	[tilespmem:s25], [sflag:$0x3] =	stream.indirect_vreg.gather [hbm4b:s13+s4], $0x80, v3, vm0, $0xb8;
	v63 =	vld [tilespmem:$0x0]  }
0x160: {  	s30 =	simm.s32 $0x1C000  }
0x161: {  	[tilespmem:s30], [sflag:$0x3] =	stream.indirect_vreg.gather [hbm4b:s14+s4], $0x80, v3, vm0, $0xb8;
	v63 =	vld [tilespmem:$0x0]  }
0x162: {  	s31 =	simm.s32 $0x1C800  }
0x163: {  	[tilespmem:s31], [sflag:$0x3] =	stream.indirect_vreg.gather [hbm4b:s15+s4], $0x80, v3, vm0, $0xb8;
	v63 =	vld [tilespmem:$0x0]  }
0x164: {  	s22 =	simm.s32 $0x1D000  }
0x165: {  	[tilespmem:s22], [sflag:$0x3] =	stream.indirect_vreg.gather [hbm4b:s16+s4], $0x80, v3, vm0, $0xb8;
	v63 =	vld [tilespmem:$0x0]  }
0x166: {  	s23 =	simm.s32 $0x1D800  }
0x167: {  	[tilespmem:s23], [sflag:$0x3] =	stream.indirect_vreg.gather [hbm4b:s17+s4], $0x80, v3, vm0, $0xb8;
	v63 =	vld [tilespmem:$0x0]  }
0x168: {  	s25 =	simm.s32 $0x1E000  }
0x169: {  	[tilespmem:s25], [sflag:$0x3] =	stream.indirect_vreg.gather [hbm4b:s18+s4], $0x80, v3, vm0, $0xb8;
	v63 =	vld [tilespmem:$0x0]  }
0x16a: {  	s30 =	simm.s32 $0x1E800  }
0x16b: {  	[tilespmem:s30], [sflag:$0x3] =	stream.indirect_vreg.gather [hbm4b:s20+s4], $0x80, v3, vm0, $0xb8;
	v63 =	vld [tilespmem:$0x0]  }
0x16c: {  	s31 =	simm.s32 $0x1F000  }
0x16d: {  	[tilespmem:s31], [sflag:$0x3] =	stream.indirect_vreg.gather [hbm4b:s21+s4], $0x80, v3, vm0, $0xb8;
	v63 =	vld [tilespmem:$0x0]  }
0x16e: {  	s22 =	simm.s32 $0x1F800;
	s23 =	simm.s32 $0x2  }
0x16f: {  	[tilespmem:s22], [sflag:$0x3] =	stream.indirect_vreg.gather [hbm4b:s26+s4], $0x80, v3, vm0, $0xb8;
	v63 =	vld [tilespmem:$0x0]  }
0x170: {  	_ =	swait.ge [sflag:s23], $0x8000  }
0x171: {  	[sflag:s23] =	ssyncset.done $0x0  }
0x172: {  	s25 =	simm.s32 $0x10040;
	[sflag:s23] =	ssyncadd.s32 $0xFFFF8000  }
0x173: {  	v4 =	vld [tilespmem:s25+$0xFFFFFFC0]  }
0x174: {  	v5 =	vld [tilespmem:s25+$0xFFFFFFD0]  }
0x175: {  	v6 =	vld [tilespmem:s25+$0xFFFFFFE0]  }
0x176: {  	v7 =	vld [tilespmem:s25+$0xFFFFFFF0]  }
0x177: {  	v8 =	vld [tilespmem:s25+$0x0]  }
0x178: {  	v9 =	vld [tilespmem:s25+$0x10]  }
0x179: {  	v10 =	vld [tilespmem:s25+$0x20];
	v4 =	vmul.f32 $1.442695020e+00, v4  }
0x17a: {  	s30 =	simm.s32 $0x10240;
	v11 =	vld [tilespmem:s25+$0x30];
	v5 =	vmul.f32 $1.442695020e+00, v5;
	v6 =	vmul.f32 $1.442695020e+00, v6  }
0x17b: {  	v7 =	vmul.f32 $1.442695020e+00, v7;
	(erf) = vpow2.f32 v4;
	v4 =	vld [tilespmem:s30+$0xFFFFFFC0]  }
0x17c: {  	v8 =	vmul.f32 $1.442695020e+00, v8;
	(erf) = vpow2.f32 v5;
	v5 =	vld [tilespmem:s30+$0xFFFFFFD0]  }
0x17d: {  	v9 =	vmul.f32 $1.442695020e+00, v9;
	(erf) = vpow2.f32 v6;
	v6 =	vld [tilespmem:s30+$0xFFFFFFE0]  }
0x17e: {  	v10 =	vmul.f32 $1.442695020e+00, v10;
	(erf) = vpow2.f32 v7;
	v7 =	vld [tilespmem:s30+$0xFFFFFFF0]  }
0x17f: {  	v11 =	vmul.f32 $1.442695020e+00, v11;
	(erf) = vpow2.f32 v8;
	v8 =	vld [tilespmem:s30+$0x0]  }
0x180: {  	(erf) = vpow2.f32 v9;
	v4 =	vmul.f32 $1.442695020e+00, v4;
	v9 =	vld [tilespmem:s30+$0x10]  }
0x181: {  	(erf) = vpow2.f32 v10;
	v5 =	vmul.f32 $1.442695020e+00, v5  }
0x182: {  	v10 =	vld [tilespmem:s30+$0x20];
	(erf) = vpow2.f32 v11;
	v6 =	vmul.f32 $1.442695020e+00, v6  }
0x183: {  	s31 =	simm.s32 $0x10440;
	v11 =	vld [tilespmem:s30+$0x30];
	(erf) = vpow2.f32 v4;
	v7 =	vmul.f32 $1.442695020e+00, v7  }
0x184: {  	v12 =	vld [tilespmem:s31+$0xFFFFFFC0];
	(erf) = vpow2.f32 v5;
	v8 =	vmul.f32 $1.442695020e+00, v8  }
0x185: {  	v3 =	vld [tilespmem:s29+$0x2000];
	v4 =	vimm.f32 $0.0e+00;
	v5 =	vpop (erf);
	(erf) = vpow2.f32 v6;
	v9 =	vmul.f32 $1.442695020e+00, v9  }
0x186: {  	v13 =	vld [tilespmem:s31+$0xFFFFFFD0];
	v5 =	vadd.f32 v5, v4;
	v6 =	vpop (erf);
	(erf) = vpow2.f32 v7  }
0x187: {  	v14 =	vld [tilespmem:s31+$0xFFFFFFE0];
	v10 =	vmul.f32 $1.442695020e+00, v10;
	v6 =	vadd.f32 v6, v4;
	v7 =	vpop (erf);
	(erf) = vpow2.f32 v8  }
0x188: {  	v4 =	vld [tilespmem:s31+$0xFFFFFFF0];
	v11 =	vmul.f32 $1.442695020e+00, v11;
	v7 =	vadd.f32 v7, v5;
	v8 =	vpop (erf);
	(erf) = vpow2.f32 v9  }
0x189: {  	v12 =	vmul.f32 $1.442695020e+00, v12;
	v5 =	vld [tilespmem:s31+$0x0];
	v8 =	vadd.f32 v8, v6;
	v9 =	vpop (erf);
	(erf) = vpow2.f32 v10  }
0x18a: {  	v6 =	vld [tilespmem:s31+$0x10];
	v15 =	vadd.f32 v9, v7;
	v9 =	vpop (erf);
	(erf) = vpow2.f32 v11  }
0x18b: {  	v10 =	vmul.f32 $1.442695020e+00, v13;
	v7 =	vld [tilespmem:s31+$0x20];
	v11 =	vadd.f32 v9, v8;
	v13 =	vpop (erf);
	(erf) = vpow2.f32 v12  }
0x18c: {  	s1 =	simm.s32 $0x10;
	s25 =	simm.s32 $0x10640;
	v9 =	vmul.f32 $1.442695020e+00, v14;
	v8 =	vld [tilespmem:s31+$0x30];
	v12 =	vadd.f32 v13, v15;
	v13 =	vpop (erf)  }
.LBB2_11:
0x18d: {  	v14 =	vld [tilespmem:s25+$0xFFFFFFC0];
	s1 =	sadd.s32 $0x8, s1;
	v4 =	vmul.f32 $1.442695020e+00, v4;
	(erf) = vpow2.f32 v10;
	v10 =	vpop (erf);
	v15 =	vadd.f32 v13, v11  }
0x18e: {  	v13 =	vld [tilespmem:s25+$0xFFFFFFD0];
	p0 =	slt.u32 s1, $0x1F8;
	v5 =	vmul.f32 $1.442695020e+00, v5;
	(erf) = vpow2.f32 v9;
	v9 =	vadd.f32 v10, v12;
	v10 =	vpop (erf)  }
0x18f: {  	v12 =	vld [tilespmem:s25+$0xFFFFFFE0];
	v6 =	vmul.f32 $1.442695020e+00, v6;
	(erf) = vpow2.f32 v4;
	v15 =	vadd.f32 v10, v15;
	v11 =	vpop (erf)  }
.Ltmp4:
0x190: {  	v4 =	vld [tilespmem:s25+$0xFFFFFFF0];
	v7 =	vmul.f32 $1.442695020e+00, v7;
	(erf) = vpow2.f32 v5;
	v16 =	vadd.f32 v11, v9;
	v11 =	vpop (erf);
	(pc) =	sbr.rel @p0 .LBB2_11-.Ltmp4, $4  }
0x191: {  	v5 =	vld [tilespmem:s25+$0x0];
	v8 =	vmul.f32 $1.442695020e+00, v8;
	(erf) = vpow2.f32 v6;
	v11 =	vadd.f32 v11, v15;
	v10 =	vpop (erf)  }
0x192: {  	v14 =	vmul.f32 $1.442695020e+00, v14;
	v6 =	vld [tilespmem:s25+$0x10];
	(erf) = vpow2.f32 v7;
	v15 =	vadd.f32 v10, v16;
	v9 =	vpop (erf)  }
0x193: {  	v10 =	vmul.f32 $1.442695020e+00, v13;
	v7 =	vld [tilespmem:s25+$0x20];
	(erf) = vpow2.f32 v8;
	v11 =	vadd.f32 v9, v11;
	v13 =	vpop (erf)  }
0x194: {  	v9 =	vmul.f32 $1.442695020e+00, v12;
	v8 =	vld [tilespmem:s25+$0x30];
	s25 =	sadd.s32 $0x200, s25;
	(erf) = vpow2.f32 v14;
	v12 =	vadd.f32 v13, v15;
	v13 =	vpop (erf)  }
0x195: {  	(erf) = vpow2.f32 v10;
	v10 =	vpop (erf);
	v11 =	vadd.f32 v13, v11  }
0x196: {  	(erf) = vpow2.f32 v9;
	v9 =	vadd.f32 v10, v12  }
0x197: {  	v14 =	vmul.f32 $1.442695020e+00, v4;
	s23 =	simm.s32 $0x100F0  }
0x198: {  	(v2sf) =	vpush v3, $0x0;
	v5 =	vmul.f32 $1.442695020e+00, v5;
	v10 =	vpop (erf);
	v12 =	vld [tilespmem:s23+$0xFFFFFF90];
	v7 =	vmul.f32 $1.442695020e+00, v7  }
0x199: {  	v13 =	vld [tilespmem:s23+$0xFFFFFFA0];
	v6 =	vmul.f32 $1.442695020e+00, v6;
	(erf) = vpow2.f32 v14;
	v10 =	vadd.f32 v10, v11;
	v11 =	vpop (erf)  }
0x19a: {  	(erf) = vpow2.f32 v5;
	v5 =	vadd.f32 v11, v9;
	v9 =	vpop (erf);
	v11 =	vld [tilespmem:s23+$0xFFFFFFB0]  }
0x19b: {  	v8 =	vmul.f32 $1.442695020e+00, v8;
	(erf) = vpow2.f32 v6;
	v6 =	vadd.f32 v9, v10;
	v9 =	vpop (erf)  }
0x19c: {  	v14 =	vld [tilespmem:s23+$0xFFFFFFF0];
	(erf) = vpow2.f32 v7;
	v5 =	vadd.f32 v9, v5;
	v7 =	vpop (erf)  }
0x19d: {  	v10 =	vld [tilespmem:s23+$0xFFFFFFC0];
	(erf) = vpow2.f32 v8;
	v8 =	vmul.f32 $1.442695020e+00, v12;
	v6 =	vadd.f32 v7, v6;
	v7 =	vpop (erf)  }
0x19e: {  	v13 =	vmul.f32 $1.442695020e+00, v13;
	v9 =	vld [tilespmem:s23+$0xFFFFFFD0];
	v5 =	vadd.f32 v7, v5;
	v7 =	vpop (erf)  }
0x19f: {  	s25 =	simm.s32 $0x102F0;
	v12 =	vld [tilespmem:s23+$0xFFFFFFE0];
	(erf) = vpow2.f32 v8;
	v6 =	vadd.f32 v7, v6;
	v7 =	vmul.f32 $1.442695020e+00, v11  }
0x1a0: {  	(erf) = vpow2.f32 v13;
	v13 =	vld [tilespmem:s25+$0xFFFFFFA0];
	v15 =	vpop (erf)  }
0x1a1: {  	v11 =	vld [tilespmem:s23+$0x0];
	v5 =	vadd.f32 v15, v5;
	v8 =	vpop (erf)  }
0x1a2: {  	v15 =	vld [tilespmem:s25+$0xFFFFFF90];
	v10 =	vmul.f32 $1.442695020e+00, v10;
	v6 =	vadd.f32 v8, v6;
	v8 =	vpop (erf)  }
0x1a3: {  	v9 =	vmul.f32 $1.442695020e+00, v9;
	(erf) = vpow2.f32 v7;
	v5 =	vadd.f32 v8, v5;
	v8 =	vld [tilespmem:s25+$0xFFFFFFB0];
	v7 =	vpop (erf)  }
0x1a4: {  	v14 =	vmul.f32 $1.442695020e+00, v14;
	(erf) = vpow2.f32 v10;
	v6 =	vadd.f32 v7, v6;
	v7 =	vpop (erf)  }
0x1a5: {  	v12 =	vmul.f32 $1.442695020e+00, v12;
	(erf) = vpow2.f32 v9;
	v9 =	vld [tilespmem:s25+$0xFFFFFFD0];
	v5 =	vadd.f32 v7, v5;
	v7 =	vpop (erf)  }
0x1a6: {  	v10 =	vld [tilespmem:s25+$0xFFFFFFC0];
	v13 =	vmul.f32 $1.442695020e+00, v13;
	v11 =	vmul.f32 $1.442695020e+00, v11;
	v6 =	vadd.f32 v7, v6;
	v7 =	vpop (erf)  }
0x1a7: {  	s30 =	spop (v2sf);
	(erf) = vpow2.f32 v12;
	v12 =	vmul.f32 $1.442695020e+00, v15;
	v5 =	vadd.f32 v7, v5;
	v7 =	vpop (erf)  }
0x1a8: {  	s1 =	sshra.s32 s30, $0x1F;
	v15 =	vld [tilespmem:s25+$0xFFFFFFE0];
	(erf) = vpow2.f32 v14;
	v6 =	vadd.f32 v7, v6;
	v7 =	vmul.f32 $1.442695020e+00, v8  }
0x1a9: {  	s1 =	sshrl.u32 s1, $0x1C;
	(erf) = vpow2.f32 v11  }
0x1aa: {  	v14 =	vld [tilespmem:s25+$0xFFFFFFF0];
	s1 =	sadd.s32 s1, s30;
	(erf) = vpow2.f32 v12;
	v8 =	vimm.f32 $0.0e+00;
	v9 =	vmul.f32 $1.442695020e+00, v9  }
0x1ab: {  	s31 =	simm.s32 $0x104F0;
	v11 =	vld [tilespmem:s25+$0x0];
	v10 =	vmul.f32 $1.442695020e+00, v10;
	s22 =	sand.u32 $0xFFFFFFF0, s1;
	(erf) = vpow2.f32 v13;
	v13 =	vpop (erf)  }
0x1ac: {  	p0 =	slt.s32 s30, $0x1;
	v12 =	vld [tilespmem:s31+$0xFFFFFF90];
	p1 =	sne.s32 s30, s22;
	(erf) = vpow2.f32 v7;
	v13 =	vadd.f32 v13, v8;
	v7 =	vpop (erf)  }
0x1ad: {  	v16 =	vld [tilespmem:s31+$0xFFFFFFA0];
	p0 =	por !p0, !p1;
	v15 =	vmul.f32 $1.442695020e+00, v15;
	(erf) = vpow2.f32 v10;
	v10 =	vadd.f32 v7, v8;
	v8 =	vpop (erf)  }
0x1ae: {  	v17 =	vld [tilespmem:s31+$0xFFFFFFB0];
	s22 =	simm.s32 $0x1;
	p0 =	por !p0, !p0;
	(erf) = vpow2.f32 v9;
	v9 =	vpop (erf)  }
0x1af: {  	s1 =	sshra.s32 s1, $0x4;
	v14 =	vmul.f32 $1.442695020e+00, v14;
	s22 =	simm.s32 @!p0 $0x0;
	v7 =	vld [tilespmem:s31+$0xFFFFFFC0];
	(erf) = vpow2.f32 v15;
	v15 =	vadd.f32 v9, v10  }
0x1b0: {  	v11 =	vmul.f32 $1.442695020e+00, v11;
	s1 =	ssub.s32 s1, s22;
	v13 =	vadd.f32 v8, v13;
	v8 =	vld [tilespmem:s31+$0xFFFFFFD0]  }
0x1b1: {  	v18 =	vmul.f32 $1.442695020e+00, v12;
	s22 =	sshll.u32 s1, $0x4;
	s1 =	sshll.u32 s1, $0x6;
	(erf) = vpow2.f32 v14;
	v9 =	vld [tilespmem:s31+$0xFFFFFFE0];
	v10 =	vpop (erf)  }
0x1b2: {  	s22 =	sand.u32 $0x70, s22;
	s1 =	sand.u32 $0xFFFFFE00, s1;
	(erf) = vpow2.f32 v11;
	v11 =	vld [tilespmem:s31+$0x0];
	v19 =	vadd.f32 v10, v13;
	v12 =	vpop (erf)  }
0x1b3: {  	s1 =	sor.u32 s22, s1;
	(erf) = vpow2.f32 v18;
	v13 =	vmul.f32 $1.442695020e+00, v16;
	v10 =	vld [tilespmem:s31+$0xFFFFFFF0];
	v14 =	vadd.f32 v12, v15;
	v15 =	vpop (erf)  }
0x1b4: {  	s25 =	simm.s32 $0x106F0;
	v4 =	vld [tilespmem:s1+$0x10000];
	s1 =	simm.s32 $0x10;
	v12 =	vmul.f32 $1.442695020e+00, v17;
	v15 =	vadd.f32 v15, v19;
	v16 =	vpop (erf)  }
.LBB2_13:
0x1b5: {  	v17 =	vld [tilespmem:s25+$0xFFFFFF90];
	s1 =	sadd.s32 $0x8, s1;
	v7 =	vmul.f32 $1.442695020e+00, v7;
	(erf) = vpow2.f32 v13;
	v13 =	vpop (erf);
	v18 =	vadd.f32 v16, v14  }
0x1b6: {  	v16 =	vld [tilespmem:s25+$0xFFFFFFA0];
	p0 =	slt.u32 s1, $0x1F8;
	v8 =	vmul.f32 $1.442695020e+00, v8;
	(erf) = vpow2.f32 v12;
	v12 =	vadd.f32 v13, v15;
	v13 =	vpop (erf)  }
0x1b7: {  	v15 =	vld [tilespmem:s25+$0xFFFFFFB0];
	v9 =	vmul.f32 $1.442695020e+00, v9;
	(erf) = vpow2.f32 v7;
	v18 =	vadd.f32 v13, v18;
	v14 =	vpop (erf)  }
.Ltmp5:
0x1b8: {  	v7 =	vld [tilespmem:s25+$0xFFFFFFC0];
	v10 =	vmul.f32 $1.442695020e+00, v10;
	(erf) = vpow2.f32 v8;
	v19 =	vadd.f32 v14, v12;
	v14 =	vpop (erf);
	(pc) =	sbr.rel @p0 .LBB2_13-.Ltmp5, $4  }
0x1b9: {  	v8 =	vld [tilespmem:s25+$0xFFFFFFD0];
	v11 =	vmul.f32 $1.442695020e+00, v11;
	(erf) = vpow2.f32 v9;
	v14 =	vadd.f32 v14, v18;
	v13 =	vpop (erf)  }
0x1ba: {  	v17 =	vmul.f32 $1.442695020e+00, v17;
	v9 =	vld [tilespmem:s25+$0xFFFFFFE0];
	(erf) = vpow2.f32 v10;
	v18 =	vadd.f32 v13, v19;
	v12 =	vpop (erf)  }
0x1bb: {  	v13 =	vmul.f32 $1.442695020e+00, v16;
	v10 =	vld [tilespmem:s25+$0xFFFFFFF0];
	(erf) = vpow2.f32 v11;
	v14 =	vadd.f32 v12, v14;
	v16 =	vpop (erf)  }
0x1bc: {  	v12 =	vmul.f32 $1.442695020e+00, v15;
	v11 =	vld [tilespmem:s25+$0x0];
	s25 =	sadd.s32 $0x200, s25;
	(erf) = vpow2.f32 v17;
	v15 =	vadd.f32 v16, v18;
	v16 =	vpop (erf)  }
0x1bd: {  	(v2sf) =	vpush v3, $0x1;
	_ =	sdelay $0xe  }
0x1be: {  	s1 =	spop (v2sf)  }
0x1bf: {  	(erf) = vpow2.f32 v13;
	v13 =	vpop (erf);
	v14 =	vadd.f32 v16, v14;
	s22 =	sshra.s32 s1, $0x1F  }
0x1c0: {  	(erf) = vpow2.f32 v12;
	v12 =	vadd.f32 v13, v15;
	s22 =	sshrl.u32 s22, $0x1C  }
0x1c1: {  	v17 =	vmul.f32 $1.442695020e+00, v7;
	s23 =	simm.s32 $0x10170;
	s22 =	sadd.s32 s22, s1  }
0x1c2: {  	v8 =	vmul.f32 $1.442695020e+00, v8;
	v13 =	vpop (erf);
	v15 =	vld [tilespmem:s23+$0xFFFFFF90];
	v10 =	vmul.f32 $1.442695020e+00, v10;
	s25 =	sand.u32 $0xFFFFFFF0, s22  }
0x1c3: {  	v9 =	vmul.f32 $1.442695020e+00, v9;
	(erf) = vpow2.f32 v17;
	v13 =	vadd.f32 v13, v14;
	v14 =	vpop (erf);
	p0 =	slt.s32 s1, $0x1;
	p1 =	sne.s32 s1, s25  }
0x1c4: {  	(erf) = vpow2.f32 v8;
	v8 =	vadd.f32 v14, v12;
	v12 =	vpop (erf);
	v14 =	vld [tilespmem:s23+$0xFFFFFFB0];
	p0 =	por !p0, !p1  }
0x1c5: {  	v16 =	vld [tilespmem:s23+$0xFFFFFFA0];
	v11 =	vmul.f32 $1.442695020e+00, v11;
	(erf) = vpow2.f32 v9;
	v9 =	vadd.f32 v12, v13;
	v12 =	vpop (erf);
	s25 =	simm.s32 $0x1;
	p0 =	por !p0, !p0  }
0x1c6: {  	v17 =	vld [tilespmem:s23+$0xFFFFFFF0];
	(erf) = vpow2.f32 v10;
	v8 =	vadd.f32 v12, v8;
	v10 =	vpop (erf);
	s22 =	sshra.s32 s22, $0x4;
	s25 =	simm.s32 @!p0 $0x0  }
0x1c7: {  	v13 =	vld [tilespmem:s23+$0xFFFFFFC0];
	(erf) = vpow2.f32 v11;
	v11 =	vmul.f32 $1.442695020e+00, v15;
	v9 =	vadd.f32 v10, v9;
	v10 =	vpop (erf);
	s22 =	ssub.s32 s22, s25  }
0x1c8: {  	v12 =	vld [tilespmem:s23+$0xFFFFFFD0];
	v8 =	vadd.f32 v10, v8;
	v10 =	vpop (erf);
	s25 =	sshll.u32 s22, $0x4;
	s22 =	sshll.u32 s22, $0x6  }
0x1c9: {  	v15 =	vld [tilespmem:s23+$0xFFFFFFE0];
	v9 =	vadd.f32 v10, v9;
	v10 =	vmul.f32 $1.442695020e+00, v14;
	s25 =	sand.u32 $0x70, s25;
	s22 =	sand.u32 $0xFFFFFE00, s22  }
0x1ca: {  	v16 =	vmul.f32 $1.442695020e+00, v16;
	v18 =	vpop (erf);
	v14 =	vld [tilespmem:s23+$0x0];
	s22 =	sor.u32 s25, s22;
	s25 =	simm.s32 $0x10370  }
0x1cb: {  	(erf) = vpow2.f32 v11;
	v8 =	vadd.f32 v18, v8;
	v11 =	vpop (erf);
	v18 =	vld [tilespmem:s25+$0xFFFFFF90]  }
0x1cc: {  	(erf) = vpow2.f32 v16;
	v13 =	vmul.f32 $1.442695020e+00, v13;
	v9 =	vadd.f32 v11, v9;
	v11 =	vpop (erf);
	v16 =	vld [tilespmem:s25+$0xFFFFFFA0]  }
0x1cd: {  	v12 =	vmul.f32 $1.442695020e+00, v12;
	(erf) = vpow2.f32 v10;
	v8 =	vadd.f32 v11, v8;
	v10 =	vpop (erf);
	v11 =	vld [tilespmem:s25+$0xFFFFFFB0]  }
0x1ce: {  	v15 =	vmul.f32 $1.442695020e+00, v15;
	(erf) = vpow2.f32 v13;
	v9 =	vadd.f32 v10, v9;
	v10 =	vpop (erf)  }
0x1cf: {  	v17 =	vmul.f32 $1.442695020e+00, v17;
	(erf) = vpow2.f32 v12;
	v8 =	vadd.f32 v10, v8;
	v10 =	vpop (erf);
	v12 =	vld [tilespmem:s25+$0xFFFFFFD0]  }
0x1d0: {  	v14 =	vmul.f32 $1.442695020e+00, v14;
	(erf) = vpow2.f32 v15;
	v9 =	vadd.f32 v10, v9;
	v10 =	vpop (erf);
	v13 =	vld [tilespmem:s25+$0xFFFFFFC0]  }
0x1d1: {  	(erf) = vpow2.f32 v17;
	v8 =	vadd.f32 v10, v8;
	v10 =	vpop (erf);
	v16 =	vmul.f32 $1.442695020e+00, v16  }
0x1d2: {  	v9 =	vadd.f32 v10, v9;
	v15 =	vmul.f32 $1.442695020e+00, v18;
	v18 =	vld [tilespmem:s25+$0xFFFFFFE0];
	v10 =	vmul.f32 $1.442695020e+00, v11  }
0x1d3: {  	(erf) = vpow2.f32 v14  }
0x1d4: {  	v17 =	vld [tilespmem:s25+$0xFFFFFFF0];
	v11 =	vimm.f32 $0.0e+00;
	v12 =	vmul.f32 $1.442695020e+00, v12;
	(erf) = vpow2.f32 v15  }
0x1d5: {  	s23 =	simm.s32 $0x10570;
	v14 =	vld [tilespmem:s25+$0x0];
	v13 =	vmul.f32 $1.442695020e+00, v13;
	(erf) = vpow2.f32 v16;
	v16 =	vpop (erf)  }
0x1d6: {  	v15 =	vld [tilespmem:s23+$0xFFFFFF90];
	(erf) = vpow2.f32 v10;
	v16 =	vadd.f32 v16, v11;
	v10 =	vpop (erf)  }
0x1d7: {  	v19 =	vld [tilespmem:s23+$0xFFFFFFA0];
	v18 =	vmul.f32 $1.442695020e+00, v18;
	(erf) = vpow2.f32 v13;
	v13 =	vadd.f32 v10, v11;
	v11 =	vpop (erf)  }
0x1d8: {  	v20 =	vld [tilespmem:s23+$0xFFFFFFB0];
	(erf) = vpow2.f32 v12;
	v12 =	vpop (erf)  }
0x1d9: {  	v7 =	vld [tilespmem:s22+$0x10080];
	v17 =	vmul.f32 $1.442695020e+00, v17;
	(erf) = vpow2.f32 v18;
	v18 =	vadd.f32 v12, v13  }
0x1da: {  	v14 =	vmul.f32 $1.442695020e+00, v14;
	v10 =	vld [tilespmem:s23+$0xFFFFFFC0];
	v16 =	vadd.f32 v11, v16  }
0x1db: {  	v11 =	vld [tilespmem:s23+$0xFFFFFFD0];
	v21 =	vmul.f32 $1.442695020e+00, v15;
	(erf) = vpow2.f32 v17;
	v13 =	vpop (erf)  }
0x1dc: {  	v12 =	vld [tilespmem:s23+$0xFFFFFFE0];
	(erf) = vpow2.f32 v14;
	v22 =	vadd.f32 v13, v16;
	v15 =	vpop (erf)  }
0x1dd: {  	(erf) = vpow2.f32 v21;
	v16 =	vmul.f32 $1.442695020e+00, v19;
	v13 =	vld [tilespmem:s23+$0xFFFFFFF0];
	v17 =	vadd.f32 v15, v18;
	v18 =	vpop (erf)  }
0x1de: {  	s31 =	simm.s32 $0x10770;
	s25 =	simm.s32 $0x10;
	v14 =	vld [tilespmem:s23+$0x0];
	v15 =	vmul.f32 $1.442695020e+00, v20;
	v18 =	vadd.f32 v18, v22;
	v19 =	vpop (erf)  }
.LBB2_15:
0x1df: {  	v20 =	vld [tilespmem:s31+$0xFFFFFF90];
	s25 =	sadd.s32 $0x8, s25;
	v10 =	vmul.f32 $1.442695020e+00, v10;
	(erf) = vpow2.f32 v16;
	v16 =	vpop (erf);
	v21 =	vadd.f32 v19, v17  }
0x1e0: {  	v19 =	vld [tilespmem:s31+$0xFFFFFFA0];
	p0 =	slt.u32 s25, $0x1F8;
	v11 =	vmul.f32 $1.442695020e+00, v11;
	(erf) = vpow2.f32 v15;
	v15 =	vadd.f32 v16, v18;
	v16 =	vpop (erf)  }
0x1e1: {  	v18 =	vld [tilespmem:s31+$0xFFFFFFB0];
	v12 =	vmul.f32 $1.442695020e+00, v12;
	(erf) = vpow2.f32 v10;
	v21 =	vadd.f32 v16, v21;
	v17 =	vpop (erf)  }
.Ltmp6:
0x1e2: {  	v10 =	vld [tilespmem:s31+$0xFFFFFFC0];
	v13 =	vmul.f32 $1.442695020e+00, v13;
	(erf) = vpow2.f32 v11;
	v22 =	vadd.f32 v17, v15;
	v17 =	vpop (erf);
	(pc) =	sbr.rel @p0 .LBB2_15-.Ltmp6, $4  }
0x1e3: {  	v11 =	vld [tilespmem:s31+$0xFFFFFFD0];
	v14 =	vmul.f32 $1.442695020e+00, v14;
	(erf) = vpow2.f32 v12;
	v17 =	vadd.f32 v17, v21;
	v16 =	vpop (erf)  }
0x1e4: {  	v20 =	vmul.f32 $1.442695020e+00, v20;
	v12 =	vld [tilespmem:s31+$0xFFFFFFE0];
	(erf) = vpow2.f32 v13;
	v21 =	vadd.f32 v16, v22;
	v15 =	vpop (erf)  }
0x1e5: {  	v16 =	vmul.f32 $1.442695020e+00, v19;
	v13 =	vld [tilespmem:s31+$0xFFFFFFF0];
	(erf) = vpow2.f32 v14;
	v17 =	vadd.f32 v15, v17;
	v19 =	vpop (erf)  }
0x1e6: {  	v15 =	vmul.f32 $1.442695020e+00, v18;
	v14 =	vld [tilespmem:s31+$0x0];
	s31 =	sadd.s32 $0x200, s31;
	(erf) = vpow2.f32 v20;
	v18 =	vadd.f32 v19, v21;
	v19 =	vpop (erf)  }
0x1e7: {  	(erf) = vpow2.f32 v16;
	v16 =	vpop (erf);
	v17 =	vadd.f32 v19, v17  }
0x1e8: {  	(erf) = vpow2.f32 v15;
	v15 =	vadd.f32 v16, v18  }
0x1e9: {  	v20 =	vmul.f32 $1.442695020e+00, v10;
	s23 =	simm.s32 $0x101F0  }
0x1ea: {  	(v2sf) =	vpush v3, $0x2;
	v11 =	vmul.f32 $1.442695020e+00, v11;
	v16 =	vpop (erf);
	v18 =	vld [tilespmem:s23+$0xFFFFFF90];
	v13 =	vmul.f32 $1.442695020e+00, v13  }
0x1eb: {  	v12 =	vmul.f32 $1.442695020e+00, v12;
	(erf) = vpow2.f32 v20;
	v16 =	vadd.f32 v16, v17;
	v17 =	vpop (erf)  }
0x1ec: {  	(erf) = vpow2.f32 v11;
	v11 =	vadd.f32 v17, v15;
	v15 =	vpop (erf);
	v17 =	vld [tilespmem:s23+$0xFFFFFFB0]  }
0x1ed: {  	v19 =	vld [tilespmem:s23+$0xFFFFFFA0];
	v14 =	vmul.f32 $1.442695020e+00, v14;
	(erf) = vpow2.f32 v12;
	v12 =	vadd.f32 v15, v16;
	v15 =	vpop (erf)  }
0x1ee: {  	v20 =	vld [tilespmem:s23+$0xFFFFFFF0];
	(erf) = vpow2.f32 v13;
	v11 =	vadd.f32 v15, v11;
	v13 =	vpop (erf)  }
0x1ef: {  	v16 =	vld [tilespmem:s23+$0xFFFFFFC0];
	(erf) = vpow2.f32 v14;
	v14 =	vmul.f32 $1.442695020e+00, v18;
	v12 =	vadd.f32 v13, v12;
	v13 =	vpop (erf)  }
0x1f0: {  	v15 =	vld [tilespmem:s23+$0xFFFFFFD0];
	v11 =	vadd.f32 v13, v11;
	v13 =	vpop (erf)  }
0x1f1: {  	v18 =	vld [tilespmem:s23+$0xFFFFFFE0];
	v12 =	vadd.f32 v13, v12;
	v13 =	vmul.f32 $1.442695020e+00, v17  }
0x1f2: {  	v19 =	vmul.f32 $1.442695020e+00, v19;
	v21 =	vpop (erf);
	v17 =	vld [tilespmem:s23+$0x0];
	s23 =	simm.s32 $0x103F0  }
0x1f3: {  	(erf) = vpow2.f32 v14;
	v11 =	vadd.f32 v21, v11;
	v14 =	vpop (erf);
	v21 =	vld [tilespmem:s23+$0xFFFFFF90]  }
0x1f4: {  	(erf) = vpow2.f32 v19;
	v16 =	vmul.f32 $1.442695020e+00, v16;
	v19 =	vld [tilespmem:s23+$0xFFFFFFA0];
	v12 =	vadd.f32 v14, v12;
	v14 =	vpop (erf)  }
0x1f5: {  	v15 =	vmul.f32 $1.442695020e+00, v15;
	(erf) = vpow2.f32 v13;
	v11 =	vadd.f32 v14, v11;
	v14 =	vld [tilespmem:s23+$0xFFFFFFB0];
	v13 =	vpop (erf)  }
0x1f6: {  	v18 =	vmul.f32 $1.442695020e+00, v18;
	(erf) = vpow2.f32 v16;
	v12 =	vadd.f32 v13, v12;
	v13 =	vpop (erf)  }
0x1f7: {  	v20 =	vmul.f32 $1.442695020e+00, v20;
	(erf) = vpow2.f32 v15;
	v15 =	vld [tilespmem:s23+$0xFFFFFFD0];
	v11 =	vadd.f32 v13, v11;
	v13 =	vpop (erf)  }
0x1f8: {  	v16 =	vld [tilespmem:s23+$0xFFFFFFC0];
	v17 =	vmul.f32 $1.442695020e+00, v17;
	(erf) = vpow2.f32 v18;
	v12 =	vadd.f32 v13, v12;
	v13 =	vpop (erf)  }
0x1f9: {  	s25 =	spop (v2sf);
	v18 =	vmul.f32 $1.442695020e+00, v21;
	v19 =	vmul.f32 $1.442695020e+00, v19;
	v11 =	vadd.f32 v13, v11;
	v13 =	vpop (erf)  }
0x1fa: {  	s22 =	sshra.s32 s25, $0x1F;
	v21 =	vld [tilespmem:s23+$0xFFFFFFE0];
	(erf) = vpow2.f32 v20;
	v12 =	vadd.f32 v13, v12;
	v13 =	vmul.f32 $1.442695020e+00, v14  }
0x1fb: {  	s22 =	sshrl.u32 s22, $0x1C;
	(erf) = vpow2.f32 v17  }
0x1fc: {  	v20 =	vld [tilespmem:s23+$0xFFFFFFF0];
	s22 =	sadd.s32 s22, s25;
	(erf) = vpow2.f32 v18;
	v14 =	vimm.f32 $0.0e+00;
	v15 =	vmul.f32 $1.442695020e+00, v15  }
0x1fd: {  	v17 =	vld [tilespmem:s23+$0x0];
	s23 =	simm.s32 $0x105F0;
	v16 =	vmul.f32 $1.442695020e+00, v16;
	s31 =	sand.u32 $0xFFFFFFF0, s22;
	(erf) = vpow2.f32 v19;
	v19 =	vpop (erf)  }
0x1fe: {  	p0 =	slt.s32 s25, $0x1;
	v18 =	vld [tilespmem:s23+$0xFFFFFF90];
	p1 =	sne.s32 s25, s31;
	(erf) = vpow2.f32 v13;
	v19 =	vadd.f32 v19, v14;
	v13 =	vpop (erf)  }
0x1ff: {  	v22 =	vld [tilespmem:s23+$0xFFFFFFA0];
	p0 =	por !p0, !p1;
	v21 =	vmul.f32 $1.442695020e+00, v21;
	(erf) = vpow2.f32 v16;
	v16 =	vadd.f32 v13, v14;
	v14 =	vpop (erf)  }
0x200: {  	v23 =	vld [tilespmem:s23+$0xFFFFFFB0];
	s31 =	simm.s32 $0x1;
	p0 =	por !p0, !p0;
	(erf) = vpow2.f32 v15;
	v19 =	vadd.f32 v14, v19;
	v15 =	vpop (erf)  }
0x201: {  	s22 =	sshra.s32 s22, $0x4;
	v20 =	vmul.f32 $1.442695020e+00, v20;
	s31 =	simm.s32 @!p0 $0x0;
	v13 =	vld [tilespmem:s23+$0xFFFFFFC0];
	(erf) = vpow2.f32 v21;
	v21 =	vadd.f32 v15, v16  }
0x202: {  	v17 =	vmul.f32 $1.442695020e+00, v17;
	s22 =	ssub.s32 s22, s31;
	v14 =	vld [tilespmem:s23+$0xFFFFFFD0]  }
0x203: {  	v24 =	vmul.f32 $1.442695020e+00, v18;
	s31 =	sshll.u32 s22, $0x4;
	s22 =	sshll.u32 s22, $0x6;
	(erf) = vpow2.f32 v20;
	v15 =	vld [tilespmem:s23+$0xFFFFFFE0];
	v16 =	vpop (erf)  }
0x204: {  	s31 =	sand.u32 $0x70, s31;
	s22 =	sand.u32 $0xFFFFFE00, s22;
	(erf) = vpow2.f32 v17;
	v17 =	vld [tilespmem:s23+$0x0];
	v25 =	vadd.f32 v16, v19;
	v19 =	vpop (erf)  }
0x205: {  	v18 =	vmul.f32 $1.442695020e+00, v22;
	s22 =	sor.u32 s31, s22;
	(erf) = vpow2.f32 v24;
	v16 =	vld [tilespmem:s23+$0xFFFFFFF0];
	v20 =	vadd.f32 v19, v21;
	v21 =	vpop (erf)  }
0x206: {  	s31 =	simm.s32 $0x10;
	v10 =	vld [tilespmem:s22+$0x10100];
	s22 =	simm.s32 $0x107F0;
	v19 =	vmul.f32 $1.442695020e+00, v23;
	v21 =	vadd.f32 v21, v25;
	v22 =	vpop (erf)  }
.LBB2_17:
0x207: {  	v23 =	vld [tilespmem:s22+$0xFFFFFF90];
	s31 =	sadd.s32 $0x8, s31;
	v13 =	vmul.f32 $1.442695020e+00, v13;
	(erf) = vpow2.f32 v18;
	v18 =	vpop (erf);
	v24 =	vadd.f32 v22, v20  }
0x208: {  	v22 =	vld [tilespmem:s22+$0xFFFFFFA0];
	p0 =	slt.u32 s31, $0x1F8;
	v14 =	vmul.f32 $1.442695020e+00, v14;
	(erf) = vpow2.f32 v19;
	v18 =	vadd.f32 v18, v21;
	v19 =	vpop (erf)  }
0x209: {  	v21 =	vld [tilespmem:s22+$0xFFFFFFB0];
	v15 =	vmul.f32 $1.442695020e+00, v15;
	(erf) = vpow2.f32 v13;
	v19 =	vadd.f32 v19, v24;
	v20 =	vpop (erf)  }
.Ltmp7:
0x20a: {  	v13 =	vld [tilespmem:s22+$0xFFFFFFC0];
	v16 =	vmul.f32 $1.442695020e+00, v16;
	(erf) = vpow2.f32 v14;
	v18 =	vadd.f32 v20, v18;
	v20 =	vpop (erf);
	(pc) =	sbr.rel @p0 .LBB2_17-.Ltmp7, $4  }
0x20b: {  	v14 =	vld [tilespmem:s22+$0xFFFFFFD0];
	v17 =	vmul.f32 $1.442695020e+00, v17;
	(erf) = vpow2.f32 v15;
	v19 =	vadd.f32 v20, v19;
	v20 =	vpop (erf)  }
0x20c: {  	v23 =	vmul.f32 $1.442695020e+00, v23;
	v15 =	vld [tilespmem:s22+$0xFFFFFFE0];
	(erf) = vpow2.f32 v16;
	v24 =	vadd.f32 v20, v18;
	v20 =	vpop (erf)  }
0x20d: {  	v18 =	vmul.f32 $1.442695020e+00, v22;
	v16 =	vld [tilespmem:s22+$0xFFFFFFF0];
	(erf) = vpow2.f32 v17;
	v20 =	vadd.f32 v20, v19;
	v22 =	vpop (erf)  }
0x20e: {  	v19 =	vmul.f32 $1.442695020e+00, v21;
	v17 =	vld [tilespmem:s22+$0x0];
	s22 =	sadd.s32 $0x200, s22;
	(erf) = vpow2.f32 v23;
	v21 =	vadd.f32 v22, v24;
	v22 =	vpop (erf)  }
0x20f: {  	(v2sf) =	vpush v3, $0x3;
	_ =	sdelay $0xc  }
0x210: {  	v14 =	vmul.f32 $1.442695020e+00, v14  }
0x211: {  	v3 =	vmul.f32 $1.442695020e+00, v13;
	(erf) = vpow2.f32 v18;
	v13 =	vpop (erf);
	v58 =	vadd.f32 v22, v20  }
0x212: {  	(erf) = vpow2.f32 v19;
	v13 =	vadd.f32 v13, v21;
	v59 =	vpop (erf);
	v15 =	vmul.f32 $1.442695020e+00, v15;
	s31 =	spop (v2sf)  }
0x213: {  	(erf) = vpow2.f32 v3;
	v3 =	vadd.f32 v59, v58;
	v60 =	vpop (erf);
	s22 =	sshra.s32 s31, $0x1F  }
0x214: {  	v16 =	vmul.f32 $1.442695020e+00, v16;
	(erf) = vpow2.f32 v14;
	v13 =	vadd.f32 v60, v13;
	v14 =	vpop (erf);
	s22 =	sshrl.u32 s22, $0x1C  }
0x215: {  	v17 =	vmul.f32 $1.442695020e+00, v17;
	(erf) = vpow2.f32 v15;
	v3 =	vadd.f32 v14, v3;
	v14 =	vpop (erf);
	s22 =	sadd.s32 s22, s31  }
0x216: {  	(erf) = vpow2.f32 v16;
	v15 =	vpop (erf);
	v13 =	vadd.f32 v14, v13;
	s23 =	sand.u32 $0xFFFFFFF0, s22  }
0x217: {  	(erf) = vpow2.f32 v17;
	v3 =	vadd.f32 v15, v3;
	v14 =	vpop (erf);
	p0 =	slt.s32 s31, $0x1;
	p1 =	sne.s32 s31, s23  }
0x218: {  	v15 =	vpop (erf);
	v13 =	vadd.f32 v14, v13;
	p0 =	por !p0, !p1  }
0x219: {  	v14 =	vpop (erf);
	v3 =	vadd.f32 v15, v3;
	s23 =	simm.s32 $0x1;
	p0 =	por !p0, !p0  }
0x21a: {  	v15 =	vpop (erf);
	v13 =	vadd.f32 v14, v13;
	s22 =	sshra.s32 s22, $0x4;
	s23 =	simm.s32 @!p0 $0x0  }
0x21b: {  	v3 =	vadd.f32 v15, v3;
	v14 =	vpop (erf);
	s22 =	ssub.s32 s22, s23;
	s23 =	sand.u32 $0xF, s30  }
0x21c: {  	s1 =	sand.u32 $0xF, s1;
	v15 =	vpop (erf);
	v13 =	vadd.f32 v14, v13;
	v61 =	vmov s23;
	s23 =	sshll.u32 s22, $0x4;
	s22 =	sshll.u32 s22, $0x6  }
0x21d: {  	v3 =	vadd.f32 v15, v3;
	v14 =	vpop (erf);
	v15 =	vmov s1;
	vm5 =	veq.s32 v61, v0;
	s23 =	sand.u32 $0x70, s23;
	s22 =	sand.u32 $0xFFFFFE00, s22  }
0x21e: {  	v5 =	vadd.f32 v6, v5;
	v62 =	vpop (erf);
	s23 =	sor.u32 s23, s22;
	v4 =	vnsel vm5, $0x0, v4  }
0x21f: {  	s25 =	sand.u32 $0xF, s25;
	v13 =	vadd.f32 v14, v13;
	v3 =	vadd.f32 v62, v3;
	v14 =	vpop (erf);
	vm5 =	veq.s32 v15, v0;
	v6 =	vld [tilespmem:s23+$0x10180];
	(xrf2) =	vadd.scan.msk.f32 $0xffff, v4  }
0x220: {  	v15 =	vpop (erf);
	v4 =	vmov s25;
	(xrf2) =	vadd.scan.msk.f32 $0xffff, v5;
	v5 =	vnsel vm5, $0x0, v7;
	v7 =	vadd.f32 v9, v8  }
0x221: {  	s31 =	sand.u32 $0xF, s31;
	v3 =	vadd.f32 v15, v3;
	v8 =	vadd.f32 v14, v13;
	vm5 =	veq.s32 v4, v0;
	(xrf2) =	vadd.scan.msk.f32 $0xffff, v5  }
0x222: {  	v4 =	vnsel vm5, $0x0, v10;
	v5 =	vadd.f32 v12, v11;
	(xrf2) =	vadd.scan.msk.f32 $0xffff, v7;
	v7 =	vmov s31  }
0x223: {  	(xrf2) =	vadd.scan.msk.f32 $0xffff, v4;
	vm5 =	veq.s32 v7, v0  }
0x224: {  	v3 =	vadd.f32 v3, v8;
	(xrf2) =	vadd.scan.msk.f32 $0xffff, v5;
	v4 =	vnsel vm5, $0x0, v6  }
0x225: {  	(xrf2) =	vadd.scan.msk.f32 $0xffff, v4  }
0x226: {  	(xrf2) =	vadd.scan.msk.f32 $0xffff, v3;
	_ =	sdelay $0x2  }
0x227: {  	v3, _, _ =	vpop (xrf2)  }
0x228: {  	v4, _, _ =	vpop (xrf2)  }
0x229: {  	v5, _, _ =	vpop (xrf2)  }
0x22a: {  	v4 =	vbroadcast v4, $0xF;
	v6, _, _ =	vpop (xrf2)  }
0x22b: {  	v3 =	vbroadcast v3, $0xF;
	v7, _, _ =	vpop (xrf2);
	v6 =	vbroadcast v6, $0xF  }
0x22c: {  	v5 =	vbroadcast v5, $0xF;
	v4 =	vnsel vm1, $0x3F800000, v4;
	v8, _, _ =	vpop (xrf2)  }
0x22d: {  	v3 =	vnsel vm1, $0x0, v3;
	v9, _, _ =	vpop (xrf2);
	v4 =	vsel vm2, v4, v6;
	v6 =	vbroadcast v7, $0xF  }
0x22e: {  	v3 =	vsel vm2, v3, v5;
	v8 =	vbroadcast v8, $0xF;
	v10, _, _ =	vpop (xrf2);
	v5 =	vbroadcast v9, $0xF  }
0x22f: {  	s22 =	sshll.u32 s3, $0xC;
	s23 =	sshll.u32 s3, $0x6;
	v7 =	vbroadcast v10, $0xF;
	v3 =	vsel vm3, v3, v6  }
0x230: {  	s1 =	sadd.s32 s19, s22;
	s25 =	rddreg [dreg:$0x2];
	s3 =	sand.u32 $0x40, s23;
	v4 =	vsel vm3, v4, v8;
	v3 =	vsel vm4, v3, v5  }
0x231: {  	s30 =	simm.s32 $0x10000;
	s1 =	sand.u32 $0xFFE000, s1;
	s3 =	sadd.s32 s25, s3;
	v4 =	vsel vm4, v4, v7;
	[tilespmem:s29+$0x6000] =	vst v3  }
0x232: {  	s1 =	sadd.s32 s1, s3;
	s31 =	simm.s32 $0x400;
	[tilespmem:s29+$0x4000] =	vst v4;
	s29 =	simm.s32 $0x200  }
0x233: {  	[hbm4b:s1+s29] =	stream.strided.scatter [tilespmem:s30], [sflag:$0x5], $0x8000, s31, s29, $0x38;
	v63 =	vld [tilespmem:$0x0]  }
0x234: {  	s23 =	smul.u32 $0x600, s0;
	_ =	swait.ge [sflag:s28], $0x8000  }
0x235: {  	[sflag:s28] =	ssyncset.done $0x0  }
0x236: {  	s1 =	sshra.s32 s23, $0x2;
	[sflag:s28] =	ssyncadd.s32 $0xFFFF8000  }
0x237: {  	v3 =	vld.msk [tilespmem:s1+$0x180], $0xf;
	_ =	sdelay $0x4  }
0x238: {  	v4 =	vshll.u32 v3, $0x6  }
0x239: {  	v3 =	vand.u32 $0x7, v3;
	v4 =	vand.u32 $0xFFFFFE00, v4  }
0x23a: {  	v3 =	vor.u32 v3, v4  }
0x23b: {  	v3 =	vperm.xlane v3, v1;
	_ =	sdelay $0x1  }
0x23c: {  	v3 =	vadd.s32 v2, v3;
	_ =	sdelay $0x3  }
0x23d: {  	s29 =	simm.s32 $0x8000;
	s25 =	rddreg [dreg:$0x1]  }
0x23e: {  	[tilespmem:s29], [sflag:$0x1] =	stream.indirect_vreg.gather [hbm4b:s25+s4], $0x80, v3, vm0, $0xb8;
	v63 =	vld [tilespmem:$0x0]  }
0x23f: {  	s31 =	simm.s32 $0x8800  }
0x240: {  	[tilespmem:s31], [sflag:$0x1] =	stream.indirect_vreg.gather [hbm4b:s7+s4], $0x80, v3, vm0, $0xb8;
	v63 =	vld [tilespmem:$0x0]  }
0x241: {  	s3 =	simm.s32 $0x9000  }
0x242: {  	[tilespmem:s3], [sflag:$0x1] =	stream.indirect_vreg.gather [hbm4b:s8+s4], $0x80, v3, vm0, $0xb8;
	v63 =	vld [tilespmem:$0x0]  }
0x243: {  	s22 =	simm.s32 $0x9800  }
0x244: {  	[tilespmem:s22], [sflag:$0x1] =	stream.indirect_vreg.gather [hbm4b:s9+s4], $0x80, v3, vm0, $0xb8;
	v63 =	vld [tilespmem:$0x0]  }
0x245: {  	s23 =	simm.s32 $0xA000  }
0x246: {  	[tilespmem:s23], [sflag:$0x1] =	stream.indirect_vreg.gather [hbm4b:s10+s4], $0x80, v3, vm0, $0xb8;
	v63 =	vld [tilespmem:$0x0]  }
0x247: {  	s25 =	simm.s32 $0xA800  }
0x248: {  	[tilespmem:s25], [sflag:$0x1] =	stream.indirect_vreg.gather [hbm4b:s11+s4], $0x80, v3, vm0, $0xb8;
	v63 =	vld [tilespmem:$0x0]  }
0x249: {  	s29 =	simm.s32 $0xB000  }
0x24a: {  	[tilespmem:s29], [sflag:$0x1] =	stream.indirect_vreg.gather [hbm4b:s12+s4], $0x80, v3, vm0, $0xb8;
	v63 =	vld [tilespmem:$0x0]  }
0x24b: {  	s31 =	simm.s32 $0xB800  }
0x24c: {  	[tilespmem:s31], [sflag:$0x1] =	stream.indirect_vreg.gather [hbm4b:s13+s4], $0x80, v3, vm0, $0xb8;
	v63 =	vld [tilespmem:$0x0]  }
0x24d: {  	s3 =	simm.s32 $0xC000  }
0x24e: {  	[tilespmem:s3], [sflag:$0x1] =	stream.indirect_vreg.gather [hbm4b:s14+s4], $0x80, v3, vm0, $0xb8;
	v63 =	vld [tilespmem:$0x0]  }
0x24f: {  	s22 =	simm.s32 $0xC800  }
0x250: {  	[tilespmem:s22], [sflag:$0x1] =	stream.indirect_vreg.gather [hbm4b:s15+s4], $0x80, v3, vm0, $0xb8;
	v63 =	vld [tilespmem:$0x0]  }
0x251: {  	s23 =	simm.s32 $0xD000  }
0x252: {  	[tilespmem:s23], [sflag:$0x1] =	stream.indirect_vreg.gather [hbm4b:s16+s4], $0x80, v3, vm0, $0xb8;
	v63 =	vld [tilespmem:$0x0]  }
0x253: {  	s25 =	simm.s32 $0xD800  }
0x254: {  	[tilespmem:s25], [sflag:$0x1] =	stream.indirect_vreg.gather [hbm4b:s17+s4], $0x80, v3, vm0, $0xb8;
	v63 =	vld [tilespmem:$0x0]  }
0x255: {  	s29 =	simm.s32 $0xE000  }
0x256: {  	[tilespmem:s29], [sflag:$0x1] =	stream.indirect_vreg.gather [hbm4b:s18+s4], $0x80, v3, vm0, $0xb8;
	v63 =	vld [tilespmem:$0x0]  }
0x257: {  	s31 =	simm.s32 $0xE800  }
0x258: {  	[tilespmem:s31], [sflag:$0x1] =	stream.indirect_vreg.gather [hbm4b:s20+s4], $0x80, v3, vm0, $0xb8;
	v63 =	vld [tilespmem:$0x0]  }
0x259: {  	s3 =	simm.s32 $0xF000  }
0x25a: {  	[tilespmem:s3], [sflag:$0x1] =	stream.indirect_vreg.gather [hbm4b:s21+s4], $0x80, v3, vm0, $0xb8;
	v63 =	vld [tilespmem:$0x0]  }
0x25b: {  	s22 =	simm.s32 $0xF800;
	s23 =	simm.s32 $0x3  }
0x25c: {  	[tilespmem:s22], [sflag:$0x1] =	stream.indirect_vreg.gather [hbm4b:s26+s4], $0x80, v3, vm0, $0xb8;
	v63 =	vld [tilespmem:$0x0]  }
0x25d: {  	_ =	swait.ge [sflag:s23], $0x8000  }
0x25e: {  	[sflag:s23] =	ssyncset.done $0x0  }
0x25f: {  	s25 =	simm.s32 $0x18040;
	[sflag:s23] =	ssyncadd.s32 $0xFFFF8000  }
0x260: {  	v4 =	vld [tilespmem:s25+$0xFFFFFFC0]  }
0x261: {  	v5 =	vld [tilespmem:s25+$0xFFFFFFD0]  }
0x262: {  	v6 =	vld [tilespmem:s25+$0xFFFFFFE0]  }
0x263: {  	v7 =	vld [tilespmem:s25+$0xFFFFFFF0]  }
0x264: {  	v8 =	vld [tilespmem:s25+$0x0]  }
0x265: {  	v9 =	vld [tilespmem:s25+$0x10]  }
0x266: {  	v10 =	vld [tilespmem:s25+$0x20];
	v4 =	vmul.f32 $1.442695020e+00, v4  }
0x267: {  	s29 =	simm.s32 $0x18240;
	v11 =	vld [tilespmem:s25+$0x30];
	v5 =	vmul.f32 $1.442695020e+00, v5;
	v6 =	vmul.f32 $1.442695020e+00, v6  }
0x268: {  	v7 =	vmul.f32 $1.442695020e+00, v7;
	(erf) = vpow2.f32 v4;
	v4 =	vld [tilespmem:s29+$0xFFFFFFC0]  }
0x269: {  	v8 =	vmul.f32 $1.442695020e+00, v8;
	(erf) = vpow2.f32 v5;
	v5 =	vld [tilespmem:s29+$0xFFFFFFD0]  }
0x26a: {  	v9 =	vmul.f32 $1.442695020e+00, v9;
	(erf) = vpow2.f32 v6;
	v6 =	vld [tilespmem:s29+$0xFFFFFFE0]  }
0x26b: {  	v10 =	vmul.f32 $1.442695020e+00, v10;
	(erf) = vpow2.f32 v7;
	v7 =	vld [tilespmem:s29+$0xFFFFFFF0]  }
0x26c: {  	v11 =	vmul.f32 $1.442695020e+00, v11;
	(erf) = vpow2.f32 v8;
	v8 =	vld [tilespmem:s29+$0x0]  }
0x26d: {  	(erf) = vpow2.f32 v9;
	v4 =	vmul.f32 $1.442695020e+00, v4;
	v9 =	vld [tilespmem:s29+$0x10]  }
0x26e: {  	(erf) = vpow2.f32 v10;
	v5 =	vmul.f32 $1.442695020e+00, v5  }
0x26f: {  	v10 =	vld [tilespmem:s29+$0x20];
	(erf) = vpow2.f32 v11;
	v6 =	vmul.f32 $1.442695020e+00, v6  }
0x270: {  	s31 =	simm.s32 $0x18440;
	v11 =	vld [tilespmem:s29+$0x30];
	(erf) = vpow2.f32 v4;
	v7 =	vmul.f32 $1.442695020e+00, v7  }
0x271: {  	v12 =	vld [tilespmem:s31+$0xFFFFFFC0];
	(erf) = vpow2.f32 v5;
	v8 =	vmul.f32 $1.442695020e+00, v8  }
0x272: {  	v3 =	vld [tilespmem:s5+$0x2000];
	v4 =	vimm.f32 $0.0e+00;
	v5 =	vpop (erf);
	(erf) = vpow2.f32 v6;
	v9 =	vmul.f32 $1.442695020e+00, v9  }
0x273: {  	v13 =	vld [tilespmem:s31+$0xFFFFFFD0];
	v5 =	vadd.f32 v5, v4;
	v6 =	vpop (erf);
	(erf) = vpow2.f32 v7  }
0x274: {  	v14 =	vld [tilespmem:s31+$0xFFFFFFE0];
	v10 =	vmul.f32 $1.442695020e+00, v10;
	v6 =	vadd.f32 v6, v4;
	v7 =	vpop (erf);
	(erf) = vpow2.f32 v8  }
0x275: {  	v4 =	vld [tilespmem:s31+$0xFFFFFFF0];
	v11 =	vmul.f32 $1.442695020e+00, v11;
	v7 =	vadd.f32 v7, v5;
	v8 =	vpop (erf);
	(erf) = vpow2.f32 v9  }
0x276: {  	v12 =	vmul.f32 $1.442695020e+00, v12;
	v5 =	vld [tilespmem:s31+$0x0];
	v8 =	vadd.f32 v8, v6;
	v9 =	vpop (erf);
	(erf) = vpow2.f32 v10  }
0x277: {  	v6 =	vld [tilespmem:s31+$0x10];
	v15 =	vadd.f32 v9, v7;
	v9 =	vpop (erf);
	(erf) = vpow2.f32 v11  }
0x278: {  	v10 =	vmul.f32 $1.442695020e+00, v13;
	v7 =	vld [tilespmem:s31+$0x20];
	v11 =	vadd.f32 v9, v8;
	v13 =	vpop (erf);
	(erf) = vpow2.f32 v12  }
0x279: {  	s1 =	simm.s32 $0x10;
	s3 =	simm.s32 $0x18640;
	v9 =	vmul.f32 $1.442695020e+00, v14;
	v8 =	vld [tilespmem:s31+$0x30];
	v12 =	vadd.f32 v13, v15;
	v13 =	vpop (erf)  }
.LBB2_19:
0x27a: {  	v14 =	vld [tilespmem:s3+$0xFFFFFFC0];
	s1 =	sadd.s32 $0x8, s1;
	v4 =	vmul.f32 $1.442695020e+00, v4;
	(erf) = vpow2.f32 v10;
	v10 =	vpop (erf);
	v15 =	vadd.f32 v13, v11  }
0x27b: {  	v13 =	vld [tilespmem:s3+$0xFFFFFFD0];
	p0 =	slt.u32 s1, $0x1F8;
	v5 =	vmul.f32 $1.442695020e+00, v5;
	(erf) = vpow2.f32 v9;
	v9 =	vadd.f32 v10, v12;
	v10 =	vpop (erf)  }
0x27c: {  	v12 =	vld [tilespmem:s3+$0xFFFFFFE0];
	v6 =	vmul.f32 $1.442695020e+00, v6;
	(erf) = vpow2.f32 v4;
	v15 =	vadd.f32 v10, v15;
	v11 =	vpop (erf)  }
.Ltmp8:
0x27d: {  	v4 =	vld [tilespmem:s3+$0xFFFFFFF0];
	v7 =	vmul.f32 $1.442695020e+00, v7;
	(erf) = vpow2.f32 v5;
	v16 =	vadd.f32 v11, v9;
	v11 =	vpop (erf);
	(pc) =	sbr.rel @p0 .LBB2_19-.Ltmp8, $4  }
0x27e: {  	v5 =	vld [tilespmem:s3+$0x0];
	v8 =	vmul.f32 $1.442695020e+00, v8;
	(erf) = vpow2.f32 v6;
	v11 =	vadd.f32 v11, v15;
	v10 =	vpop (erf)  }
0x27f: {  	v14 =	vmul.f32 $1.442695020e+00, v14;
	v6 =	vld [tilespmem:s3+$0x10];
	(erf) = vpow2.f32 v7;
	v15 =	vadd.f32 v10, v16;
	v9 =	vpop (erf)  }
0x280: {  	v10 =	vmul.f32 $1.442695020e+00, v13;
	v7 =	vld [tilespmem:s3+$0x20];
	(erf) = vpow2.f32 v8;
	v11 =	vadd.f32 v9, v11;
	v13 =	vpop (erf)  }
0x281: {  	v9 =	vmul.f32 $1.442695020e+00, v12;
	v8 =	vld [tilespmem:s3+$0x30];
	s3 =	sadd.s32 $0x200, s3;
	(erf) = vpow2.f32 v14;
	v12 =	vadd.f32 v13, v15;
	v13 =	vpop (erf)  }
0x282: {  	(erf) = vpow2.f32 v10;
	v10 =	vpop (erf);
	v11 =	vadd.f32 v13, v11  }
0x283: {  	(erf) = vpow2.f32 v9;
	v9 =	vadd.f32 v10, v12  }
0x284: {  	v14 =	vmul.f32 $1.442695020e+00, v4;
	s25 =	simm.s32 $0x180F0  }
0x285: {  	(v2sf) =	vpush v3, $0x0;
	v5 =	vmul.f32 $1.442695020e+00, v5;
	v10 =	vpop (erf);
	v12 =	vld [tilespmem:s25+$0xFFFFFF90];
	v7 =	vmul.f32 $1.442695020e+00, v7  }
0x286: {  	v13 =	vld [tilespmem:s25+$0xFFFFFFA0];
	v6 =	vmul.f32 $1.442695020e+00, v6;
	(erf) = vpow2.f32 v14;
	v10 =	vadd.f32 v10, v11;
	v11 =	vpop (erf)  }
0x287: {  	(erf) = vpow2.f32 v5;
	v5 =	vadd.f32 v11, v9;
	v9 =	vpop (erf);
	v11 =	vld [tilespmem:s25+$0xFFFFFFB0]  }
0x288: {  	v8 =	vmul.f32 $1.442695020e+00, v8;
	(erf) = vpow2.f32 v6;
	v6 =	vadd.f32 v9, v10;
	v9 =	vpop (erf)  }
0x289: {  	v14 =	vld [tilespmem:s25+$0xFFFFFFF0];
	(erf) = vpow2.f32 v7;
	v5 =	vadd.f32 v9, v5;
	v7 =	vpop (erf)  }
0x28a: {  	v10 =	vld [tilespmem:s25+$0xFFFFFFC0];
	(erf) = vpow2.f32 v8;
	v8 =	vmul.f32 $1.442695020e+00, v12;
	v6 =	vadd.f32 v7, v6;
	v7 =	vpop (erf)  }
0x28b: {  	v13 =	vmul.f32 $1.442695020e+00, v13;
	v9 =	vld [tilespmem:s25+$0xFFFFFFD0];
	v5 =	vadd.f32 v7, v5;
	v7 =	vpop (erf)  }
0x28c: {  	s29 =	simm.s32 $0x182F0;
	v12 =	vld [tilespmem:s25+$0xFFFFFFE0];
	(erf) = vpow2.f32 v8;
	v6 =	vadd.f32 v7, v6;
	v7 =	vmul.f32 $1.442695020e+00, v11  }
0x28d: {  	(erf) = vpow2.f32 v13;
	v13 =	vld [tilespmem:s29+$0xFFFFFFA0];
	v15 =	vpop (erf)  }
0x28e: {  	v11 =	vld [tilespmem:s25+$0x0];
	v5 =	vadd.f32 v15, v5;
	v8 =	vpop (erf)  }
0x28f: {  	v15 =	vld [tilespmem:s29+$0xFFFFFF90];
	v10 =	vmul.f32 $1.442695020e+00, v10;
	v6 =	vadd.f32 v8, v6;
	v8 =	vpop (erf)  }
0x290: {  	v9 =	vmul.f32 $1.442695020e+00, v9;
	(erf) = vpow2.f32 v7;
	v5 =	vadd.f32 v8, v5;
	v8 =	vld [tilespmem:s29+$0xFFFFFFB0];
	v7 =	vpop (erf)  }
0x291: {  	v14 =	vmul.f32 $1.442695020e+00, v14;
	(erf) = vpow2.f32 v10;
	v6 =	vadd.f32 v7, v6;
	v7 =	vpop (erf)  }
0x292: {  	v12 =	vmul.f32 $1.442695020e+00, v12;
	(erf) = vpow2.f32 v9;
	v9 =	vld [tilespmem:s29+$0xFFFFFFD0];
	v5 =	vadd.f32 v7, v5;
	v7 =	vpop (erf)  }
0x293: {  	v10 =	vld [tilespmem:s29+$0xFFFFFFC0];
	v13 =	vmul.f32 $1.442695020e+00, v13;
	v11 =	vmul.f32 $1.442695020e+00, v11;
	v6 =	vadd.f32 v7, v6;
	v7 =	vpop (erf)  }
0x294: {  	s3 =	spop (v2sf);
	(erf) = vpow2.f32 v12;
	v12 =	vmul.f32 $1.442695020e+00, v15;
	v5 =	vadd.f32 v7, v5;
	v7 =	vpop (erf)  }
0x295: {  	s1 =	sshra.s32 s3, $0x1F;
	v15 =	vld [tilespmem:s29+$0xFFFFFFE0];
	(erf) = vpow2.f32 v14;
	v6 =	vadd.f32 v7, v6;
	v7 =	vmul.f32 $1.442695020e+00, v8  }
0x296: {  	s1 =	sshrl.u32 s1, $0x1C;
	(erf) = vpow2.f32 v11  }
0x297: {  	v14 =	vld [tilespmem:s29+$0xFFFFFFF0];
	s1 =	sadd.s32 s1, s3;
	(erf) = vpow2.f32 v12;
	v8 =	vimm.f32 $0.0e+00;
	v9 =	vmul.f32 $1.442695020e+00, v9  }
0x298: {  	s31 =	simm.s32 $0x184F0;
	v11 =	vld [tilespmem:s29+$0x0];
	v10 =	vmul.f32 $1.442695020e+00, v10;
	s22 =	sand.u32 $0xFFFFFFF0, s1;
	(erf) = vpow2.f32 v13;
	v13 =	vpop (erf)  }
0x299: {  	p0 =	slt.s32 s3, $0x1;
	v12 =	vld [tilespmem:s31+$0xFFFFFF90];
	p1 =	sne.s32 s3, s22;
	(erf) = vpow2.f32 v7;
	v13 =	vadd.f32 v13, v8;
	v7 =	vpop (erf)  }
0x29a: {  	v16 =	vld [tilespmem:s31+$0xFFFFFFA0];
	p0 =	por !p0, !p1;
	v15 =	vmul.f32 $1.442695020e+00, v15;
	(erf) = vpow2.f32 v10;
	v10 =	vadd.f32 v7, v8;
	v8 =	vpop (erf)  }
0x29b: {  	v17 =	vld [tilespmem:s31+$0xFFFFFFB0];
	s22 =	simm.s32 $0x1;
	p0 =	por !p0, !p0;
	(erf) = vpow2.f32 v9;
	v9 =	vpop (erf)  }
0x29c: {  	s1 =	sshra.s32 s1, $0x4;
	v14 =	vmul.f32 $1.442695020e+00, v14;
	s22 =	simm.s32 @!p0 $0x0;
	v7 =	vld [tilespmem:s31+$0xFFFFFFC0];
	(erf) = vpow2.f32 v15;
	v15 =	vadd.f32 v9, v10  }
0x29d: {  	v11 =	vmul.f32 $1.442695020e+00, v11;
	s1 =	ssub.s32 s1, s22;
	v13 =	vadd.f32 v8, v13;
	v8 =	vld [tilespmem:s31+$0xFFFFFFD0]  }
0x29e: {  	v18 =	vmul.f32 $1.442695020e+00, v12;
	s22 =	sshll.u32 s1, $0x4;
	s1 =	sshll.u32 s1, $0x6;
	(erf) = vpow2.f32 v14;
	v9 =	vld [tilespmem:s31+$0xFFFFFFE0];
	v10 =	vpop (erf)  }
0x29f: {  	s22 =	sand.u32 $0x70, s22;
	s1 =	sand.u32 $0xFFFFFE00, s1;
	(erf) = vpow2.f32 v11;
	v11 =	vld [tilespmem:s31+$0x0];
	v19 =	vadd.f32 v10, v13;
	v12 =	vpop (erf)  }
0x2a0: {  	s1 =	sor.u32 s22, s1;
	(erf) = vpow2.f32 v18;
	v13 =	vmul.f32 $1.442695020e+00, v16;
	v10 =	vld [tilespmem:s31+$0xFFFFFFF0];
	v14 =	vadd.f32 v12, v15;
	v15 =	vpop (erf)  }
0x2a1: {  	s22 =	simm.s32 $0x186F0;
	v4 =	vld [tilespmem:s1+$0x18000];
	s1 =	simm.s32 $0x10;
	v12 =	vmul.f32 $1.442695020e+00, v17;
	v15 =	vadd.f32 v15, v19;
	v16 =	vpop (erf)  }
.LBB2_21:
0x2a2: {  	v17 =	vld [tilespmem:s22+$0xFFFFFF90];
	s1 =	sadd.s32 $0x8, s1;
	v7 =	vmul.f32 $1.442695020e+00, v7;
	(erf) = vpow2.f32 v13;
	v13 =	vpop (erf);
	v18 =	vadd.f32 v16, v14  }
0x2a3: {  	v16 =	vld [tilespmem:s22+$0xFFFFFFA0];
	p0 =	slt.u32 s1, $0x1F8;
	v8 =	vmul.f32 $1.442695020e+00, v8;
	(erf) = vpow2.f32 v12;
	v12 =	vadd.f32 v13, v15;
	v13 =	vpop (erf)  }
0x2a4: {  	v15 =	vld [tilespmem:s22+$0xFFFFFFB0];
	v9 =	vmul.f32 $1.442695020e+00, v9;
	(erf) = vpow2.f32 v7;
	v18 =	vadd.f32 v13, v18;
	v14 =	vpop (erf)  }
.Ltmp9:
0x2a5: {  	v7 =	vld [tilespmem:s22+$0xFFFFFFC0];
	v10 =	vmul.f32 $1.442695020e+00, v10;
	(erf) = vpow2.f32 v8;
	v19 =	vadd.f32 v14, v12;
	v14 =	vpop (erf);
	(pc) =	sbr.rel @p0 .LBB2_21-.Ltmp9, $4  }
0x2a6: {  	v8 =	vld [tilespmem:s22+$0xFFFFFFD0];
	v11 =	vmul.f32 $1.442695020e+00, v11;
	(erf) = vpow2.f32 v9;
	v14 =	vadd.f32 v14, v18;
	v13 =	vpop (erf)  }
0x2a7: {  	v17 =	vmul.f32 $1.442695020e+00, v17;
	v9 =	vld [tilespmem:s22+$0xFFFFFFE0];
	(erf) = vpow2.f32 v10;
	v18 =	vadd.f32 v13, v19;
	v12 =	vpop (erf)  }
0x2a8: {  	v13 =	vmul.f32 $1.442695020e+00, v16;
	v10 =	vld [tilespmem:s22+$0xFFFFFFF0];
	(erf) = vpow2.f32 v11;
	v14 =	vadd.f32 v12, v14;
	v16 =	vpop (erf)  }
0x2a9: {  	v12 =	vmul.f32 $1.442695020e+00, v15;
	v11 =	vld [tilespmem:s22+$0x0];
	s22 =	sadd.s32 $0x200, s22;
	(erf) = vpow2.f32 v17;
	v15 =	vadd.f32 v16, v18;
	v16 =	vpop (erf)  }
0x2aa: {  	(erf) = vpow2.f32 v13;
	v13 =	vpop (erf);
	v14 =	vadd.f32 v16, v14  }
0x2ab: {  	(erf) = vpow2.f32 v12;
	v12 =	vadd.f32 v13, v15  }
0x2ac: {  	v17 =	vmul.f32 $1.442695020e+00, v7;
	s25 =	simm.s32 $0x18170  }
0x2ad: {  	(v2sf) =	vpush v3, $0x1;
	v8 =	vmul.f32 $1.442695020e+00, v8;
	v13 =	vpop (erf);
	v15 =	vld [tilespmem:s25+$0xFFFFFF90];
	v10 =	vmul.f32 $1.442695020e+00, v10  }
0x2ae: {  	v16 =	vld [tilespmem:s25+$0xFFFFFFA0];
	v9 =	vmul.f32 $1.442695020e+00, v9;
	(erf) = vpow2.f32 v17;
	v13 =	vadd.f32 v13, v14;
	v14 =	vpop (erf)  }
0x2af: {  	(erf) = vpow2.f32 v8;
	v8 =	vadd.f32 v14, v12;
	v12 =	vpop (erf);
	v14 =	vld [tilespmem:s25+$0xFFFFFFB0]  }
0x2b0: {  	v11 =	vmul.f32 $1.442695020e+00, v11;
	(erf) = vpow2.f32 v9;
	v9 =	vadd.f32 v12, v13;
	v12 =	vpop (erf)  }
0x2b1: {  	v17 =	vld [tilespmem:s25+$0xFFFFFFF0];
	(erf) = vpow2.f32 v10;
	v8 =	vadd.f32 v12, v8;
	v10 =	vpop (erf)  }
0x2b2: {  	v13 =	vld [tilespmem:s25+$0xFFFFFFC0];
	(erf) = vpow2.f32 v11;
	v11 =	vmul.f32 $1.442695020e+00, v15;
	v9 =	vadd.f32 v10, v9;
	v10 =	vpop (erf)  }
0x2b3: {  	v16 =	vmul.f32 $1.442695020e+00, v16;
	v12 =	vld [tilespmem:s25+$0xFFFFFFD0];
	v8 =	vadd.f32 v10, v8;
	v10 =	vpop (erf)  }
0x2b4: {  	s29 =	simm.s32 $0x18370;
	v15 =	vld [tilespmem:s25+$0xFFFFFFE0];
	(erf) = vpow2.f32 v11;
	v9 =	vadd.f32 v10, v9;
	v10 =	vmul.f32 $1.442695020e+00, v14  }
0x2b5: {  	(erf) = vpow2.f32 v16;
	v16 =	vld [tilespmem:s29+$0xFFFFFFA0];
	v18 =	vpop (erf)  }
0x2b6: {  	v14 =	vld [tilespmem:s25+$0x0];
	v8 =	vadd.f32 v18, v8;
	v11 =	vpop (erf)  }
0x2b7: {  	v18 =	vld [tilespmem:s29+$0xFFFFFF90];
	v13 =	vmul.f32 $1.442695020e+00, v13;
	v9 =	vadd.f32 v11, v9;
	v11 =	vpop (erf)  }
0x2b8: {  	v12 =	vmul.f32 $1.442695020e+00, v12;
	(erf) = vpow2.f32 v10;
	v8 =	vadd.f32 v11, v8;
	v11 =	vld [tilespmem:s29+$0xFFFFFFB0];
	v10 =	vpop (erf)  }
0x2b9: {  	v17 =	vmul.f32 $1.442695020e+00, v17;
	(erf) = vpow2.f32 v13;
	v9 =	vadd.f32 v10, v9;
	v10 =	vpop (erf)  }
0x2ba: {  	v15 =	vmul.f32 $1.442695020e+00, v15;
	(erf) = vpow2.f32 v12;
	v12 =	vld [tilespmem:s29+$0xFFFFFFD0];
	v8 =	vadd.f32 v10, v8;
	v10 =	vpop (erf)  }
0x2bb: {  	v13 =	vld [tilespmem:s29+$0xFFFFFFC0];
	v16 =	vmul.f32 $1.442695020e+00, v16;
	v14 =	vmul.f32 $1.442695020e+00, v14;
	v9 =	vadd.f32 v10, v9;
	v10 =	vpop (erf)  }
0x2bc: {  	s1 =	spop (v2sf);
	(erf) = vpow2.f32 v15;
	v15 =	vmul.f32 $1.442695020e+00, v18;
	v8 =	vadd.f32 v10, v8;
	v10 =	vpop (erf)  }
0x2bd: {  	s22 =	sshra.s32 s1, $0x1F;
	v18 =	vld [tilespmem:s29+$0xFFFFFFE0];
	(erf) = vpow2.f32 v17;
	v9 =	vadd.f32 v10, v9;
	v10 =	vmul.f32 $1.442695020e+00, v11  }
0x2be: {  	s22 =	sshrl.u32 s22, $0x1C;
	(erf) = vpow2.f32 v14  }
0x2bf: {  	v17 =	vld [tilespmem:s29+$0xFFFFFFF0];
	s22 =	sadd.s32 s22, s1;
	(erf) = vpow2.f32 v15;
	v11 =	vimm.f32 $0.0e+00;
	v12 =	vmul.f32 $1.442695020e+00, v12  }
0x2c0: {  	s31 =	simm.s32 $0x18570;
	v14 =	vld [tilespmem:s29+$0x0];
	v13 =	vmul.f32 $1.442695020e+00, v13;
	s23 =	sand.u32 $0xFFFFFFF0, s22;
	(erf) = vpow2.f32 v16;
	v16 =	vpop (erf)  }
0x2c1: {  	p0 =	slt.s32 s1, $0x1;
	v15 =	vld [tilespmem:s31+$0xFFFFFF90];
	p1 =	sne.s32 s1, s23;
	(erf) = vpow2.f32 v10;
	v16 =	vadd.f32 v16, v11;
	v10 =	vpop (erf)  }
0x2c2: {  	v19 =	vld [tilespmem:s31+$0xFFFFFFA0];
	p0 =	por !p0, !p1;
	v18 =	vmul.f32 $1.442695020e+00, v18;
	(erf) = vpow2.f32 v13;
	v13 =	vadd.f32 v10, v11;
	v11 =	vpop (erf)  }
0x2c3: {  	v20 =	vld [tilespmem:s31+$0xFFFFFFB0];
	s23 =	simm.s32 $0x1;
	p0 =	por !p0, !p0;
	(erf) = vpow2.f32 v12;
	v12 =	vpop (erf)  }
0x2c4: {  	s22 =	sshra.s32 s22, $0x4;
	v17 =	vmul.f32 $1.442695020e+00, v17;
	s23 =	simm.s32 @!p0 $0x0;
	v10 =	vld [tilespmem:s31+$0xFFFFFFC0];
	(erf) = vpow2.f32 v18;
	v18 =	vadd.f32 v12, v13  }
0x2c5: {  	v14 =	vmul.f32 $1.442695020e+00, v14;
	s22 =	ssub.s32 s22, s23;
	v16 =	vadd.f32 v11, v16;
	v11 =	vld [tilespmem:s31+$0xFFFFFFD0]  }
0x2c6: {  	v21 =	vmul.f32 $1.442695020e+00, v15;
	s23 =	sshll.u32 s22, $0x4;
	s22 =	sshll.u32 s22, $0x6;
	(erf) = vpow2.f32 v17;
	v12 =	vld [tilespmem:s31+$0xFFFFFFE0];
	v13 =	vpop (erf)  }
0x2c7: {  	s23 =	sand.u32 $0x70, s23;
	s22 =	sand.u32 $0xFFFFFE00, s22;
	(erf) = vpow2.f32 v14;
	v14 =	vld [tilespmem:s31+$0x0];
	v22 =	vadd.f32 v13, v16;
	v15 =	vpop (erf)  }
0x2c8: {  	s22 =	sor.u32 s23, s22;
	(erf) = vpow2.f32 v21;
	v16 =	vmul.f32 $1.442695020e+00, v19;
	v13 =	vld [tilespmem:s31+$0xFFFFFFF0];
	v17 =	vadd.f32 v15, v18;
	v18 =	vpop (erf)  }
0x2c9: {  	s25 =	simm.s32 $0x10;
	v7 =	vld [tilespmem:s22+$0x18080];
	s22 =	simm.s32 $0x18770;
	v15 =	vmul.f32 $1.442695020e+00, v20;
	v18 =	vadd.f32 v18, v22;
	v19 =	vpop (erf)  }
.LBB2_23:
0x2ca: {  	v20 =	vld [tilespmem:s22+$0xFFFFFF90];
	s25 =	sadd.s32 $0x8, s25;
	v10 =	vmul.f32 $1.442695020e+00, v10;
	(erf) = vpow2.f32 v16;
	v16 =	vpop (erf);
	v21 =	vadd.f32 v19, v17  }
0x2cb: {  	v19 =	vld [tilespmem:s22+$0xFFFFFFA0];
	p0 =	slt.u32 s25, $0x1F8;
	v11 =	vmul.f32 $1.442695020e+00, v11;
	(erf) = vpow2.f32 v15;
	v15 =	vadd.f32 v16, v18;
	v16 =	vpop (erf)  }
0x2cc: {  	v18 =	vld [tilespmem:s22+$0xFFFFFFB0];
	v12 =	vmul.f32 $1.442695020e+00, v12;
	(erf) = vpow2.f32 v10;
	v21 =	vadd.f32 v16, v21;
	v17 =	vpop (erf)  }
.Ltmp10:
0x2cd: {  	v10 =	vld [tilespmem:s22+$0xFFFFFFC0];
	v13 =	vmul.f32 $1.442695020e+00, v13;
	(erf) = vpow2.f32 v11;
	v22 =	vadd.f32 v17, v15;
	v17 =	vpop (erf);
	(pc) =	sbr.rel @p0 .LBB2_23-.Ltmp10, $4  }
0x2ce: {  	v11 =	vld [tilespmem:s22+$0xFFFFFFD0];
	v14 =	vmul.f32 $1.442695020e+00, v14;
	(erf) = vpow2.f32 v12;
	v17 =	vadd.f32 v17, v21;
	v16 =	vpop (erf)  }
0x2cf: {  	v20 =	vmul.f32 $1.442695020e+00, v20;
	v12 =	vld [tilespmem:s22+$0xFFFFFFE0];
	(erf) = vpow2.f32 v13;
	v21 =	vadd.f32 v16, v22;
	v15 =	vpop (erf)  }
0x2d0: {  	v16 =	vmul.f32 $1.442695020e+00, v19;
	v13 =	vld [tilespmem:s22+$0xFFFFFFF0];
	(erf) = vpow2.f32 v14;
	v17 =	vadd.f32 v15, v17;
	v19 =	vpop (erf)  }
0x2d1: {  	v15 =	vmul.f32 $1.442695020e+00, v18;
	v14 =	vld [tilespmem:s22+$0x0];
	s22 =	sadd.s32 $0x200, s22;
	(erf) = vpow2.f32 v20;
	v18 =	vadd.f32 v19, v21;
	v19 =	vpop (erf)  }
0x2d2: {  	(v2sf) =	vpush v3, $0x2;
	_ =	sdelay $0xe  }
0x2d3: {  	s25 =	spop (v2sf)  }
0x2d4: {  	(erf) = vpow2.f32 v16;
	v16 =	vpop (erf);
	v17 =	vadd.f32 v19, v17;
	s22 =	sshra.s32 s25, $0x1F  }
0x2d5: {  	(erf) = vpow2.f32 v15;
	v15 =	vadd.f32 v16, v18;
	s22 =	sshrl.u32 s22, $0x1C  }
0x2d6: {  	v20 =	vmul.f32 $1.442695020e+00, v10;
	s31 =	simm.s32 $0x181F0;
	s22 =	sadd.s32 s22, s25  }
0x2d7: {  	v11 =	vmul.f32 $1.442695020e+00, v11;
	v16 =	vpop (erf);
	v18 =	vld [tilespmem:s31+$0xFFFFFF90];
	v13 =	vmul.f32 $1.442695020e+00, v13;
	s23 =	sand.u32 $0xFFFFFFF0, s22  }
0x2d8: {  	v12 =	vmul.f32 $1.442695020e+00, v12;
	(erf) = vpow2.f32 v20;
	v16 =	vadd.f32 v16, v17;
	v17 =	vpop (erf);
	p0 =	slt.s32 s25, $0x1;
	p1 =	sne.s32 s25, s23  }
0x2d9: {  	(erf) = vpow2.f32 v11;
	v11 =	vadd.f32 v17, v15;
	v15 =	vpop (erf);
	v17 =	vld [tilespmem:s31+$0xFFFFFFB0];
	p0 =	por !p0, !p1  }
0x2da: {  	v19 =	vld [tilespmem:s31+$0xFFFFFFA0];
	v14 =	vmul.f32 $1.442695020e+00, v14;
	(erf) = vpow2.f32 v12;
	v12 =	vadd.f32 v15, v16;
	v15 =	vpop (erf);
	s23 =	simm.s32 $0x1;
	p0 =	por !p0, !p0  }
0x2db: {  	v20 =	vld [tilespmem:s31+$0xFFFFFFF0];
	(erf) = vpow2.f32 v13;
	v11 =	vadd.f32 v15, v11;
	v13 =	vpop (erf);
	s22 =	sshra.s32 s22, $0x4;
	s23 =	simm.s32 @!p0 $0x0  }
0x2dc: {  	v16 =	vld [tilespmem:s31+$0xFFFFFFC0];
	(erf) = vpow2.f32 v14;
	v14 =	vmul.f32 $1.442695020e+00, v18;
	v12 =	vadd.f32 v13, v12;
	v13 =	vpop (erf);
	s22 =	ssub.s32 s22, s23  }
0x2dd: {  	v15 =	vld [tilespmem:s31+$0xFFFFFFD0];
	v11 =	vadd.f32 v13, v11;
	v13 =	vpop (erf);
	s23 =	sshll.u32 s22, $0x4;
	s22 =	sshll.u32 s22, $0x6  }
0x2de: {  	v18 =	vld [tilespmem:s31+$0xFFFFFFE0];
	v12 =	vadd.f32 v13, v12;
	v13 =	vmul.f32 $1.442695020e+00, v17;
	s23 =	sand.u32 $0x70, s23;
	s22 =	sand.u32 $0xFFFFFE00, s22  }
0x2df: {  	v19 =	vmul.f32 $1.442695020e+00, v19;
	v21 =	vpop (erf);
	v17 =	vld [tilespmem:s31+$0x0];
	s22 =	sor.u32 s23, s22;
	s23 =	simm.s32 $0x183F0  }
0x2e0: {  	(erf) = vpow2.f32 v14;
	v11 =	vadd.f32 v21, v11;
	v14 =	vpop (erf);
	v21 =	vld [tilespmem:s23+$0xFFFFFF90]  }
0x2e1: {  	(erf) = vpow2.f32 v19;
	v16 =	vmul.f32 $1.442695020e+00, v16;
	v12 =	vadd.f32 v14, v12;
	v14 =	vpop (erf);
	v19 =	vld [tilespmem:s23+$0xFFFFFFA0]  }
0x2e2: {  	v15 =	vmul.f32 $1.442695020e+00, v15;
	(erf) = vpow2.f32 v13;
	v11 =	vadd.f32 v14, v11;
	v13 =	vpop (erf);
	v14 =	vld [tilespmem:s23+$0xFFFFFFB0]  }
0x2e3: {  	v18 =	vmul.f32 $1.442695020e+00, v18;
	(erf) = vpow2.f32 v16;
	v12 =	vadd.f32 v13, v12;
	v13 =	vpop (erf)  }
0x2e4: {  	v20 =	vmul.f32 $1.442695020e+00, v20;
	(erf) = vpow2.f32 v15;
	v11 =	vadd.f32 v13, v11;
	v13 =	vpop (erf);
	v15 =	vld [tilespmem:s23+$0xFFFFFFD0]  }
0x2e5: {  	v17 =	vmul.f32 $1.442695020e+00, v17;
	(erf) = vpow2.f32 v18;
	v12 =	vadd.f32 v13, v12;
	v13 =	vpop (erf);
	v16 =	vld [tilespmem:s23+$0xFFFFFFC0]  }
0x2e6: {  	(erf) = vpow2.f32 v20;
	v11 =	vadd.f32 v13, v11;
	v13 =	vpop (erf);
	v19 =	vmul.f32 $1.442695020e+00, v19  }
0x2e7: {  	v12 =	vadd.f32 v13, v12;
	v18 =	vmul.f32 $1.442695020e+00, v21;
	v21 =	vld [tilespmem:s23+$0xFFFFFFE0];
	v13 =	vmul.f32 $1.442695020e+00, v14  }
0x2e8: {  	(erf) = vpow2.f32 v17  }
0x2e9: {  	v20 =	vld [tilespmem:s23+$0xFFFFFFF0];
	v14 =	vimm.f32 $0.0e+00;
	v15 =	vmul.f32 $1.442695020e+00, v15;
	(erf) = vpow2.f32 v18  }
0x2ea: {  	s31 =	simm.s32 $0x185F0;
	v17 =	vld [tilespmem:s23+$0x0];
	v16 =	vmul.f32 $1.442695020e+00, v16;
	(erf) = vpow2.f32 v19;
	v19 =	vpop (erf)  }
0x2eb: {  	v18 =	vld [tilespmem:s31+$0xFFFFFF90];
	(erf) = vpow2.f32 v13;
	v19 =	vadd.f32 v19, v14;
	v13 =	vpop (erf)  }
0x2ec: {  	v22 =	vld [tilespmem:s31+$0xFFFFFFA0];
	v21 =	vmul.f32 $1.442695020e+00, v21;
	(erf) = vpow2.f32 v16;
	v16 =	vadd.f32 v13, v14;
	v14 =	vpop (erf)  }
0x2ed: {  	v23 =	vld [tilespmem:s31+$0xFFFFFFB0];
	(erf) = vpow2.f32 v15;
	v19 =	vadd.f32 v14, v19;
	v15 =	vpop (erf)  }
0x2ee: {  	v10 =	vld [tilespmem:s22+$0x18100];
	v20 =	vmul.f32 $1.442695020e+00, v20;
	(erf) = vpow2.f32 v21;
	v21 =	vadd.f32 v15, v16  }
0x2ef: {  	v17 =	vmul.f32 $1.442695020e+00, v17;
	v13 =	vld [tilespmem:s31+$0xFFFFFFC0]  }
0x2f0: {  	v14 =	vld [tilespmem:s31+$0xFFFFFFD0];
	v24 =	vmul.f32 $1.442695020e+00, v18;
	(erf) = vpow2.f32 v20;
	v16 =	vpop (erf)  }
0x2f1: {  	v15 =	vld [tilespmem:s31+$0xFFFFFFE0];
	(erf) = vpow2.f32 v17;
	v25 =	vadd.f32 v16, v19;
	v19 =	vpop (erf)  }
0x2f2: {  	v18 =	vmul.f32 $1.442695020e+00, v22;
	(erf) = vpow2.f32 v24;
	v16 =	vld [tilespmem:s31+$0xFFFFFFF0];
	v20 =	vadd.f32 v19, v21;
	v21 =	vpop (erf)  }
0x2f3: {  	s29 =	simm.s32 $0x10;
	s22 =	simm.s32 $0x187F0;
	v17 =	vld [tilespmem:s31+$0x0];
	v19 =	vmul.f32 $1.442695020e+00, v23;
	v21 =	vadd.f32 v21, v25;
	v22 =	vpop (erf)  }
.LBB2_25:
0x2f4: {  	v23 =	vld [tilespmem:s22+$0xFFFFFF90];
	s29 =	sadd.s32 $0x8, s29;
	v13 =	vmul.f32 $1.442695020e+00, v13;
	(erf) = vpow2.f32 v18;
	v18 =	vpop (erf);
	v24 =	vadd.f32 v22, v20  }
0x2f5: {  	v22 =	vld [tilespmem:s22+$0xFFFFFFA0];
	p0 =	slt.u32 s29, $0x1F8;
	v14 =	vmul.f32 $1.442695020e+00, v14;
	(erf) = vpow2.f32 v19;
	v18 =	vadd.f32 v18, v21;
	v19 =	vpop (erf)  }
0x2f6: {  	v21 =	vld [tilespmem:s22+$0xFFFFFFB0];
	v15 =	vmul.f32 $1.442695020e+00, v15;
	(erf) = vpow2.f32 v13;
	v19 =	vadd.f32 v19, v24;
	v20 =	vpop (erf)  }
.Ltmp11:
0x2f7: {  	v13 =	vld [tilespmem:s22+$0xFFFFFFC0];
	v16 =	vmul.f32 $1.442695020e+00, v16;
	(erf) = vpow2.f32 v14;
	v18 =	vadd.f32 v20, v18;
	v20 =	vpop (erf);
	(pc) =	sbr.rel @p0 .LBB2_25-.Ltmp11, $4  }
0x2f8: {  	v14 =	vld [tilespmem:s22+$0xFFFFFFD0];
	v17 =	vmul.f32 $1.442695020e+00, v17;
	(erf) = vpow2.f32 v15;
	v19 =	vadd.f32 v20, v19;
	v20 =	vpop (erf)  }
0x2f9: {  	v23 =	vmul.f32 $1.442695020e+00, v23;
	v15 =	vld [tilespmem:s22+$0xFFFFFFE0];
	(erf) = vpow2.f32 v16;
	v24 =	vadd.f32 v20, v18;
	v20 =	vpop (erf)  }
0x2fa: {  	v18 =	vmul.f32 $1.442695020e+00, v22;
	v16 =	vld [tilespmem:s22+$0xFFFFFFF0];
	(erf) = vpow2.f32 v17;
	v20 =	vadd.f32 v20, v19;
	v22 =	vpop (erf)  }
0x2fb: {  	v19 =	vmul.f32 $1.442695020e+00, v21;
	v17 =	vld [tilespmem:s22+$0x0];
	s22 =	sadd.s32 $0x200, s22;
	(erf) = vpow2.f32 v23;
	v21 =	vadd.f32 v22, v24;
	v22 =	vpop (erf)  }
0x2fc: {  	(v2sf) =	vpush v3, $0x3;
	_ =	sdelay $0xe  }
0x2fd: {  	v3 =	vmul.f32 $1.442695020e+00, v13;
	(erf) = vpow2.f32 v18;
	v26 =	vpop (erf);
	v27 =	vadd.f32 v22, v20;
	s29 =	spop (v2sf)  }
0x2fe: {  	v14 =	vmul.f32 $1.442695020e+00, v14;
	(erf) = vpow2.f32 v19;
	v13 =	vadd.f32 v26, v21;
	v28 =	vpop (erf);
	s22 =	sshra.s32 s29, $0x1F  }
0x2ff: {  	v15 =	vmul.f32 $1.442695020e+00, v15;
	(erf) = vpow2.f32 v3;
	v3 =	vadd.f32 v28, v27;
	v29 =	vpop (erf);
	s22 =	sshrl.u32 s22, $0x1C  }
0x300: {  	v16 =	vmul.f32 $1.442695020e+00, v16;
	(erf) = vpow2.f32 v14;
	v13 =	vadd.f32 v29, v13;
	v30 =	vpop (erf);
	s22 =	sadd.s32 s22, s29  }
0x301: {  	v17 =	vmul.f32 $1.442695020e+00, v17;
	(erf) = vpow2.f32 v15;
	v3 =	vadd.f32 v30, v3;
	v31 =	vpop (erf);
	s23 =	sand.u32 $0xFFFFFFF0, s22  }
0x302: {  	(erf) = vpow2.f32 v16;
	v32 =	vpop (erf);
	v13 =	vadd.f32 v31, v13;
	p0 =	slt.s32 s29, $0x1;
	p1 =	sne.s32 s29, s23  }
0x303: {  	(erf) = vpow2.f32 v17;
	v3 =	vadd.f32 v32, v3;
	v33 =	vpop (erf);
	p0 =	por !p0, !p1  }
0x304: {  	v34 =	vpop (erf);
	v13 =	vadd.f32 v33, v13;
	s23 =	simm.s32 $0x1;
	p0 =	por !p0, !p0  }
0x305: {  	v35 =	vpop (erf);
	v3 =	vadd.f32 v34, v3;
	s22 =	sshra.s32 s22, $0x4;
	s23 =	simm.s32 @!p0 $0x0  }
0x306: {  	s3 =	sand.u32 $0xF, s3;
	v36 =	vpop (erf);
	v13 =	vadd.f32 v35, v13;
	s22 =	ssub.s32 s22, s23  }
0x307: {  	v39 =	vmov s3;
	v3 =	vadd.f32 v36, v3;
	v37 =	vpop (erf);
	s31 =	sshll.u32 s22, $0x4;
	s22 =	sshll.u32 s22, $0x6  }
0x308: {  	s1 =	sand.u32 $0xF, s1;
	v5 =	vadd.f32 v6, v5;
	vm5 =	veq.s32 v39, v0;
	v38 =	vpop (erf);
	v13 =	vadd.f32 v37, v13;
	s3 =	sand.u32 $0x70, s31;
	s22 =	sand.u32 $0xFFFFFE00, s22  }
0x309: {  	v41 =	vmov s1;
	v4 =	vnsel vm5, $0x0, v4;
	v3 =	vadd.f32 v38, v3;
	v40 =	vpop (erf);
	s3 =	sor.u32 s3, s22  }
0x30a: {  	v48 =	vadd.f32 v9, v8;
	vm5 =	veq.s32 v41, v0;
	(xrf2) =	vadd.scan.msk.f32 $0xffff, v4;
	v42 =	vpop (erf);
	v43 =	vadd.f32 v40, v13;
	s22 =	sand.u32 $0xF, s25;
	v45 =	vld [tilespmem:s3+$0x18180]  }
0x30b: {  	v47 =	vnsel vm5, $0x0, v7;
	(xrf2) =	vadd.scan.msk.f32 $0xffff, v5;
	v3 =	vadd.f32 v42, v3;
	v44 =	vpop (erf);
	v49 =	vmov s22  }
0x30c: {  	v51 =	vadd.f32 v12, v11;
	(xrf2) =	vadd.scan.msk.f32 $0xffff, v47;
	v46 =	vpop (erf);
	v6 =	vadd.f32 v44, v43;
	s23 =	sand.u32 $0xF, s29;
	vm5 =	veq.s32 v49, v0  }
0x30d: {  	(xrf2) =	vadd.scan.msk.f32 $0xffff, v48;
	v3 =	vadd.f32 v46, v3;
	v52 =	vmov s23;
	v50 =	vnsel vm5, $0x0, v10  }
0x30e: {  	vm5 =	veq.s32 v52, v0;
	(xrf2) =	vadd.scan.msk.f32 $0xffff, v50  }
0x30f: {  	v3 =	vadd.f32 v3, v6;
	(xrf2) =	vadd.scan.msk.f32 $0xffff, v51;
	v4 =	vnsel vm5, $0x0, v45  }
0x310: {  	(xrf2) =	vadd.scan.msk.f32 $0xffff, v4  }
0x311: {  	(xrf2) =	vadd.scan.msk.f32 $0xffff, v3;
	_ =	sdelay $0x2  }
0x312: {  	v3, _, _ =	vpop (xrf2)  }
0x313: {  	v53, _, _ =	vpop (xrf2)  }
0x314: {  	v54, _, _ =	vpop (xrf2)  }
0x315: {  	v3 =	vbroadcast v3, $0xF;
	v55, _, _ =	vpop (xrf2)  }
0x316: {  	v4 =	vbroadcast v53, $0xF;
	v56, _, _ =	vpop (xrf2)  }
0x317: {  	v3 =	vnsel vm1, $0x0, v3;
	v5 =	vbroadcast v54, $0xF;
	v57, _, _ =	vpop (xrf2)  }
0x318: {  	s0 =	sadd.s32 $0x1, s0;
	v4 =	vnsel vm1, $0x3F800000, v4;
	v6 =	vbroadcast v55, $0xF;
	v60 =	vbroadcast v56, $0xF;
	v58, _, _ =	vpop (xrf2)  }
0x319: {  	s24 =	sshll.u32 s24, $0xC;
	p0 =	sne.s32 s0, $0x15;
	v3 =	vsel vm2, v3, v5;
	v8 =	vbroadcast v57, $0xF;
	v59, _, _ =	vpop (xrf2);
	v62 =	vbroadcast v58, $0xF  }
.Ltmp12:
0x31a: {  	s1 =	sadd.s32 s19, s24;
	v4 =	vsel vm2, v4, v6;
	v3 =	vsel vm3, v3, v60;
	v61 =	vbroadcast v59, $0xF;
	(pc) =	sbr.rel @p0 .LBB2_2-.Ltmp12, $4  }
0x31b: {  	s1 =	sand.u32 $0xFFE000, s1;
	v4 =	vsel vm3, v4, v8;
	v3 =	vsel vm4, v3, v62  }
0x31c: {  	s1 =	sadd.s32 s1, s2;
	s29 =	simm.s32 $0x400;
	v4 =	vsel vm4, v4, v61;
	[tilespmem:s5+$0x6000] =	vst v3  }
0x31d: {  	s23 =	simm.s32 $0x8000;
	s31 =	simm.s32 $0x18000;
	s25 =	simm.s32 $0x200;
	[tilespmem:s5+$0x4000] =	vst v4  }
0x31e: {  	[hbm4b:s1+s25] =	stream.strided.scatter [tilespmem:s31], [sflag:$0x6], $0x8000, s29, s25, $0x38;
	v63 =	vld [tilespmem:$0x0]  }
0x31f: {  	_ =	swait.ge [sflag:s6], $0x8000  }
0x320: {  	[sflag:s6] =	ssyncset.done $0x0  }
0x321: {  	s0 =	simm.s32 $0x8040;
	[sflag:s6] =	ssyncadd.s32 $0xFFFF8000  }
0x322: {  	v4 =	vld [tilespmem:s0+$0xFFFFFFC0]  }
0x323: {  	v5 =	vld [tilespmem:s0+$0xFFFFFFD0]  }
0x324: {  	v6 =	vld [tilespmem:s0+$0xFFFFFFE0]  }
0x325: {  	v7 =	vld [tilespmem:s0+$0xFFFFFFF0]  }
0x326: {  	v8 =	vld [tilespmem:s0+$0x0]  }
0x327: {  	v9 =	vld [tilespmem:s0+$0x10]  }
0x328: {  	v10 =	vld [tilespmem:s0+$0x20];
	v4 =	vmul.f32 $1.442695020e+00, v4  }
0x329: {  	s31 =	simm.s32 $0x8240;
	v11 =	vld [tilespmem:s0+$0x30];
	v5 =	vmul.f32 $1.442695020e+00, v5;
	v6 =	vmul.f32 $1.442695020e+00, v6  }
0x32a: {  	v7 =	vmul.f32 $1.442695020e+00, v7;
	(erf) = vpow2.f32 v4;
	v4 =	vld [tilespmem:s31+$0xFFFFFFC0]  }
0x32b: {  	v8 =	vmul.f32 $1.442695020e+00, v8;
	(erf) = vpow2.f32 v5;
	v5 =	vld [tilespmem:s31+$0xFFFFFFD0]  }
0x32c: {  	v9 =	vmul.f32 $1.442695020e+00, v9;
	(erf) = vpow2.f32 v6;
	v6 =	vld [tilespmem:s31+$0xFFFFFFE0]  }
0x32d: {  	v10 =	vmul.f32 $1.442695020e+00, v10;
	(erf) = vpow2.f32 v7;
	v7 =	vld [tilespmem:s31+$0xFFFFFFF0]  }
0x32e: {  	v11 =	vmul.f32 $1.442695020e+00, v11;
	(erf) = vpow2.f32 v8;
	v8 =	vld [tilespmem:s31+$0x0]  }
0x32f: {  	(erf) = vpow2.f32 v9;
	v4 =	vmul.f32 $1.442695020e+00, v4;
	v9 =	vld [tilespmem:s31+$0x10]  }
0x330: {  	(erf) = vpow2.f32 v10;
	v5 =	vmul.f32 $1.442695020e+00, v5  }
0x331: {  	v10 =	vld [tilespmem:s31+$0x20];
	(erf) = vpow2.f32 v11;
	v6 =	vmul.f32 $1.442695020e+00, v6  }
0x332: {  	s1 =	simm.s32 $0x8440;
	v11 =	vld [tilespmem:s31+$0x30];
	(erf) = vpow2.f32 v4;
	v7 =	vmul.f32 $1.442695020e+00, v7  }
0x333: {  	v12 =	vld [tilespmem:s1+$0xFFFFFFC0];
	(erf) = vpow2.f32 v5;
	v8 =	vmul.f32 $1.442695020e+00, v8  }
0x334: {  	v3 =	vld [tilespmem:$0x3F80];
	v4 =	vimm.f32 $0.0e+00;
	v5 =	vpop (erf);
	(erf) = vpow2.f32 v6;
	v9 =	vmul.f32 $1.442695020e+00, v9  }
0x335: {  	v13 =	vld [tilespmem:s1+$0xFFFFFFD0];
	v5 =	vadd.f32 v5, v4;
	v6 =	vpop (erf);
	(erf) = vpow2.f32 v7  }
0x336: {  	v14 =	vld [tilespmem:s1+$0xFFFFFFE0];
	v10 =	vmul.f32 $1.442695020e+00, v10;
	v6 =	vadd.f32 v6, v4;
	v7 =	vpop (erf);
	(erf) = vpow2.f32 v8  }
0x337: {  	v4 =	vld [tilespmem:s1+$0xFFFFFFF0];
	v11 =	vmul.f32 $1.442695020e+00, v11;
	v7 =	vadd.f32 v7, v5;
	v8 =	vpop (erf);
	(erf) = vpow2.f32 v9  }
0x338: {  	v12 =	vmul.f32 $1.442695020e+00, v12;
	v5 =	vld [tilespmem:s1+$0x0];
	v8 =	vadd.f32 v8, v6;
	v9 =	vpop (erf);
	(erf) = vpow2.f32 v10  }
0x339: {  	v6 =	vld [tilespmem:s1+$0x10];
	v15 =	vadd.f32 v9, v7;
	v9 =	vpop (erf);
	(erf) = vpow2.f32 v11  }
0x33a: {  	v10 =	vmul.f32 $1.442695020e+00, v13;
	v7 =	vld [tilespmem:s1+$0x20];
	v11 =	vadd.f32 v9, v8;
	v13 =	vpop (erf);
	(erf) = vpow2.f32 v12  }
0x33b: {  	s0 =	simm.s32 $0x10;
	v9 =	vmul.f32 $1.442695020e+00, v14;
	v8 =	vld [tilespmem:s1+$0x30];
	s1 =	simm.s32 $0x8640;
	v12 =	vadd.f32 v13, v15;
	v13 =	vpop (erf)  }
.LBB2_28:
0x33c: {  	v14 =	vld [tilespmem:s1+$0xFFFFFFC0];
	s0 =	sadd.s32 $0x8, s0;
	v4 =	vmul.f32 $1.442695020e+00, v4;
	(erf) = vpow2.f32 v10;
	v10 =	vpop (erf);
	v15 =	vadd.f32 v13, v11  }
0x33d: {  	v13 =	vld [tilespmem:s1+$0xFFFFFFD0];
	p0 =	slt.u32 s0, $0x1F8;
	v5 =	vmul.f32 $1.442695020e+00, v5;
	(erf) = vpow2.f32 v9;
	v9 =	vadd.f32 v10, v12;
	v10 =	vpop (erf)  }
0x33e: {  	v12 =	vld [tilespmem:s1+$0xFFFFFFE0];
	v6 =	vmul.f32 $1.442695020e+00, v6;
	(erf) = vpow2.f32 v4;
	v15 =	vadd.f32 v10, v15;
	v11 =	vpop (erf)  }
.Ltmp13:
0x33f: {  	v4 =	vld [tilespmem:s1+$0xFFFFFFF0];
	v7 =	vmul.f32 $1.442695020e+00, v7;
	(erf) = vpow2.f32 v5;
	v16 =	vadd.f32 v11, v9;
	v11 =	vpop (erf);
	(pc) =	sbr.rel @p0 .LBB2_28-.Ltmp13, $4  }
0x340: {  	v5 =	vld [tilespmem:s1+$0x0];
	v8 =	vmul.f32 $1.442695020e+00, v8;
	(erf) = vpow2.f32 v6;
	v11 =	vadd.f32 v11, v15;
	v10 =	vpop (erf)  }
0x341: {  	v14 =	vmul.f32 $1.442695020e+00, v14;
	v6 =	vld [tilespmem:s1+$0x10];
	(erf) = vpow2.f32 v7;
	v15 =	vadd.f32 v10, v16;
	v9 =	vpop (erf)  }
0x342: {  	v10 =	vmul.f32 $1.442695020e+00, v13;
	v7 =	vld [tilespmem:s1+$0x20];
	(erf) = vpow2.f32 v8;
	v11 =	vadd.f32 v9, v11;
	v13 =	vpop (erf)  }
0x343: {  	v9 =	vmul.f32 $1.442695020e+00, v12;
	v8 =	vld [tilespmem:s1+$0x30];
	s1 =	sadd.s32 $0x200, s1;
	(erf) = vpow2.f32 v14;
	v12 =	vadd.f32 v13, v15;
	v13 =	vpop (erf)  }
0x344: {  	(erf) = vpow2.f32 v10;
	v10 =	vpop (erf);
	v11 =	vadd.f32 v13, v11  }
0x345: {  	(erf) = vpow2.f32 v9;
	v9 =	vadd.f32 v10, v12  }
0x346: {  	v14 =	vmul.f32 $1.442695020e+00, v4;
	s25 =	simm.s32 $0x80F0  }
0x347: {  	(v2sf) =	vpush v3, $0x0;
	v5 =	vmul.f32 $1.442695020e+00, v5;
	v10 =	vpop (erf);
	v12 =	vld [tilespmem:s25+$0xFFFFFF90];
	v7 =	vmul.f32 $1.442695020e+00, v7  }
0x348: {  	v13 =	vld [tilespmem:s25+$0xFFFFFFA0];
	v6 =	vmul.f32 $1.442695020e+00, v6;
	(erf) = vpow2.f32 v14;
	v10 =	vadd.f32 v10, v11;
	v11 =	vpop (erf)  }
0x349: {  	(erf) = vpow2.f32 v5;
	v5 =	vadd.f32 v11, v9;
	v9 =	vpop (erf);
	v11 =	vld [tilespmem:s25+$0xFFFFFFB0]  }
0x34a: {  	v8 =	vmul.f32 $1.442695020e+00, v8;
	(erf) = vpow2.f32 v6;
	v6 =	vadd.f32 v9, v10;
	v9 =	vpop (erf)  }
0x34b: {  	v14 =	vld [tilespmem:s25+$0xFFFFFFF0];
	(erf) = vpow2.f32 v7;
	v5 =	vadd.f32 v9, v5;
	v7 =	vpop (erf)  }
0x34c: {  	v10 =	vld [tilespmem:s25+$0xFFFFFFC0];
	(erf) = vpow2.f32 v8;
	v8 =	vmul.f32 $1.442695020e+00, v12;
	v6 =	vadd.f32 v7, v6;
	v7 =	vpop (erf)  }
0x34d: {  	v13 =	vmul.f32 $1.442695020e+00, v13;
	v9 =	vld [tilespmem:s25+$0xFFFFFFD0];
	v5 =	vadd.f32 v7, v5;
	v7 =	vpop (erf)  }
0x34e: {  	s29 =	simm.s32 $0x82F0;
	v12 =	vld [tilespmem:s25+$0xFFFFFFE0];
	(erf) = vpow2.f32 v8;
	v6 =	vadd.f32 v7, v6;
	v7 =	vmul.f32 $1.442695020e+00, v11  }
0x34f: {  	(erf) = vpow2.f32 v13;
	v13 =	vld [tilespmem:s29+$0xFFFFFFA0];
	v15 =	vpop (erf)  }
0x350: {  	v11 =	vld [tilespmem:s25+$0x0];
	v5 =	vadd.f32 v15, v5;
	v8 =	vpop (erf)  }
0x351: {  	v15 =	vld [tilespmem:s29+$0xFFFFFF90];
	v10 =	vmul.f32 $1.442695020e+00, v10;
	v6 =	vadd.f32 v8, v6;
	v8 =	vpop (erf)  }
0x352: {  	v9 =	vmul.f32 $1.442695020e+00, v9;
	(erf) = vpow2.f32 v7;
	v5 =	vadd.f32 v8, v5;
	v8 =	vld [tilespmem:s29+$0xFFFFFFB0];
	v7 =	vpop (erf)  }
0x353: {  	v14 =	vmul.f32 $1.442695020e+00, v14;
	(erf) = vpow2.f32 v10;
	v6 =	vadd.f32 v7, v6;
	v7 =	vpop (erf)  }
0x354: {  	v12 =	vmul.f32 $1.442695020e+00, v12;
	(erf) = vpow2.f32 v9;
	v9 =	vld [tilespmem:s29+$0xFFFFFFD0];
	v5 =	vadd.f32 v7, v5;
	v7 =	vpop (erf)  }
0x355: {  	v10 =	vld [tilespmem:s29+$0xFFFFFFC0];
	v13 =	vmul.f32 $1.442695020e+00, v13;
	v11 =	vmul.f32 $1.442695020e+00, v11;
	v6 =	vadd.f32 v7, v6;
	v7 =	vpop (erf)  }
0x356: {  	s0 =	spop (v2sf);
	(erf) = vpow2.f32 v12;
	v12 =	vmul.f32 $1.442695020e+00, v15;
	v5 =	vadd.f32 v7, v5;
	v7 =	vpop (erf)  }
0x357: {  	s1 =	sshra.s32 s0, $0x1F;
	v15 =	vld [tilespmem:s29+$0xFFFFFFE0];
	(erf) = vpow2.f32 v14;
	v6 =	vadd.f32 v7, v6;
	v7 =	vmul.f32 $1.442695020e+00, v8  }
0x358: {  	s1 =	sshrl.u32 s1, $0x1C;
	(erf) = vpow2.f32 v11  }
0x359: {  	v14 =	vld [tilespmem:s29+$0xFFFFFFF0];
	s1 =	sadd.s32 s1, s0;
	(erf) = vpow2.f32 v12;
	v8 =	vimm.f32 $0.0e+00;
	v9 =	vmul.f32 $1.442695020e+00, v9  }
0x35a: {  	s31 =	simm.s32 $0x84F0;
	v11 =	vld [tilespmem:s29+$0x0];
	v10 =	vmul.f32 $1.442695020e+00, v10;
	s2 =	sand.u32 $0xFFFFFFF0, s1;
	(erf) = vpow2.f32 v13;
	v13 =	vpop (erf)  }
0x35b: {  	p0 =	slt.s32 s0, $0x1;
	v12 =	vld [tilespmem:s31+$0xFFFFFF90];
	p1 =	sne.s32 s0, s2;
	(erf) = vpow2.f32 v7;
	v13 =	vadd.f32 v13, v8;
	v7 =	vpop (erf)  }
0x35c: {  	v16 =	vld [tilespmem:s31+$0xFFFFFFA0];
	p0 =	por !p0, !p1;
	v15 =	vmul.f32 $1.442695020e+00, v15;
	(erf) = vpow2.f32 v10;
	v10 =	vadd.f32 v7, v8;
	v8 =	vpop (erf)  }
0x35d: {  	v17 =	vld [tilespmem:s31+$0xFFFFFFB0];
	s2 =	simm.s32 $0x1;
	p0 =	por !p0, !p0;
	(erf) = vpow2.f32 v9;
	v9 =	vpop (erf)  }
0x35e: {  	s1 =	sshra.s32 s1, $0x4;
	v14 =	vmul.f32 $1.442695020e+00, v14;
	s2 =	simm.s32 @!p0 $0x0;
	v7 =	vld [tilespmem:s31+$0xFFFFFFC0];
	(erf) = vpow2.f32 v15;
	v15 =	vadd.f32 v9, v10  }
0x35f: {  	v11 =	vmul.f32 $1.442695020e+00, v11;
	s1 =	ssub.s32 s1, s2;
	v13 =	vadd.f32 v8, v13;
	v8 =	vld [tilespmem:s31+$0xFFFFFFD0]  }
0x360: {  	v18 =	vmul.f32 $1.442695020e+00, v12;
	s2 =	sshll.u32 s1, $0x4;
	s1 =	sshll.u32 s1, $0x6;
	(erf) = vpow2.f32 v14;
	v9 =	vld [tilespmem:s31+$0xFFFFFFE0];
	v10 =	vpop (erf)  }
0x361: {  	s2 =	sand.u32 $0x70, s2;
	s1 =	sand.u32 $0xFFFFFE00, s1;
	(erf) = vpow2.f32 v11;
	v11 =	vld [tilespmem:s31+$0x0];
	v19 =	vadd.f32 v10, v13;
	v12 =	vpop (erf)  }
0x362: {  	s1 =	sor.u32 s2, s1;
	(erf) = vpow2.f32 v18;
	v13 =	vmul.f32 $1.442695020e+00, v16;
	v10 =	vld [tilespmem:s31+$0xFFFFFFF0];
	v14 =	vadd.f32 v12, v15;
	v15 =	vpop (erf)  }
0x363: {  	s2 =	simm.s32 $0x86F0;
	v4 =	vld [tilespmem:s1+$0x8000];
	s1 =	simm.s32 $0x10;
	v12 =	vmul.f32 $1.442695020e+00, v17;
	v15 =	vadd.f32 v15, v19;
	v16 =	vpop (erf)  }
.LBB2_30:
0x364: {  	v17 =	vld [tilespmem:s2+$0xFFFFFF90];
	s1 =	sadd.s32 $0x8, s1;
	v7 =	vmul.f32 $1.442695020e+00, v7;
	(erf) = vpow2.f32 v13;
	v13 =	vpop (erf);
	v18 =	vadd.f32 v16, v14  }
0x365: {  	v16 =	vld [tilespmem:s2+$0xFFFFFFA0];
	p0 =	slt.u32 s1, $0x1F8;
	v8 =	vmul.f32 $1.442695020e+00, v8;
	(erf) = vpow2.f32 v12;
	v12 =	vadd.f32 v13, v15;
	v13 =	vpop (erf)  }
0x366: {  	v15 =	vld [tilespmem:s2+$0xFFFFFFB0];
	v9 =	vmul.f32 $1.442695020e+00, v9;
	(erf) = vpow2.f32 v7;
	v18 =	vadd.f32 v13, v18;
	v14 =	vpop (erf)  }
.Ltmp14:
0x367: {  	v7 =	vld [tilespmem:s2+$0xFFFFFFC0];
	v10 =	vmul.f32 $1.442695020e+00, v10;
	(erf) = vpow2.f32 v8;
	v19 =	vadd.f32 v14, v12;
	v14 =	vpop (erf);
	(pc) =	sbr.rel @p0 .LBB2_30-.Ltmp14, $4  }
0x368: {  	v8 =	vld [tilespmem:s2+$0xFFFFFFD0];
	v11 =	vmul.f32 $1.442695020e+00, v11;
	(erf) = vpow2.f32 v9;
	v14 =	vadd.f32 v14, v18;
	v13 =	vpop (erf)  }
0x369: {  	v17 =	vmul.f32 $1.442695020e+00, v17;
	v9 =	vld [tilespmem:s2+$0xFFFFFFE0];
	(erf) = vpow2.f32 v10;
	v18 =	vadd.f32 v13, v19;
	v12 =	vpop (erf)  }
0x36a: {  	v13 =	vmul.f32 $1.442695020e+00, v16;
	v10 =	vld [tilespmem:s2+$0xFFFFFFF0];
	(erf) = vpow2.f32 v11;
	v14 =	vadd.f32 v12, v14;
	v16 =	vpop (erf)  }
0x36b: {  	v12 =	vmul.f32 $1.442695020e+00, v15;
	v11 =	vld [tilespmem:s2+$0x0];
	s2 =	sadd.s32 $0x200, s2;
	(erf) = vpow2.f32 v17;
	v15 =	vadd.f32 v16, v18;
	v16 =	vpop (erf)  }
0x36c: {  	(erf) = vpow2.f32 v13;
	v13 =	vpop (erf);
	v14 =	vadd.f32 v16, v14  }
0x36d: {  	(erf) = vpow2.f32 v12;
	v12 =	vadd.f32 v13, v15  }
0x36e: {  	v17 =	vmul.f32 $1.442695020e+00, v7;
	s25 =	simm.s32 $0x8170  }
0x36f: {  	(v2sf) =	vpush v3, $0x1;
	v8 =	vmul.f32 $1.442695020e+00, v8;
	v13 =	vpop (erf);
	v15 =	vld [tilespmem:s25+$0xFFFFFF90];
	v10 =	vmul.f32 $1.442695020e+00, v10  }
0x370: {  	v16 =	vld [tilespmem:s25+$0xFFFFFFA0];
	v9 =	vmul.f32 $1.442695020e+00, v9;
	(erf) = vpow2.f32 v17;
	v13 =	vadd.f32 v13, v14;
	v14 =	vpop (erf)  }
0x371: {  	(erf) = vpow2.f32 v8;
	v8 =	vadd.f32 v14, v12;
	v12 =	vpop (erf);
	v14 =	vld [tilespmem:s25+$0xFFFFFFB0]  }
0x372: {  	v11 =	vmul.f32 $1.442695020e+00, v11;
	(erf) = vpow2.f32 v9;
	v9 =	vadd.f32 v12, v13;
	v12 =	vpop (erf)  }
0x373: {  	v17 =	vld [tilespmem:s25+$0xFFFFFFF0];
	(erf) = vpow2.f32 v10;
	v8 =	vadd.f32 v12, v8;
	v10 =	vpop (erf)  }
0x374: {  	v13 =	vld [tilespmem:s25+$0xFFFFFFC0];
	(erf) = vpow2.f32 v11;
	v11 =	vmul.f32 $1.442695020e+00, v15;
	v9 =	vadd.f32 v10, v9;
	v10 =	vpop (erf)  }
0x375: {  	v16 =	vmul.f32 $1.442695020e+00, v16;
	v12 =	vld [tilespmem:s25+$0xFFFFFFD0];
	v8 =	vadd.f32 v10, v8;
	v10 =	vpop (erf)  }
0x376: {  	s29 =	simm.s32 $0x8370;
	v15 =	vld [tilespmem:s25+$0xFFFFFFE0];
	(erf) = vpow2.f32 v11;
	v9 =	vadd.f32 v10, v9;
	v10 =	vmul.f32 $1.442695020e+00, v14  }
0x377: {  	(erf) = vpow2.f32 v16;
	v16 =	vld [tilespmem:s29+$0xFFFFFFA0];
	v18 =	vpop (erf)  }
0x378: {  	v14 =	vld [tilespmem:s25+$0x0];
	v8 =	vadd.f32 v18, v8;
	v11 =	vpop (erf)  }
0x379: {  	v18 =	vld [tilespmem:s29+$0xFFFFFF90];
	v13 =	vmul.f32 $1.442695020e+00, v13;
	v9 =	vadd.f32 v11, v9;
	v11 =	vpop (erf)  }
0x37a: {  	v12 =	vmul.f32 $1.442695020e+00, v12;
	(erf) = vpow2.f32 v10;
	v8 =	vadd.f32 v11, v8;
	v11 =	vld [tilespmem:s29+$0xFFFFFFB0];
	v10 =	vpop (erf)  }
0x37b: {  	v17 =	vmul.f32 $1.442695020e+00, v17;
	(erf) = vpow2.f32 v13;
	v9 =	vadd.f32 v10, v9;
	v10 =	vpop (erf)  }
0x37c: {  	v15 =	vmul.f32 $1.442695020e+00, v15;
	(erf) = vpow2.f32 v12;
	v12 =	vld [tilespmem:s29+$0xFFFFFFD0];
	v8 =	vadd.f32 v10, v8;
	v10 =	vpop (erf)  }
0x37d: {  	v13 =	vld [tilespmem:s29+$0xFFFFFFC0];
	v16 =	vmul.f32 $1.442695020e+00, v16;
	v14 =	vmul.f32 $1.442695020e+00, v14;
	v9 =	vadd.f32 v10, v9;
	v10 =	vpop (erf)  }
0x37e: {  	s1 =	spop (v2sf);
	(erf) = vpow2.f32 v15;
	v15 =	vmul.f32 $1.442695020e+00, v18;
	v8 =	vadd.f32 v10, v8;
	v10 =	vpop (erf)  }
0x37f: {  	s2 =	sshra.s32 s1, $0x1F;
	v18 =	vld [tilespmem:s29+$0xFFFFFFE0];
	(erf) = vpow2.f32 v17;
	v9 =	vadd.f32 v10, v9;
	v10 =	vmul.f32 $1.442695020e+00, v11  }
0x380: {  	s2 =	sshrl.u32 s2, $0x1C;
	(erf) = vpow2.f32 v14  }
0x381: {  	v17 =	vld [tilespmem:s29+$0xFFFFFFF0];
	s2 =	sadd.s32 s2, s1;
	(erf) = vpow2.f32 v15;
	v11 =	vimm.f32 $0.0e+00;
	v12 =	vmul.f32 $1.442695020e+00, v12  }
0x382: {  	s31 =	simm.s32 $0x8570;
	v14 =	vld [tilespmem:s29+$0x0];
	v13 =	vmul.f32 $1.442695020e+00, v13;
	s3 =	sand.u32 $0xFFFFFFF0, s2;
	(erf) = vpow2.f32 v16;
	v16 =	vpop (erf)  }
0x383: {  	p0 =	slt.s32 s1, $0x1;
	v15 =	vld [tilespmem:s31+$0xFFFFFF90];
	p1 =	sne.s32 s1, s3;
	(erf) = vpow2.f32 v10;
	v16 =	vadd.f32 v16, v11;
	v10 =	vpop (erf)  }
0x384: {  	v19 =	vld [tilespmem:s31+$0xFFFFFFA0];
	p0 =	por !p0, !p1;
	v18 =	vmul.f32 $1.442695020e+00, v18;
	(erf) = vpow2.f32 v13;
	v13 =	vadd.f32 v10, v11;
	v11 =	vpop (erf)  }
0x385: {  	v20 =	vld [tilespmem:s31+$0xFFFFFFB0];
	s3 =	simm.s32 $0x1;
	p0 =	por !p0, !p0;
	(erf) = vpow2.f32 v12;
	v12 =	vpop (erf)  }
0x386: {  	s2 =	sshra.s32 s2, $0x4;
	v17 =	vmul.f32 $1.442695020e+00, v17;
	s3 =	simm.s32 @!p0 $0x0;
	v10 =	vld [tilespmem:s31+$0xFFFFFFC0];
	(erf) = vpow2.f32 v18;
	v18 =	vadd.f32 v12, v13  }
0x387: {  	v14 =	vmul.f32 $1.442695020e+00, v14;
	s2 =	ssub.s32 s2, s3;
	v16 =	vadd.f32 v11, v16;
	v11 =	vld [tilespmem:s31+$0xFFFFFFD0]  }
0x388: {  	v21 =	vmul.f32 $1.442695020e+00, v15;
	s3 =	sshll.u32 s2, $0x4;
	s2 =	sshll.u32 s2, $0x6;
	(erf) = vpow2.f32 v17;
	v12 =	vld [tilespmem:s31+$0xFFFFFFE0];
	v13 =	vpop (erf)  }
0x389: {  	s3 =	sand.u32 $0x70, s3;
	s2 =	sand.u32 $0xFFFFFE00, s2;
	(erf) = vpow2.f32 v14;
	v14 =	vld [tilespmem:s31+$0x0];
	v22 =	vadd.f32 v13, v16;
	v15 =	vpop (erf)  }
0x38a: {  	s2 =	sor.u32 s3, s2;
	(erf) = vpow2.f32 v21;
	v16 =	vmul.f32 $1.442695020e+00, v19;
	v13 =	vld [tilespmem:s31+$0xFFFFFFF0];
	v17 =	vadd.f32 v15, v18;
	v18 =	vpop (erf)  }
0x38b: {  	s3 =	simm.s32 $0x8770;
	v7 =	vld [tilespmem:s2+$0x8080];
	s2 =	simm.s32 $0x10;
	v15 =	vmul.f32 $1.442695020e+00, v20;
	v18 =	vadd.f32 v18, v22;
	v19 =	vpop (erf)  }
.LBB2_32:
0x38c: {  	v20 =	vld [tilespmem:s3+$0xFFFFFF90];
	s2 =	sadd.s32 $0x8, s2;
	v10 =	vmul.f32 $1.442695020e+00, v10;
	(erf) = vpow2.f32 v16;
	v16 =	vpop (erf);
	v21 =	vadd.f32 v19, v17  }
0x38d: {  	v19 =	vld [tilespmem:s3+$0xFFFFFFA0];
	p0 =	slt.u32 s2, $0x1F8;
	v11 =	vmul.f32 $1.442695020e+00, v11;
	(erf) = vpow2.f32 v15;
	v15 =	vadd.f32 v16, v18;
	v16 =	vpop (erf)  }
0x38e: {  	v18 =	vld [tilespmem:s3+$0xFFFFFFB0];
	v12 =	vmul.f32 $1.442695020e+00, v12;
	(erf) = vpow2.f32 v10;
	v21 =	vadd.f32 v16, v21;
	v17 =	vpop (erf)  }
.Ltmp15:
0x38f: {  	v10 =	vld [tilespmem:s3+$0xFFFFFFC0];
	v13 =	vmul.f32 $1.442695020e+00, v13;
	(erf) = vpow2.f32 v11;
	v22 =	vadd.f32 v17, v15;
	v17 =	vpop (erf);
	(pc) =	sbr.rel @p0 .LBB2_32-.Ltmp15, $4  }
0x390: {  	v11 =	vld [tilespmem:s3+$0xFFFFFFD0];
	v14 =	vmul.f32 $1.442695020e+00, v14;
	(erf) = vpow2.f32 v12;
	v17 =	vadd.f32 v17, v21;
	v16 =	vpop (erf)  }
0x391: {  	v20 =	vmul.f32 $1.442695020e+00, v20;
	v12 =	vld [tilespmem:s3+$0xFFFFFFE0];
	(erf) = vpow2.f32 v13;
	v21 =	vadd.f32 v16, v22;
	v15 =	vpop (erf)  }
0x392: {  	v16 =	vmul.f32 $1.442695020e+00, v19;
	v13 =	vld [tilespmem:s3+$0xFFFFFFF0];
	(erf) = vpow2.f32 v14;
	v17 =	vadd.f32 v15, v17;
	v19 =	vpop (erf)  }
0x393: {  	v15 =	vmul.f32 $1.442695020e+00, v18;
	v14 =	vld [tilespmem:s3+$0x0];
	s3 =	sadd.s32 $0x200, s3;
	(erf) = vpow2.f32 v20;
	v18 =	vadd.f32 v19, v21;
	v19 =	vpop (erf)  }
0x394: {  	(erf) = vpow2.f32 v16;
	v16 =	vpop (erf);
	v17 =	vadd.f32 v19, v17  }
0x395: {  	(erf) = vpow2.f32 v15;
	v15 =	vadd.f32 v16, v18  }
0x396: {  	v20 =	vmul.f32 $1.442695020e+00, v10;
	s25 =	simm.s32 $0x81F0  }
0x397: {  	(v2sf) =	vpush v3, $0x2;
	v11 =	vmul.f32 $1.442695020e+00, v11;
	v16 =	vpop (erf);
	v18 =	vld [tilespmem:s25+$0xFFFFFF90];
	v13 =	vmul.f32 $1.442695020e+00, v13  }
0x398: {  	v19 =	vld [tilespmem:s25+$0xFFFFFFA0];
	v12 =	vmul.f32 $1.442695020e+00, v12;
	(erf) = vpow2.f32 v20;
	v16 =	vadd.f32 v16, v17;
	v17 =	vpop (erf)  }
0x399: {  	(erf) = vpow2.f32 v11;
	v11 =	vadd.f32 v17, v15;
	v15 =	vpop (erf);
	v17 =	vld [tilespmem:s25+$0xFFFFFFB0]  }
0x39a: {  	v14 =	vmul.f32 $1.442695020e+00, v14;
	(erf) = vpow2.f32 v12;
	v12 =	vadd.f32 v15, v16;
	v15 =	vpop (erf)  }
0x39b: {  	v20 =	vld [tilespmem:s25+$0xFFFFFFF0];
	(erf) = vpow2.f32 v13;
	v11 =	vadd.f32 v15, v11;
	v13 =	vpop (erf)  }
0x39c: {  	v16 =	vld [tilespmem:s25+$0xFFFFFFC0];
	(erf) = vpow2.f32 v14;
	v14 =	vmul.f32 $1.442695020e+00, v18;
	v12 =	vadd.f32 v13, v12;
	v13 =	vpop (erf)  }
0x39d: {  	v19 =	vmul.f32 $1.442695020e+00, v19;
	v15 =	vld [tilespmem:s25+$0xFFFFFFD0];
	v11 =	vadd.f32 v13, v11;
	v13 =	vpop (erf)  }
0x39e: {  	s29 =	simm.s32 $0x83F0;
	v18 =	vld [tilespmem:s25+$0xFFFFFFE0];
	(erf) = vpow2.f32 v14;
	v12 =	vadd.f32 v13, v12;
	v13 =	vmul.f32 $1.442695020e+00, v17  }
0x39f: {  	(erf) = vpow2.f32 v19;
	v19 =	vld [tilespmem:s29+$0xFFFFFFA0];
	v21 =	vpop (erf)  }
0x3a0: {  	v17 =	vld [tilespmem:s25+$0x0];
	v11 =	vadd.f32 v21, v11;
	v14 =	vpop (erf)  }
0x3a1: {  	v21 =	vld [tilespmem:s29+$0xFFFFFF90];
	v16 =	vmul.f32 $1.442695020e+00, v16;
	v12 =	vadd.f32 v14, v12;
	v14 =	vpop (erf)  }
0x3a2: {  	v15 =	vmul.f32 $1.442695020e+00, v15;
	(erf) = vpow2.f32 v13;
	v11 =	vadd.f32 v14, v11;
	v14 =	vld [tilespmem:s29+$0xFFFFFFB0];
	v13 =	vpop (erf)  }
0x3a3: {  	v20 =	vmul.f32 $1.442695020e+00, v20;
	(erf) = vpow2.f32 v16;
	v12 =	vadd.f32 v13, v12;
	v13 =	vpop (erf)  }
0x3a4: {  	v18 =	vmul.f32 $1.442695020e+00, v18;
	(erf) = vpow2.f32 v15;
	v15 =	vld [tilespmem:s29+$0xFFFFFFD0];
	v11 =	vadd.f32 v13, v11;
	v13 =	vpop (erf)  }
0x3a5: {  	v16 =	vld [tilespmem:s29+$0xFFFFFFC0];
	v19 =	vmul.f32 $1.442695020e+00, v19;
	v17 =	vmul.f32 $1.442695020e+00, v17;
	v12 =	vadd.f32 v13, v12;
	v13 =	vpop (erf)  }
0x3a6: {  	s2 =	spop (v2sf);
	(erf) = vpow2.f32 v18;
	v18 =	vmul.f32 $1.442695020e+00, v21;
	v11 =	vadd.f32 v13, v11;
	v13 =	vpop (erf)  }
0x3a7: {  	s3 =	sshra.s32 s2, $0x1F;
	v21 =	vld [tilespmem:s29+$0xFFFFFFE0];
	(erf) = vpow2.f32 v20;
	v12 =	vadd.f32 v13, v12;
	v13 =	vmul.f32 $1.442695020e+00, v14  }
0x3a8: {  	s3 =	sshrl.u32 s3, $0x1C;
	(erf) = vpow2.f32 v17  }
0x3a9: {  	v20 =	vld [tilespmem:s29+$0xFFFFFFF0];
	s3 =	sadd.s32 s3, s2;
	(erf) = vpow2.f32 v18;
	v14 =	vimm.f32 $0.0e+00;
	v15 =	vmul.f32 $1.442695020e+00, v15  }
0x3aa: {  	s31 =	simm.s32 $0x85F0;
	v17 =	vld [tilespmem:s29+$0x0];
	v16 =	vmul.f32 $1.442695020e+00, v16;
	s5 =	sand.u32 $0xFFFFFFF0, s3;
	(erf) = vpow2.f32 v19;
	v19 =	vpop (erf)  }
0x3ab: {  	p0 =	slt.s32 s2, $0x1;
	v18 =	vld [tilespmem:s31+$0xFFFFFF90];
	p1 =	sne.s32 s2, s5;
	(erf) = vpow2.f32 v13;
	v19 =	vadd.f32 v19, v14;
	v13 =	vpop (erf)  }
0x3ac: {  	v22 =	vld [tilespmem:s31+$0xFFFFFFA0];
	p0 =	por !p0, !p1;
	v21 =	vmul.f32 $1.442695020e+00, v21;
	(erf) = vpow2.f32 v16;
	v16 =	vadd.f32 v13, v14;
	v14 =	vpop (erf)  }
0x3ad: {  	v23 =	vld [tilespmem:s31+$0xFFFFFFB0];
	s5 =	simm.s32 $0x1;
	p0 =	por !p0, !p0;
	(erf) = vpow2.f32 v15;
	v19 =	vadd.f32 v14, v19;
	v15 =	vpop (erf)  }
0x3ae: {  	s3 =	sshra.s32 s3, $0x4;
	v20 =	vmul.f32 $1.442695020e+00, v20;
	s5 =	simm.s32 @!p0 $0x0;
	v13 =	vld [tilespmem:s31+$0xFFFFFFC0];
	(erf) = vpow2.f32 v21;
	v21 =	vadd.f32 v15, v16  }
0x3af: {  	v17 =	vmul.f32 $1.442695020e+00, v17;
	s3 =	ssub.s32 s3, s5;
	v14 =	vld [tilespmem:s31+$0xFFFFFFD0]  }
0x3b0: {  	v24 =	vmul.f32 $1.442695020e+00, v18;
	s5 =	sshll.u32 s3, $0x4;
	s3 =	sshll.u32 s3, $0x6;
	(erf) = vpow2.f32 v20;
	v15 =	vld [tilespmem:s31+$0xFFFFFFE0];
	v16 =	vpop (erf)  }
0x3b1: {  	s5 =	sand.u32 $0x70, s5;
	s3 =	sand.u32 $0xFFFFFE00, s3;
	(erf) = vpow2.f32 v17;
	v17 =	vld [tilespmem:s31+$0x0];
	v25 =	vadd.f32 v16, v19;
	v19 =	vpop (erf)  }
0x3b2: {  	v18 =	vmul.f32 $1.442695020e+00, v22;
	s3 =	sor.u32 s5, s3;
	(erf) = vpow2.f32 v24;
	v16 =	vld [tilespmem:s31+$0xFFFFFFF0];
	v20 =	vadd.f32 v19, v21;
	v21 =	vpop (erf)  }
0x3b3: {  	s5 =	simm.s32 $0x87F0;
	v10 =	vld [tilespmem:s3+$0x8100];
	s3 =	simm.s32 $0x10;
	v19 =	vmul.f32 $1.442695020e+00, v23;
	v21 =	vadd.f32 v21, v25;
	v22 =	vpop (erf)  }
.LBB2_34:
0x3b4: {  	v23 =	vld [tilespmem:s5+$0xFFFFFF90];
	s3 =	sadd.s32 $0x8, s3;
	v13 =	vmul.f32 $1.442695020e+00, v13;
	(erf) = vpow2.f32 v18;
	v18 =	vpop (erf);
	v24 =	vadd.f32 v22, v20  }
0x3b5: {  	v22 =	vld [tilespmem:s5+$0xFFFFFFA0];
	p0 =	slt.u32 s3, $0x1F8;
	v14 =	vmul.f32 $1.442695020e+00, v14;
	(erf) = vpow2.f32 v19;
	v18 =	vadd.f32 v18, v21;
	v19 =	vpop (erf)  }
0x3b6: {  	v21 =	vld [tilespmem:s5+$0xFFFFFFB0];
	v15 =	vmul.f32 $1.442695020e+00, v15;
	(erf) = vpow2.f32 v13;
	v19 =	vadd.f32 v19, v24;
	v20 =	vpop (erf)  }
.Ltmp16:
0x3b7: {  	v13 =	vld [tilespmem:s5+$0xFFFFFFC0];
	v16 =	vmul.f32 $1.442695020e+00, v16;
	(erf) = vpow2.f32 v14;
	v18 =	vadd.f32 v20, v18;
	v20 =	vpop (erf);
	(pc) =	sbr.rel @p0 .LBB2_34-.Ltmp16, $4  }
0x3b8: {  	v14 =	vld [tilespmem:s5+$0xFFFFFFD0];
	v17 =	vmul.f32 $1.442695020e+00, v17;
	(erf) = vpow2.f32 v15;
	v19 =	vadd.f32 v20, v19;
	v20 =	vpop (erf)  }
0x3b9: {  	v23 =	vmul.f32 $1.442695020e+00, v23;
	v15 =	vld [tilespmem:s5+$0xFFFFFFE0];
	(erf) = vpow2.f32 v16;
	v24 =	vadd.f32 v20, v18;
	v20 =	vpop (erf)  }
0x3ba: {  	v18 =	vmul.f32 $1.442695020e+00, v22;
	v16 =	vld [tilespmem:s5+$0xFFFFFFF0];
	(erf) = vpow2.f32 v17;
	v20 =	vadd.f32 v20, v19;
	v22 =	vpop (erf)  }
0x3bb: {  	v19 =	vmul.f32 $1.442695020e+00, v21;
	v17 =	vld [tilespmem:s5+$0x0];
	s5 =	sadd.s32 $0x200, s5;
	(erf) = vpow2.f32 v23;
	v21 =	vadd.f32 v22, v24;
	v22 =	vpop (erf)  }
0x3bc: {  	(v2sf) =	vpush v3, $0x3;
	_ =	sdelay $0xe  }
0x3bd: {  	v3 =	vmul.f32 $1.442695020e+00, v13;
	(erf) = vpow2.f32 v18;
	v26 =	vpop (erf);
	v27 =	vadd.f32 v22, v20;
	s3 =	spop (v2sf)  }
0x3be: {  	v14 =	vmul.f32 $1.442695020e+00, v14;
	(erf) = vpow2.f32 v19;
	v13 =	vadd.f32 v26, v21;
	v28 =	vpop (erf);
	s5 =	sshra.s32 s3, $0x1F  }
0x3bf: {  	v15 =	vmul.f32 $1.442695020e+00, v15;
	(erf) = vpow2.f32 v3;
	v3 =	vadd.f32 v28, v27;
	v29 =	vpop (erf);
	s5 =	sshrl.u32 s5, $0x1C  }
0x3c0: {  	v16 =	vmul.f32 $1.442695020e+00, v16;
	(erf) = vpow2.f32 v14;
	v13 =	vadd.f32 v29, v13;
	v30 =	vpop (erf);
	s5 =	sadd.s32 s5, s3  }
0x3c1: {  	v17 =	vmul.f32 $1.442695020e+00, v17;
	(erf) = vpow2.f32 v15;
	v3 =	vadd.f32 v30, v3;
	v31 =	vpop (erf);
	s22 =	sand.u32 $0xFFFFFFF0, s5  }
0x3c2: {  	(erf) = vpow2.f32 v16;
	v32 =	vpop (erf);
	v13 =	vadd.f32 v31, v13;
	p0 =	slt.s32 s3, $0x1;
	p1 =	sne.s32 s3, s22  }
0x3c3: {  	(erf) = vpow2.f32 v17;
	v3 =	vadd.f32 v32, v3;
	v33 =	vpop (erf);
	p0 =	por !p0, !p1  }
0x3c4: {  	v34 =	vpop (erf);
	v13 =	vadd.f32 v33, v13;
	s22 =	simm.s32 $0x1;
	p0 =	por !p0, !p0  }
0x3c5: {  	v35 =	vpop (erf);
	v3 =	vadd.f32 v34, v3;
	s5 =	sshra.s32 s5, $0x4;
	s22 =	simm.s32 @!p0 $0x0  }
0x3c6: {  	s0 =	sand.u32 $0xF, s0;
	v36 =	vpop (erf);
	v13 =	vadd.f32 v35, v13;
	s5 =	ssub.s32 s5, s22  }
0x3c7: {  	v39 =	vmov s0;
	v3 =	vadd.f32 v36, v3;
	v37 =	vpop (erf);
	s31 =	sshll.u32 s5, $0x4;
	s5 =	sshll.u32 s5, $0x6  }
0x3c8: {  	s1 =	sand.u32 $0xF, s1;
	v5 =	vadd.f32 v6, v5;
	vm5 =	veq.s32 v39, v0;
	v38 =	vpop (erf);
	v13 =	vadd.f32 v37, v13;
	s0 =	sand.u32 $0x70, s31;
	s5 =	sand.u32 $0xFFFFFE00, s5  }
0x3c9: {  	v41 =	vmov s1;
	v4 =	vnsel vm5, $0x0, v4;
	v3 =	vadd.f32 v38, v3;
	v40 =	vpop (erf);
	s0 =	sor.u32 s0, s5  }
0x3ca: {  	v48 =	vadd.f32 v9, v8;
	vm5 =	veq.s32 v41, v0;
	(xrf2) =	vadd.scan.msk.f32 $0xffff, v4;
	v42 =	vpop (erf);
	v43 =	vadd.f32 v40, v13;
	s22 =	sand.u32 $0xF, s2;
	v45 =	vld [tilespmem:s0+$0x8180]  }
0x3cb: {  	v47 =	vnsel vm5, $0x0, v7;
	(xrf2) =	vadd.scan.msk.f32 $0xffff, v5;
	v3 =	vadd.f32 v42, v3;
	v44 =	vpop (erf);
	v49 =	vmov s22  }
0x3cc: {  	v51 =	vadd.f32 v12, v11;
	(xrf2) =	vadd.scan.msk.f32 $0xffff, v47;
	v46 =	vpop (erf);
	v6 =	vadd.f32 v44, v43;
	s24 =	sand.u32 $0xF, s3;
	vm5 =	veq.s32 v49, v0  }
0x3cd: {  	(xrf2) =	vadd.scan.msk.f32 $0xffff, v48;
	v3 =	vadd.f32 v46, v3;
	v52 =	vmov s24;
	v50 =	vnsel vm5, $0x0, v10  }
0x3ce: {  	vm5 =	veq.s32 v52, v0;
	(xrf2) =	vadd.scan.msk.f32 $0xffff, v50  }
0x3cf: {  	v3 =	vadd.f32 v3, v6;
	(xrf2) =	vadd.scan.msk.f32 $0xffff, v51;
	v4 =	vnsel vm5, $0x0, v45  }
0x3d0: {  	(xrf2) =	vadd.scan.msk.f32 $0xffff, v4  }
0x3d1: {  	(xrf2) =	vadd.scan.msk.f32 $0xffff, v3;
	_ =	sdelay $0x2  }
0x3d2: {  	v3, _, _ =	vpop (xrf2)  }
0x3d3: {  	v53, _, _ =	vpop (xrf2)  }
0x3d4: {  	v54, _, _ =	vpop (xrf2)  }
0x3d5: {  	v3 =	vbroadcast v3, $0xF;
	v55, _, _ =	vpop (xrf2)  }
0x3d6: {  	v4 =	vbroadcast v53, $0xF;
	v56, _, _ =	vpop (xrf2)  }
0x3d7: {  	v3 =	vnsel vm1, $0x0, v3;
	v5 =	vbroadcast v54, $0xF;
	v57, _, _ =	vpop (xrf2)  }
0x3d8: {  	v4 =	vnsel vm1, $0x3F800000, v4;
	v6 =	vbroadcast v55, $0xF;
	v60 =	vbroadcast v56, $0xF;
	v58, _, _ =	vpop (xrf2)  }
0x3d9: {  	v3 =	vsel vm2, v3, v5;
	v8 =	vbroadcast v57, $0xF;
	v59, _, _ =	vpop (xrf2);
	v62 =	vbroadcast v58, $0xF  }
0x3da: {  	v4 =	vsel vm2, v4, v6;
	v3 =	vsel vm3, v3, v60;
	v61 =	vbroadcast v59, $0xF  }
0x3db: {  	v4 =	vsel vm3, v4, v8;
	v3 =	vsel vm4, v3, v62  }
0x3dc: {  	v4 =	vsel vm4, v4, v61;
	[tilespmem:$0x7F80] =	vst v3  }
0x3dd: {  	s25 =	rddreg [dreg:$0x6];
	s29 =	simm.s32 $0x200;
	s31 =	simm.s32 $0x400;
	[tilespmem:$0x5F80] =	vst v4  }
0x3de: {  	[hbm4b:s25+s29] =	stream.strided.scatter [tilespmem:s23], [sflag:$0x4], $0x8000, s31, s29, $0x38;
	v63 =	vld [tilespmem:$0x0]  }
0x3df: {  	_ =	swait.ge [sflag:s28], $0x8000  }
0x3e0: {  	[sflag:s28] =	ssyncset.done $0x0  }
0x3e1: {  	s2 =	simm.s32 $0x5;
	[sflag:s28] =	ssyncadd.s32 $0xFFFF8000  }
0x3e2: {  	_ =	swait.ge [sflag:s2], $0x8000  }
0x3e3: {  	[sflag:s2] =	ssyncset.done $0x0  }
0x3e4: {  	s3 =	simm.s32 $0x6;
	[sflag:s2] =	ssyncadd.s32 $0xFFFF8000  }
0x3e5: {  	_ =	swait.ge [sflag:s3], $0x8000  }
0x3e6: {  	s1 =	simm.s32 $0x7;
	[sflag:s3] =	ssyncset.done $0x0  }
0x3e7: {  	s22 =	simm.s32 $0x4000;
	s5 =	rddreg [dreg:$0x7];
	[sflag:s3] =	ssyncadd.s32 $0xFFFF8000  }
0x3e8: {  	[hbm4b:s5+s4] =	stream.linear.scatter [tilespmem:s22], [sflag:$0x7], $0x2000, $0x38;
	v63 =	vld [tilespmem:$0x0]  }
0x3e9: {  	_ =	swait.ge [sflag:s1], $0x2000  }
0x3ea: {  	[sflag:s1] =	ssyncset.done $0x0  }
0x3eb: {  	s25 =	simm.s32 $0x6000;
	s24 =	rddreg [dreg:$0x8];
	[sflag:s1] =	ssyncadd.s32 $0xFFFFE000  }
0x3ec: {  	[hbm4b:s24+s4] =	stream.linear.scatter [tilespmem:s25], [sflag:$0x7], $0x2000, $0x38;
	v63 =	vld [tilespmem:$0x0]  }
0x3ed: {  	_ =	swait.ge [sflag:s1], $0x2000  }
0x3ee: {  	s29 =	rddreg [dreg:$0xa]  }
0x3ef: {  	s31 =	rddreg [dreg:$0x9];
	s2 =	sadd.s32 $0x1, s29  }
0x3f0: {  	p0 =	sne.s32 s2, s31  }
.Ltmp17:
0x3f1: {  	_ = 	snop;
	(pc) =	sbr.rel @p0 .LBB2_1-.Ltmp17, $3  }
0x3f2: {  	_ =	sdelay $0x1  }
0x3f3: {  	[sflag:s1] =	ssyncset.done $0x0  }
0x3f4: {  	[sflag:s1] =	ssyncadd.s32 $0xFFFFE000  }
0x3f5: {  	_ =	sfence.sel $0x180000  }
0x3f6: {  	[bflag:$0x0] =	sbarrier.arrive $0xFFFF  }
0x3f7: {  	_ =	strace $0x90000047  }
0x3f8: {  	s0 =	stileid.u32;
	[bflag:$0x2] =	sbarrier.arrive $0xFFFF  }
0x3f9: {  	p0 =	sne.s32 s0, $0x0;
	s0 =	rddreg [dreg:$0x3]  }
0x3fa: {  	s0 =	sadd.s32 @!p0 $0x100000, s0  }
0x3fb: {  	[sflag:s0] =	ssyncadd.tile.s32 @!p0 $0x1;
	_ =	shalt  }
.Lfunc_end2:
_tile_overlayer_lowered:
.L_overlay_start_2:
0x3fc: {  	(tag) =	ssettag $0x2  }
0x3fd: {  	s0 =	rddreg [dreg:$0x0];
	s2 =	stileid.u32  }
0x3fe: {  	s1 =	rddreg [dreg:$0x1];
	p0 =	sne.s32 s2, $0x0  }
0x3ff: {  	s3 =	rddreg [dreg:$0x2];
	[bflag:$0x3] =	sbarrier.arrive $0xFFFF;
	s2 =	simm.s32 @!p0 $0x1C07  }
0x400: {  	[timem:s3], [sflag:s2] =	dma.local @!p0 [hbm:s0], s1  }
0x401: {  	s0 =	simm.s32 @!p0 $0x7  }
0x402: {  	_ =	swait.ge @!p0 [sflag:s0], s1  }
0x403: {  	s1 =	ssub.s32 @!p0 $0x0, s1;
	[sflag:s0] =	ssyncset.done @!p0 $0x0  }
0x404: {  	[sflag:s0] =	ssyncadd.s32 @!p0 s1  }
0x405: {  	[bflag:$0x3] =	sbarrier.arrive $0xFFFF  }
0x406: {  	_ =	shalt  }

</sc_bundles>
